<compile_context>
chip_gen: v7x
topology: tpu7x:2x2x1
jax: 0.10.2.dev20260603
libtpu: 0.0.44.dev20260713+nightly
codegen_flags: <defaults>
</compile_context>

<pallas_src>
import jax
import jax.numpy as jnp
from jax import lax
from jax.experimental import pallas as pl
from jax.experimental.pallas import tpu as pltpu
from jax.experimental.pallas import tpu_sc as plsc

B = 4096
N = 64
HID = 128
K = 16
BK = B * K

GA = 256


GA2 = GA // 2


def _topk_idx_body(h_ref, idx_ref):
    h = h_ref[...]
    keys = jnp.max(h, axis=2)
    kv = jnp.concatenate([keys[:GA2], keys[GA2:]], axis=1)
    lane = lax.broadcasted_iota(jnp.int32, (1, HID), 1)
    llane = lane & (N - 1)
    nid = jnp.broadcast_to(llane, (GA2, HID))
    size = 2
    while size <= N:
        stride = size // 2
        while stride >= 1:
            upper = (llane & stride) != 0
            keep_small = jnp.logical_xor((llane & stride) == 0,
                                         (llane & size) != 0)
            kp = jnp.where(upper, pltpu.roll(kv, stride, 1),
                           pltpu.roll(kv, HID - stride, 1))
            np_ = jnp.where(upper, pltpu.roll(nid, stride, 1),
                            pltpu.roll(nid, HID - stride, 1))
            self_small = (kv < kp) | ((kv == kp) & (nid > np_))
            keep_self = self_small == keep_small
            kv = jnp.where(keep_self, kv, kp)
            nid = jnp.where(keep_self, nid, np_)
            stride //= 2
        size *= 2
    g0 = pl.program_id(0) * GA
    graph = g0 + lax.broadcasted_iota(jnp.int32, (GA2, K), 0)
    idx_ref[:GA2, :] = (graph * N) + nid[:, N - K:N]
    idx_ref[GA2:, :] = ((g0 + GA2) * N) + (
        lax.broadcasted_iota(jnp.int32, (GA2, K), 0) * N + nid[:, HID - K:])


def _topk_idx(h):
    return pl.pallas_call(
        _topk_idx_body,
        grid=(B // GA,),
        in_specs=[pl.BlockSpec((GA, N, HID), lambda i: (i, 0, 0))],
        out_specs=pl.BlockSpec((GA, K), lambda i: (i, 0)),
        out_shape=jax.ShapeDtypeStruct((B, K), jnp.int32),
    )(h)


NC, NS = 2, 16
NW = NC * NS
ROWS_PER_W = BK // NW
CH = 128
NCH = ROWS_PER_W // CH


def _sc_gather_body(tbl_ref, idx_ref, out_ref, idx_v, rows_v, sem):
    wid = lax.axis_index("s") * NC + lax.axis_index("c")
    base = wid * ROWS_PER_W
    for i in range(NCH):
        off = base + i * CH
        pltpu.sync_copy(idx_ref.at[pl.ds(off, CH)], idx_v)
        pltpu.async_copy(tbl_ref.at[idx_v], rows_v, sem).wait()
        pltpu.sync_copy(rows_v, out_ref.at[pl.ds(off, CH)])


import functools


@functools.lru_cache(maxsize=1)
def _sc_gather():
    return pl.kernel(
        _sc_gather_body,
        out_type=jax.ShapeDtypeStruct((BK, HID), jnp.float32),
        mesh=plsc.VectorSubcoreMesh(core_axis_name="c", subcore_axis_name="s"),
        scratch_types=[
            pltpu.VMEM((CH,), jnp.int32),
            pltpu.VMEM((CH, HID), jnp.float32),
            pltpu.SemaphoreType.DMA,
        ],
    )


GC = 64
R = GC * K


GCH = 8
RCH = GCH * K

_BITREV = [int(f"{i:07b}"[::-1], 2) for i in range(HID)]


def _sublane_bitonic_sort(xt):
    p = lax.broadcasted_iota(jnp.int32, (HID, 1), 0)
    size = 2
    while size <= HID:
        stride = size // 2
        while stride >= 1:
            dphys = 64 // stride
            sbit = 64 // size
            upper = (p & dphys) != 0
            keep_small = jnp.logical_xor((p & dphys) == 0, (p & sbit) != 0)
            prt = jnp.where(upper, pltpu.roll(xt, dphys, 0),
                            pltpu.roll(xt, HID - dphys, 0))
            xt = jnp.where(keep_small, jnp.minimum(xt, prt),
                           jnp.maximum(xt, prt))
            stride //= 2
        size *= 2
    return xt


def _sort_attn_body(x_ref, q_ref, w1p_ref, w2_ref, p2_ref, out_ref, acc_ref):
    w1p = w1p_ref[...].reshape(1, 1, HID)
    w2 = w2_ref[...]

    def chunk(c, _):
        x = x_ref[pl.ds(c * RCH, RCH), :]
        xs = _sublane_bitonic_sort(x.T).T
        x3 = xs.reshape(GCH, K, HID)
        dot = jnp.sum(x3 * w1p, axis=2)
        q = q_ref[pl.ds(c * GCH, GCH), :]
        qdot = jnp.sum(q * w2, axis=1, keepdims=True)
        logit = dot + qdot
        logit = jnp.where(logit >= 0, logit, 0.01 * logit)
        mx = jnp.max(logit, axis=1, keepdims=True)
        e = jnp.exp(logit - mx)
        wgt = e / jnp.sum(e, axis=1, keepdims=True)
        acc_ref[pl.ds(c * GCH, GCH), :] = jnp.sum(x3 * wgt[:, :, None], axis=1)
        return 0

    lax.fori_loop(0, GC // GCH, chunk, 0, unroll=2)
    acc = acc_ref[...]
    hi = acc.astype(jnp.bfloat16)
    lo = (acc - hi.astype(jnp.float32)).astype(jnp.bfloat16)
    p2 = p2_ref[...]
    dn = (((1,), (0,)), ((), ()))
    out_ref[...] = (
        lax.dot_general(hi, p2, dn, preferred_element_type=jnp.float32)
        + lax.dot_general(lo, p2, dn, preferred_element_type=jnp.float32))


def _sort_attn(pooled, attention_query, w1p, w2, p2):
    return pl.pallas_call(
        _sort_attn_body,
        grid=(B // GC,),
        in_specs=[
            pl.BlockSpec((R, HID), lambda i: (i, 0)),
            pl.BlockSpec((GC, HID), lambda i: (i, 0)),
            pl.BlockSpec((1, HID), lambda i: (0, 0)),
            pl.BlockSpec((1, HID), lambda i: (0, 0)),
            pl.BlockSpec((HID, HID), lambda i: (0, 0)),
        ],
        out_specs=pl.BlockSpec((GC, HID), lambda i: (i, 0)),
        out_shape=jax.ShapeDtypeStruct((B, HID), jnp.float32),
        scratch_shapes=[pltpu.VMEM((GC, HID), jnp.float32)],
    )(pooled, attention_query, w1p, w2, p2)


def kernel(h, attention_query, W_att):
    idx = _topk_idx(h)
    pooled = _sc_gather()(h.reshape(B * N, HID), idx.reshape(BK))
    perm = jnp.asarray(_BITREV, dtype=jnp.int32)
    w1p = W_att[:HID, 0][perm].reshape(1, HID)
    w2 = W_att[HID:, 0].reshape(1, HID)
    p2 = jnp.zeros((HID, HID), jnp.bfloat16).at[perm, jnp.arange(HID)].set(1.0)
    return _sort_attn(pooled, attention_query, w1p, w2, p2)

# --- scband reference (transcript-rebuilt; emitter-appended) ---
"""Pipeline reference for scband-graph-sort-pooling-82729660056048 (READ-ONLY COPY).

The authoritative reference and input builder live on the scoring server;
editing this copy changes nothing except your own understanding.
"""

import jax, jax.numpy as jnp
import numpy as np

B = 4096   # number of graphs in the batch
N = 64     # nodes per graph (fixed-size batching of the DGL batched graph)
HID = 128  # hidden_size
K = 16     # sort-pooling k


def setup_inputs(seed: int = 0) -> dict:
    key = jax.random.key(seed)
    k1, k2, k3 = jax.random.split(key, 3)
    # graphs.ndata['h'] for a batched graph of B graphs with N nodes each
    h = jax.random.normal(k1, (B, N, HID), dtype=jnp.float32)
    attention_query = jax.random.normal(k2, (B, HID), dtype=jnp.float32)
    # nn.Linear(hidden_size * 2, 1, bias=False) weight, stored as [2*HID, 1]
    W_att = jax.random.normal(k3, (2 * HID, 1), dtype=jnp.float32) * 0.05
    return {"h": h, "attention_query": attention_query, "W_att": W_att}


def _leaky_relu(x, negative_slope=0.01):
    return jnp.where(x >= 0, x, negative_slope * x)


def reference(h, attention_query, W_att):
    # ---- dgl.nn.SortPooling(k) on the batched graph ----
    # 1) sort each node's feature vector in ascending order along the feature dim
    feat = jnp.sort(h, axis=-1)                       # [B, N, HID]
    # 2) rank nodes within each graph by their largest (last) sorted channel,
    #    select top-k nodes (descending), keep their full sorted feature rows
    node_keys = feat[:, :, -1]                        # [B, N]
    _, topk_idx = jax.lax.top_k(node_keys, K)         # [B, K]
    pooled = jnp.take_along_axis(feat, topk_idx[:, :, None], axis=1)  # [B, K, HID]
    # SortPooling returns [B, K*HID]; the module views it back to [B, K, HID]
    output = pooled.reshape(B, K, HID)
    # ---- attention over the k pooled node representations ----
    q = jnp.broadcast_to(attention_query[:, None, :], (B, K, HID))
    cat = jnp.concatenate([output, q], axis=-1)       # [B, K, 2*HID]
    atten_logit = _leaky_relu(cat @ W_att)            # [B, K, 1]
    atten_weight = jax.nn.softmax(atten_logit, axis=1)
    return jnp.sum(output * atten_weight, axis=1)     # [B, HID]

if __name__ == "__main__":
    import jax
    _d = setup_inputs()
    print(jax.jit(kernel)(*tuple(_d.values())))

</pallas_src>

<mosaic_0001>
#map = affine_map<(d0, d1) -> (0, 0)>
#map1 = affine_map<(d0, d1) -> (0)>
module attributes {stable_mosaic.version = 14 : i64} {
  func.func @_sc_gather_body(%arg0: i32, %arg1: i32, %arg2: memref<262144x128xf32, #tpu.memory_space<hbm>>, %arg3: memref<65536xi32, #tpu.memory_space<hbm>>, %arg4: memref<65536x128xf32, #tpu.memory_space<hbm>>, %arg5: memref<128xi32, #tpu.memory_space<vmem>>, %arg6: memref<128x128xf32, #tpu.memory_space<vmem>>, %arg7: memref<!tpu.dma_semaphore, #tpu.memory_space<semaphore_mem>>) attributes {dimension_semantics = [#tpu.dimension_semantics<core_parallel>, #tpu.dimension_semantics<subcore_parallel>], iteration_bounds = array<i64: 2, 16>, scalar_prefetch = 0 : i64, scratch_operands = 3 : i64, tpu.core_type = #tpu.core_type<sc_vector_subcore>, window_params = [{transform_indices = #map}, {transform_indices = #map1}, {transform_indices = #map}]} {
    %mul3A = arith.constant 2 : i32
    %mul3A_0 = arith.muli %arg1, %mul3A : i32
    %add3A = arith.addi %mul3A_0, %arg0 : i32
    %mul3A_1 = arith.constant 2048 : i32
    %mul3A_2 = arith.muli %add3A, %mul3A_1 : i32
    %add3A_3 = arith.constant 0 : i32
    %add3A_4 = arith.addi %mul3A_2, %add3A_3 : i32
    "tpu.region"() ({
      %run_scoped3A = tpu.sem_alloc : memref<!tpu.dma_semaphore, #tpu.memory_space<semaphore_mem>>
      %dma_start3A_129 = tpu.memref_slice %arg3[%add3A_4] : memref<65536xi32, #tpu.memory_space<hbm>> -> memref<128xi32, #tpu.memory_space<hbm>>
      %dma_start3A_130 = tpu.memref_slice %arg3[%add3A_4] : memref<65536xi32, #tpu.memory_space<hbm>> -> memref<128xi32, #tpu.memory_space<hbm>>
      tpu.enqueue_dma source(%dma_start3A_130 : memref<128xi32, #tpu.memory_space<hbm>>) target(%arg5 : memref<128xi32, #tpu.memory_space<vmem>>) target_semaphore(%run_scoped3A : memref<!tpu.dma_semaphore, #tpu.memory_space<semaphore_mem>>)
      %dma_wait3A_131 = tpu.memref_slice %arg3[%add3A_4] : memref<65536xi32, #tpu.memory_space<hbm>> -> memref<128xi32, #tpu.memory_space<hbm>>
      %dma_wait3A_132 = tpu.memref_slice %arg3[%add3A_4] : memref<65536xi32, #tpu.memory_space<hbm>> -> memref<128xi32, #tpu.memory_space<hbm>>
      tpu.wait_dma2 semaphore(%run_scoped3A : memref<!tpu.dma_semaphore, #tpu.memory_space<semaphore_mem>>) src(%dma_wait3A_132 : memref<128xi32, #tpu.memory_space<hbm>>) dst(%arg5 : memref<128xi32, #tpu.memory_space<vmem>>)
      tpu.yield
    }) : () -> ()
    %dma_start3A = arith.constant 0 : i32
    %dma_start3A_5 = arith.constant 0 : i32
    %dma_start3A_6 = tpu.memref_slice %arg2[%dma_start3A, %dma_start3A_5] : memref<262144x128xf32, #tpu.memory_space<hbm>> -> memref<262144x128xf32, #tpu.memory_space<hbm>>
    tpu.enqueue_indirect_dma source(%dma_start3A_6 : memref<262144x128xf32, #tpu.memory_space<hbm>>) target(%arg6 : memref<128x128xf32, #tpu.memory_space<vmem>>) offsets(%arg5 : memref<128xi32, #tpu.memory_space<vmem>>) semaphore(%arg7 : memref<!tpu.dma_semaphore, #tpu.memory_space<semaphore_mem>>)
    %dma_wait3A = arith.constant 0 : i32
    %dma_wait3A_7 = arith.constant 0 : i32
    %dma_wait3A_8 = tpu.memref_slice %arg2[%dma_wait3A, %dma_wait3A_7] : memref<262144x128xf32, #tpu.memory_space<hbm>> -> memref<262144x128xf32, #tpu.memory_space<hbm>>
    tpu.wait_indirect_dma semaphore(%arg7 : memref<!tpu.dma_semaphore, #tpu.memory_space<semaphore_mem>>) src(%dma_wait3A_8 : memref<262144x128xf32, #tpu.memory_space<hbm>>) dst(%arg6 : memref<128x128xf32, #tpu.memory_space<vmem>>)
    "tpu.region"() ({
      %run_scoped3A = tpu.sem_alloc : memref<!tpu.dma_semaphore, #tpu.memory_space<semaphore_mem>>
      %dma_start3A_129 = arith.constant 0 : i32
      %dma_start3A_130 = tpu.memref_slice %arg4[%add3A_4, %dma_start3A_129] : memref<65536x128xf32, #tpu.memory_space<hbm>> -> memref<128x128xf32, #tpu.memory_space<hbm>>
      %dma_start3A_131 = arith.constant 0 : i32
      %dma_start3A_132 = tpu.memref_slice %arg4[%add3A_4, %dma_start3A_131] : memref<65536x128xf32, #tpu.memory_space<hbm>> -> memref<128x128xf32, #tpu.memory_space<hbm>>
      tpu.enqueue_dma source(%arg6 : memref<128x128xf32, #tpu.memory_space<vmem>>) target(%dma_start3A_132 : memref<128x128xf32, #tpu.memory_space<hbm>>) target_semaphore(%run_scoped3A : memref<!tpu.dma_semaphore, #tpu.memory_space<semaphore_mem>>)
      %dma_wait3A_133 = arith.constant 0 : i32
      %dma_wait3A_134 = tpu.memref_slice %arg4[%add3A_4, %dma_wait3A_133] : memref<65536x128xf32, #tpu.memory_space<hbm>> -> memref<128x128xf32, #tpu.memory_space<hbm>>
      %dma_wait3A_135 = arith.constant 0 : i32
      %dma_wait3A_136 = tpu.memref_slice %arg4[%add3A_4, %dma_wait3A_135] : memref<65536x128xf32, #tpu.memory_space<hbm>> -> memref<128x128xf32, #tpu.memory_space<hbm>>
      tpu.wait_dma2 semaphore(%run_scoped3A : memref<!tpu.dma_semaphore, #tpu.memory_space<semaphore_mem>>) src(%arg6 : memref<128x128xf32, #tpu.memory_space<vmem>>) dst(%dma_wait3A_136 : memref<128x128xf32, #tpu.memory_space<hbm>>)
      tpu.yield
    }) : () -> ()
    %add3A_9 = arith.constant 128 : i32
    %add3A_10 = arith.addi %mul3A_2, %add3A_9 : i32
    "tpu.region"() ({
      %run_scoped3A = tpu.sem_alloc : memref<!tpu.dma_semaphore, #tpu.memory_space<semaphore_mem>>
      %dma_start3A_129 = tpu.memref_slice %arg3[%add3A_10] : memref<65536xi32, #tpu.memory_space<hbm>> -> memref<128xi32, #tpu.memory_space<hbm>>
      %dma_start3A_130 = tpu.memref_slice %arg3[%add3A_10] : memref<65536xi32, #tpu.memory_space<hbm>> -> memref<128xi32, #tpu.memory_space<hbm>>
      tpu.enqueue_dma source(%dma_start3A_130 : memref<128xi32, #tpu.memory_space<hbm>>) target(%arg5 : memref<128xi32, #tpu.memory_space<vmem>>) target_semaphore(%run_scoped3A : memref<!tpu.dma_semaphore, #tpu.memory_space<semaphore_mem>>)
      %dma_wait3A_131 = tpu.memref_slice %arg3[%add3A_10] : memref<65536xi32, #tpu.memory_space<hbm>> -> memref<128xi32, #tpu.memory_space<hbm>>
      %dma_wait3A_132 = tpu.memref_slice %arg3[%add3A_10] : memref<65536xi32, #tpu.memory_space<hbm>> -> memref<128xi32, #tpu.memory_space<hbm>>
      tpu.wait_dma2 semaphore(%run_scoped3A : memref<!tpu.dma_semaphore, #tpu.memory_space<semaphore_mem>>) src(%dma_wait3A_132 : memref<128xi32, #tpu.memory_space<hbm>>) dst(%arg5 : memref<128xi32, #tpu.memory_space<vmem>>)
      tpu.yield
    }) : () -> ()
    %dma_start3A_11 = arith.constant 0 : i32
    %dma_start3A_12 = arith.constant 0 : i32
    %dma_start3A_13 = tpu.memref_slice %arg2[%dma_start3A_11, %dma_start3A_12] : memref<262144x128xf32, #tpu.memory_space<hbm>> -> memref<262144x128xf32, #tpu.memory_space<hbm>>
    tpu.enqueue_indirect_dma source(%dma_start3A_13 : memref<262144x128xf32, #tpu.memory_space<hbm>>) target(%arg6 : memref<128x128xf32, #tpu.memory_space<vmem>>) offsets(%arg5 : memref<128xi32, #tpu.memory_space<vmem>>) semaphore(%arg7 : memref<!tpu.dma_semaphore, #tpu.memory_space<semaphore_mem>>)
    %dma_wait3A_14 = arith.constant 0 : i32
    %dma_wait3A_15 = arith.constant 0 : i32
    %dma_wait3A_16 = tpu.memref_slice %arg2[%dma_wait3A_14, %dma_wait3A_15] : memref<262144x128xf32, #tpu.memory_space<hbm>> -> memref<262144x128xf32, #tpu.memory_space<hbm>>
    tpu.wait_indirect_dma semaphore(%arg7 : memref<!tpu.dma_semaphore, #tpu.memory_space<semaphore_mem>>) src(%dma_wait3A_16 : memref<262144x128xf32, #tpu.memory_space<hbm>>) dst(%arg6 : memref<128x128xf32, #tpu.memory_space<vmem>>)
    "tpu.region"() ({
      %run_scoped3A = tpu.sem_alloc : memref<!tpu.dma_semaphore, #tpu.memory_space<semaphore_mem>>
      %dma_start3A_129 = arith.constant 0 : i32
      %dma_start3A_130 = tpu.memref_slice %arg4[%add3A_10, %dma_start3A_129] : memref<65536x128xf32, #tpu.memory_space<hbm>> -> memref<128x128xf32, #tpu.memory_space<hbm>>
      %dma_start3A_131 = arith.constant 0 : i32
      %dma_start3A_132 = tpu.memref_slice %arg4[%add3A_10, %dma_start3A_131] : memref<65536x128xf32, #tpu.memory_space<hbm>> -> memref<128x128xf32, #tpu.memory_space<hbm>>
      tpu.enqueue_dma source(%arg6 : memref<128x128xf32, #tpu.memory_space<vmem>>) target(%dma_start3A_132 : memref<128x128xf32, #tpu.memory_space<hbm>>) target_semaphore(%run_scoped3A : memref<!tpu.dma_semaphore, #tpu.memory_space<semaphore_mem>>)
      %dma_wait3A_133 = arith.constant 0 : i32
      %dma_wait3A_134 = tpu.memref_slice %arg4[%add3A_10, %dma_wait3A_133] : memref<65536x128xf32, #tpu.memory_space<hbm>> -> memref<128x128xf32, #tpu.memory_space<hbm>>
      %dma_wait3A_135 = arith.constant 0 : i32
      %dma_wait3A_136 = tpu.memref_slice %arg4[%add3A_10, %dma_wait3A_135] : memref<65536x128xf32, #tpu.memory_space<hbm>> -> memref<128x128xf32, #tpu.memory_space<hbm>>
      tpu.wait_dma2 semaphore(%run_scoped3A : memref<!tpu.dma_semaphore, #tpu.memory_space<semaphore_mem>>) src(%arg6 : memref<128x128xf32, #tpu.memory_space<vmem>>) dst(%dma_wait3A_136 : memref<128x128xf32, #tpu.memory_space<hbm>>)
      tpu.yield
    }) : () -> ()
    %add3A_17 = arith.constant 256 : i32
    %add3A_18 = arith.addi %mul3A_2, %add3A_17 : i32
    "tpu.region"() ({
      %run_scoped3A = tpu.sem_alloc : memref<!tpu.dma_semaphore, #tpu.memory_space<semaphore_mem>>
      %dma_start3A_129 = tpu.memref_slice %arg3[%add3A_18] : memref<65536xi32, #tpu.memory_space<hbm>> -> memref<128xi32, #tpu.memory_space<hbm>>
      %dma_start3A_130 = tpu.memref_slice %arg3[%add3A_18] : memref<65536xi32, #tpu.memory_space<hbm>> -> memref<128xi32, #tpu.memory_space<hbm>>
      tpu.enqueue_dma source(%dma_start3A_130 : memref<128xi32, #tpu.memory_space<hbm>>) target(%arg5 : memref<128xi32, #tpu.memory_space<vmem>>) target_semaphore(%run_scoped3A : memref<!tpu.dma_semaphore, #tpu.memory_space<semaphore_mem>>)
      %dma_wait3A_131 = tpu.memref_slice %arg3[%add3A_18] : memref<65536xi32, #tpu.memory_space<hbm>> -> memref<128xi32, #tpu.memory_space<hbm>>
      %dma_wait3A_132 = tpu.memref_slice %arg3[%add3A_18] : memref<65536xi32, #tpu.memory_space<hbm>> -> memref<128xi32, #tpu.memory_space<hbm>>
      tpu.wait_dma2 semaphore(%run_scoped3A : memref<!tpu.dma_semaphore, #tpu.memory_space<semaphore_mem>>) src(%dma_wait3A_132 : memref<128xi32, #tpu.memory_space<hbm>>) dst(%arg5 : memref<128xi32, #tpu.memory_space<vmem>>)
      tpu.yield
    }) : () -> ()
    %dma_start3A_19 = arith.constant 0 : i32
    %dma_start3A_20 = arith.constant 0 : i32
    %dma_start3A_21 = tpu.memref_slice %arg2[%dma_start3A_19, %dma_start3A_20] : memref<262144x128xf32, #tpu.memory_space<hbm>> -> memref<262144x128xf32, #tpu.memory_space<hbm>>
    tpu.enqueue_indirect_dma source(%dma_start3A_21 : memref<262144x128xf32, #tpu.memory_space<hbm>>) target(%arg6 : memref<128x128xf32, #tpu.memory_space<vmem>>) offsets(%arg5 : memref<128xi32, #tpu.memory_space<vmem>>) semaphore(%arg7 : memref<!tpu.dma_semaphore, #tpu.memory_space<semaphore_mem>>)
    %dma_wait3A_22 = arith.constant 0 : i32
    %dma_wait3A_23 = arith.constant 0 : i32
    %dma_wait3A_24 = tpu.memref_slice %arg2[%dma_wait3A_22, %dma_wait3A_23] : memref<262144x128xf32, #tpu.memory_space<hbm>> -> memref<262144x128xf32, #tpu.memory_space<hbm>>
    tpu.wait_indirect_dma semaphore(%arg7 : memref<!tpu.dma_semaphore, #tpu.memory_space<semaphore_mem>>) src(%dma_wait3A_24 : memref<262144x128xf32, #tpu.memory_space<hbm>>) dst(%arg6 : memref<128x128xf32, #tpu.memory_space<vmem>>)
    "tpu.region"() ({
      %run_scoped3A = tpu.sem_alloc : memref<!tpu.dma_semaphore, #tpu.memory_space<semaphore_mem>>
      %dma_start3A_129 = arith.constant 0 : i32
      %dma_start3A_130 = tpu.memref_slice %arg4[%add3A_18, %dma_start3A_129] : memref<65536x128xf32, #tpu.memory_space<hbm>> -> memref<128x128xf32, #tpu.memory_space<hbm>>
      %dma_start3A_131 = arith.constant 0 : i32
      %dma_start3A_132 = tpu.memref_slice %arg4[%add3A_18, %dma_start3A_131] : memref<65536x128xf32, #tpu.memory_space<hbm>> -> memref<128x128xf32, #tpu.memory_space<hbm>>
      tpu.enqueue_dma source(%arg6 : memref<128x128xf32, #tpu.memory_space<vmem>>) target(%dma_start3A_132 : memref<128x128xf32, #tpu.memory_space<hbm>>) target_semaphore(%run_scoped3A : memref<!tpu.dma_semaphore, #tpu.memory_space<semaphore_mem>>)
      %dma_wait3A_133 = arith.constant 0 : i32
      %dma_wait3A_134 = tpu.memref_slice %arg4[%add3A_18, %dma_wait3A_133] : memref<65536x128xf32, #tpu.memory_space<hbm>> -> memref<128x128xf32, #tpu.memory_space<hbm>>
      %dma_wait3A_135 = arith.constant 0 : i32
      %dma_wait3A_136 = tpu.memref_slice %arg4[%add3A_18, %dma_wait3A_135] : memref<65536x128xf32, #tpu.memory_space<hbm>> -> memref<128x128xf32, #tpu.memory_space<hbm>>
      tpu.wait_dma2 semaphore(%run_scoped3A : memref<!tpu.dma_semaphore, #tpu.memory_space<semaphore_mem>>) src(%arg6 : memref<128x128xf32, #tpu.memory_space<vmem>>) dst(%dma_wait3A_136 : memref<128x128xf32, #tpu.memory_space<hbm>>)
      tpu.yield
    }) : () -> ()
    %add3A_25 = arith.constant 384 : i32
    %add3A_26 = arith.addi %mul3A_2, %add3A_25 : i32
    "tpu.region"() ({
      %run_scoped3A = tpu.sem_alloc : memref<!tpu.dma_semaphore, #tpu.memory_space<semaphore_mem>>
      %dma_start3A_129 = tpu.memref_slice %arg3[%add3A_26] : memref<65536xi32, #tpu.memory_space<hbm>> -> memref<128xi32, #tpu.memory_space<hbm>>
      %dma_start3A_130 = tpu.memref_slice %arg3[%add3A_26] : memref<65536xi32, #tpu.memory_space<hbm>> -> memref<128xi32, #tpu.memory_space<hbm>>
      tpu.enqueue_dma source(%dma_start3A_130 : memref<128xi32, #tpu.memory_space<hbm>>) target(%arg5 : memref<128xi32, #tpu.memory_space<vmem>>) target_semaphore(%run_scoped3A : memref<!tpu.dma_semaphore, #tpu.memory_space<semaphore_mem>>)
      %dma_wait3A_131 = tpu.memref_slice %arg3[%add3A_26] : memref<65536xi32, #tpu.memory_space<hbm>> -> memref<128xi32, #tpu.memory_space<hbm>>
      %dma_wait3A_132 = tpu.memref_slice %arg3[%add3A_26] : memref<65536xi32, #tpu.memory_space<hbm>> -> memref<128xi32, #tpu.memory_space<hbm>>
      tpu.wait_dma2 semaphore(%run_scoped3A : memref<!tpu.dma_semaphore, #tpu.memory_space<semaphore_mem>>) src(%dma_wait3A_132 : memref<128xi32, #tpu.memory_space<hbm>>) dst(%arg5 : memref<128xi32, #tpu.memory_space<vmem>>)
      tpu.yield
    }) : () -> ()
    %dma_start3A_27 = arith.constant 0 : i32
    %dma_start3A_28 = arith.constant 0 : i32
    %dma_start3A_29 = tpu.memref_slice %arg2[%dma_start3A_27, %dma_start3A_28] : memref<262144x128xf32, #tpu.memory_space<hbm>> -> memref<262144x128xf32, #tpu.memory_space<hbm>>
    tpu.enqueue_indirect_dma source(%dma_start3A_29 : memref<262144x128xf32, #tpu.memory_space<hbm>>) target(%arg6 : memref<128x128xf32, #tpu.memory_space<vmem>>) offsets(%arg5 : memref<128xi32, #tpu.memory_space<vmem>>) semaphore(%arg7 : memref<!tpu.dma_semaphore, #tpu.memory_space<semaphore_mem>>)
    %dma_wait3A_30 = arith.constant 0 : i32
    %dma_wait3A_31 = arith.constant 0 : i32
    %dma_wait3A_32 = tpu.memref_slice %arg2[%dma_wait3A_30, %dma_wait3A_31] : memref<262144x128xf32, #tpu.memory_space<hbm>> -> memref<262144x128xf32, #tpu.memory_space<hbm>>
    tpu.wait_indirect_dma semaphore(%arg7 : memref<!tpu.dma_semaphore, #tpu.memory_space<semaphore_mem>>) src(%dma_wait3A_32 : memref<262144x128xf32, #tpu.memory_space<hbm>>) dst(%arg6 : memref<128x128xf32, #tpu.memory_space<vmem>>)
    "tpu.region"() ({
      %run_scoped3A = tpu.sem_alloc : memref<!tpu.dma_semaphore, #tpu.memory_space<semaphore_mem>>
      %dma_start3A_129 = arith.constant 0 : i32
      %dma_start3A_130 = tpu.memref_slice %arg4[%add3A_26, %dma_start3A_129] : memref<65536x128xf32, #tpu.memory_space<hbm>> -> memref<128x128xf32, #tpu.memory_space<hbm>>
      %dma_start3A_131 = arith.constant 0 : i32
      %dma_start3A_132 = tpu.memref_slice %arg4[%add3A_26, %dma_start3A_131] : memref<65536x128xf32, #tpu.memory_space<hbm>> -> memref<128x128xf32, #tpu.memory_space<hbm>>
      tpu.enqueue_dma source(%arg6 : memref<128x128xf32, #tpu.memory_space<vmem>>) target(%dma_start3A_132 : memref<128x128xf32, #tpu.memory_space<hbm>>) target_semaphore(%run_scoped3A : memref<!tpu.dma_semaphore, #tpu.memory_space<semaphore_mem>>)
      %dma_wait3A_133 = arith.constant 0 : i32
      %dma_wait3A_134 = tpu.memref_slice %arg4[%add3A_26, %dma_wait3A_133] : memref<65536x128xf32, #tpu.memory_space<hbm>> -> memref<128x128xf32, #tpu.memory_space<hbm>>
      %dma_wait3A_135 = arith.constant 0 : i32
      %dma_wait3A_136 = tpu.memref_slice %arg4[%add3A_26, %dma_wait3A_135] : memref<65536x128xf32, #tpu.memory_space<hbm>> -> memref<128x128xf32, #tpu.memory_space<hbm>>
      tpu.wait_dma2 semaphore(%run_scoped3A : memref<!tpu.dma_semaphore, #tpu.memory_space<semaphore_mem>>) src(%arg6 : memref<128x128xf32, #tpu.memory_space<vmem>>) dst(%dma_wait3A_136 : memref<128x128xf32, #tpu.memory_space<hbm>>)
      tpu.yield
    }) : () -> ()
    %add3A_33 = arith.constant 512 : i32
    %add3A_34 = arith.addi %mul3A_2, %add3A_33 : i32
    "tpu.region"() ({
      %run_scoped3A = tpu.sem_alloc : memref<!tpu.dma_semaphore, #tpu.memory_space<semaphore_mem>>
      %dma_start3A_129 = tpu.memref_slice %arg3[%add3A_34] : memref<65536xi32, #tpu.memory_space<hbm>> -> memref<128xi32, #tpu.memory_space<hbm>>
      %dma_start3A_130 = tpu.memref_slice %arg3[%add3A_34] : memref<65536xi32, #tpu.memory_space<hbm>> -> memref<128xi32, #tpu.memory_space<hbm>>
      tpu.enqueue_dma source(%dma_start3A_130 : memref<128xi32, #tpu.memory_space<hbm>>) target(%arg5 : memref<128xi32, #tpu.memory_space<vmem>>) target_semaphore(%run_scoped3A : memref<!tpu.dma_semaphore, #tpu.memory_space<semaphore_mem>>)
      %dma_wait3A_131 = tpu.memref_slice %arg3[%add3A_34] : memref<65536xi32, #tpu.memory_space<hbm>> -> memref<128xi32, #tpu.memory_space<hbm>>
      %dma_wait3A_132 = tpu.memref_slice %arg3[%add3A_34] : memref<65536xi32, #tpu.memory_space<hbm>> -> memref<128xi32, #tpu.memory_space<hbm>>
      tpu.wait_dma2 semaphore(%run_scoped3A : memref<!tpu.dma_semaphore, #tpu.memory_space<semaphore_mem>>) src(%dma_wait3A_132 : memref<128xi32, #tpu.memory_space<hbm>>) dst(%arg5 : memref<128xi32, #tpu.memory_space<vmem>>)
      tpu.yield
    }) : () -> ()
    %dma_start3A_35 = arith.constant 0 : i32
    %dma_start3A_36 = arith.constant 0 : i32
    %dma_start3A_37 = tpu.memref_slice %arg2[%dma_start3A_35, %dma_start3A_36] : memref<262144x128xf32, #tpu.memory_space<hbm>> -> memref<262144x128xf32, #tpu.memory_space<hbm>>
    tpu.enqueue_indirect_dma source(%dma_start3A_37 : memref<262144x128xf32, #tpu.memory_space<hbm>>) target(%arg6 : memref<128x128xf32, #tpu.memory_space<vmem>>) offsets(%arg5 : memref<128xi32, #tpu.memory_space<vmem>>) semaphore(%arg7 : memref<!tpu.dma_semaphore, #tpu.memory_space<semaphore_mem>>)
    %dma_wait3A_38 = arith.constant 0 : i32
    %dma_wait3A_39 = arith.constant 0 : i32
    %dma_wait3A_40 = tpu.memref_slice %arg2[%dma_wait3A_38, %dma_wait3A_39] : memref<262144x128xf32, #tpu.memory_space<hbm>> -> memref<262144x128xf32, #tpu.memory_space<hbm>>
    tpu.wait_indirect_dma semaphore(%arg7 : memref<!tpu.dma_semaphore, #tpu.memory_space<semaphore_mem>>) src(%dma_wait3A_40 : memref<262144x128xf32, #tpu.memory_space<hbm>>) dst(%arg6 : memref<128x128xf32, #tpu.memory_space<vmem>>)
    "tpu.region"() ({
      %run_scoped3A = tpu.sem_alloc : memref<!tpu.dma_semaphore, #tpu.memory_space<semaphore_mem>>
      %dma_start3A_129 = arith.constant 0 : i32
      %dma_start3A_130 = tpu.memref_slice %arg4[%add3A_34, %dma_start3A_129] : memref<65536x128xf32, #tpu.memory_space<hbm>> -> memref<128x128xf32, #tpu.memory_space<hbm>>
      %dma_start3A_131 = arith.constant 0 : i32
      %dma_start3A_132 = tpu.memref_slice %arg4[%add3A_34, %dma_start3A_131] : memref<65536x128xf32, #tpu.memory_space<hbm>> -> memref<128x128xf32, #tpu.memory_space<hbm>>
      tpu.enqueue_dma source(%arg6 : memref<128x128xf32, #tpu.memory_space<vmem>>) target(%dma_start3A_132 : memref<128x128xf32, #tpu.memory_space<hbm>>) target_semaphore(%run_scoped3A : memref<!tpu.dma_semaphore, #tpu.memory_space<semaphore_mem>>)
      %dma_wait3A_133 = arith.constant 0 : i32
      %dma_wait3A_134 = tpu.memref_slice %arg4[%add3A_34, %dma_wait3A_133] : memref<65536x128xf32, #tpu.memory_space<hbm>> -> memref<128x128xf32, #tpu.memory_space<hbm>>
      %dma_wait3A_135 = arith.constant 0 : i32
      %dma_wait3A_136 = tpu.memref_slice %arg4[%add3A_34, %dma_wait3A_135] : memref<65536x128xf32, #tpu.memory_space<hbm>> -> memref<128x128xf32, #tpu.memory_space<hbm>>
      tpu.wait_dma2 semaphore(%run_scoped3A : memref<!tpu.dma_semaphore, #tpu.memory_space<semaphore_mem>>) src(%arg6 : memref<128x128xf32, #tpu.memory_space<vmem>>) dst(%dma_wait3A_136 : memref<128x128xf32, #tpu.memory_space<hbm>>)
      tpu.yield
    }) : () -> ()
    %add3A_41 = arith.constant 640 : i32
    %add3A_42 = arith.addi %mul3A_2, %add3A_41 : i32
    "tpu.region"() ({
      %run_scoped3A = tpu.sem_alloc : memref<!tpu.dma_semaphore, #tpu.memory_space<semaphore_mem>>
      %dma_start3A_129 = tpu.memref_slice %arg3[%add3A_42] : memref<65536xi32, #tpu.memory_space<hbm>> -> memref<128xi32, #tpu.memory_space<hbm>>
      %dma_start3A_130 = tpu.memref_slice %arg3[%add3A_42] : memref<65536xi32, #tpu.memory_space<hbm>> -> memref<128xi32, #tpu.memory_space<hbm>>
      tpu.enqueue_dma source(%dma_start3A_130 : memref<128xi32, #tpu.memory_space<hbm>>) target(%arg5 : memref<128xi32, #tpu.memory_space<vmem>>) target_semaphore(%run_scoped3A : memref<!tpu.dma_semaphore, #tpu.memory_space<semaphore_mem>>)
      %dma_wait3A_131 = tpu.memref_slice %arg3[%add3A_42] : memref<65536xi32, #tpu.memory_space<hbm>> -> memref<128xi32, #tpu.memory_space<hbm>>
      %dma_wait3A_132 = tpu.memref_slice %arg3[%add3A_42] : memref<65536xi32, #tpu.memory_space<hbm>> -> memref<128xi32, #tpu.memory_space<hbm>>
      tpu.wait_dma2 semaphore(%run_scoped3A : memref<!tpu.dma_semaphore, #tpu.memory_space<semaphore_mem>>) src(%dma_wait3A_132 : memref<128xi32, #tpu.memory_space<hbm>>) dst(%arg5 : memref<128xi32, #tpu.memory_space<vmem>>)
      tpu.yield
    }) : () -> ()
    %dma_start3A_43 = arith.constant 0 : i32
    %dma_start3A_44 = arith.constant 0 : i32
    %dma_start3A_45 = tpu.memref_slice %arg2[%dma_start3A_43, %dma_start3A_44] : memref<262144x128xf32, #tpu.memory_space<hbm>> -> memref<262144x128xf32, #tpu.memory_space<hbm>>
    tpu.enqueue_indirect_dma source(%dma_start3A_45 : memref<262144x128xf32, #tpu.memory_space<hbm>>) target(%arg6 : memref<128x128xf32, #tpu.memory_space<vmem>>) offsets(%arg5 : memref<128xi32, #tpu.memory_space<vmem>>) semaphore(%arg7 : memref<!tpu.dma_semaphore, #tpu.memory_space<semaphore_mem>>)
    %dma_wait3A_46 = arith.constant 0 : i32
    %dma_wait3A_47 = arith.constant 0 : i32
    %dma_wait3A_48 = tpu.memref_slice %arg2[%dma_wait3A_46, %dma_wait3A_47] : memref<262144x128xf32, #tpu.memory_space<hbm>> -> memref<262144x128xf32, #tpu.memory_space<hbm>>
    tpu.wait_indirect_dma semaphore(%arg7 : memref<!tpu.dma_semaphore, #tpu.memory_space<semaphore_mem>>) src(%dma_wait3A_48 : memref<262144x128xf32, #tpu.memory_space<hbm>>) dst(%arg6 : memref<128x128xf32, #tpu.memory_space<vmem>>)
    "tpu.region"() ({
      %run_scoped3A = tpu.sem_alloc : memref<!tpu.dma_semaphore, #tpu.memory_space<semaphore_mem>>
      %dma_start3A_129 = arith.constant 0 : i32
      %dma_start3A_130 = tpu.memref_slice %arg4[%add3A_42, %dma_start3A_129] : memref<65536x128xf32, #tpu.memory_space<hbm>> -> memref<128x128xf32, #tpu.memory_space<hbm>>
      %dma_start3A_131 = arith.constant 0 : i32
      %dma_start3A_132 = tpu.memref_slice %arg4[%add3A_42, %dma_start3A_131] : memref<65536x128xf32, #tpu.memory_space<hbm>> -> memref<128x128xf32, #tpu.memory_space<hbm>>
      tpu.enqueue_dma source(%arg6 : memref<128x128xf32, #tpu.memory_space<vmem>>) target(%dma_start3A_132 : memref<128x128xf32, #tpu.memory_space<hbm>>) target_semaphore(%run_scoped3A : memref<!tpu.dma_semaphore, #tpu.memory_space<semaphore_mem>>)
      %dma_wait3A_133 = arith.constant 0 : i32
      %dma_wait3A_134 = tpu.memref_slice %arg4[%add3A_42, %dma_wait3A_133] : memref<65536x128xf32, #tpu.memory_space<hbm>> -> memref<128x128xf32, #tpu.memory_space<hbm>>
      %dma_wait3A_135 = arith.constant 0 : i32
      %dma_wait3A_136 = tpu.memref_slice %arg4[%add3A_42, %dma_wait3A_135] : memref<65536x128xf32, #tpu.memory_space<hbm>> -> memref<128x128xf32, #tpu.memory_space<hbm>>
      tpu.wait_dma2 semaphore(%run_scoped3A : memref<!tpu.dma_semaphore, #tpu.memory_space<semaphore_mem>>) src(%arg6 : memref<128x128xf32, #tpu.memory_space<vmem>>) dst(%dma_wait3A_136 : memref<128x128xf32, #tpu.memory_space<hbm>>)
      tpu.yield
    }) : () -> ()
    %add3A_49 = arith.constant 768 : i32
    %add3A_50 = arith.addi %mul3A_2, %add3A_49 : i32
    "tpu.region"() ({
      %run_scoped3A = tpu.sem_alloc : memref<!tpu.dma_semaphore, #tpu.memory_space<semaphore_mem>>
      %dma_start3A_129 = tpu.memref_slice %arg3[%add3A_50] : memref<65536xi32, #tpu.memory_space<hbm>> -> memref<128xi32, #tpu.memory_space<hbm>>
      %dma_start3A_130 = tpu.memref_slice %arg3[%add3A_50] : memref<65536xi32, #tpu.memory_space<hbm>> -> memref<128xi32, #tpu.memory_space<hbm>>
      tpu.enqueue_dma source(%dma_start3A_130 : memref<128xi32, #tpu.memory_space<hbm>>) target(%arg5 : memref<128xi32, #tpu.memory_space<vmem>>) target_semaphore(%run_scoped3A : memref<!tpu.dma_semaphore, #tpu.memory_space<semaphore_mem>>)
      %dma_wait3A_131 = tpu.memref_slice %arg3[%add3A_50] : memref<65536xi32, #tpu.memory_space<hbm>> -> memref<128xi32, #tpu.memory_space<hbm>>
      %dma_wait3A_132 = tpu.memref_slice %arg3[%add3A_50] : memref<65536xi32, #tpu.memory_space<hbm>> -> memref<128xi32, #tpu.memory_space<hbm>>
      tpu.wait_dma2 semaphore(%run_scoped3A : memref<!tpu.dma_semaphore, #tpu.memory_space<semaphore_mem>>) src(%dma_wait3A_132 : memref<128xi32, #tpu.memory_space<hbm>>) dst(%arg5 : memref<128xi32, #tpu.memory_space<vmem>>)
      tpu.yield
    }) : () -> ()
    %dma_start3A_51 = arith.constant 0 : i32
    %dma_start3A_52 = arith.constant 0 : i32
    %dma_start3A_53 = tpu.memref_slice %arg2[%dma_start3A_51, %dma_start3A_52] : memref<262144x128xf32, #tpu.memory_space<hbm>> -> memref<262144x128xf32, #tpu.memory_space<hbm>>
    tpu.enqueue_indirect_dma source(%dma_start3A_53 : memref<262144x128xf32, #tpu.memory_space<hbm>>) target(%arg6 : memref<128x128xf32, #tpu.memory_space<vmem>>) offsets(%arg5 : memref<128xi32, #tpu.memory_space<vmem>>) semaphore(%arg7 : memref<!tpu.dma_semaphore, #tpu.memory_space<semaphore_mem>>)
    %dma_wait3A_54 = arith.constant 0 : i32
    %dma_wait3A_55 = arith.constant 0 : i32
    %dma_wait3A_56 = tpu.memref_slice %arg2[%dma_wait3A_54, %dma_wait3A_55] : memref<262144x128xf32, #tpu.memory_space<hbm>> -> memref<262144x128xf32, #tpu.memory_space<hbm>>
    tpu.wait_indirect_dma semaphore(%arg7 : memref<!tpu.dma_semaphore, #tpu.memory_space<semaphore_mem>>) src(%dma_wait3A_56 : memref<262144x128xf32, #tpu.memory_space<hbm>>) dst(%arg6 : memref<128x128xf32, #tpu.memory_space<vmem>>)
    "tpu.region"() ({
      %run_scoped3A = tpu.sem_alloc : memref<!tpu.dma_semaphore, #tpu.memory_space<semaphore_mem>>
      %dma_start3A_129 = arith.constant 0 : i32
      %dma_start3A_130 = tpu.memref_slice %arg4[%add3A_50, %dma_start3A_129] : memref<65536x128xf32, #tpu.memory_space<hbm>> -> memref<128x128xf32, #tpu.memory_space<hbm>>
      %dma_start3A_131 = arith.constant 0 : i32
      %dma_start3A_132 = tpu.memref_slice %arg4[%add3A_50, %dma_start3A_131] : memref<65536x128xf32, #tpu.memory_space<hbm>> -> memref<128x128xf32, #tpu.memory_space<hbm>>
      tpu.enqueue_dma source(%arg6 : memref<128x128xf32, #tpu.memory_space<vmem>>) target(%dma_start3A_132 : memref<128x128xf32, #tpu.memory_space<hbm>>) target_semaphore(%run_scoped3A : memref<!tpu.dma_semaphore, #tpu.memory_space<semaphore_mem>>)
      %dma_wait3A_133 = arith.constant 0 : i32
      %dma_wait3A_134 = tpu.memref_slice %arg4[%add3A_50, %dma_wait3A_133] : memref<65536x128xf32, #tpu.memory_space<hbm>> -> memref<128x128xf32, #tpu.memory_space<hbm>>
      %dma_wait3A_135 = arith.constant 0 : i32
      %dma_wait3A_136 = tpu.memref_slice %arg4[%add3A_50, %dma_wait3A_135] : memref<65536x128xf32, #tpu.memory_space<hbm>> -> memref<128x128xf32, #tpu.memory_space<hbm>>
      tpu.wait_dma2 semaphore(%run_scoped3A : memref<!tpu.dma_semaphore, #tpu.memory_space<semaphore_mem>>) src(%arg6 : memref<128x128xf32, #tpu.memory_space<vmem>>) dst(%dma_wait3A_136 : memref<128x128xf32, #tpu.memory_space<hbm>>)
      tpu.yield
    }) : () -> ()
    %add3A_57 = arith.constant 896 : i32
    %add3A_58 = arith.addi %mul3A_2, %add3A_57 : i32
    "tpu.region"() ({
      %run_scoped3A = tpu.sem_alloc : memref<!tpu.dma_semaphore, #tpu.memory_space<semaphore_mem>>
      %dma_start3A_129 = tpu.memref_slice %arg3[%add3A_58] : memref<65536xi32, #tpu.memory_space<hbm>> -> memref<128xi32, #tpu.memory_space<hbm>>
      %dma_start3A_130 = tpu.memref_slice %arg3[%add3A_58] : memref<65536xi32, #tpu.memory_space<hbm>> -> memref<128xi32, #tpu.memory_space<hbm>>
      tpu.enqueue_dma source(%dma_start3A_130 : memref<128xi32, #tpu.memory_space<hbm>>) target(%arg5 : memref<128xi32, #tpu.memory_space<vmem>>) target_semaphore(%run_scoped3A : memref<!tpu.dma_semaphore, #tpu.memory_space<semaphore_mem>>)
      %dma_wait3A_131 = tpu.memref_slice %arg3[%add3A_58] : memref<65536xi32, #tpu.memory_space<hbm>> -> memref<128xi32, #tpu.memory_space<hbm>>
      %dma_wait3A_132 = tpu.memref_slice %arg3[%add3A_58] : memref<65536xi32, #tpu.memory_space<hbm>> -> memref<128xi32, #tpu.memory_space<hbm>>
      tpu.wait_dma2 semaphore(%run_scoped3A : memref<!tpu.dma_semaphore, #tpu.memory_space<semaphore_mem>>) src(%dma_wait3A_132 : memref<128xi32, #tpu.memory_space<hbm>>) dst(%arg5 : memref<128xi32, #tpu.memory_space<vmem>>)
      tpu.yield
    }) : () -> ()
    %dma_start3A_59 = arith.constant 0 : i32
    %dma_start3A_60 = arith.constant 0 : i32
    %dma_start3A_61 = tpu.memref_slice %arg2[%dma_start3A_59, %dma_start3A_60] : memref<262144x128xf32, #tpu.memory_space<hbm>> -> memref<262144x128xf32, #tpu.memory_space<hbm>>
    tpu.enqueue_indirect_dma source(%dma_start3A_61 : memref<262144x128xf32, #tpu.memory_space<hbm>>) target(%arg6 : memref<128x128xf32, #tpu.memory_space<vmem>>) offsets(%arg5 : memref<128xi32, #tpu.memory_space<vmem>>) semaphore(%arg7 : memref<!tpu.dma_semaphore, #tpu.memory_space<semaphore_mem>>)
    %dma_wait3A_62 = arith.constant 0 : i32
    %dma_wait3A_63 = arith.constant 0 : i32
    %dma_wait3A_64 = tpu.memref_slice %arg2[%dma_wait3A_62, %dma_wait3A_63] : memref<262144x128xf32, #tpu.memory_space<hbm>> -> memref<262144x128xf32, #tpu.memory_space<hbm>>
    tpu.wait_indirect_dma semaphore(%arg7 : memref<!tpu.dma_semaphore, #tpu.memory_space<semaphore_mem>>) src(%dma_wait3A_64 : memref<262144x128xf32, #tpu.memory_space<hbm>>) dst(%arg6 : memref<128x128xf32, #tpu.memory_space<vmem>>)
    "tpu.region"() ({
      %run_scoped3A = tpu.sem_alloc : memref<!tpu.dma_semaphore, #tpu.memory_space<semaphore_mem>>
      %dma_start3A_129 = arith.constant 0 : i32
      %dma_start3A_130 = tpu.memref_slice %arg4[%add3A_58, %dma_start3A_129] : memref<65536x128xf32, #tpu.memory_space<hbm>> -> memref<128x128xf32, #tpu.memory_space<hbm>>
      %dma_start3A_131 = arith.constant 0 : i32
      %dma_start3A_132 = tpu.memref_slice %arg4[%add3A_58, %dma_start3A_131] : memref<65536x128xf32, #tpu.memory_space<hbm>> -> memref<128x128xf32, #tpu.memory_space<hbm>>
      tpu.enqueue_dma source(%arg6 : memref<128x128xf32, #tpu.memory_space<vmem>>) target(%dma_start3A_132 : memref<128x128xf32, #tpu.memory_space<hbm>>) target_semaphore(%run_scoped3A : memref<!tpu.dma_semaphore, #tpu.memory_space<semaphore_mem>>)
      %dma_wait3A_133 = arith.constant 0 : i32
      %dma_wait3A_134 = tpu.memref_slice %arg4[%add3A_58, %dma_wait3A_133] : memref<65536x128xf32, #tpu.memory_space<hbm>> -> memref<128x128xf32, #tpu.memory_space<hbm>>
      %dma_wait3A_135 = arith.constant 0 : i32
      %dma_wait3A_136 = tpu.memref_slice %arg4[%add3A_58, %dma_wait3A_135] : memref<65536x128xf32, #tpu.memory_space<hbm>> -> memref<128x128xf32, #tpu.memory_space<hbm>>
      tpu.wait_dma2 semaphore(%run_scoped3A : memref<!tpu.dma_semaphore, #tpu.memory_space<semaphore_mem>>) src(%arg6 : memref<128x128xf32, #tpu.memory_space<vmem>>) dst(%dma_wait3A_136 : memref<128x128xf32, #tpu.memory_space<hbm>>)
      tpu.yield
    }) : () -> ()
    %add3A_65 = arith.constant 1024 : i32
    %add3A_66 = arith.addi %mul3A_2, %add3A_65 : i32
    "tpu.region"() ({
      %run_scoped3A = tpu.sem_alloc : memref<!tpu.dma_semaphore, #tpu.memory_space<semaphore_mem>>
      %dma_start3A_129 = tpu.memref_slice %arg3[%add3A_66] : memref<65536xi32, #tpu.memory_space<hbm>> -> memref<128xi32, #tpu.memory_space<hbm>>
      %dma_start3A_130 = tpu.memref_slice %arg3[%add3A_66] : memref<65536xi32, #tpu.memory_space<hbm>> -> memref<128xi32, #tpu.memory_space<hbm>>
      tpu.enqueue_dma source(%dma_start3A_130 : memref<128xi32, #tpu.memory_space<hbm>>) target(%arg5 : memref<128xi32, #tpu.memory_space<vmem>>) target_semaphore(%run_scoped3A : memref<!tpu.dma_semaphore, #tpu.memory_space<semaphore_mem>>)
      %dma_wait3A_131 = tpu.memref_slice %arg3[%add3A_66] : memref<65536xi32, #tpu.memory_space<hbm>> -> memref<128xi32, #tpu.memory_space<hbm>>
      %dma_wait3A_132 = tpu.memref_slice %arg3[%add3A_66] : memref<65536xi32, #tpu.memory_space<hbm>> -> memref<128xi32, #tpu.memory_space<hbm>>
      tpu.wait_dma2 semaphore(%run_scoped3A : memref<!tpu.dma_semaphore, #tpu.memory_space<semaphore_mem>>) src(%dma_wait3A_132 : memref<128xi32, #tpu.memory_space<hbm>>) dst(%arg5 : memref<128xi32, #tpu.memory_space<vmem>>)
      tpu.yield
    }) : () -> ()
    %dma_start3A_67 = arith.constant 0 : i32
    %dma_start3A_68 = arith.constant 0 : i32
    %dma_start3A_69 = tpu.memref_slice %arg2[%dma_start3A_67, %dma_start3A_68] : memref<262144x128xf32, #tpu.memory_space<hbm>> -> memref<262144x128xf32, #tpu.memory_space<hbm>>
    tpu.enqueue_indirect_dma source(%dma_start3A_69 : memref<262144x128xf32, #tpu.memory_space<hbm>>) target(%arg6 : memref<128x128xf32, #tpu.memory_space<vmem>>) offsets(%arg5 : memref<128xi32, #tpu.memory_space<vmem>>) semaphore(%arg7 : memref<!tpu.dma_semaphore, #tpu.memory_space<semaphore_mem>>)
    %dma_wait3A_70 = arith.constant 0 : i32
    %dma_wait3A_71 = arith.constant 0 : i32
    %dma_wait3A_72 = tpu.memref_slice %arg2[%dma_wait3A_70, %dma_wait3A_71] : memref<262144x128xf32, #tpu.memory_space<hbm>> -> memref<262144x128xf32, #tpu.memory_space<hbm>>
    tpu.wait_indirect_dma semaphore(%arg7 : memref<!tpu.dma_semaphore, #tpu.memory_space<semaphore_mem>>) src(%dma_wait3A_72 : memref<262144x128xf32, #tpu.memory_space<hbm>>) dst(%arg6 : memref<128x128xf32, #tpu.memory_space<vmem>>)
    "tpu.region"() ({
      %run_scoped3A = tpu.sem_alloc : memref<!tpu.dma_semaphore, #tpu.memory_space<semaphore_mem>>
      %dma_start3A_129 = arith.constant 0 : i32
      %dma_start3A_130 = tpu.memref_slice %arg4[%add3A_66, %dma_start3A_129] : memref<65536x128xf32, #tpu.memory_space<hbm>> -> memref<128x128xf32, #tpu.memory_space<hbm>>
      %dma_start3A_131 = arith.constant 0 : i32
      %dma_start3A_132 = tpu.memref_slice %arg4[%add3A_66, %dma_start3A_131] : memref<65536x128xf32, #tpu.memory_space<hbm>> -> memref<128x128xf32, #tpu.memory_space<hbm>>
      tpu.enqueue_dma source(%arg6 : memref<128x128xf32, #tpu.memory_space<vmem>>) target(%dma_start3A_132 : memref<128x128xf32, #tpu.memory_space<hbm>>) target_semaphore(%run_scoped3A : memref<!tpu.dma_semaphore, #tpu.memory_space<semaphore_mem>>)
      %dma_wait3A_133 = arith.constant 0 : i32
      %dma_wait3A_134 = tpu.memref_slice %arg4[%add3A_66, %dma_wait3A_133] : memref<65536x128xf32, #tpu.memory_space<hbm>> -> memref<128x128xf32, #tpu.memory_space<hbm>>
      %dma_wait3A_135 = arith.constant 0 : i32
      %dma_wait3A_136 = tpu.memref_slice %arg4[%add3A_66, %dma_wait3A_135] : memref<65536x128xf32, #tpu.memory_space<hbm>> -> memref<128x128xf32, #tpu.memory_space<hbm>>
      tpu.wait_dma2 semaphore(%run_scoped3A : memref<!tpu.dma_semaphore, #tpu.memory_space<semaphore_mem>>) src(%arg6 : memref<128x128xf32, #tpu.memory_space<vmem>>) dst(%dma_wait3A_136 : memref<128x128xf32, #tpu.memory_space<hbm>>)
      tpu.yield
    }) : () -> ()
    %add3A_73 = arith.constant 1152 : i32
    %add3A_74 = arith.addi %mul3A_2, %add3A_73 : i32
    "tpu.region"() ({
      %run_scoped3A = tpu.sem_alloc : memref<!tpu.dma_semaphore, #tpu.memory_space<semaphore_mem>>
      %dma_start3A_129 = tpu.memref_slice %arg3[%add3A_74] : memref<65536xi32, #tpu.memory_space<hbm>> -> memref<128xi32, #tpu.memory_space<hbm>>
      %dma_start3A_130 = tpu.memref_slice %arg3[%add3A_74] : memref<65536xi32, #tpu.memory_space<hbm>> -> memref<128xi32, #tpu.memory_space<hbm>>
      tpu.enqueue_dma source(%dma_start3A_130 : memref<128xi32, #tpu.memory_space<hbm>>) target(%arg5 : memref<128xi32, #tpu.memory_space<vmem>>) target_semaphore(%run_scoped3A : memref<!tpu.dma_semaphore, #tpu.memory_space<semaphore_mem>>)
      %dma_wait3A_131 = tpu.memref_slice %arg3[%add3A_74] : memref<65536xi32, #tpu.memory_space<hbm>> -> memref<128xi32, #tpu.memory_space<hbm>>
      %dma_wait3A_132 = tpu.memref_slice %arg3[%add3A_74] : memref<65536xi32, #tpu.memory_space<hbm>> -> memref<128xi32, #tpu.memory_space<hbm>>
      tpu.wait_dma2 semaphore(%run_scoped3A : memref<!tpu.dma_semaphore, #tpu.memory_space<semaphore_mem>>) src(%dma_wait3A_132 : memref<128xi32, #tpu.memory_space<hbm>>) dst(%arg5 : memref<128xi32, #tpu.memory_space<vmem>>)
      tpu.yield
    }) : () -> ()
    %dma_start3A_75 = arith.constant 0 : i32
    %dma_start3A_76 = arith.constant 0 : i32
    %dma_start3A_77 = tpu.memref_slice %arg2[%dma_start3A_75, %dma_start3A_76] : memref<262144x128xf32, #tpu.memory_space<hbm>> -> memref<262144x128xf32, #tpu.memory_space<hbm>>
    tpu.enqueue_indirect_dma source(%dma_start3A_77 : memref<262144x128xf32, #tpu.memory_space<hbm>>) target(%arg6 : memref<128x128xf32, #tpu.memory_space<vmem>>) offsets(%arg5 : memref<128xi32, #tpu.memory_space<vmem>>) semaphore(%arg7 : memref<!tpu.dma_semaphore, #tpu.memory_space<semaphore_mem>>)
    %dma_wait3A_78 = arith.constant 0 : i32
    %dma_wait3A_79 = arith.constant 0 : i32
    %dma_wait3A_80 = tpu.memref_slice %arg2[%dma_wait3A_78, %dma_wait3A_79] : memref<262144x128xf32, #tpu.memory_space<hbm>> -> memref<262144x128xf32, #tpu.memory_space<hbm>>
    tpu.wait_indirect_dma semaphore(%arg7 : memref<!tpu.dma_semaphore, #tpu.memory_space<semaphore_mem>>) src(%dma_wait3A_80 : memref<262144x128xf32, #tpu.memory_space<hbm>>) dst(%arg6 : memref<128x128xf32, #tpu.memory_space<vmem>>)
    "tpu.region"() ({
      %run_scoped3A = tpu.sem_alloc : memref<!tpu.dma_semaphore, #tpu.memory_space<semaphore_mem>>
      %dma_start3A_129 = arith.constant 0 : i32
      %dma_start3A_130 = tpu.memref_slice %arg4[%add3A_74, %dma_start3A_129] : memref<65536x128xf32, #tpu.memory_space<hbm>> -> memref<128x128xf32, #tpu.memory_space<hbm>>
      %dma_start3A_131 = arith.constant 0 : i32
      %dma_start3A_132 = tpu.memref_slice %arg4[%add3A_74, %dma_start3A_131] : memref<65536x128xf32, #tpu.memory_space<hbm>> -> memref<128x128xf32, #tpu.memory_space<hbm>>
      tpu.enqueue_dma source(%arg6 : memref<128x128xf32, #tpu.memory_space<vmem>>) target(%dma_start3A_132 : memref<128x128xf32, #tpu.memory_space<hbm>>) target_semaphore(%run_scoped3A : memref<!tpu.dma_semaphore, #tpu.memory_space<semaphore_mem>>)
      %dma_wait3A_133 = arith.constant 0 : i32
      %dma_wait3A_134 = tpu.memref_slice %arg4[%add3A_74, %dma_wait3A_133] : memref<65536x128xf32, #tpu.memory_space<hbm>> -> memref<128x128xf32, #tpu.memory_space<hbm>>
      %dma_wait3A_135 = arith.constant 0 : i32
      %dma_wait3A_136 = tpu.memref_slice %arg4[%add3A_74, %dma_wait3A_135] : memref<65536x128xf32, #tpu.memory_space<hbm>> -> memref<128x128xf32, #tpu.memory_space<hbm>>
      tpu.wait_dma2 semaphore(%run_scoped3A : memref<!tpu.dma_semaphore, #tpu.memory_space<semaphore_mem>>) src(%arg6 : memref<128x128xf32, #tpu.memory_space<vmem>>) dst(%dma_wait3A_136 : memref<128x128xf32, #tpu.memory_space<hbm>>)
      tpu.yield
    }) : () -> ()
    %add3A_81 = arith.constant 1280 : i32
    %add3A_82 = arith.addi %mul3A_2, %add3A_81 : i32
    "tpu.region"() ({
      %run_scoped3A = tpu.sem_alloc : memref<!tpu.dma_semaphore, #tpu.memory_space<semaphore_mem>>
      %dma_start3A_129 = tpu.memref_slice %arg3[%add3A_82] : memref<65536xi32, #tpu.memory_space<hbm>> -> memref<128xi32, #tpu.memory_space<hbm>>
      %dma_start3A_130 = tpu.memref_slice %arg3[%add3A_82] : memref<65536xi32, #tpu.memory_space<hbm>> -> memref<128xi32, #tpu.memory_space<hbm>>
      tpu.enqueue_dma source(%dma_start3A_130 : memref<128xi32, #tpu.memory_space<hbm>>) target(%arg5 : memref<128xi32, #tpu.memory_space<vmem>>) target_semaphore(%run_scoped3A : memref<!tpu.dma_semaphore, #tpu.memory_space<semaphore_mem>>)
      %dma_wait3A_131 = tpu.memref_slice %arg3[%add3A_82] : memref<65536xi32, #tpu.memory_space<hbm>> -> memref<128xi32, #tpu.memory_space<hbm>>
      %dma_wait3A_132 = tpu.memref_slice %arg3[%add3A_82] : memref<65536xi32, #tpu.memory_space<hbm>> -> memref<128xi32, #tpu.memory_space<hbm>>
      tpu.wait_dma2 semaphore(%run_scoped3A : memref<!tpu.dma_semaphore, #tpu.memory_space<semaphore_mem>>) src(%dma_wait3A_132 : memref<128xi32, #tpu.memory_space<hbm>>) dst(%arg5 : memref<128xi32, #tpu.memory_space<vmem>>)
      tpu.yield
    }) : () -> ()
    %dma_start3A_83 = arith.constant 0 : i32
    %dma_start3A_84 = arith.constant 0 : i32
    %dma_start3A_85 = tpu.memref_slice %arg2[%dma_start3A_83, %dma_start3A_84] : memref<262144x128xf32, #tpu.memory_space<hbm>> -> memref<262144x128xf32, #tpu.memory_space<hbm>>
    tpu.enqueue_indirect_dma source(%dma_start3A_85 : memref<262144x128xf32, #tpu.memory_space<hbm>>) target(%arg6 : memref<128x128xf32, #tpu.memory_space<vmem>>) offsets(%arg5 : memref<128xi32, #tpu.memory_space<vmem>>) semaphore(%arg7 : memref<!tpu.dma_semaphore, #tpu.memory_space<semaphore_mem>>)
    %dma_wait3A_86 = arith.constant 0 : i32
    %dma_wait3A_87 = arith.constant 0 : i32
    %dma_wait3A_88 = tpu.memref_slice %arg2[%dma_wait3A_86, %dma_wait3A_87] : memref<262144x128xf32, #tpu.memory_space<hbm>> -> memref<262144x128xf32, #tpu.memory_space<hbm>>
    tpu.wait_indirect_dma semaphore(%arg7 : memref<!tpu.dma_semaphore, #tpu.memory_space<semaphore_mem>>) src(%dma_wait3A_88 : memref<262144x128xf32, #tpu.memory_space<hbm>>) dst(%arg6 : memref<128x128xf32, #tpu.memory_space<vmem>>)
    "tpu.region"() ({
      %run_scoped3A = tpu.sem_alloc : memref<!tpu.dma_semaphore, #tpu.memory_space<semaphore_mem>>
      %dma_start3A_129 = arith.constant 0 : i32
      %dma_start3A_130 = tpu.memref_slice %arg4[%add3A_82, %dma_start3A_129] : memref<65536x128xf32, #tpu.memory_space<hbm>> -> memref<128x128xf32, #tpu.memory_space<hbm>>
      %dma_start3A_131 = arith.constant 0 : i32
      %dma_start3A_132 = tpu.memref_slice %arg4[%add3A_82, %dma_start3A_131] : memref<65536x128xf32, #tpu.memory_space<hbm>> -> memref<128x128xf32, #tpu.memory_space<hbm>>
      tpu.enqueue_dma source(%arg6 : memref<128x128xf32, #tpu.memory_space<vmem>>) target(%dma_start3A_132 : memref<128x128xf32, #tpu.memory_space<hbm>>) target_semaphore(%run_scoped3A : memref<!tpu.dma_semaphore, #tpu.memory_space<semaphore_mem>>)
      %dma_wait3A_133 = arith.constant 0 : i32
      %dma_wait3A_134 = tpu.memref_slice %arg4[%add3A_82, %dma_wait3A_133] : memref<65536x128xf32, #tpu.memory_space<hbm>> -> memref<128x128xf32, #tpu.memory_space<hbm>>
      %dma_wait3A_135 = arith.constant 0 : i32
      %dma_wait3A_136 = tpu.memref_slice %arg4[%add3A_82, %dma_wait3A_135] : memref<65536x128xf32, #tpu.memory_space<hbm>> -> memref<128x128xf32, #tpu.memory_space<hbm>>
      tpu.wait_dma2 semaphore(%run_scoped3A : memref<!tpu.dma_semaphore, #tpu.memory_space<semaphore_mem>>) src(%arg6 : memref<128x128xf32, #tpu.memory_space<vmem>>) dst(%dma_wait3A_136 : memref<128x128xf32, #tpu.memory_space<hbm>>)
      tpu.yield
    }) : () -> ()
    %add3A_89 = arith.constant 1408 : i32
    %add3A_90 = arith.addi %mul3A_2, %add3A_89 : i32
    "tpu.region"() ({
      %run_scoped3A = tpu.sem_alloc : memref<!tpu.dma_semaphore, #tpu.memory_space<semaphore_mem>>
      %dma_start3A_129 = tpu.memref_slice %arg3[%add3A_90] : memref<65536xi32, #tpu.memory_space<hbm>> -> memref<128xi32, #tpu.memory_space<hbm>>
      %dma_start3A_130 = tpu.memref_slice %arg3[%add3A_90] : memref<65536xi32, #tpu.memory_space<hbm>> -> memref<128xi32, #tpu.memory_space<hbm>>
      tpu.enqueue_dma source(%dma_start3A_130 : memref<128xi32, #tpu.memory_space<hbm>>) target(%arg5 : memref<128xi32, #tpu.memory_space<vmem>>) target_semaphore(%run_scoped3A : memref<!tpu.dma_semaphore, #tpu.memory_space<semaphore_mem>>)
      %dma_wait3A_131 = tpu.memref_slice %arg3[%add3A_90] : memref<65536xi32, #tpu.memory_space<hbm>> -> memref<128xi32, #tpu.memory_space<hbm>>
      %dma_wait3A_132 = tpu.memref_slice %arg3[%add3A_90] : memref<65536xi32, #tpu.memory_space<hbm>> -> memref<128xi32, #tpu.memory_space<hbm>>
      tpu.wait_dma2 semaphore(%run_scoped3A : memref<!tpu.dma_semaphore, #tpu.memory_space<semaphore_mem>>) src(%dma_wait3A_132 : memref<128xi32, #tpu.memory_space<hbm>>) dst(%arg5 : memref<128xi32, #tpu.memory_space<vmem>>)
      tpu.yield
    }) : () -> ()
    %dma_start3A_91 = arith.constant 0 : i32
    %dma_start3A_92 = arith.constant 0 : i32
    %dma_start3A_93 = tpu.memref_slice %arg2[%dma_start3A_91, %dma_start3A_92] : memref<262144x128xf32, #tpu.memory_space<hbm>> -> memref<262144x128xf32, #tpu.memory_space<hbm>>
    tpu.enqueue_indirect_dma source(%dma_start3A_93 : memref<262144x128xf32, #tpu.memory_space<hbm>>) target(%arg6 : memref<128x128xf32, #tpu.memory_space<vmem>>) offsets(%arg5 : memref<128xi32, #tpu.memory_space<vmem>>) semaphore(%arg7 : memref<!tpu.dma_semaphore, #tpu.memory_space<semaphore_mem>>)
    %dma_wait3A_94 = arith.constant 0 : i32
    %dma_wait3A_95 = arith.constant 0 : i32
    %dma_wait3A_96 = tpu.memref_slice %arg2[%dma_wait3A_94, %dma_wait3A_95] : memref<262144x128xf32, #tpu.memory_space<hbm>> -> memref<262144x128xf32, #tpu.memory_space<hbm>>
    tpu.wait_indirect_dma semaphore(%arg7 : memref<!tpu.dma_semaphore, #tpu.memory_space<semaphore_mem>>) src(%dma_wait3A_96 : memref<262144x128xf32, #tpu.memory_space<hbm>>) dst(%arg6 : memref<128x128xf32, #tpu.memory_space<vmem>>)
    "tpu.region"() ({
      %run_scoped3A = tpu.sem_alloc : memref<!tpu.dma_semaphore, #tpu.memory_space<semaphore_mem>>
      %dma_start3A_129 = arith.constant 0 : i32
      %dma_start3A_130 = tpu.memref_slice %arg4[%add3A_90, %dma_start3A_129] : memref<65536x128xf32, #tpu.memory_space<hbm>> -> memref<128x128xf32, #tpu.memory_space<hbm>>
      %dma_start3A_131 = arith.constant 0 : i32
      %dma_start3A_132 = tpu.memref_slice %arg4[%add3A_90, %dma_start3A_131] : memref<65536x128xf32, #tpu.memory_space<hbm>> -> memref<128x128xf32, #tpu.memory_space<hbm>>
      tpu.enqueue_dma source(%arg6 : memref<128x128xf32, #tpu.memory_space<vmem>>) target(%dma_start3A_132 : memref<128x128xf32, #tpu.memory_space<hbm>>) target_semaphore(%run_scoped3A : memref<!tpu.dma_semaphore, #tpu.memory_space<semaphore_mem>>)
      %dma_wait3A_133 = arith.constant 0 : i32
      %dma_wait3A_134 = tpu.memref_slice %arg4[%add3A_90, %dma_wait3A_133] : memref<65536x128xf32, #tpu.memory_space<hbm>> -> memref<128x128xf32, #tpu.memory_space<hbm>>
      %dma_wait3A_135 = arith.constant 0 : i32
      %dma_wait3A_136 = tpu.memref_slice %arg4[%add3A_90, %dma_wait3A_135] : memref<65536x128xf32, #tpu.memory_space<hbm>> -> memref<128x128xf32, #tpu.memory_space<hbm>>
      tpu.wait_dma2 semaphore(%run_scoped3A : memref<!tpu.dma_semaphore, #tpu.memory_space<semaphore_mem>>) src(%arg6 : memref<128x128xf32, #tpu.memory_space<vmem>>) dst(%dma_wait3A_136 : memref<128x128xf32, #tpu.memory_space<hbm>>)
      tpu.yield
    }) : () -> ()
    %add3A_97 = arith.constant 1536 : i32
    %add3A_98 = arith.addi %mul3A_2, %add3A_97 : i32
    "tpu.region"() ({
      %run_scoped3A = tpu.sem_alloc : memref<!tpu.dma_semaphore, #tpu.memory_space<semaphore_mem>>
      %dma_start3A_129 = tpu.memref_slice %arg3[%add3A_98] : memref<65536xi32, #tpu.memory_space<hbm>> -> memref<128xi32, #tpu.memory_space<hbm>>
      %dma_start3A_130 = tpu.memref_slice %arg3[%add3A_98] : memref<65536xi32, #tpu.memory_space<hbm>> -> memref<128xi32, #tpu.memory_space<hbm>>
      tpu.enqueue_dma source(%dma_start3A_130 : memref<128xi32, #tpu.memory_space<hbm>>) target(%arg5 : memref<128xi32, #tpu.memory_space<vmem>>) target_semaphore(%run_scoped3A : memref<!tpu.dma_semaphore, #tpu.memory_space<semaphore_mem>>)
      %dma_wait3A_131 = tpu.memref_slice %arg3[%add3A_98] : memref<65536xi32, #tpu.memory_space<hbm>> -> memref<128xi32, #tpu.memory_space<hbm>>
      %dma_wait3A_132 = tpu.memref_slice %arg3[%add3A_98] : memref<65536xi32, #tpu.memory_space<hbm>> -> memref<128xi32, #tpu.memory_space<hbm>>
      tpu.wait_dma2 semaphore(%run_scoped3A : memref<!tpu.dma_semaphore, #tpu.memory_space<semaphore_mem>>) src(%dma_wait3A_132 : memref<128xi32, #tpu.memory_space<hbm>>) dst(%arg5 : memref<128xi32, #tpu.memory_space<vmem>>)
      tpu.yield
    }) : () -> ()
    %dma_start3A_99 = arith.constant 0 : i32
    %dma_start3A_100 = arith.constant 0 : i32
    %dma_start3A_101 = tpu.memref_slice %arg2[%dma_start3A_99, %dma_start3A_100] : memref<262144x128xf32, #tpu.memory_space<hbm>> -> memref<262144x128xf32, #tpu.memory_space<hbm>>
    tpu.enqueue_indirect_dma source(%dma_start3A_101 : memref<262144x128xf32, #tpu.memory_space<hbm>>) target(%arg6 : memref<128x128xf32, #tpu.memory_space<vmem>>) offsets(%arg5 : memref<128xi32, #tpu.memory_space<vmem>>) semaphore(%arg7 : memref<!tpu.dma_semaphore, #tpu.memory_space<semaphore_mem>>)
    %dma_wait3A_102 = arith.constant 0 : i32
    %dma_wait3A_103 = arith.constant 0 : i32
    %dma_wait3A_104 = tpu.memref_slice %arg2[%dma_wait3A_102, %dma_wait3A_103] : memref<262144x128xf32, #tpu.memory_space<hbm>> -> memref<262144x128xf32, #tpu.memory_space<hbm>>
    tpu.wait_indirect_dma semaphore(%arg7 : memref<!tpu.dma_semaphore, #tpu.memory_space<semaphore_mem>>) src(%dma_wait3A_104 : memref<262144x128xf32, #tpu.memory_space<hbm>>) dst(%arg6 : memref<128x128xf32, #tpu.memory_space<vmem>>)
    "tpu.region"() ({
      %run_scoped3A = tpu.sem_alloc : memref<!tpu.dma_semaphore, #tpu.memory_space<semaphore_mem>>
      %dma_start3A_129 = arith.constant 0 : i32
      %dma_start3A_130 = tpu.memref_slice %arg4[%add3A_98, %dma_start3A_129] : memref<65536x128xf32, #tpu.memory_space<hbm>> -> memref<128x128xf32, #tpu.memory_space<hbm>>
      %dma_start3A_131 = arith.constant 0 : i32
      %dma_start3A_132 = tpu.memref_slice %arg4[%add3A_98, %dma_start3A_131] : memref<65536x128xf32, #tpu.memory_space<hbm>> -> memref<128x128xf32, #tpu.memory_space<hbm>>
      tpu.enqueue_dma source(%arg6 : memref<128x128xf32, #tpu.memory_space<vmem>>) target(%dma_start3A_132 : memref<128x128xf32, #tpu.memory_space<hbm>>) target_semaphore(%run_scoped3A : memref<!tpu.dma_semaphore, #tpu.memory_space<semaphore_mem>>)
      %dma_wait3A_133 = arith.constant 0 : i32
      %dma_wait3A_134 = tpu.memref_slice %arg4[%add3A_98, %dma_wait3A_133] : memref<65536x128xf32, #tpu.memory_space<hbm>> -> memref<128x128xf32, #tpu.memory_space<hbm>>
      %dma_wait3A_135 = arith.constant 0 : i32
      %dma_wait3A_136 = tpu.memref_slice %arg4[%add3A_98, %dma_wait3A_135] : memref<65536x128xf32, #tpu.memory_space<hbm>> -> memref<128x128xf32, #tpu.memory_space<hbm>>
      tpu.wait_dma2 semaphore(%run_scoped3A : memref<!tpu.dma_semaphore, #tpu.memory_space<semaphore_mem>>) src(%arg6 : memref<128x128xf32, #tpu.memory_space<vmem>>) dst(%dma_wait3A_136 : memref<128x128xf32, #tpu.memory_space<hbm>>)
      tpu.yield
    }) : () -> ()
    %add3A_105 = arith.constant 1664 : i32
    %add3A_106 = arith.addi %mul3A_2, %add3A_105 : i32
    "tpu.region"() ({
      %run_scoped3A = tpu.sem_alloc : memref<!tpu.dma_semaphore, #tpu.memory_space<semaphore_mem>>
      %dma_start3A_129 = tpu.memref_slice %arg3[%add3A_106] : memref<65536xi32, #tpu.memory_space<hbm>> -> memref<128xi32, #tpu.memory_space<hbm>>
      %dma_start3A_130 = tpu.memref_slice %arg3[%add3A_106] : memref<65536xi32, #tpu.memory_space<hbm>> -> memref<128xi32, #tpu.memory_space<hbm>>
      tpu.enqueue_dma source(%dma_start3A_130 : memref<128xi32, #tpu.memory_space<hbm>>) target(%arg5 : memref<128xi32, #tpu.memory_space<vmem>>) target_semaphore(%run_scoped3A : memref<!tpu.dma_semaphore, #tpu.memory_space<semaphore_mem>>)
      %dma_wait3A_131 = tpu.memref_slice %arg3[%add3A_106] : memref<65536xi32, #tpu.memory_space<hbm>> -> memref<128xi32, #tpu.memory_space<hbm>>
      %dma_wait3A_132 = tpu.memref_slice %arg3[%add3A_106] : memref<65536xi32, #tpu.memory_space<hbm>> -> memref<128xi32, #tpu.memory_space<hbm>>
      tpu.wait_dma2 semaphore(%run_scoped3A : memref<!tpu.dma_semaphore, #tpu.memory_space<semaphore_mem>>) src(%dma_wait3A_132 : memref<128xi32, #tpu.memory_space<hbm>>) dst(%arg5 : memref<128xi32, #tpu.memory_space<vmem>>)
      tpu.yield
    }) : () -> ()
    %dma_start3A_107 = arith.constant 0 : i32
    %dma_start3A_108 = arith.constant 0 : i32
    %dma_start3A_109 = tpu.memref_slice %arg2[%dma_start3A_107, %dma_start3A_108] : memref<262144x128xf32, #tpu.memory_space<hbm>> -> memref<262144x128xf32, #tpu.memory_space<hbm>>
    tpu.enqueue_indirect_dma source(%dma_start3A_109 : memref<262144x128xf32, #tpu.memory_space<hbm>>) target(%arg6 : memref<128x128xf32, #tpu.memory_space<vmem>>) offsets(%arg5 : memref<128xi32, #tpu.memory_space<vmem>>) semaphore(%arg7 : memref<!tpu.dma_semaphore, #tpu.memory_space<semaphore_mem>>)
    %dma_wait3A_110 = arith.constant 0 : i32
    %dma_wait3A_111 = arith.constant 0 : i32
    %dma_wait3A_112 = tpu.memref_slice %arg2[%dma_wait3A_110, %dma_wait3A_111] : memref<262144x128xf32, #tpu.memory_space<hbm>> -> memref<262144x128xf32, #tpu.memory_space<hbm>>
    tpu.wait_indirect_dma semaphore(%arg7 : memref<!tpu.dma_semaphore, #tpu.memory_space<semaphore_mem>>) src(%dma_wait3A_112 : memref<262144x128xf32, #tpu.memory_space<hbm>>) dst(%arg6 : memref<128x128xf32, #tpu.memory_space<vmem>>)
    "tpu.region"() ({
      %run_scoped3A = tpu.sem_alloc : memref<!tpu.dma_semaphore, #tpu.memory_space<semaphore_mem>>
      %dma_start3A_129 = arith.constant 0 : i32
      %dma_start3A_130 = tpu.memref_slice %arg4[%add3A_106, %dma_start3A_129] : memref<65536x128xf32, #tpu.memory_space<hbm>> -> memref<128x128xf32, #tpu.memory_space<hbm>>
      %dma_start3A_131 = arith.constant 0 : i32
      %dma_start3A_132 = tpu.memref_slice %arg4[%add3A_106, %dma_start3A_131] : memref<65536x128xf32, #tpu.memory_space<hbm>> -> memref<128x128xf32, #tpu.memory_space<hbm>>
      tpu.enqueue_dma source(%arg6 : memref<128x128xf32, #tpu.memory_space<vmem>>) target(%dma_start3A_132 : memref<128x128xf32, #tpu.memory_space<hbm>>) target_semaphore(%run_scoped3A : memref<!tpu.dma_semaphore, #tpu.memory_space<semaphore_mem>>)
      %dma_wait3A_133 = arith.constant 0 : i32
      %dma_wait3A_134 = tpu.memref_slice %arg4[%add3A_106, %dma_wait3A_133] : memref<65536x128xf32, #tpu.memory_space<hbm>> -> memref<128x128xf32, #tpu.memory_space<hbm>>
      %dma_wait3A_135 = arith.constant 0 : i32
      %dma_wait3A_136 = tpu.memref_slice %arg4[%add3A_106, %dma_wait3A_135] : memref<65536x128xf32, #tpu.memory_space<hbm>> -> memref<128x128xf32, #tpu.memory_space<hbm>>
      tpu.wait_dma2 semaphore(%run_scoped3A : memref<!tpu.dma_semaphore, #tpu.memory_space<semaphore_mem>>) src(%arg6 : memref<128x128xf32, #tpu.memory_space<vmem>>) dst(%dma_wait3A_136 : memref<128x128xf32, #tpu.memory_space<hbm>>)
      tpu.yield
    }) : () -> ()
    %add3A_113 = arith.constant 1792 : i32
    %add3A_114 = arith.addi %mul3A_2, %add3A_113 : i32
    "tpu.region"() ({
      %run_scoped3A = tpu.sem_alloc : memref<!tpu.dma_semaphore, #tpu.memory_space<semaphore_mem>>
      %dma_start3A_129 = tpu.memref_slice %arg3[%add3A_114] : memref<65536xi32, #tpu.memory_space<hbm>> -> memref<128xi32, #tpu.memory_space<hbm>>
      %dma_start3A_130 = tpu.memref_slice %arg3[%add3A_114] : memref<65536xi32, #tpu.memory_space<hbm>> -> memref<128xi32, #tpu.memory_space<hbm>>
      tpu.enqueue_dma source(%dma_start3A_130 : memref<128xi32, #tpu.memory_space<hbm>>) target(%arg5 : memref<128xi32, #tpu.memory_space<vmem>>) target_semaphore(%run_scoped3A : memref<!tpu.dma_semaphore, #tpu.memory_space<semaphore_mem>>)
      %dma_wait3A_131 = tpu.memref_slice %arg3[%add3A_114] : memref<65536xi32, #tpu.memory_space<hbm>> -> memref<128xi32, #tpu.memory_space<hbm>>
      %dma_wait3A_132 = tpu.memref_slice %arg3[%add3A_114] : memref<65536xi32, #tpu.memory_space<hbm>> -> memref<128xi32, #tpu.memory_space<hbm>>
      tpu.wait_dma2 semaphore(%run_scoped3A : memref<!tpu.dma_semaphore, #tpu.memory_space<semaphore_mem>>) src(%dma_wait3A_132 : memref<128xi32, #tpu.memory_space<hbm>>) dst(%arg5 : memref<128xi32, #tpu.memory_space<vmem>>)
      tpu.yield
    }) : () -> ()
    %dma_start3A_115 = arith.constant 0 : i32
    %dma_start3A_116 = arith.constant 0 : i32
    %dma_start3A_117 = tpu.memref_slice %arg2[%dma_start3A_115, %dma_start3A_116] : memref<262144x128xf32, #tpu.memory_space<hbm>> -> memref<262144x128xf32, #tpu.memory_space<hbm>>
    tpu.enqueue_indirect_dma source(%dma_start3A_117 : memref<262144x128xf32, #tpu.memory_space<hbm>>) target(%arg6 : memref<128x128xf32, #tpu.memory_space<vmem>>) offsets(%arg5 : memref<128xi32, #tpu.memory_space<vmem>>) semaphore(%arg7 : memref<!tpu.dma_semaphore, #tpu.memory_space<semaphore_mem>>)
    %dma_wait3A_118 = arith.constant 0 : i32
    %dma_wait3A_119 = arith.constant 0 : i32
    %dma_wait3A_120 = tpu.memref_slice %arg2[%dma_wait3A_118, %dma_wait3A_119] : memref<262144x128xf32, #tpu.memory_space<hbm>> -> memref<262144x128xf32, #tpu.memory_space<hbm>>
    tpu.wait_indirect_dma semaphore(%arg7 : memref<!tpu.dma_semaphore, #tpu.memory_space<semaphore_mem>>) src(%dma_wait3A_120 : memref<262144x128xf32, #tpu.memory_space<hbm>>) dst(%arg6 : memref<128x128xf32, #tpu.memory_space<vmem>>)
    "tpu.region"() ({
      %run_scoped3A = tpu.sem_alloc : memref<!tpu.dma_semaphore, #tpu.memory_space<semaphore_mem>>
      %dma_start3A_129 = arith.constant 0 : i32
      %dma_start3A_130 = tpu.memref_slice %arg4[%add3A_114, %dma_start3A_129] : memref<65536x128xf32, #tpu.memory_space<hbm>> -> memref<128x128xf32, #tpu.memory_space<hbm>>
      %dma_start3A_131 = arith.constant 0 : i32
      %dma_start3A_132 = tpu.memref_slice %arg4[%add3A_114, %dma_start3A_131] : memref<65536x128xf32, #tpu.memory_space<hbm>> -> memref<128x128xf32, #tpu.memory_space<hbm>>
      tpu.enqueue_dma source(%arg6 : memref<128x128xf32, #tpu.memory_space<vmem>>) target(%dma_start3A_132 : memref<128x128xf32, #tpu.memory_space<hbm>>) target_semaphore(%run_scoped3A : memref<!tpu.dma_semaphore, #tpu.memory_space<semaphore_mem>>)
      %dma_wait3A_133 = arith.constant 0 : i32
      %dma_wait3A_134 = tpu.memref_slice %arg4[%add3A_114, %dma_wait3A_133] : memref<65536x128xf32, #tpu.memory_space<hbm>> -> memref<128x128xf32, #tpu.memory_space<hbm>>
      %dma_wait3A_135 = arith.constant 0 : i32
      %dma_wait3A_136 = tpu.memref_slice %arg4[%add3A_114, %dma_wait3A_135] : memref<65536x128xf32, #tpu.memory_space<hbm>> -> memref<128x128xf32, #tpu.memory_space<hbm>>
      tpu.wait_dma2 semaphore(%run_scoped3A : memref<!tpu.dma_semaphore, #tpu.memory_space<semaphore_mem>>) src(%arg6 : memref<128x128xf32, #tpu.memory_space<vmem>>) dst(%dma_wait3A_136 : memref<128x128xf32, #tpu.memory_space<hbm>>)
      tpu.yield
    }) : () -> ()
    %add3A_121 = arith.constant 1920 : i32
    %add3A_122 = arith.addi %mul3A_2, %add3A_121 : i32
    "tpu.region"() ({
      %run_scoped3A = tpu.sem_alloc : memref<!tpu.dma_semaphore, #tpu.memory_space<semaphore_mem>>
      %dma_start3A_129 = tpu.memref_slice %arg3[%add3A_122] : memref<65536xi32, #tpu.memory_space<hbm>> -> memref<128xi32, #tpu.memory_space<hbm>>
      %dma_start3A_130 = tpu.memref_slice %arg3[%add3A_122] : memref<65536xi32, #tpu.memory_space<hbm>> -> memref<128xi32, #tpu.memory_space<hbm>>
      tpu.enqueue_dma source(%dma_start3A_130 : memref<128xi32, #tpu.memory_space<hbm>>) target(%arg5 : memref<128xi32, #tpu.memory_space<vmem>>) target_semaphore(%run_scoped3A : memref<!tpu.dma_semaphore, #tpu.memory_space<semaphore_mem>>)
      %dma_wait3A_131 = tpu.memref_slice %arg3[%add3A_122] : memref<65536xi32, #tpu.memory_space<hbm>> -> memref<128xi32, #tpu.memory_space<hbm>>
      %dma_wait3A_132 = tpu.memref_slice %arg3[%add3A_122] : memref<65536xi32, #tpu.memory_space<hbm>> -> memref<128xi32, #tpu.memory_space<hbm>>
      tpu.wait_dma2 semaphore(%run_scoped3A : memref<!tpu.dma_semaphore, #tpu.memory_space<semaphore_mem>>) src(%dma_wait3A_132 : memref<128xi32, #tpu.memory_space<hbm>>) dst(%arg5 : memref<128xi32, #tpu.memory_space<vmem>>)
      tpu.yield
    }) : () -> ()
    %dma_start3A_123 = arith.constant 0 : i32
    %dma_start3A_124 = arith.constant 0 : i32
    %dma_start3A_125 = tpu.memref_slice %arg2[%dma_start3A_123, %dma_start3A_124] : memref<262144x128xf32, #tpu.memory_space<hbm>> -> memref<262144x128xf32, #tpu.memory_space<hbm>>
    tpu.enqueue_indirect_dma source(%dma_start3A_125 : memref<262144x128xf32, #tpu.memory_space<hbm>>) target(%arg6 : memref<128x128xf32, #tpu.memory_space<vmem>>) offsets(%arg5 : memref<128xi32, #tpu.memory_space<vmem>>) semaphore(%arg7 : memref<!tpu.dma_semaphore, #tpu.memory_space<semaphore_mem>>)
    %dma_wait3A_126 = arith.constant 0 : i32
    %dma_wait3A_127 = arith.constant 0 : i32
    %dma_wait3A_128 = tpu.memref_slice %arg2[%dma_wait3A_126, %dma_wait3A_127] : memref<262144x128xf32, #tpu.memory_space<hbm>> -> memref<262144x128xf32, #tpu.memory_space<hbm>>
    tpu.wait_indirect_dma semaphore(%arg7 : memref<!tpu.dma_semaphore, #tpu.memory_space<semaphore_mem>>) src(%dma_wait3A_128 : memref<262144x128xf32, #tpu.memory_space<hbm>>) dst(%arg6 : memref<128x128xf32, #tpu.memory_space<vmem>>)
    "tpu.region"() ({
      %run_scoped3A = tpu.sem_alloc : memref<!tpu.dma_semaphore, #tpu.memory_space<semaphore_mem>>
      %dma_start3A_129 = arith.constant 0 : i32
      %dma_start3A_130 = tpu.memref_slice %arg4[%add3A_122, %dma_start3A_129] : memref<65536x128xf32, #tpu.memory_space<hbm>> -> memref<128x128xf32, #tpu.memory_space<hbm>>
      %dma_start3A_131 = arith.constant 0 : i32
      %dma_start3A_132 = tpu.memref_slice %arg4[%add3A_122, %dma_start3A_131] : memref<65536x128xf32, #tpu.memory_space<hbm>> -> memref<128x128xf32, #tpu.memory_space<hbm>>
      tpu.enqueue_dma source(%arg6 : memref<128x128xf32, #tpu.memory_space<vmem>>) target(%dma_start3A_132 : memref<128x128xf32, #tpu.memory_space<hbm>>) target_semaphore(%run_scoped3A : memref<!tpu.dma_semaphore, #tpu.memory_space<semaphore_mem>>)
      %dma_wait3A_133 = arith.constant 0 : i32
      %dma_wait3A_134 = tpu.memref_slice %arg4[%add3A_122, %dma_wait3A_133] : memref<65536x128xf32, #tpu.memory_space<hbm>> -> memref<128x128xf32, #tpu.memory_space<hbm>>
      %dma_wait3A_135 = arith.constant 0 : i32
      %dma_wait3A_136 = tpu.memref_slice %arg4[%add3A_122, %dma_wait3A_135] : memref<65536x128xf32, #tpu.memory_space<hbm>> -> memref<128x128xf32, #tpu.memory_space<hbm>>
      tpu.wait_dma2 semaphore(%run_scoped3A : memref<!tpu.dma_semaphore, #tpu.memory_space<semaphore_mem>>) src(%arg6 : memref<128x128xf32, #tpu.memory_space<vmem>>) dst(%dma_wait3A_136 : memref<128x128xf32, #tpu.memory_space<hbm>>)
      tpu.yield
    }) : () -> ()
    return
  }
}

module attributes {stable_mosaic.version = 14 : i64} {
  func.func @_topk_idx_body(%arg0: i32, %arg1: memref<256x64x128xf32, #tpu.memory_space<vmem>>, %arg2: memref<256x16xi32, #tpu.memory_space<vmem>>) attributes {dimension_semantics = [#tpu.dimension_semantics<arbitrary>], iteration_bounds = array<i64: 16>, scalar_prefetch = 0 : i64, scratch_operands = 0 : i64, tpu.core_type = #tpu.core_type<tc>, window_params = [{transform_indices = @transform_0, window_bounds = array<i64: 256, 64, 128>}, {transform_indices = @transform_1, window_bounds = array<i64: 256, 16>}]} {
    %get3A = arith.constant 0 : index
    %get3A_0 = arith.constant 0 : index
    %get3A_1 = arith.constant 0 : index
    %get3A_2 = vector.load %arg1[%get3A, %get3A_0, %get3A_1] : memref<256x64x128xf32, #tpu.memory_space<vmem>>, vector<256x64x128xf32>
    %reduce_max3A = arith.constant dense<0xFF800000> : vector<256x64xf32>
    %reduce_max3A_3 = vector.multi_reduction <maximumf>, %get3A_2, %reduce_max3A [2] : vector<256x64x128xf32> to vector<256x64xf32>
    %slice3A = vector.extract_strided_slice %reduce_max3A_3 {offsets = [0, 0], sizes = [128, 64], strides = [1, 1]} : vector<256x64xf32> to vector<128x64xf32>
    %slice3A_4 = vector.extract_strided_slice %reduce_max3A_3 {offsets = [128, 0], sizes = [128, 64], strides = [1, 1]} : vector<256x64xf32> to vector<128x64xf32>
    %concatenate3A = tpu.concatenate %slice3A, %slice3A_4 in 1 : vector<128x64xf32>, vector<128x64xf32> -> vector<128x128xf32>
    %iota3A = tpu.iota {dimensions = array<i32: 1>} : vector<1x128xi32>
    %and3A = arith.constant 63 : i32
    %and3A_5 = vector.broadcast %and3A : i32 to vector<1x128xi32>
    %and3A_6 = arith.andi %iota3A, %and3A_5 : vector<1x128xi32>
    %broadcast_in_dim3A = vector.shape_cast %and3A_6 : vector<1x128xi32> to vector<1x128xi32>
    %broadcast_in_dim3A_7 = vector.broadcast %broadcast_in_dim3A : vector<1x128xi32> to vector<128x128xi32>
    %and3A_8 = arith.constant 1 : i32
    %and3A_9 = vector.broadcast %and3A_8 : i32 to vector<1x128xi32>
    %and3A_10 = arith.andi %and3A_6, %and3A_9 : vector<1x128xi32>
    %ne3A = arith.constant 0 : i32
    %ne3A_11 = vector.broadcast %ne3A : i32 to vector<1x128xi32>
    %ne3A_12 = arith.cmpi ne, %and3A_10, %ne3A_11 : vector<1x128xi32>
    %and3A_13 = arith.constant 1 : i32
    %and3A_14 = vector.broadcast %and3A_13 : i32 to vector<1x128xi32>
    %and3A_15 = arith.andi %and3A_6, %and3A_14 : vector<1x128xi32>
    %eq3A = arith.constant 0 : i32
    %eq3A_16 = vector.broadcast %eq3A : i32 to vector<1x128xi32>
    %eq3A_17 = arith.cmpi eq, %and3A_15, %eq3A_16 : vector<1x128xi32>
    %and3A_18 = arith.constant 2 : i32
    %and3A_19 = vector.broadcast %and3A_18 : i32 to vector<1x128xi32>
    %and3A_20 = arith.andi %and3A_6, %and3A_19 : vector<1x128xi32>
    %ne3A_21 = arith.constant 0 : i32
    %ne3A_22 = vector.broadcast %ne3A_21 : i32 to vector<1x128xi32>
    %ne3A_23 = arith.cmpi ne, %and3A_20, %ne3A_22 : vector<1x128xi32>
    %xor3A = arith.xori %eq3A_17, %ne3A_23 : vector<1x128xi1>
    %roll3A = arith.constant 1 : i32
    %roll3A_24 = tpu.dynamic_rotate %concatenate3A by %roll3A dim 1 : vector<128x128xf32>, i32 -> vector<128x128xf32>
    %roll3A_25 = arith.constant 127 : i32
    %roll3A_26 = tpu.dynamic_rotate %concatenate3A by %roll3A_25 dim 1 : vector<128x128xf32>, i32 -> vector<128x128xf32>
    %broadcast_in_dim3A_27 = vector.shape_cast %ne3A_12 : vector<1x128xi1> to vector<1x128xi1>
    %broadcast_in_dim3A_28 = vector.broadcast %broadcast_in_dim3A_27 : vector<1x128xi1> to vector<128x128xi1>
    %select_n3A = arith.select %broadcast_in_dim3A_28, %roll3A_24, %roll3A_26 : vector<128x128xi1>, vector<128x128xf32>
    %roll3A_29 = arith.constant 1 : i32
    %roll3A_30 = tpu.dynamic_rotate %broadcast_in_dim3A_7 by %roll3A_29 dim 1 : vector<128x128xi32>, i32 -> vector<128x128xi32>
    %roll3A_31 = arith.constant 127 : i32
    %roll3A_32 = tpu.dynamic_rotate %broadcast_in_dim3A_7 by %roll3A_31 dim 1 : vector<128x128xi32>, i32 -> vector<128x128xi32>
    %broadcast_in_dim3A_33 = vector.shape_cast %ne3A_12 : vector<1x128xi1> to vector<1x128xi1>
    %broadcast_in_dim3A_34 = vector.broadcast %broadcast_in_dim3A_33 : vector<1x128xi1> to vector<128x128xi1>
    %select_n3A_35 = arith.select %broadcast_in_dim3A_34, %roll3A_30, %roll3A_32 : vector<128x128xi1>, vector<128x128xi32>
    %lt3A = arith.cmpf olt, %concatenate3A, %select_n3A : vector<128x128xf32>
    %eq3A_36 = arith.cmpf oeq, %concatenate3A, %select_n3A : vector<128x128xf32>
    %gt3A = arith.cmpi sgt, %broadcast_in_dim3A_7, %select_n3A_35 : vector<128x128xi32>
    %and3A_37 = arith.andi %eq3A_36, %gt3A : vector<128x128xi1>
    %or3A = arith.ori %lt3A, %and3A_37 : vector<128x128xi1>
    %eq3A_38 = vector.broadcast %xor3A : vector<1x128xi1> to vector<128x128xi1>
    %eq3A_39 = vector.broadcast %eq3A_38 : vector<128x128xi1> to vector<128x128xi1>
    %eq3A_40 = arith.xori %or3A, %eq3A_39 : vector<128x128xi1>
    %eq3A_41 = arith.constant dense<true> : vector<128x128xi1>
    %eq3A_42 = arith.xori %eq3A_40, %eq3A_41 : vector<128x128xi1>
    %select_n3A_43 = arith.select %eq3A_42, %concatenate3A, %select_n3A : vector<128x128xi1>, vector<128x128xf32>
    %select_n3A_44 = arith.select %eq3A_42, %broadcast_in_dim3A_7, %select_n3A_35 : vector<128x128xi1>, vector<128x128xi32>
    %and3A_45 = arith.constant 2 : i32
    %and3A_46 = vector.broadcast %and3A_45 : i32 to vector<1x128xi32>
    %and3A_47 = arith.andi %and3A_6, %and3A_46 : vector<1x128xi32>
    %ne3A_48 = arith.constant 0 : i32
    %ne3A_49 = vector.broadcast %ne3A_48 : i32 to vector<1x128xi32>
    %ne3A_50 = arith.cmpi ne, %and3A_47, %ne3A_49 : vector<1x128xi32>
    %and3A_51 = arith.constant 2 : i32
    %and3A_52 = vector.broadcast %and3A_51 : i32 to vector<1x128xi32>
    %and3A_53 = arith.andi %and3A_6, %and3A_52 : vector<1x128xi32>
    %eq3A_54 = arith.constant 0 : i32
    %eq3A_55 = vector.broadcast %eq3A_54 : i32 to vector<1x128xi32>
    %eq3A_56 = arith.cmpi eq, %and3A_53, %eq3A_55 : vector<1x128xi32>
    %and3A_57 = arith.constant 4 : i32
    %and3A_58 = vector.broadcast %and3A_57 : i32 to vector<1x128xi32>
    %and3A_59 = arith.andi %and3A_6, %and3A_58 : vector<1x128xi32>
    %ne3A_60 = arith.constant 0 : i32
    %ne3A_61 = vector.broadcast %ne3A_60 : i32 to vector<1x128xi32>
    %ne3A_62 = arith.cmpi ne, %and3A_59, %ne3A_61 : vector<1x128xi32>
    %xor3A_63 = arith.xori %eq3A_56, %ne3A_62 : vector<1x128xi1>
    %roll3A_64 = arith.constant 2 : i32
    %roll3A_65 = tpu.dynamic_rotate %select_n3A_43 by %roll3A_64 dim 1 : vector<128x128xf32>, i32 -> vector<128x128xf32>
    %roll3A_66 = arith.constant 126 : i32
    %roll3A_67 = tpu.dynamic_rotate %select_n3A_43 by %roll3A_66 dim 1 : vector<128x128xf32>, i32 -> vector<128x128xf32>
    %broadcast_in_dim3A_68 = vector.shape_cast %ne3A_50 : vector<1x128xi1> to vector<1x128xi1>
    %broadcast_in_dim3A_69 = vector.broadcast %broadcast_in_dim3A_68 : vector<1x128xi1> to vector<128x128xi1>
    %select_n3A_70 = arith.select %broadcast_in_dim3A_69, %roll3A_65, %roll3A_67 : vector<128x128xi1>, vector<128x128xf32>
    %roll3A_71 = arith.constant 2 : i32
    %roll3A_72 = tpu.dynamic_rotate %select_n3A_44 by %roll3A_71 dim 1 : vector<128x128xi32>, i32 -> vector<128x128xi32>
    %roll3A_73 = arith.constant 126 : i32
    %roll3A_74 = tpu.dynamic_rotate %select_n3A_44 by %roll3A_73 dim 1 : vector<128x128xi32>, i32 -> vector<128x128xi32>
    %broadcast_in_dim3A_75 = vector.shape_cast %ne3A_50 : vector<1x128xi1> to vector<1x128xi1>
    %broadcast_in_dim3A_76 = vector.broadcast %broadcast_in_dim3A_75 : vector<1x128xi1> to vector<128x128xi1>
    %select_n3A_77 = arith.select %broadcast_in_dim3A_76, %roll3A_72, %roll3A_74 : vector<128x128xi1>, vector<128x128xi32>
    %lt3A_78 = arith.cmpf olt, %select_n3A_43, %select_n3A_70 : vector<128x128xf32>
    %eq3A_79 = arith.cmpf oeq, %select_n3A_43, %select_n3A_70 : vector<128x128xf32>
    %gt3A_80 = arith.cmpi sgt, %select_n3A_44, %select_n3A_77 : vector<128x128xi32>
    %and3A_81 = arith.andi %eq3A_79, %gt3A_80 : vector<128x128xi1>
    %or3A_82 = arith.ori %lt3A_78, %and3A_81 : vector<128x128xi1>
    %eq3A_83 = vector.broadcast %xor3A_63 : vector<1x128xi1> to vector<128x128xi1>
    %eq3A_84 = vector.broadcast %eq3A_83 : vector<128x128xi1> to vector<128x128xi1>
    %eq3A_85 = arith.xori %or3A_82, %eq3A_84 : vector<128x128xi1>
    %eq3A_86 = arith.constant dense<true> : vector<128x128xi1>
    %eq3A_87 = arith.xori %eq3A_85, %eq3A_86 : vector<128x128xi1>
    %select_n3A_88 = arith.select %eq3A_87, %select_n3A_43, %select_n3A_70 : vector<128x128xi1>, vector<128x128xf32>
    %select_n3A_89 = arith.select %eq3A_87, %select_n3A_44, %select_n3A_77 : vector<128x128xi1>, vector<128x128xi32>
    %and3A_90 = arith.constant 1 : i32
    %and3A_91 = vector.broadcast %and3A_90 : i32 to vector<1x128xi32>
    %and3A_92 = arith.andi %and3A_6, %and3A_91 : vector<1x128xi32>
    %ne3A_93 = arith.constant 0 : i32
    %ne3A_94 = vector.broadcast %ne3A_93 : i32 to vector<1x128xi32>
    %ne3A_95 = arith.cmpi ne, %and3A_92, %ne3A_94 : vector<1x128xi32>
    %and3A_96 = arith.constant 1 : i32
    %and3A_97 = vector.broadcast %and3A_96 : i32 to vector<1x128xi32>
    %and3A_98 = arith.andi %and3A_6, %and3A_97 : vector<1x128xi32>
    %eq3A_99 = arith.constant 0 : i32
    %eq3A_100 = vector.broadcast %eq3A_99 : i32 to vector<1x128xi32>
    %eq3A_101 = arith.cmpi eq, %and3A_98, %eq3A_100 : vector<1x128xi32>
    %and3A_102 = arith.constant 4 : i32
    %and3A_103 = vector.broadcast %and3A_102 : i32 to vector<1x128xi32>
    %and3A_104 = arith.andi %and3A_6, %and3A_103 : vector<1x128xi32>
    %ne3A_105 = arith.constant 0 : i32
    %ne3A_106 = vector.broadcast %ne3A_105 : i32 to vector<1x128xi32>
    %ne3A_107 = arith.cmpi ne, %and3A_104, %ne3A_106 : vector<1x128xi32>
    %xor3A_108 = arith.xori %eq3A_101, %ne3A_107 : vector<1x128xi1>
    %roll3A_109 = arith.constant 1 : i32
    %roll3A_110 = tpu.dynamic_rotate %select_n3A_88 by %roll3A_109 dim 1 : vector<128x128xf32>, i32 -> vector<128x128xf32>
    %roll3A_111 = arith.constant 127 : i32
    %roll3A_112 = tpu.dynamic_rotate %select_n3A_88 by %roll3A_111 dim 1 : vector<128x128xf32>, i32 -> vector<128x128xf32>
    %broadcast_in_dim3A_113 = vector.shape_cast %ne3A_95 : vector<1x128xi1> to vector<1x128xi1>
    %broadcast_in_dim3A_114 = vector.broadcast %broadcast_in_dim3A_113 : vector<1x128xi1> to vector<128x128xi1>
    %select_n3A_115 = arith.select %broadcast_in_dim3A_114, %roll3A_110, %roll3A_112 : vector<128x128xi1>, vector<128x128xf32>
    %roll3A_116 = arith.constant 1 : i32
    %roll3A_117 = tpu.dynamic_rotate %select_n3A_89 by %roll3A_116 dim 1 : vector<128x128xi32>, i32 -> vector<128x128xi32>
    %roll3A_118 = arith.constant 127 : i32
    %roll3A_119 = tpu.dynamic_rotate %select_n3A_89 by %roll3A_118 dim 1 : vector<128x128xi32>, i32 -> vector<128x128xi32>
    %broadcast_in_dim3A_120 = vector.shape_cast %ne3A_95 : vector<1x128xi1> to vector<1x128xi1>
    %broadcast_in_dim3A_121 = vector.broadcast %broadcast_in_dim3A_120 : vector<1x128xi1> to vector<128x128xi1>
    %select_n3A_122 = arith.select %broadcast_in_dim3A_121, %roll3A_117, %roll3A_119 : vector<128x128xi1>, vector<128x128xi32>
    %lt3A_123 = arith.cmpf olt, %select_n3A_88, %select_n3A_115 : vector<128x128xf32>
    %eq3A_124 = arith.cmpf oeq, %select_n3A_88, %select_n3A_115 : vector<128x128xf32>
    %gt3A_125 = arith.cmpi sgt, %select_n3A_89, %select_n3A_122 : vector<128x128xi32>
    %and3A_126 = arith.andi %eq3A_124, %gt3A_125 : vector<128x128xi1>
    %or3A_127 = arith.ori %lt3A_123, %and3A_126 : vector<128x128xi1>
    %eq3A_128 = vector.broadcast %xor3A_108 : vector<1x128xi1> to vector<128x128xi1>
    %eq3A_129 = vector.broadcast %eq3A_128 : vector<128x128xi1> to vector<128x128xi1>
    %eq3A_130 = arith.xori %or3A_127, %eq3A_129 : vector<128x128xi1>
    %eq3A_131 = arith.constant dense<true> : vector<128x128xi1>
    %eq3A_132 = arith.xori %eq3A_130, %eq3A_131 : vector<128x128xi1>
    %select_n3A_133 = arith.select %eq3A_132, %select_n3A_88, %select_n3A_115 : vector<128x128xi1>, vector<128x128xf32>
    %select_n3A_134 = arith.select %eq3A_132, %select_n3A_89, %select_n3A_122 : vector<128x128xi1>, vector<128x128xi32>
    %and3A_135 = arith.constant 4 : i32
    %and3A_136 = vector.broadcast %and3A_135 : i32 to vector<1x128xi32>
    %and3A_137 = arith.andi %and3A_6, %and3A_136 : vector<1x128xi32>
    %ne3A_138 = arith.constant 0 : i32
    %ne3A_139 = vector.broadcast %ne3A_138 : i32 to vector<1x128xi32>
    %ne3A_140 = arith.cmpi ne, %and3A_137, %ne3A_139 : vector<1x128xi32>
    %and3A_141 = arith.constant 4 : i32
    %and3A_142 = vector.broadcast %and3A_141 : i32 to vector<1x128xi32>
    %and3A_143 = arith.andi %and3A_6, %and3A_142 : vector<1x128xi32>
    %eq3A_144 = arith.constant 0 : i32
    %eq3A_145 = vector.broadcast %eq3A_144 : i32 to vector<1x128xi32>
    %eq3A_146 = arith.cmpi eq, %and3A_143, %eq3A_145 : vector<1x128xi32>
    %and3A_147 = arith.constant 8 : i32
    %and3A_148 = vector.broadcast %and3A_147 : i32 to vector<1x128xi32>
    %and3A_149 = arith.andi %and3A_6, %and3A_148 : vector<1x128xi32>
    %ne3A_150 = arith.constant 0 : i32
    %ne3A_151 = vector.broadcast %ne3A_150 : i32 to vector<1x128xi32>
    %ne3A_152 = arith.cmpi ne, %and3A_149, %ne3A_151 : vector<1x128xi32>
    %xor3A_153 = arith.xori %eq3A_146, %ne3A_152 : vector<1x128xi1>
    %roll3A_154 = arith.constant 4 : i32
    %roll3A_155 = tpu.dynamic_rotate %select_n3A_133 by %roll3A_154 dim 1 : vector<128x128xf32>, i32 -> vector<128x128xf32>
    %roll3A_156 = arith.constant 124 : i32
    %roll3A_157 = tpu.dynamic_rotate %select_n3A_133 by %roll3A_156 dim 1 : vector<128x128xf32>, i32 -> vector<128x128xf32>
    %broadcast_in_dim3A_158 = vector.shape_cast %ne3A_140 : vector<1x128xi1> to vector<1x128xi1>
    %broadcast_in_dim3A_159 = vector.broadcast %broadcast_in_dim3A_158 : vector<1x128xi1> to vector<128x128xi1>
    %select_n3A_160 = arith.select %broadcast_in_dim3A_159, %roll3A_155, %roll3A_157 : vector<128x128xi1>, vector<128x128xf32>
    %roll3A_161 = arith.constant 4 : i32
    %roll3A_162 = tpu.dynamic_rotate %select_n3A_134 by %roll3A_161 dim 1 : vector<128x128xi32>, i32 -> vector<128x128xi32>
    %roll3A_163 = arith.constant 124 : i32
    %roll3A_164 = tpu.dynamic_rotate %select_n3A_134 by %roll3A_163 dim 1 : vector<128x128xi32>, i32 -> vector<128x128xi32>
    %broadcast_in_dim3A_165 = vector.shape_cast %ne3A_140 : vector<1x128xi1> to vector<1x128xi1>
    %broadcast_in_dim3A_166 = vector.broadcast %broadcast_in_dim3A_165 : vector<1x128xi1> to vector<128x128xi1>
    %select_n3A_167 = arith.select %broadcast_in_dim3A_166, %roll3A_162, %roll3A_164 : vector<128x128xi1>, vector<128x128xi32>
    %lt3A_168 = arith.cmpf olt, %select_n3A_133, %select_n3A_160 : vector<128x128xf32>
    %eq3A_169 = arith.cmpf oeq, %select_n3A_133, %select_n3A_160 : vector<128x128xf32>
    %gt3A_170 = arith.cmpi sgt, %select_n3A_134, %select_n3A_167 : vector<128x128xi32>
    %and3A_171 = arith.andi %eq3A_169, %gt3A_170 : vector<128x128xi1>
    %or3A_172 = arith.ori %lt3A_168, %and3A_171 : vector<128x128xi1>
    %eq3A_173 = vector.broadcast %xor3A_153 : vector<1x128xi1> to vector<128x128xi1>
    %eq3A_174 = vector.broadcast %eq3A_173 : vector<128x128xi1> to vector<128x128xi1>
    %eq3A_175 = arith.xori %or3A_172, %eq3A_174 : vector<128x128xi1>
    %eq3A_176 = arith.constant dense<true> : vector<128x128xi1>
    %eq3A_177 = arith.xori %eq3A_175, %eq3A_176 : vector<128x128xi1>
    %select_n3A_178 = arith.select %eq3A_177, %select_n3A_133, %select_n3A_160 : vector<128x128xi1>, vector<128x128xf32>
    %select_n3A_179 = arith.select %eq3A_177, %select_n3A_134, %select_n3A_167 : vector<128x128xi1>, vector<128x128xi32>
    %and3A_180 = arith.constant 2 : i32
    %and3A_181 = vector.broadcast %and3A_180 : i32 to vector<1x128xi32>
    %and3A_182 = arith.andi %and3A_6, %and3A_181 : vector<1x128xi32>
    %ne3A_183 = arith.constant 0 : i32
    %ne3A_184 = vector.broadcast %ne3A_183 : i32 to vector<1x128xi32>
    %ne3A_185 = arith.cmpi ne, %and3A_182, %ne3A_184 : vector<1x128xi32>
    %and3A_186 = arith.constant 2 : i32
    %and3A_187 = vector.broadcast %and3A_186 : i32 to vector<1x128xi32>
    %and3A_188 = arith.andi %and3A_6, %and3A_187 : vector<1x128xi32>
    %eq3A_189 = arith.constant 0 : i32
    %eq3A_190 = vector.broadcast %eq3A_189 : i32 to vector<1x128xi32>
    %eq3A_191 = arith.cmpi eq, %and3A_188, %eq3A_190 : vector<1x128xi32>
    %and3A_192 = arith.constant 8 : i32
    %and3A_193 = vector.broadcast %and3A_192 : i32 to vector<1x128xi32>
    %and3A_194 = arith.andi %and3A_6, %and3A_193 : vector<1x128xi32>
    %ne3A_195 = arith.constant 0 : i32
    %ne3A_196 = vector.broadcast %ne3A_195 : i32 to vector<1x128xi32>
    %ne3A_197 = arith.cmpi ne, %and3A_194, %ne3A_196 : vector<1x128xi32>
    %xor3A_198 = arith.xori %eq3A_191, %ne3A_197 : vector<1x128xi1>
    %roll3A_199 = arith.constant 2 : i32
    %roll3A_200 = tpu.dynamic_rotate %select_n3A_178 by %roll3A_199 dim 1 : vector<128x128xf32>, i32 -> vector<128x128xf32>
    %roll3A_201 = arith.constant 126 : i32
    %roll3A_202 = tpu.dynamic_rotate %select_n3A_178 by %roll3A_201 dim 1 : vector<128x128xf32>, i32 -> vector<128x128xf32>
    %broadcast_in_dim3A_203 = vector.shape_cast %ne3A_185 : vector<1x128xi1> to vector<1x128xi1>
    %broadcast_in_dim3A_204 = vector.broadcast %broadcast_in_dim3A_203 : vector<1x128xi1> to vector<128x128xi1>
    %select_n3A_205 = arith.select %broadcast_in_dim3A_204, %roll3A_200, %roll3A_202 : vector<128x128xi1>, vector<128x128xf32>
    %roll3A_206 = arith.constant 2 : i32
    %roll3A_207 = tpu.dynamic_rotate %select_n3A_179 by %roll3A_206 dim 1 : vector<128x128xi32>, i32 -> vector<128x128xi32>
    %roll3A_208 = arith.constant 126 : i32
    %roll3A_209 = tpu.dynamic_rotate %select_n3A_179 by %roll3A_208 dim 1 : vector<128x128xi32>, i32 -> vector<128x128xi32>
    %broadcast_in_dim3A_210 = vector.shape_cast %ne3A_185 : vector<1x128xi1> to vector<1x128xi1>
    %broadcast_in_dim3A_211 = vector.broadcast %broadcast_in_dim3A_210 : vector<1x128xi1> to vector<128x128xi1>
    %select_n3A_212 = arith.select %broadcast_in_dim3A_211, %roll3A_207, %roll3A_209 : vector<128x128xi1>, vector<128x128xi32>
    %lt3A_213 = arith.cmpf olt, %select_n3A_178, %select_n3A_205 : vector<128x128xf32>
    %eq3A_214 = arith.cmpf oeq, %select_n3A_178, %select_n3A_205 : vector<128x128xf32>
    %gt3A_215 = arith.cmpi sgt, %select_n3A_179, %select_n3A_212 : vector<128x128xi32>
    %and3A_216 = arith.andi %eq3A_214, %gt3A_215 : vector<128x128xi1>
    %or3A_217 = arith.ori %lt3A_213, %and3A_216 : vector<128x128xi1>
    %eq3A_218 = vector.broadcast %xor3A_198 : vector<1x128xi1> to vector<128x128xi1>
    %eq3A_219 = vector.broadcast %eq3A_218 : vector<128x128xi1> to vector<128x128xi1>
    %eq3A_220 = arith.xori %or3A_217, %eq3A_219 : vector<128x128xi1>
    %eq3A_221 = arith.constant dense<true> : vector<128x128xi1>
    %eq3A_222 = arith.xori %eq3A_220, %eq3A_221 : vector<128x128xi1>
    %select_n3A_223 = arith.select %eq3A_222, %select_n3A_178, %select_n3A_205 : vector<128x128xi1>, vector<128x128xf32>
    %select_n3A_224 = arith.select %eq3A_222, %select_n3A_179, %select_n3A_212 : vector<128x128xi1>, vector<128x128xi32>
    %and3A_225 = arith.constant 1 : i32
    %and3A_226 = vector.broadcast %and3A_225 : i32 to vector<1x128xi32>
    %and3A_227 = arith.andi %and3A_6, %and3A_226 : vector<1x128xi32>
    %ne3A_228 = arith.constant 0 : i32
    %ne3A_229 = vector.broadcast %ne3A_228 : i32 to vector<1x128xi32>
    %ne3A_230 = arith.cmpi ne, %and3A_227, %ne3A_229 : vector<1x128xi32>
    %and3A_231 = arith.constant 1 : i32
    %and3A_232 = vector.broadcast %and3A_231 : i32 to vector<1x128xi32>
    %and3A_233 = arith.andi %and3A_6, %and3A_232 : vector<1x128xi32>
    %eq3A_234 = arith.constant 0 : i32
    %eq3A_235 = vector.broadcast %eq3A_234 : i32 to vector<1x128xi32>
    %eq3A_236 = arith.cmpi eq, %and3A_233, %eq3A_235 : vector<1x128xi32>
    %and3A_237 = arith.constant 8 : i32
    %and3A_238 = vector.broadcast %and3A_237 : i32 to vector<1x128xi32>
    %and3A_239 = arith.andi %and3A_6, %and3A_238 : vector<1x128xi32>
    %ne3A_240 = arith.constant 0 : i32
    %ne3A_241 = vector.broadcast %ne3A_240 : i32 to vector<1x128xi32>
    %ne3A_242 = arith.cmpi ne, %and3A_239, %ne3A_241 : vector<1x128xi32>
    %xor3A_243 = arith.xori %eq3A_236, %ne3A_242 : vector<1x128xi1>
    %roll3A_244 = arith.constant 1 : i32
    %roll3A_245 = tpu.dynamic_rotate %select_n3A_223 by %roll3A_244 dim 1 : vector<128x128xf32>, i32 -> vector<128x128xf32>
    %roll3A_246 = arith.constant 127 : i32
    %roll3A_247 = tpu.dynamic_rotate %select_n3A_223 by %roll3A_246 dim 1 : vector<128x128xf32>, i32 -> vector<128x128xf32>
    %broadcast_in_dim3A_248 = vector.shape_cast %ne3A_230 : vector<1x128xi1> to vector<1x128xi1>
    %broadcast_in_dim3A_249 = vector.broadcast %broadcast_in_dim3A_248 : vector<1x128xi1> to vector<128x128xi1>
    %select_n3A_250 = arith.select %broadcast_in_dim3A_249, %roll3A_245, %roll3A_247 : vector<128x128xi1>, vector<128x128xf32>
    %roll3A_251 = arith.constant 1 : i32
    %roll3A_252 = tpu.dynamic_rotate %select_n3A_224 by %roll3A_251 dim 1 : vector<128x128xi32>, i32 -> vector<128x128xi32>
    %roll3A_253 = arith.constant 127 : i32
    %roll3A_254 = tpu.dynamic_rotate %select_n3A_224 by %roll3A_253 dim 1 : vector<128x128xi32>, i32 -> vector<128x128xi32>
    %broadcast_in_dim3A_255 = vector.shape_cast %ne3A_230 : vector<1x128xi1> to vector<1x128xi1>
    %broadcast_in_dim3A_256 = vector.broadcast %broadcast_in_dim3A_255 : vector<1x128xi1> to vector<128x128xi1>
    %select_n3A_257 = arith.select %broadcast_in_dim3A_256, %roll3A_252, %roll3A_254 : vector<128x128xi1>, vector<128x128xi32>
    %lt3A_258 = arith.cmpf olt, %select_n3A_223, %select_n3A_250 : vector<128x128xf32>
    %eq3A_259 = arith.cmpf oeq, %select_n3A_223, %select_n3A_250 : vector<128x128xf32>
    %gt3A_260 = arith.cmpi sgt, %select_n3A_224, %select_n3A_257 : vector<128x128xi32>
    %and3A_261 = arith.andi %eq3A_259, %gt3A_260 : vector<128x128xi1>
    %or3A_262 = arith.ori %lt3A_258, %and3A_261 : vector<128x128xi1>
    %eq3A_263 = vector.broadcast %xor3A_243 : vector<1x128xi1> to vector<128x128xi1>
    %eq3A_264 = vector.broadcast %eq3A_263 : vector<128x128xi1> to vector<128x128xi1>
    %eq3A_265 = arith.xori %or3A_262, %eq3A_264 : vector<128x128xi1>
    %eq3A_266 = arith.constant dense<true> : vector<128x128xi1>
    %eq3A_267 = arith.xori %eq3A_265, %eq3A_266 : vector<128x128xi1>
    %select_n3A_268 = arith.select %eq3A_267, %select_n3A_223, %select_n3A_250 : vector<128x128xi1>, vector<128x128xf32>
    %select_n3A_269 = arith.select %eq3A_267, %select_n3A_224, %select_n3A_257 : vector<128x128xi1>, vector<128x128xi32>
    %and3A_270 = arith.constant 8 : i32
    %and3A_271 = vector.broadcast %and3A_270 : i32 to vector<1x128xi32>
    %and3A_272 = arith.andi %and3A_6, %and3A_271 : vector<1x128xi32>
    %ne3A_273 = arith.constant 0 : i32
    %ne3A_274 = vector.broadcast %ne3A_273 : i32 to vector<1x128xi32>
    %ne3A_275 = arith.cmpi ne, %and3A_272, %ne3A_274 : vector<1x128xi32>
    %and3A_276 = arith.constant 8 : i32
    %and3A_277 = vector.broadcast %and3A_276 : i32 to vector<1x128xi32>
    %and3A_278 = arith.andi %and3A_6, %and3A_277 : vector<1x128xi32>
    %eq3A_279 = arith.constant 0 : i32
    %eq3A_280 = vector.broadcast %eq3A_279 : i32 to vector<1x128xi32>
    %eq3A_281 = arith.cmpi eq, %and3A_278, %eq3A_280 : vector<1x128xi32>
    %and3A_282 = arith.constant 16 : i32
    %and3A_283 = vector.broadcast %and3A_282 : i32 to vector<1x128xi32>
    %and3A_284 = arith.andi %and3A_6, %and3A_283 : vector<1x128xi32>
    %ne3A_285 = arith.constant 0 : i32
    %ne3A_286 = vector.broadcast %ne3A_285 : i32 to vector<1x128xi32>
    %ne3A_287 = arith.cmpi ne, %and3A_284, %ne3A_286 : vector<1x128xi32>
    %xor3A_288 = arith.xori %eq3A_281, %ne3A_287 : vector<1x128xi1>
    %roll3A_289 = arith.constant 8 : i32
    %roll3A_290 = tpu.dynamic_rotate %select_n3A_268 by %roll3A_289 dim 1 : vector<128x128xf32>, i32 -> vector<128x128xf32>
    %roll3A_291 = arith.constant 120 : i32
    %roll3A_292 = tpu.dynamic_rotate %select_n3A_268 by %roll3A_291 dim 1 : vector<128x128xf32>, i32 -> vector<128x128xf32>
    %broadcast_in_dim3A_293 = vector.shape_cast %ne3A_275 : vector<1x128xi1> to vector<1x128xi1>
    %broadcast_in_dim3A_294 = vector.broadcast %broadcast_in_dim3A_293 : vector<1x128xi1> to vector<128x128xi1>
    %select_n3A_295 = arith.select %broadcast_in_dim3A_294, %roll3A_290, %roll3A_292 : vector<128x128xi1>, vector<128x128xf32>
    %roll3A_296 = arith.constant 8 : i32
    %roll3A_297 = tpu.dynamic_rotate %select_n3A_269 by %roll3A_296 dim 1 : vector<128x128xi32>, i32 -> vector<128x128xi32>
    %roll3A_298 = arith.constant 120 : i32
    %roll3A_299 = tpu.dynamic_rotate %select_n3A_269 by %roll3A_298 dim 1 : vector<128x128xi32>, i32 -> vector<128x128xi32>
    %broadcast_in_dim3A_300 = vector.shape_cast %ne3A_275 : vector<1x128xi1> to vector<1x128xi1>
    %broadcast_in_dim3A_301 = vector.broadcast %broadcast_in_dim3A_300 : vector<1x128xi1> to vector<128x128xi1>
    %select_n3A_302 = arith.select %broadcast_in_dim3A_301, %roll3A_297, %roll3A_299 : vector<128x128xi1>, vector<128x128xi32>
    %lt3A_303 = arith.cmpf olt, %select_n3A_268, %select_n3A_295 : vector<128x128xf32>
    %eq3A_304 = arith.cmpf oeq, %select_n3A_268, %select_n3A_295 : vector<128x128xf32>
    %gt3A_305 = arith.cmpi sgt, %select_n3A_269, %select_n3A_302 : vector<128x128xi32>
    %and3A_306 = arith.andi %eq3A_304, %gt3A_305 : vector<128x128xi1>
    %or3A_307 = arith.ori %lt3A_303, %and3A_306 : vector<128x128xi1>
    %eq3A_308 = vector.broadcast %xor3A_288 : vector<1x128xi1> to vector<128x128xi1>
    %eq3A_309 = vector.broadcast %eq3A_308 : vector<128x128xi1> to vector<128x128xi1>
    %eq3A_310 = arith.xori %or3A_307, %eq3A_309 : vector<128x128xi1>
    %eq3A_311 = arith.constant dense<true> : vector<128x128xi1>
    %eq3A_312 = arith.xori %eq3A_310, %eq3A_311 : vector<128x128xi1>
    %select_n3A_313 = arith.select %eq3A_312, %select_n3A_268, %select_n3A_295 : vector<128x128xi1>, vector<128x128xf32>
    %select_n3A_314 = arith.select %eq3A_312, %select_n3A_269, %select_n3A_302 : vector<128x128xi1>, vector<128x128xi32>
    %and3A_315 = arith.constant 4 : i32
    %and3A_316 = vector.broadcast %and3A_315 : i32 to vector<1x128xi32>
    %and3A_317 = arith.andi %and3A_6, %and3A_316 : vector<1x128xi32>
    %ne3A_318 = arith.constant 0 : i32
    %ne3A_319 = vector.broadcast %ne3A_318 : i32 to vector<1x128xi32>
    %ne3A_320 = arith.cmpi ne, %and3A_317, %ne3A_319 : vector<1x128xi32>
    %and3A_321 = arith.constant 4 : i32
    %and3A_322 = vector.broadcast %and3A_321 : i32 to vector<1x128xi32>
    %and3A_323 = arith.andi %and3A_6, %and3A_322 : vector<1x128xi32>
    %eq3A_324 = arith.constant 0 : i32
    %eq3A_325 = vector.broadcast %eq3A_324 : i32 to vector<1x128xi32>
    %eq3A_326 = arith.cmpi eq, %and3A_323, %eq3A_325 : vector<1x128xi32>
    %and3A_327 = arith.constant 16 : i32
    %and3A_328 = vector.broadcast %and3A_327 : i32 to vector<1x128xi32>
    %and3A_329 = arith.andi %and3A_6, %and3A_328 : vector<1x128xi32>
    %ne3A_330 = arith.constant 0 : i32
    %ne3A_331 = vector.broadcast %ne3A_330 : i32 to vector<1x128xi32>
    %ne3A_332 = arith.cmpi ne, %and3A_329, %ne3A_331 : vector<1x128xi32>
    %xor3A_333 = arith.xori %eq3A_326, %ne3A_332 : vector<1x128xi1>
    %roll3A_334 = arith.constant 4 : i32
    %roll3A_335 = tpu.dynamic_rotate %select_n3A_313 by %roll3A_334 dim 1 : vector<128x128xf32>, i32 -> vector<128x128xf32>
    %roll3A_336 = arith.constant 124 : i32
    %roll3A_337 = tpu.dynamic_rotate %select_n3A_313 by %roll3A_336 dim 1 : vector<128x128xf32>, i32 -> vector<128x128xf32>
    %broadcast_in_dim3A_338 = vector.shape_cast %ne3A_320 : vector<1x128xi1> to vector<1x128xi1>
    %broadcast_in_dim3A_339 = vector.broadcast %broadcast_in_dim3A_338 : vector<1x128xi1> to vector<128x128xi1>
    %select_n3A_340 = arith.select %broadcast_in_dim3A_339, %roll3A_335, %roll3A_337 : vector<128x128xi1>, vector<128x128xf32>
    %roll3A_341 = arith.constant 4 : i32
    %roll3A_342 = tpu.dynamic_rotate %select_n3A_314 by %roll3A_341 dim 1 : vector<128x128xi32>, i32 -> vector<128x128xi32>
    %roll3A_343 = arith.constant 124 : i32
    %roll3A_344 = tpu.dynamic_rotate %select_n3A_314 by %roll3A_343 dim 1 : vector<128x128xi32>, i32 -> vector<128x128xi32>
    %broadcast_in_dim3A_345 = vector.shape_cast %ne3A_320 : vector<1x128xi1> to vector<1x128xi1>
    %broadcast_in_dim3A_346 = vector.broadcast %broadcast_in_dim3A_345 : vector<1x128xi1> to vector<128x128xi1>
    %select_n3A_347 = arith.select %broadcast_in_dim3A_346, %roll3A_342, %roll3A_344 : vector<128x128xi1>, vector<128x128xi32>
    %lt3A_348 = arith.cmpf olt, %select_n3A_313, %select_n3A_340 : vector<128x128xf32>
    %eq3A_349 = arith.cmpf oeq, %select_n3A_313, %select_n3A_340 : vector<128x128xf32>
    %gt3A_350 = arith.cmpi sgt, %select_n3A_314, %select_n3A_347 : vector<128x128xi32>
    %and3A_351 = arith.andi %eq3A_349, %gt3A_350 : vector<128x128xi1>
    %or3A_352 = arith.ori %lt3A_348, %and3A_351 : vector<128x128xi1>
    %eq3A_353 = vector.broadcast %xor3A_333 : vector<1x128xi1> to vector<128x128xi1>
    %eq3A_354 = vector.broadcast %eq3A_353 : vector<128x128xi1> to vector<128x128xi1>
    %eq3A_355 = arith.xori %or3A_352, %eq3A_354 : vector<128x128xi1>
    %eq3A_356 = arith.constant dense<true> : vector<128x128xi1>
    %eq3A_357 = arith.xori %eq3A_355, %eq3A_356 : vector<128x128xi1>
    %select_n3A_358 = arith.select %eq3A_357, %select_n3A_313, %select_n3A_340 : vector<128x128xi1>, vector<128x128xf32>
    %select_n3A_359 = arith.select %eq3A_357, %select_n3A_314, %select_n3A_347 : vector<128x128xi1>, vector<128x128xi32>
    %and3A_360 = arith.constant 2 : i32
    %and3A_361 = vector.broadcast %and3A_360 : i32 to vector<1x128xi32>
    %and3A_362 = arith.andi %and3A_6, %and3A_361 : vector<1x128xi32>
    %ne3A_363 = arith.constant 0 : i32
    %ne3A_364 = vector.broadcast %ne3A_363 : i32 to vector<1x128xi32>
    %ne3A_365 = arith.cmpi ne, %and3A_362, %ne3A_364 : vector<1x128xi32>
    %and3A_366 = arith.constant 2 : i32
    %and3A_367 = vector.broadcast %and3A_366 : i32 to vector<1x128xi32>
    %and3A_368 = arith.andi %and3A_6, %and3A_367 : vector<1x128xi32>
    %eq3A_369 = arith.constant 0 : i32
    %eq3A_370 = vector.broadcast %eq3A_369 : i32 to vector<1x128xi32>
    %eq3A_371 = arith.cmpi eq, %and3A_368, %eq3A_370 : vector<1x128xi32>
    %and3A_372 = arith.constant 16 : i32
    %and3A_373 = vector.broadcast %and3A_372 : i32 to vector<1x128xi32>
    %and3A_374 = arith.andi %and3A_6, %and3A_373 : vector<1x128xi32>
    %ne3A_375 = arith.constant 0 : i32
    %ne3A_376 = vector.broadcast %ne3A_375 : i32 to vector<1x128xi32>
    %ne3A_377 = arith.cmpi ne, %and3A_374, %ne3A_376 : vector<1x128xi32>
    %xor3A_378 = arith.xori %eq3A_371, %ne3A_377 : vector<1x128xi1>
    %roll3A_379 = arith.constant 2 : i32
    %roll3A_380 = tpu.dynamic_rotate %select_n3A_358 by %roll3A_379 dim 1 : vector<128x128xf32>, i32 -> vector<128x128xf32>
    %roll3A_381 = arith.constant 126 : i32
    %roll3A_382 = tpu.dynamic_rotate %select_n3A_358 by %roll3A_381 dim 1 : vector<128x128xf32>, i32 -> vector<128x128xf32>
    %broadcast_in_dim3A_383 = vector.shape_cast %ne3A_365 : vector<1x128xi1> to vector<1x128xi1>
    %broadcast_in_dim3A_384 = vector.broadcast %broadcast_in_dim3A_383 : vector<1x128xi1> to vector<128x128xi1>
    %select_n3A_385 = arith.select %broadcast_in_dim3A_384, %roll3A_380, %roll3A_382 : vector<128x128xi1>, vector<128x128xf32>
    %roll3A_386 = arith.constant 2 : i32
    %roll3A_387 = tpu.dynamic_rotate %select_n3A_359 by %roll3A_386 dim 1 : vector<128x128xi32>, i32 -> vector<128x128xi32>
    %roll3A_388 = arith.constant 126 : i32
    %roll3A_389 = tpu.dynamic_rotate %select_n3A_359 by %roll3A_388 dim 1 : vector<128x128xi32>, i32 -> vector<128x128xi32>
    %broadcast_in_dim3A_390 = vector.shape_cast %ne3A_365 : vector<1x128xi1> to vector<1x128xi1>
    %broadcast_in_dim3A_391 = vector.broadcast %broadcast_in_dim3A_390 : vector<1x128xi1> to vector<128x128xi1>
    %select_n3A_392 = arith.select %broadcast_in_dim3A_391, %roll3A_387, %roll3A_389 : vector<128x128xi1>, vector<128x128xi32>
    %lt3A_393 = arith.cmpf olt, %select_n3A_358, %select_n3A_385 : vector<128x128xf32>
    %eq3A_394 = arith.cmpf oeq, %select_n3A_358, %select_n3A_385 : vector<128x128xf32>
    %gt3A_395 = arith.cmpi sgt, %select_n3A_359, %select_n3A_392 : vector<128x128xi32>
    %and3A_396 = arith.andi %eq3A_394, %gt3A_395 : vector<128x128xi1>
    %or3A_397 = arith.ori %lt3A_393, %and3A_396 : vector<128x128xi1>
    %eq3A_398 = vector.broadcast %xor3A_378 : vector<1x128xi1> to vector<128x128xi1>
    %eq3A_399 = vector.broadcast %eq3A_398 : vector<128x128xi1> to vector<128x128xi1>
    %eq3A_400 = arith.xori %or3A_397, %eq3A_399 : vector<128x128xi1>
    %eq3A_401 = arith.constant dense<true> : vector<128x128xi1>
    %eq3A_402 = arith.xori %eq3A_400, %eq3A_401 : vector<128x128xi1>
    %select_n3A_403 = arith.select %eq3A_402, %select_n3A_358, %select_n3A_385 : vector<128x128xi1>, vector<128x128xf32>
    %select_n3A_404 = arith.select %eq3A_402, %select_n3A_359, %select_n3A_392 : vector<128x128xi1>, vector<128x128xi32>
    %and3A_405 = arith.constant 1 : i32
    %and3A_406 = vector.broadcast %and3A_405 : i32 to vector<1x128xi32>
    %and3A_407 = arith.andi %and3A_6, %and3A_406 : vector<1x128xi32>
    %ne3A_408 = arith.constant 0 : i32
    %ne3A_409 = vector.broadcast %ne3A_408 : i32 to vector<1x128xi32>
    %ne3A_410 = arith.cmpi ne, %and3A_407, %ne3A_409 : vector<1x128xi32>
    %and3A_411 = arith.constant 1 : i32
    %and3A_412 = vector.broadcast %and3A_411 : i32 to vector<1x128xi32>
    %and3A_413 = arith.andi %and3A_6, %and3A_412 : vector<1x128xi32>
    %eq3A_414 = arith.constant 0 : i32
    %eq3A_415 = vector.broadcast %eq3A_414 : i32 to vector<1x128xi32>
    %eq3A_416 = arith.cmpi eq, %and3A_413, %eq3A_415 : vector<1x128xi32>
    %and3A_417 = arith.constant 16 : i32
    %and3A_418 = vector.broadcast %and3A_417 : i32 to vector<1x128xi32>
    %and3A_419 = arith.andi %and3A_6, %and3A_418 : vector<1x128xi32>
    %ne3A_420 = arith.constant 0 : i32
    %ne3A_421 = vector.broadcast %ne3A_420 : i32 to vector<1x128xi32>
    %ne3A_422 = arith.cmpi ne, %and3A_419, %ne3A_421 : vector<1x128xi32>
    %xor3A_423 = arith.xori %eq3A_416, %ne3A_422 : vector<1x128xi1>
    %roll3A_424 = arith.constant 1 : i32
    %roll3A_425 = tpu.dynamic_rotate %select_n3A_403 by %roll3A_424 dim 1 : vector<128x128xf32>, i32 -> vector<128x128xf32>
    %roll3A_426 = arith.constant 127 : i32
    %roll3A_427 = tpu.dynamic_rotate %select_n3A_403 by %roll3A_426 dim 1 : vector<128x128xf32>, i32 -> vector<128x128xf32>
    %broadcast_in_dim3A_428 = vector.shape_cast %ne3A_410 : vector<1x128xi1> to vector<1x128xi1>
    %broadcast_in_dim3A_429 = vector.broadcast %broadcast_in_dim3A_428 : vector<1x128xi1> to vector<128x128xi1>
    %select_n3A_430 = arith.select %broadcast_in_dim3A_429, %roll3A_425, %roll3A_427 : vector<128x128xi1>, vector<128x128xf32>
    %roll3A_431 = arith.constant 1 : i32
    %roll3A_432 = tpu.dynamic_rotate %select_n3A_404 by %roll3A_431 dim 1 : vector<128x128xi32>, i32 -> vector<128x128xi32>
    %roll3A_433 = arith.constant 127 : i32
    %roll3A_434 = tpu.dynamic_rotate %select_n3A_404 by %roll3A_433 dim 1 : vector<128x128xi32>, i32 -> vector<128x128xi32>
    %broadcast_in_dim3A_435 = vector.shape_cast %ne3A_410 : vector<1x128xi1> to vector<1x128xi1>
    %broadcast_in_dim3A_436 = vector.broadcast %broadcast_in_dim3A_435 : vector<1x128xi1> to vector<128x128xi1>
    %select_n3A_437 = arith.select %broadcast_in_dim3A_436, %roll3A_432, %roll3A_434 : vector<128x128xi1>, vector<128x128xi32>
    %lt3A_438 = arith.cmpf olt, %select_n3A_403, %select_n3A_430 : vector<128x128xf32>
    %eq3A_439 = arith.cmpf oeq, %select_n3A_403, %select_n3A_430 : vector<128x128xf32>
    %gt3A_440 = arith.cmpi sgt, %select_n3A_404, %select_n3A_437 : vector<128x128xi32>
    %and3A_441 = arith.andi %eq3A_439, %gt3A_440 : vector<128x128xi1>
    %or3A_442 = arith.ori %lt3A_438, %and3A_441 : vector<128x128xi1>
    %eq3A_443 = vector.broadcast %xor3A_423 : vector<1x128xi1> to vector<128x128xi1>
    %eq3A_444 = vector.broadcast %eq3A_443 : vector<128x128xi1> to vector<128x128xi1>
    %eq3A_445 = arith.xori %or3A_442, %eq3A_444 : vector<128x128xi1>
    %eq3A_446 = arith.constant dense<true> : vector<128x128xi1>
    %eq3A_447 = arith.xori %eq3A_445, %eq3A_446 : vector<128x128xi1>
    %select_n3A_448 = arith.select %eq3A_447, %select_n3A_403, %select_n3A_430 : vector<128x128xi1>, vector<128x128xf32>
    %select_n3A_449 = arith.select %eq3A_447, %select_n3A_404, %select_n3A_437 : vector<128x128xi1>, vector<128x128xi32>
    %and3A_450 = arith.constant 16 : i32
    %and3A_451 = vector.broadcast %and3A_450 : i32 to vector<1x128xi32>
    %and3A_452 = arith.andi %and3A_6, %and3A_451 : vector<1x128xi32>
    %ne3A_453 = arith.constant 0 : i32
    %ne3A_454 = vector.broadcast %ne3A_453 : i32 to vector<1x128xi32>
    %ne3A_455 = arith.cmpi ne, %and3A_452, %ne3A_454 : vector<1x128xi32>
    %and3A_456 = arith.constant 16 : i32
    %and3A_457 = vector.broadcast %and3A_456 : i32 to vector<1x128xi32>
    %and3A_458 = arith.andi %and3A_6, %and3A_457 : vector<1x128xi32>
    %eq3A_459 = arith.constant 0 : i32
    %eq3A_460 = vector.broadcast %eq3A_459 : i32 to vector<1x128xi32>
    %eq3A_461 = arith.cmpi eq, %and3A_458, %eq3A_460 : vector<1x128xi32>
    %and3A_462 = arith.constant 32 : i32
    %and3A_463 = vector.broadcast %and3A_462 : i32 to vector<1x128xi32>
    %and3A_464 = arith.andi %and3A_6, %and3A_463 : vector<1x128xi32>
    %ne3A_465 = arith.constant 0 : i32
    %ne3A_466 = vector.broadcast %ne3A_465 : i32 to vector<1x128xi32>
    %ne3A_467 = arith.cmpi ne, %and3A_464, %ne3A_466 : vector<1x128xi32>
    %xor3A_468 = arith.xori %eq3A_461, %ne3A_467 : vector<1x128xi1>
    %roll3A_469 = arith.constant 16 : i32
    %roll3A_470 = tpu.dynamic_rotate %select_n3A_448 by %roll3A_469 dim 1 : vector<128x128xf32>, i32 -> vector<128x128xf32>
    %roll3A_471 = arith.constant 112 : i32
    %roll3A_472 = tpu.dynamic_rotate %select_n3A_448 by %roll3A_471 dim 1 : vector<128x128xf32>, i32 -> vector<128x128xf32>
    %broadcast_in_dim3A_473 = vector.shape_cast %ne3A_455 : vector<1x128xi1> to vector<1x128xi1>
    %broadcast_in_dim3A_474 = vector.broadcast %broadcast_in_dim3A_473 : vector<1x128xi1> to vector<128x128xi1>
    %select_n3A_475 = arith.select %broadcast_in_dim3A_474, %roll3A_470, %roll3A_472 : vector<128x128xi1>, vector<128x128xf32>
    %roll3A_476 = arith.constant 16 : i32
    %roll3A_477 = tpu.dynamic_rotate %select_n3A_449 by %roll3A_476 dim 1 : vector<128x128xi32>, i32 -> vector<128x128xi32>
    %roll3A_478 = arith.constant 112 : i32
    %roll3A_479 = tpu.dynamic_rotate %select_n3A_449 by %roll3A_478 dim 1 : vector<128x128xi32>, i32 -> vector<128x128xi32>
    %broadcast_in_dim3A_480 = vector.shape_cast %ne3A_455 : vector<1x128xi1> to vector<1x128xi1>
    %broadcast_in_dim3A_481 = vector.broadcast %broadcast_in_dim3A_480 : vector<1x128xi1> to vector<128x128xi1>
    %select_n3A_482 = arith.select %broadcast_in_dim3A_481, %roll3A_477, %roll3A_479 : vector<128x128xi1>, vector<128x128xi32>
    %lt3A_483 = arith.cmpf olt, %select_n3A_448, %select_n3A_475 : vector<128x128xf32>
    %eq3A_484 = arith.cmpf oeq, %select_n3A_448, %select_n3A_475 : vector<128x128xf32>
    %gt3A_485 = arith.cmpi sgt, %select_n3A_449, %select_n3A_482 : vector<128x128xi32>
    %and3A_486 = arith.andi %eq3A_484, %gt3A_485 : vector<128x128xi1>
    %or3A_487 = arith.ori %lt3A_483, %and3A_486 : vector<128x128xi1>
    %eq3A_488 = vector.broadcast %xor3A_468 : vector<1x128xi1> to vector<128x128xi1>
    %eq3A_489 = vector.broadcast %eq3A_488 : vector<128x128xi1> to vector<128x128xi1>
    %eq3A_490 = arith.xori %or3A_487, %eq3A_489 : vector<128x128xi1>
    %eq3A_491 = arith.constant dense<true> : vector<128x128xi1>
    %eq3A_492 = arith.xori %eq3A_490, %eq3A_491 : vector<128x128xi1>
    %select_n3A_493 = arith.select %eq3A_492, %select_n3A_448, %select_n3A_475 : vector<128x128xi1>, vector<128x128xf32>
    %select_n3A_494 = arith.select %eq3A_492, %select_n3A_449, %select_n3A_482 : vector<128x128xi1>, vector<128x128xi32>
    %and3A_495 = arith.constant 8 : i32
    %and3A_496 = vector.broadcast %and3A_495 : i32 to vector<1x128xi32>
    %and3A_497 = arith.andi %and3A_6, %and3A_496 : vector<1x128xi32>
    %ne3A_498 = arith.constant 0 : i32
    %ne3A_499 = vector.broadcast %ne3A_498 : i32 to vector<1x128xi32>
    %ne3A_500 = arith.cmpi ne, %and3A_497, %ne3A_499 : vector<1x128xi32>
    %and3A_501 = arith.constant 8 : i32
    %and3A_502 = vector.broadcast %and3A_501 : i32 to vector<1x128xi32>
    %and3A_503 = arith.andi %and3A_6, %and3A_502 : vector<1x128xi32>
    %eq3A_504 = arith.constant 0 : i32
    %eq3A_505 = vector.broadcast %eq3A_504 : i32 to vector<1x128xi32>
    %eq3A_506 = arith.cmpi eq, %and3A_503, %eq3A_505 : vector<1x128xi32>
    %and3A_507 = arith.constant 32 : i32
    %and3A_508 = vector.broadcast %and3A_507 : i32 to vector<1x128xi32>
    %and3A_509 = arith.andi %and3A_6, %and3A_508 : vector<1x128xi32>
    %ne3A_510 = arith.constant 0 : i32
    %ne3A_511 = vector.broadcast %ne3A_510 : i32 to vector<1x128xi32>
    %ne3A_512 = arith.cmpi ne, %and3A_509, %ne3A_511 : vector<1x128xi32>
    %xor3A_513 = arith.xori %eq3A_506, %ne3A_512 : vector<1x128xi1>
    %roll3A_514 = arith.constant 8 : i32
    %roll3A_515 = tpu.dynamic_rotate %select_n3A_493 by %roll3A_514 dim 1 : vector<128x128xf32>, i32 -> vector<128x128xf32>
    %roll3A_516 = arith.constant 120 : i32
    %roll3A_517 = tpu.dynamic_rotate %select_n3A_493 by %roll3A_516 dim 1 : vector<128x128xf32>, i32 -> vector<128x128xf32>
    %broadcast_in_dim3A_518 = vector.shape_cast %ne3A_500 : vector<1x128xi1> to vector<1x128xi1>
    %broadcast_in_dim3A_519 = vector.broadcast %broadcast_in_dim3A_518 : vector<1x128xi1> to vector<128x128xi1>
    %select_n3A_520 = arith.select %broadcast_in_dim3A_519, %roll3A_515, %roll3A_517 : vector<128x128xi1>, vector<128x128xf32>
    %roll3A_521 = arith.constant 8 : i32
    %roll3A_522 = tpu.dynamic_rotate %select_n3A_494 by %roll3A_521 dim 1 : vector<128x128xi32>, i32 -> vector<128x128xi32>
    %roll3A_523 = arith.constant 120 : i32
    %roll3A_524 = tpu.dynamic_rotate %select_n3A_494 by %roll3A_523 dim 1 : vector<128x128xi32>, i32 -> vector<128x128xi32>
    %broadcast_in_dim3A_525 = vector.shape_cast %ne3A_500 : vector<1x128xi1> to vector<1x128xi1>
    %broadcast_in_dim3A_526 = vector.broadcast %broadcast_in_dim3A_525 : vector<1x128xi1> to vector<128x128xi1>
    %select_n3A_527 = arith.select %broadcast_in_dim3A_526, %roll3A_522, %roll3A_524 : vector<128x128xi1>, vector<128x128xi32>
    %lt3A_528 = arith.cmpf olt, %select_n3A_493, %select_n3A_520 : vector<128x128xf32>
    %eq3A_529 = arith.cmpf oeq, %select_n3A_493, %select_n3A_520 : vector<128x128xf32>
    %gt3A_530 = arith.cmpi sgt, %select_n3A_494, %select_n3A_527 : vector<128x128xi32>
    %and3A_531 = arith.andi %eq3A_529, %gt3A_530 : vector<128x128xi1>
    %or3A_532 = arith.ori %lt3A_528, %and3A_531 : vector<128x128xi1>
    %eq3A_533 = vector.broadcast %xor3A_513 : vector<1x128xi1> to vector<128x128xi1>
    %eq3A_534 = vector.broadcast %eq3A_533 : vector<128x128xi1> to vector<128x128xi1>
    %eq3A_535 = arith.xori %or3A_532, %eq3A_534 : vector<128x128xi1>
    %eq3A_536 = arith.constant dense<true> : vector<128x128xi1>
    %eq3A_537 = arith.xori %eq3A_535, %eq3A_536 : vector<128x128xi1>
    %select_n3A_538 = arith.select %eq3A_537, %select_n3A_493, %select_n3A_520 : vector<128x128xi1>, vector<128x128xf32>
    %select_n3A_539 = arith.select %eq3A_537, %select_n3A_494, %select_n3A_527 : vector<128x128xi1>, vector<128x128xi32>
    %and3A_540 = arith.constant 4 : i32
    %and3A_541 = vector.broadcast %and3A_540 : i32 to vector<1x128xi32>
    %and3A_542 = arith.andi %and3A_6, %and3A_541 : vector<1x128xi32>
    %ne3A_543 = arith.constant 0 : i32
    %ne3A_544 = vector.broadcast %ne3A_543 : i32 to vector<1x128xi32>
    %ne3A_545 = arith.cmpi ne, %and3A_542, %ne3A_544 : vector<1x128xi32>
    %and3A_546 = arith.constant 4 : i32
    %and3A_547 = vector.broadcast %and3A_546 : i32 to vector<1x128xi32>
    %and3A_548 = arith.andi %and3A_6, %and3A_547 : vector<1x128xi32>
    %eq3A_549 = arith.constant 0 : i32
    %eq3A_550 = vector.broadcast %eq3A_549 : i32 to vector<1x128xi32>
    %eq3A_551 = arith.cmpi eq, %and3A_548, %eq3A_550 : vector<1x128xi32>
    %and3A_552 = arith.constant 32 : i32
    %and3A_553 = vector.broadcast %and3A_552 : i32 to vector<1x128xi32>
    %and3A_554 = arith.andi %and3A_6, %and3A_553 : vector<1x128xi32>
    %ne3A_555 = arith.constant 0 : i32
    %ne3A_556 = vector.broadcast %ne3A_555 : i32 to vector<1x128xi32>
    %ne3A_557 = arith.cmpi ne, %and3A_554, %ne3A_556 : vector<1x128xi32>
    %xor3A_558 = arith.xori %eq3A_551, %ne3A_557 : vector<1x128xi1>
    %roll3A_559 = arith.constant 4 : i32
    %roll3A_560 = tpu.dynamic_rotate %select_n3A_538 by %roll3A_559 dim 1 : vector<128x128xf32>, i32 -> vector<128x128xf32>
    %roll3A_561 = arith.constant 124 : i32
    %roll3A_562 = tpu.dynamic_rotate %select_n3A_538 by %roll3A_561 dim 1 : vector<128x128xf32>, i32 -> vector<128x128xf32>
    %broadcast_in_dim3A_563 = vector.shape_cast %ne3A_545 : vector<1x128xi1> to vector<1x128xi1>
    %broadcast_in_dim3A_564 = vector.broadcast %broadcast_in_dim3A_563 : vector<1x128xi1> to vector<128x128xi1>
    %select_n3A_565 = arith.select %broadcast_in_dim3A_564, %roll3A_560, %roll3A_562 : vector<128x128xi1>, vector<128x128xf32>
    %roll3A_566 = arith.constant 4 : i32
    %roll3A_567 = tpu.dynamic_rotate %select_n3A_539 by %roll3A_566 dim 1 : vector<128x128xi32>, i32 -> vector<128x128xi32>
    %roll3A_568 = arith.constant 124 : i32
    %roll3A_569 = tpu.dynamic_rotate %select_n3A_539 by %roll3A_568 dim 1 : vector<128x128xi32>, i32 -> vector<128x128xi32>
    %broadcast_in_dim3A_570 = vector.shape_cast %ne3A_545 : vector<1x128xi1> to vector<1x128xi1>
    %broadcast_in_dim3A_571 = vector.broadcast %broadcast_in_dim3A_570 : vector<1x128xi1> to vector<128x128xi1>
    %select_n3A_572 = arith.select %broadcast_in_dim3A_571, %roll3A_567, %roll3A_569 : vector<128x128xi1>, vector<128x128xi32>
    %lt3A_573 = arith.cmpf olt, %select_n3A_538, %select_n3A_565 : vector<128x128xf32>
    %eq3A_574 = arith.cmpf oeq, %select_n3A_538, %select_n3A_565 : vector<128x128xf32>
    %gt3A_575 = arith.cmpi sgt, %select_n3A_539, %select_n3A_572 : vector<128x128xi32>
    %and3A_576 = arith.andi %eq3A_574, %gt3A_575 : vector<128x128xi1>
    %or3A_577 = arith.ori %lt3A_573, %and3A_576 : vector<128x128xi1>
    %eq3A_578 = vector.broadcast %xor3A_558 : vector<1x128xi1> to vector<128x128xi1>
    %eq3A_579 = vector.broadcast %eq3A_578 : vector<128x128xi1> to vector<128x128xi1>
    %eq3A_580 = arith.xori %or3A_577, %eq3A_579 : vector<128x128xi1>
    %eq3A_581 = arith.constant dense<true> : vector<128x128xi1>
    %eq3A_582 = arith.xori %eq3A_580, %eq3A_581 : vector<128x128xi1>
    %select_n3A_583 = arith.select %eq3A_582, %select_n3A_538, %select_n3A_565 : vector<128x128xi1>, vector<128x128xf32>
    %select_n3A_584 = arith.select %eq3A_582, %select_n3A_539, %select_n3A_572 : vector<128x128xi1>, vector<128x128xi32>
    %and3A_585 = arith.constant 2 : i32
    %and3A_586 = vector.broadcast %and3A_585 : i32 to vector<1x128xi32>
    %and3A_587 = arith.andi %and3A_6, %and3A_586 : vector<1x128xi32>
    %ne3A_588 = arith.constant 0 : i32
    %ne3A_589 = vector.broadcast %ne3A_588 : i32 to vector<1x128xi32>
    %ne3A_590 = arith.cmpi ne, %and3A_587, %ne3A_589 : vector<1x128xi32>
    %and3A_591 = arith.constant 2 : i32
    %and3A_592 = vector.broadcast %and3A_591 : i32 to vector<1x128xi32>
    %and3A_593 = arith.andi %and3A_6, %and3A_592 : vector<1x128xi32>
    %eq3A_594 = arith.constant 0 : i32
    %eq3A_595 = vector.broadcast %eq3A_594 : i32 to vector<1x128xi32>
    %eq3A_596 = arith.cmpi eq, %and3A_593, %eq3A_595 : vector<1x128xi32>
    %and3A_597 = arith.constant 32 : i32
    %and3A_598 = vector.broadcast %and3A_597 : i32 to vector<1x128xi32>
    %and3A_599 = arith.andi %and3A_6, %and3A_598 : vector<1x128xi32>
    %ne3A_600 = arith.constant 0 : i32
    %ne3A_601 = vector.broadcast %ne3A_600 : i32 to vector<1x128xi32>
    %ne3A_602 = arith.cmpi ne, %and3A_599, %ne3A_601 : vector<1x128xi32>
    %xor3A_603 = arith.xori %eq3A_596, %ne3A_602 : vector<1x128xi1>
    %roll3A_604 = arith.constant 2 : i32
    %roll3A_605 = tpu.dynamic_rotate %select_n3A_583 by %roll3A_604 dim 1 : vector<128x128xf32>, i32 -> vector<128x128xf32>
    %roll3A_606 = arith.constant 126 : i32
    %roll3A_607 = tpu.dynamic_rotate %select_n3A_583 by %roll3A_606 dim 1 : vector<128x128xf32>, i32 -> vector<128x128xf32>
    %broadcast_in_dim3A_608 = vector.shape_cast %ne3A_590 : vector<1x128xi1> to vector<1x128xi1>
    %broadcast_in_dim3A_609 = vector.broadcast %broadcast_in_dim3A_608 : vector<1x128xi1> to vector<128x128xi1>
    %select_n3A_610 = arith.select %broadcast_in_dim3A_609, %roll3A_605, %roll3A_607 : vector<128x128xi1>, vector<128x128xf32>
    %roll3A_611 = arith.constant 2 : i32
    %roll3A_612 = tpu.dynamic_rotate %select_n3A_584 by %roll3A_611 dim 1 : vector<128x128xi32>, i32 -> vector<128x128xi32>
    %roll3A_613 = arith.constant 126 : i32
    %roll3A_614 = tpu.dynamic_rotate %select_n3A_584 by %roll3A_613 dim 1 : vector<128x128xi32>, i32 -> vector<128x128xi32>
    %broadcast_in_dim3A_615 = vector.shape_cast %ne3A_590 : vector<1x128xi1> to vector<1x128xi1>
    %broadcast_in_dim3A_616 = vector.broadcast %broadcast_in_dim3A_615 : vector<1x128xi1> to vector<128x128xi1>
    %select_n3A_617 = arith.select %broadcast_in_dim3A_616, %roll3A_612, %roll3A_614 : vector<128x128xi1>, vector<128x128xi32>
    %lt3A_618 = arith.cmpf olt, %select_n3A_583, %select_n3A_610 : vector<128x128xf32>
    %eq3A_619 = arith.cmpf oeq, %select_n3A_583, %select_n3A_610 : vector<128x128xf32>
    %gt3A_620 = arith.cmpi sgt, %select_n3A_584, %select_n3A_617 : vector<128x128xi32>
    %and3A_621 = arith.andi %eq3A_619, %gt3A_620 : vector<128x128xi1>
    %or3A_622 = arith.ori %lt3A_618, %and3A_621 : vector<128x128xi1>
    %eq3A_623 = vector.broadcast %xor3A_603 : vector<1x128xi1> to vector<128x128xi1>
    %eq3A_624 = vector.broadcast %eq3A_623 : vector<128x128xi1> to vector<128x128xi1>
    %eq3A_625 = arith.xori %or3A_622, %eq3A_624 : vector<128x128xi1>
    %eq3A_626 = arith.constant dense<true> : vector<128x128xi1>
    %eq3A_627 = arith.xori %eq3A_625, %eq3A_626 : vector<128x128xi1>
    %select_n3A_628 = arith.select %eq3A_627, %select_n3A_583, %select_n3A_610 : vector<128x128xi1>, vector<128x128xf32>
    %select_n3A_629 = arith.select %eq3A_627, %select_n3A_584, %select_n3A_617 : vector<128x128xi1>, vector<128x128xi32>
    %and3A_630 = arith.constant 1 : i32
    %and3A_631 = vector.broadcast %and3A_630 : i32 to vector<1x128xi32>
    %and3A_632 = arith.andi %and3A_6, %and3A_631 : vector<1x128xi32>
    %ne3A_633 = arith.constant 0 : i32
    %ne3A_634 = vector.broadcast %ne3A_633 : i32 to vector<1x128xi32>
    %ne3A_635 = arith.cmpi ne, %and3A_632, %ne3A_634 : vector<1x128xi32>
    %and3A_636 = arith.constant 1 : i32
    %and3A_637 = vector.broadcast %and3A_636 : i32 to vector<1x128xi32>
    %and3A_638 = arith.andi %and3A_6, %and3A_637 : vector<1x128xi32>
    %eq3A_639 = arith.constant 0 : i32
    %eq3A_640 = vector.broadcast %eq3A_639 : i32 to vector<1x128xi32>
    %eq3A_641 = arith.cmpi eq, %and3A_638, %eq3A_640 : vector<1x128xi32>
    %and3A_642 = arith.constant 32 : i32
    %and3A_643 = vector.broadcast %and3A_642 : i32 to vector<1x128xi32>
    %and3A_644 = arith.andi %and3A_6, %and3A_643 : vector<1x128xi32>
    %ne3A_645 = arith.constant 0 : i32
    %ne3A_646 = vector.broadcast %ne3A_645 : i32 to vector<1x128xi32>
    %ne3A_647 = arith.cmpi ne, %and3A_644, %ne3A_646 : vector<1x128xi32>
    %xor3A_648 = arith.xori %eq3A_641, %ne3A_647 : vector<1x128xi1>
    %roll3A_649 = arith.constant 1 : i32
    %roll3A_650 = tpu.dynamic_rotate %select_n3A_628 by %roll3A_649 dim 1 : vector<128x128xf32>, i32 -> vector<128x128xf32>
    %roll3A_651 = arith.constant 127 : i32
    %roll3A_652 = tpu.dynamic_rotate %select_n3A_628 by %roll3A_651 dim 1 : vector<128x128xf32>, i32 -> vector<128x128xf32>
    %broadcast_in_dim3A_653 = vector.shape_cast %ne3A_635 : vector<1x128xi1> to vector<1x128xi1>
    %broadcast_in_dim3A_654 = vector.broadcast %broadcast_in_dim3A_653 : vector<1x128xi1> to vector<128x128xi1>
    %select_n3A_655 = arith.select %broadcast_in_dim3A_654, %roll3A_650, %roll3A_652 : vector<128x128xi1>, vector<128x128xf32>
    %roll3A_656 = arith.constant 1 : i32
    %roll3A_657 = tpu.dynamic_rotate %select_n3A_629 by %roll3A_656 dim 1 : vector<128x128xi32>, i32 -> vector<128x128xi32>
    %roll3A_658 = arith.constant 127 : i32
    %roll3A_659 = tpu.dynamic_rotate %select_n3A_629 by %roll3A_658 dim 1 : vector<128x128xi32>, i32 -> vector<128x128xi32>
    %broadcast_in_dim3A_660 = vector.shape_cast %ne3A_635 : vector<1x128xi1> to vector<1x128xi1>
    %broadcast_in_dim3A_661 = vector.broadcast %broadcast_in_dim3A_660 : vector<1x128xi1> to vector<128x128xi1>
    %select_n3A_662 = arith.select %broadcast_in_dim3A_661, %roll3A_657, %roll3A_659 : vector<128x128xi1>, vector<128x128xi32>
    %lt3A_663 = arith.cmpf olt, %select_n3A_628, %select_n3A_655 : vector<128x128xf32>
    %eq3A_664 = arith.cmpf oeq, %select_n3A_628, %select_n3A_655 : vector<128x128xf32>
    %gt3A_665 = arith.cmpi sgt, %select_n3A_629, %select_n3A_662 : vector<128x128xi32>
    %and3A_666 = arith.andi %eq3A_664, %gt3A_665 : vector<128x128xi1>
    %or3A_667 = arith.ori %lt3A_663, %and3A_666 : vector<128x128xi1>
    %eq3A_668 = vector.broadcast %xor3A_648 : vector<1x128xi1> to vector<128x128xi1>
    %eq3A_669 = vector.broadcast %eq3A_668 : vector<128x128xi1> to vector<128x128xi1>
    %eq3A_670 = arith.xori %or3A_667, %eq3A_669 : vector<128x128xi1>
    %eq3A_671 = arith.constant dense<true> : vector<128x128xi1>
    %eq3A_672 = arith.xori %eq3A_670, %eq3A_671 : vector<128x128xi1>
    %select_n3A_673 = arith.select %eq3A_672, %select_n3A_628, %select_n3A_655 : vector<128x128xi1>, vector<128x128xf32>
    %select_n3A_674 = arith.select %eq3A_672, %select_n3A_629, %select_n3A_662 : vector<128x128xi1>, vector<128x128xi32>
    %and3A_675 = arith.constant 32 : i32
    %and3A_676 = vector.broadcast %and3A_675 : i32 to vector<1x128xi32>
    %and3A_677 = arith.andi %and3A_6, %and3A_676 : vector<1x128xi32>
    %ne3A_678 = arith.constant 0 : i32
    %ne3A_679 = vector.broadcast %ne3A_678 : i32 to vector<1x128xi32>
    %ne3A_680 = arith.cmpi ne, %and3A_677, %ne3A_679 : vector<1x128xi32>
    %and3A_681 = arith.constant 32 : i32
    %and3A_682 = vector.broadcast %and3A_681 : i32 to vector<1x128xi32>
    %and3A_683 = arith.andi %and3A_6, %and3A_682 : vector<1x128xi32>
    %eq3A_684 = arith.constant 0 : i32
    %eq3A_685 = vector.broadcast %eq3A_684 : i32 to vector<1x128xi32>
    %eq3A_686 = arith.cmpi eq, %and3A_683, %eq3A_685 : vector<1x128xi32>
    %and3A_687 = arith.constant 64 : i32
    %and3A_688 = vector.broadcast %and3A_687 : i32 to vector<1x128xi32>
    %and3A_689 = arith.andi %and3A_6, %and3A_688 : vector<1x128xi32>
    %ne3A_690 = arith.constant 0 : i32
    %ne3A_691 = vector.broadcast %ne3A_690 : i32 to vector<1x128xi32>
    %ne3A_692 = arith.cmpi ne, %and3A_689, %ne3A_691 : vector<1x128xi32>
    %xor3A_693 = arith.xori %eq3A_686, %ne3A_692 : vector<1x128xi1>
    %roll3A_694 = arith.constant 32 : i32
    %roll3A_695 = tpu.dynamic_rotate %select_n3A_673 by %roll3A_694 dim 1 : vector<128x128xf32>, i32 -> vector<128x128xf32>
    %roll3A_696 = arith.constant 96 : i32
    %roll3A_697 = tpu.dynamic_rotate %select_n3A_673 by %roll3A_696 dim 1 : vector<128x128xf32>, i32 -> vector<128x128xf32>
    %broadcast_in_dim3A_698 = vector.shape_cast %ne3A_680 : vector<1x128xi1> to vector<1x128xi1>
    %broadcast_in_dim3A_699 = vector.broadcast %broadcast_in_dim3A_698 : vector<1x128xi1> to vector<128x128xi1>
    %select_n3A_700 = arith.select %broadcast_in_dim3A_699, %roll3A_695, %roll3A_697 : vector<128x128xi1>, vector<128x128xf32>
    %roll3A_701 = arith.constant 32 : i32
    %roll3A_702 = tpu.dynamic_rotate %select_n3A_674 by %roll3A_701 dim 1 : vector<128x128xi32>, i32 -> vector<128x128xi32>
    %roll3A_703 = arith.constant 96 : i32
    %roll3A_704 = tpu.dynamic_rotate %select_n3A_674 by %roll3A_703 dim 1 : vector<128x128xi32>, i32 -> vector<128x128xi32>
    %broadcast_in_dim3A_705 = vector.shape_cast %ne3A_680 : vector<1x128xi1> to vector<1x128xi1>
    %broadcast_in_dim3A_706 = vector.broadcast %broadcast_in_dim3A_705 : vector<1x128xi1> to vector<128x128xi1>
    %select_n3A_707 = arith.select %broadcast_in_dim3A_706, %roll3A_702, %roll3A_704 : vector<128x128xi1>, vector<128x128xi32>
    %lt3A_708 = arith.cmpf olt, %select_n3A_673, %select_n3A_700 : vector<128x128xf32>
    %eq3A_709 = arith.cmpf oeq, %select_n3A_673, %select_n3A_700 : vector<128x128xf32>
    %gt3A_710 = arith.cmpi sgt, %select_n3A_674, %select_n3A_707 : vector<128x128xi32>
    %and3A_711 = arith.andi %eq3A_709, %gt3A_710 : vector<128x128xi1>
    %or3A_712 = arith.ori %lt3A_708, %and3A_711 : vector<128x128xi1>
    %eq3A_713 = vector.broadcast %xor3A_693 : vector<1x128xi1> to vector<128x128xi1>
    %eq3A_714 = vector.broadcast %eq3A_713 : vector<128x128xi1> to vector<128x128xi1>
    %eq3A_715 = arith.xori %or3A_712, %eq3A_714 : vector<128x128xi1>
    %eq3A_716 = arith.constant dense<true> : vector<128x128xi1>
    %eq3A_717 = arith.xori %eq3A_715, %eq3A_716 : vector<128x128xi1>
    %select_n3A_718 = arith.select %eq3A_717, %select_n3A_673, %select_n3A_700 : vector<128x128xi1>, vector<128x128xf32>
    %select_n3A_719 = arith.select %eq3A_717, %select_n3A_674, %select_n3A_707 : vector<128x128xi1>, vector<128x128xi32>
    %and3A_720 = arith.constant 16 : i32
    %and3A_721 = vector.broadcast %and3A_720 : i32 to vector<1x128xi32>
    %and3A_722 = arith.andi %and3A_6, %and3A_721 : vector<1x128xi32>
    %ne3A_723 = arith.constant 0 : i32
    %ne3A_724 = vector.broadcast %ne3A_723 : i32 to vector<1x128xi32>
    %ne3A_725 = arith.cmpi ne, %and3A_722, %ne3A_724 : vector<1x128xi32>
    %and3A_726 = arith.constant 16 : i32
    %and3A_727 = vector.broadcast %and3A_726 : i32 to vector<1x128xi32>
    %and3A_728 = arith.andi %and3A_6, %and3A_727 : vector<1x128xi32>
    %eq3A_729 = arith.constant 0 : i32
    %eq3A_730 = vector.broadcast %eq3A_729 : i32 to vector<1x128xi32>
    %eq3A_731 = arith.cmpi eq, %and3A_728, %eq3A_730 : vector<1x128xi32>
    %and3A_732 = arith.constant 64 : i32
    %and3A_733 = vector.broadcast %and3A_732 : i32 to vector<1x128xi32>
    %and3A_734 = arith.andi %and3A_6, %and3A_733 : vector<1x128xi32>
    %ne3A_735 = arith.constant 0 : i32
    %ne3A_736 = vector.broadcast %ne3A_735 : i32 to vector<1x128xi32>
    %ne3A_737 = arith.cmpi ne, %and3A_734, %ne3A_736 : vector<1x128xi32>
    %xor3A_738 = arith.xori %eq3A_731, %ne3A_737 : vector<1x128xi1>
    %roll3A_739 = arith.constant 16 : i32
    %roll3A_740 = tpu.dynamic_rotate %select_n3A_718 by %roll3A_739 dim 1 : vector<128x128xf32>, i32 -> vector<128x128xf32>
    %roll3A_741 = arith.constant 112 : i32
    %roll3A_742 = tpu.dynamic_rotate %select_n3A_718 by %roll3A_741 dim 1 : vector<128x128xf32>, i32 -> vector<128x128xf32>
    %broadcast_in_dim3A_743 = vector.shape_cast %ne3A_725 : vector<1x128xi1> to vector<1x128xi1>
    %broadcast_in_dim3A_744 = vector.broadcast %broadcast_in_dim3A_743 : vector<1x128xi1> to vector<128x128xi1>
    %select_n3A_745 = arith.select %broadcast_in_dim3A_744, %roll3A_740, %roll3A_742 : vector<128x128xi1>, vector<128x128xf32>
    %roll3A_746 = arith.constant 16 : i32
    %roll3A_747 = tpu.dynamic_rotate %select_n3A_719 by %roll3A_746 dim 1 : vector<128x128xi32>, i32 -> vector<128x128xi32>
    %roll3A_748 = arith.constant 112 : i32
    %roll3A_749 = tpu.dynamic_rotate %select_n3A_719 by %roll3A_748 dim 1 : vector<128x128xi32>, i32 -> vector<128x128xi32>
    %broadcast_in_dim3A_750 = vector.shape_cast %ne3A_725 : vector<1x128xi1> to vector<1x128xi1>
    %broadcast_in_dim3A_751 = vector.broadcast %broadcast_in_dim3A_750 : vector<1x128xi1> to vector<128x128xi1>
    %select_n3A_752 = arith.select %broadcast_in_dim3A_751, %roll3A_747, %roll3A_749 : vector<128x128xi1>, vector<128x128xi32>
    %lt3A_753 = arith.cmpf olt, %select_n3A_718, %select_n3A_745 : vector<128x128xf32>
    %eq3A_754 = arith.cmpf oeq, %select_n3A_718, %select_n3A_745 : vector<128x128xf32>
    %gt3A_755 = arith.cmpi sgt, %select_n3A_719, %select_n3A_752 : vector<128x128xi32>
    %and3A_756 = arith.andi %eq3A_754, %gt3A_755 : vector<128x128xi1>
    %or3A_757 = arith.ori %lt3A_753, %and3A_756 : vector<128x128xi1>
    %eq3A_758 = vector.broadcast %xor3A_738 : vector<1x128xi1> to vector<128x128xi1>
    %eq3A_759 = vector.broadcast %eq3A_758 : vector<128x128xi1> to vector<128x128xi1>
    %eq3A_760 = arith.xori %or3A_757, %eq3A_759 : vector<128x128xi1>
    %eq3A_761 = arith.constant dense<true> : vector<128x128xi1>
    %eq3A_762 = arith.xori %eq3A_760, %eq3A_761 : vector<128x128xi1>
    %select_n3A_763 = arith.select %eq3A_762, %select_n3A_718, %select_n3A_745 : vector<128x128xi1>, vector<128x128xf32>
    %select_n3A_764 = arith.select %eq3A_762, %select_n3A_719, %select_n3A_752 : vector<128x128xi1>, vector<128x128xi32>
    %and3A_765 = arith.constant 8 : i32
    %and3A_766 = vector.broadcast %and3A_765 : i32 to vector<1x128xi32>
    %and3A_767 = arith.andi %and3A_6, %and3A_766 : vector<1x128xi32>
    %ne3A_768 = arith.constant 0 : i32
    %ne3A_769 = vector.broadcast %ne3A_768 : i32 to vector<1x128xi32>
    %ne3A_770 = arith.cmpi ne, %and3A_767, %ne3A_769 : vector<1x128xi32>
    %and3A_771 = arith.constant 8 : i32
    %and3A_772 = vector.broadcast %and3A_771 : i32 to vector<1x128xi32>
    %and3A_773 = arith.andi %and3A_6, %and3A_772 : vector<1x128xi32>
    %eq3A_774 = arith.constant 0 : i32
    %eq3A_775 = vector.broadcast %eq3A_774 : i32 to vector<1x128xi32>
    %eq3A_776 = arith.cmpi eq, %and3A_773, %eq3A_775 : vector<1x128xi32>
    %and3A_777 = arith.constant 64 : i32
    %and3A_778 = vector.broadcast %and3A_777 : i32 to vector<1x128xi32>
    %and3A_779 = arith.andi %and3A_6, %and3A_778 : vector<1x128xi32>
    %ne3A_780 = arith.constant 0 : i32
    %ne3A_781 = vector.broadcast %ne3A_780 : i32 to vector<1x128xi32>
    %ne3A_782 = arith.cmpi ne, %and3A_779, %ne3A_781 : vector<1x128xi32>
    %xor3A_783 = arith.xori %eq3A_776, %ne3A_782 : vector<1x128xi1>
    %roll3A_784 = arith.constant 8 : i32
    %roll3A_785 = tpu.dynamic_rotate %select_n3A_763 by %roll3A_784 dim 1 : vector<128x128xf32>, i32 -> vector<128x128xf32>
    %roll3A_786 = arith.constant 120 : i32
    %roll3A_787 = tpu.dynamic_rotate %select_n3A_763 by %roll3A_786 dim 1 : vector<128x128xf32>, i32 -> vector<128x128xf32>
    %broadcast_in_dim3A_788 = vector.shape_cast %ne3A_770 : vector<1x128xi1> to vector<1x128xi1>
    %broadcast_in_dim3A_789 = vector.broadcast %broadcast_in_dim3A_788 : vector<1x128xi1> to vector<128x128xi1>
    %select_n3A_790 = arith.select %broadcast_in_dim3A_789, %roll3A_785, %roll3A_787 : vector<128x128xi1>, vector<128x128xf32>
    %roll3A_791 = arith.constant 8 : i32
    %roll3A_792 = tpu.dynamic_rotate %select_n3A_764 by %roll3A_791 dim 1 : vector<128x128xi32>, i32 -> vector<128x128xi32>
    %roll3A_793 = arith.constant 120 : i32
    %roll3A_794 = tpu.dynamic_rotate %select_n3A_764 by %roll3A_793 dim 1 : vector<128x128xi32>, i32 -> vector<128x128xi32>
    %broadcast_in_dim3A_795 = vector.shape_cast %ne3A_770 : vector<1x128xi1> to vector<1x128xi1>
    %broadcast_in_dim3A_796 = vector.broadcast %broadcast_in_dim3A_795 : vector<1x128xi1> to vector<128x128xi1>
    %select_n3A_797 = arith.select %broadcast_in_dim3A_796, %roll3A_792, %roll3A_794 : vector<128x128xi1>, vector<128x128xi32>
    %lt3A_798 = arith.cmpf olt, %select_n3A_763, %select_n3A_790 : vector<128x128xf32>
    %eq3A_799 = arith.cmpf oeq, %select_n3A_763, %select_n3A_790 : vector<128x128xf32>
    %gt3A_800 = arith.cmpi sgt, %select_n3A_764, %select_n3A_797 : vector<128x128xi32>
    %and3A_801 = arith.andi %eq3A_799, %gt3A_800 : vector<128x128xi1>
    %or3A_802 = arith.ori %lt3A_798, %and3A_801 : vector<128x128xi1>
    %eq3A_803 = vector.broadcast %xor3A_783 : vector<1x128xi1> to vector<128x128xi1>
    %eq3A_804 = vector.broadcast %eq3A_803 : vector<128x128xi1> to vector<128x128xi1>
    %eq3A_805 = arith.xori %or3A_802, %eq3A_804 : vector<128x128xi1>
    %eq3A_806 = arith.constant dense<true> : vector<128x128xi1>
    %eq3A_807 = arith.xori %eq3A_805, %eq3A_806 : vector<128x128xi1>
    %select_n3A_808 = arith.select %eq3A_807, %select_n3A_763, %select_n3A_790 : vector<128x128xi1>, vector<128x128xf32>
    %select_n3A_809 = arith.select %eq3A_807, %select_n3A_764, %select_n3A_797 : vector<128x128xi1>, vector<128x128xi32>
    %and3A_810 = arith.constant 4 : i32
    %and3A_811 = vector.broadcast %and3A_810 : i32 to vector<1x128xi32>
    %and3A_812 = arith.andi %and3A_6, %and3A_811 : vector<1x128xi32>
    %ne3A_813 = arith.constant 0 : i32
    %ne3A_814 = vector.broadcast %ne3A_813 : i32 to vector<1x128xi32>
    %ne3A_815 = arith.cmpi ne, %and3A_812, %ne3A_814 : vector<1x128xi32>
    %and3A_816 = arith.constant 4 : i32
    %and3A_817 = vector.broadcast %and3A_816 : i32 to vector<1x128xi32>
    %and3A_818 = arith.andi %and3A_6, %and3A_817 : vector<1x128xi32>
    %eq3A_819 = arith.constant 0 : i32
    %eq3A_820 = vector.broadcast %eq3A_819 : i32 to vector<1x128xi32>
    %eq3A_821 = arith.cmpi eq, %and3A_818, %eq3A_820 : vector<1x128xi32>
    %and3A_822 = arith.constant 64 : i32
    %and3A_823 = vector.broadcast %and3A_822 : i32 to vector<1x128xi32>
    %and3A_824 = arith.andi %and3A_6, %and3A_823 : vector<1x128xi32>
    %ne3A_825 = arith.constant 0 : i32
    %ne3A_826 = vector.broadcast %ne3A_825 : i32 to vector<1x128xi32>
    %ne3A_827 = arith.cmpi ne, %and3A_824, %ne3A_826 : vector<1x128xi32>
    %xor3A_828 = arith.xori %eq3A_821, %ne3A_827 : vector<1x128xi1>
    %roll3A_829 = arith.constant 4 : i32
    %roll3A_830 = tpu.dynamic_rotate %select_n3A_808 by %roll3A_829 dim 1 : vector<128x128xf32>, i32 -> vector<128x128xf32>
    %roll3A_831 = arith.constant 124 : i32
    %roll3A_832 = tpu.dynamic_rotate %select_n3A_808 by %roll3A_831 dim 1 : vector<128x128xf32>, i32 -> vector<128x128xf32>
    %broadcast_in_dim3A_833 = vector.shape_cast %ne3A_815 : vector<1x128xi1> to vector<1x128xi1>
    %broadcast_in_dim3A_834 = vector.broadcast %broadcast_in_dim3A_833 : vector<1x128xi1> to vector<128x128xi1>
    %select_n3A_835 = arith.select %broadcast_in_dim3A_834, %roll3A_830, %roll3A_832 : vector<128x128xi1>, vector<128x128xf32>
    %roll3A_836 = arith.constant 4 : i32
    %roll3A_837 = tpu.dynamic_rotate %select_n3A_809 by %roll3A_836 dim 1 : vector<128x128xi32>, i32 -> vector<128x128xi32>
    %roll3A_838 = arith.constant 124 : i32
    %roll3A_839 = tpu.dynamic_rotate %select_n3A_809 by %roll3A_838 dim 1 : vector<128x128xi32>, i32 -> vector<128x128xi32>
    %broadcast_in_dim3A_840 = vector.shape_cast %ne3A_815 : vector<1x128xi1> to vector<1x128xi1>
    %broadcast_in_dim3A_841 = vector.broadcast %broadcast_in_dim3A_840 : vector<1x128xi1> to vector<128x128xi1>
    %select_n3A_842 = arith.select %broadcast_in_dim3A_841, %roll3A_837, %roll3A_839 : vector<128x128xi1>, vector<128x128xi32>
    %lt3A_843 = arith.cmpf olt, %select_n3A_808, %select_n3A_835 : vector<128x128xf32>
    %eq3A_844 = arith.cmpf oeq, %select_n3A_808, %select_n3A_835 : vector<128x128xf32>
    %gt3A_845 = arith.cmpi sgt, %select_n3A_809, %select_n3A_842 : vector<128x128xi32>
    %and3A_846 = arith.andi %eq3A_844, %gt3A_845 : vector<128x128xi1>
    %or3A_847 = arith.ori %lt3A_843, %and3A_846 : vector<128x128xi1>
    %eq3A_848 = vector.broadcast %xor3A_828 : vector<1x128xi1> to vector<128x128xi1>
    %eq3A_849 = vector.broadcast %eq3A_848 : vector<128x128xi1> to vector<128x128xi1>
    %eq3A_850 = arith.xori %or3A_847, %eq3A_849 : vector<128x128xi1>
    %eq3A_851 = arith.constant dense<true> : vector<128x128xi1>
    %eq3A_852 = arith.xori %eq3A_850, %eq3A_851 : vector<128x128xi1>
    %select_n3A_853 = arith.select %eq3A_852, %select_n3A_808, %select_n3A_835 : vector<128x128xi1>, vector<128x128xf32>
    %select_n3A_854 = arith.select %eq3A_852, %select_n3A_809, %select_n3A_842 : vector<128x128xi1>, vector<128x128xi32>
    %and3A_855 = arith.constant 2 : i32
    %and3A_856 = vector.broadcast %and3A_855 : i32 to vector<1x128xi32>
    %and3A_857 = arith.andi %and3A_6, %and3A_856 : vector<1x128xi32>
    %ne3A_858 = arith.constant 0 : i32
    %ne3A_859 = vector.broadcast %ne3A_858 : i32 to vector<1x128xi32>
    %ne3A_860 = arith.cmpi ne, %and3A_857, %ne3A_859 : vector<1x128xi32>
    %and3A_861 = arith.constant 2 : i32
    %and3A_862 = vector.broadcast %and3A_861 : i32 to vector<1x128xi32>
    %and3A_863 = arith.andi %and3A_6, %and3A_862 : vector<1x128xi32>
    %eq3A_864 = arith.constant 0 : i32
    %eq3A_865 = vector.broadcast %eq3A_864 : i32 to vector<1x128xi32>
    %eq3A_866 = arith.cmpi eq, %and3A_863, %eq3A_865 : vector<1x128xi32>
    %and3A_867 = arith.constant 64 : i32
    %and3A_868 = vector.broadcast %and3A_867 : i32 to vector<1x128xi32>
    %and3A_869 = arith.andi %and3A_6, %and3A_868 : vector<1x128xi32>
    %ne3A_870 = arith.constant 0 : i32
    %ne3A_871 = vector.broadcast %ne3A_870 : i32 to vector<1x128xi32>
    %ne3A_872 = arith.cmpi ne, %and3A_869, %ne3A_871 : vector<1x128xi32>
    %xor3A_873 = arith.xori %eq3A_866, %ne3A_872 : vector<1x128xi1>
    %roll3A_874 = arith.constant 2 : i32
    %roll3A_875 = tpu.dynamic_rotate %select_n3A_853 by %roll3A_874 dim 1 : vector<128x128xf32>, i32 -> vector<128x128xf32>
    %roll3A_876 = arith.constant 126 : i32
    %roll3A_877 = tpu.dynamic_rotate %select_n3A_853 by %roll3A_876 dim 1 : vector<128x128xf32>, i32 -> vector<128x128xf32>
    %broadcast_in_dim3A_878 = vector.shape_cast %ne3A_860 : vector<1x128xi1> to vector<1x128xi1>
    %broadcast_in_dim3A_879 = vector.broadcast %broadcast_in_dim3A_878 : vector<1x128xi1> to vector<128x128xi1>
    %select_n3A_880 = arith.select %broadcast_in_dim3A_879, %roll3A_875, %roll3A_877 : vector<128x128xi1>, vector<128x128xf32>
    %roll3A_881 = arith.constant 2 : i32
    %roll3A_882 = tpu.dynamic_rotate %select_n3A_854 by %roll3A_881 dim 1 : vector<128x128xi32>, i32 -> vector<128x128xi32>
    %roll3A_883 = arith.constant 126 : i32
    %roll3A_884 = tpu.dynamic_rotate %select_n3A_854 by %roll3A_883 dim 1 : vector<128x128xi32>, i32 -> vector<128x128xi32>
    %broadcast_in_dim3A_885 = vector.shape_cast %ne3A_860 : vector<1x128xi1> to vector<1x128xi1>
    %broadcast_in_dim3A_886 = vector.broadcast %broadcast_in_dim3A_885 : vector<1x128xi1> to vector<128x128xi1>
    %select_n3A_887 = arith.select %broadcast_in_dim3A_886, %roll3A_882, %roll3A_884 : vector<128x128xi1>, vector<128x128xi32>
    %lt3A_888 = arith.cmpf olt, %select_n3A_853, %select_n3A_880 : vector<128x128xf32>
    %eq3A_889 = arith.cmpf oeq, %select_n3A_853, %select_n3A_880 : vector<128x128xf32>
    %gt3A_890 = arith.cmpi sgt, %select_n3A_854, %select_n3A_887 : vector<128x128xi32>
    %and3A_891 = arith.andi %eq3A_889, %gt3A_890 : vector<128x128xi1>
    %or3A_892 = arith.ori %lt3A_888, %and3A_891 : vector<128x128xi1>
    %eq3A_893 = vector.broadcast %xor3A_873 : vector<1x128xi1> to vector<128x128xi1>
    %eq3A_894 = vector.broadcast %eq3A_893 : vector<128x128xi1> to vector<128x128xi1>
    %eq3A_895 = arith.xori %or3A_892, %eq3A_894 : vector<128x128xi1>
    %eq3A_896 = arith.constant dense<true> : vector<128x128xi1>
    %eq3A_897 = arith.xori %eq3A_895, %eq3A_896 : vector<128x128xi1>
    %select_n3A_898 = arith.select %eq3A_897, %select_n3A_853, %select_n3A_880 : vector<128x128xi1>, vector<128x128xf32>
    %select_n3A_899 = arith.select %eq3A_897, %select_n3A_854, %select_n3A_887 : vector<128x128xi1>, vector<128x128xi32>
    %and3A_900 = arith.constant 1 : i32
    %and3A_901 = vector.broadcast %and3A_900 : i32 to vector<1x128xi32>
    %and3A_902 = arith.andi %and3A_6, %and3A_901 : vector<1x128xi32>
    %ne3A_903 = arith.constant 0 : i32
    %ne3A_904 = vector.broadcast %ne3A_903 : i32 to vector<1x128xi32>
    %ne3A_905 = arith.cmpi ne, %and3A_902, %ne3A_904 : vector<1x128xi32>
    %and3A_906 = arith.constant 1 : i32
    %and3A_907 = vector.broadcast %and3A_906 : i32 to vector<1x128xi32>
    %and3A_908 = arith.andi %and3A_6, %and3A_907 : vector<1x128xi32>
    %eq3A_909 = arith.constant 0 : i32
    %eq3A_910 = vector.broadcast %eq3A_909 : i32 to vector<1x128xi32>
    %eq3A_911 = arith.cmpi eq, %and3A_908, %eq3A_910 : vector<1x128xi32>
    %and3A_912 = arith.constant 64 : i32
    %and3A_913 = vector.broadcast %and3A_912 : i32 to vector<1x128xi32>
    %and3A_914 = arith.andi %and3A_6, %and3A_913 : vector<1x128xi32>
    %ne3A_915 = arith.constant 0 : i32
    %ne3A_916 = vector.broadcast %ne3A_915 : i32 to vector<1x128xi32>
    %ne3A_917 = arith.cmpi ne, %and3A_914, %ne3A_916 : vector<1x128xi32>
    %xor3A_918 = arith.xori %eq3A_911, %ne3A_917 : vector<1x128xi1>
    %roll3A_919 = arith.constant 1 : i32
    %roll3A_920 = tpu.dynamic_rotate %select_n3A_898 by %roll3A_919 dim 1 : vector<128x128xf32>, i32 -> vector<128x128xf32>
    %roll3A_921 = arith.constant 127 : i32
    %roll3A_922 = tpu.dynamic_rotate %select_n3A_898 by %roll3A_921 dim 1 : vector<128x128xf32>, i32 -> vector<128x128xf32>
    %broadcast_in_dim3A_923 = vector.shape_cast %ne3A_905 : vector<1x128xi1> to vector<1x128xi1>
    %broadcast_in_dim3A_924 = vector.broadcast %broadcast_in_dim3A_923 : vector<1x128xi1> to vector<128x128xi1>
    %select_n3A_925 = arith.select %broadcast_in_dim3A_924, %roll3A_920, %roll3A_922 : vector<128x128xi1>, vector<128x128xf32>
    %roll3A_926 = arith.constant 1 : i32
    %roll3A_927 = tpu.dynamic_rotate %select_n3A_899 by %roll3A_926 dim 1 : vector<128x128xi32>, i32 -> vector<128x128xi32>
    %roll3A_928 = arith.constant 127 : i32
    %roll3A_929 = tpu.dynamic_rotate %select_n3A_899 by %roll3A_928 dim 1 : vector<128x128xi32>, i32 -> vector<128x128xi32>
    %broadcast_in_dim3A_930 = vector.shape_cast %ne3A_905 : vector<1x128xi1> to vector<1x128xi1>
    %broadcast_in_dim3A_931 = vector.broadcast %broadcast_in_dim3A_930 : vector<1x128xi1> to vector<128x128xi1>
    %select_n3A_932 = arith.select %broadcast_in_dim3A_931, %roll3A_927, %roll3A_929 : vector<128x128xi1>, vector<128x128xi32>
    %lt3A_933 = arith.cmpf olt, %select_n3A_898, %select_n3A_925 : vector<128x128xf32>
    %eq3A_934 = arith.cmpf oeq, %select_n3A_898, %select_n3A_925 : vector<128x128xf32>
    %gt3A_935 = arith.cmpi sgt, %select_n3A_899, %select_n3A_932 : vector<128x128xi32>
    %and3A_936 = arith.andi %eq3A_934, %gt3A_935 : vector<128x128xi1>
    %or3A_937 = arith.ori %lt3A_933, %and3A_936 : vector<128x128xi1>
    %eq3A_938 = vector.broadcast %xor3A_918 : vector<1x128xi1> to vector<128x128xi1>
    %eq3A_939 = vector.broadcast %eq3A_938 : vector<128x128xi1> to vector<128x128xi1>
    %eq3A_940 = arith.xori %or3A_937, %eq3A_939 : vector<128x128xi1>
    %eq3A_941 = arith.constant dense<true> : vector<128x128xi1>
    %eq3A_942 = arith.xori %eq3A_940, %eq3A_941 : vector<128x128xi1>
    %select_n3A_943 = arith.select %eq3A_942, %select_n3A_899, %select_n3A_932 : vector<128x128xi1>, vector<128x128xi32>
    %mul3A = arith.constant 256 : i32
    %mul3A_944 = arith.muli %arg0, %mul3A : i32
    %iota3A_945 = tpu.iota {dimensions = array<i32: 0>} : vector<128x16xi32>
    %add3A = vector.broadcast %mul3A_944 : i32 to vector<128x16xi32>
    %add3A_946 = arith.addi %add3A, %iota3A_945 : vector<128x16xi32>
    %mul3A_947 = arith.constant 64 : i32
    %mul3A_948 = vector.broadcast %mul3A_947 : i32 to vector<128x16xi32>
    %mul3A_949 = arith.muli %add3A_946, %mul3A_948 : vector<128x16xi32>
    %slice3A_950 = vector.extract_strided_slice %select_n3A_943 {offsets = [0, 48], sizes = [128, 16], strides = [1, 1]} : vector<128x128xi32> to vector<128x16xi32>
    %add3A_951 = arith.addi %mul3A_949, %slice3A_950 : vector<128x16xi32>
    %swap3A = arith.constant 0 : index
    %swap3A_952 = arith.constant 0 : index
    %swap3A_953 = vector.load %arg2[%swap3A, %swap3A_952] : memref<256x16xi32, #tpu.memory_space<vmem>>, vector<128x16xi32>
    tpu.vector_store %arg2[%swap3A, %swap3A_952], %add3A_951 {strides = array<i32>} : memref<256x16xi32, #tpu.memory_space<vmem>>, vector<128x16xi32>,
    %add3A_954 = arith.constant 128 : i32
    %add3A_955 = arith.addi %mul3A_944, %add3A_954 : i32
    %mul3A_956 = arith.constant 64 : i32
    %mul3A_957 = arith.muli %add3A_955, %mul3A_956 : i32
    %iota3A_958 = tpu.iota {dimensions = array<i32: 0>} : vector<128x16xi32>
    %mul3A_959 = arith.constant 64 : i32
    %mul3A_960 = vector.broadcast %mul3A_959 : i32 to vector<128x16xi32>
    %mul3A_961 = arith.muli %iota3A_958, %mul3A_960 : vector<128x16xi32>
    %slice3A_962 = vector.extract_strided_slice %select_n3A_943 {offsets = [0, 112], sizes = [128, 16], strides = [1, 1]} : vector<128x128xi32> to vector<128x16xi32>
    %add3A_963 = arith.addi %mul3A_961, %slice3A_962 : vector<128x16xi32>
    %add3A_964 = vector.broadcast %mul3A_957 : i32 to vector<128x16xi32>
    %add3A_965 = arith.addi %add3A_964, %add3A_963 : vector<128x16xi32>
    %swap3A_966 = arith.constant 128 : index
    %swap3A_967 = arith.constant 0 : index
    %swap3A_968 = vector.load %arg2[%swap3A_966, %swap3A_967] : memref<256x16xi32, #tpu.memory_space<vmem>>, vector<128x16xi32>
    tpu.vector_store %arg2[%swap3A_966, %swap3A_967], %add3A_965 {strides = array<i32>} : memref<256x16xi32, #tpu.memory_space<vmem>>, vector<128x16xi32>,
    return
  }
  func.func @transform_0(%arg0: i32) -> (i32, i32, i32) {
    %c0_i32 = arith.constant 0 : i32
    %c0_i32_0 = arith.constant 0 : i32
    %c0_i32_1 = arith.constant 0 : i32
    return %arg0, %c0_i32, %c0_i32_0 : i32, i32, i32
  }
  func.func @transform_1(%arg0: i32) -> (i32, i32) {
    %c0_i32 = arith.constant 0 : i32
    %c0_i32_0 = arith.constant 0 : i32
    return %arg0, %c0_i32 : i32, i32
  }
}

module attributes {stable_mosaic.version = 14 : i64} {
  func.func @_sort_attn_body(%arg0: i32, %arg1: memref<1024x128xf32, #tpu.memory_space<vmem>>, %arg2: memref<64x128xf32, #tpu.memory_space<vmem>>, %arg3: memref<1x128xf32, #tpu.memory_space<vmem>>, %arg4: memref<1x128xf32, #tpu.memory_space<vmem>>, %arg5: memref<128x128xbf16, #tpu.memory_space<vmem>>, %arg6: memref<64x128xf32, #tpu.memory_space<vmem>>, %arg7: memref<64x128xf32, #tpu.memory_space<vmem>>) attributes {dimension_semantics = [#tpu.dimension_semantics<arbitrary>], iteration_bounds = array<i64: 64>, scalar_prefetch = 0 : i64, scratch_operands = 1 : i64, tpu.core_type = #tpu.core_type<tc>, window_params = [{transform_indices = @transform_0, window_bounds = array<i64: 1024, 128>}, {transform_indices = @transform_1, window_bounds = array<i64: 64, 128>}, {pipeline_mode = #tpu.pipeline_mode<synchronous>, transform_indices = @transform_2, window_bounds = array<i64: 1, 128>}, {pipeline_mode = #tpu.pipeline_mode<synchronous>, transform_indices = @transform_3, window_bounds = array<i64: 1, 128>}, {pipeline_mode = #tpu.pipeline_mode<synchronous>, transform_indices = @transform_4, window_bounds = array<i64: 128, 128>}, {transform_indices = @transform_5, window_bounds = array<i64: 64, 128>}]} {
    %get3A = arith.constant 0 : index
    %get3A_0 = arith.constant 0 : index
    %get3A_1 = vector.load %arg3[%get3A, %get3A_0] : memref<1x128xf32, #tpu.memory_space<vmem>>, vector<1x128xf32>
    %reshape3A = vector.shape_cast %get3A_1 : vector<1x128xf32> to vector<1x1x128xf32>
    %get3A_2 = arith.constant 0 : index
    %get3A_3 = arith.constant 0 : index
    %get3A_4 = vector.load %arg4[%get3A_2, %get3A_3] : memref<1x128xf32, #tpu.memory_space<vmem>>, vector<1x128xf32>
    %scan3A = arith.constant 0 : i32
    %scan3A_5 = arith.constant 8 : i32
    %scan3A_6 = arith.addi %scan3A, %scan3A_5 : i32
    %scan3A_7 = arith.constant 2 : i32
    scf.for %scan3A_22 = %scan3A to %scan3A_6 step %scan3A_7  : i32 {
      %mul3A = arith.constant 128 : i32
      %mul3A_23 = arith.muli %scan3A_22, %mul3A : i32
      %get3A_24 = arith.index_cast %mul3A_23 : i32 to index
      %get3A_25 = arith.constant 0 : index
      %get3A_26 = vector.load %arg1[%get3A_24, %get3A_25] : memref<1024x128xf32, #tpu.memory_space<vmem>>, vector<128x128xf32>
      %transpose3A = tpu.transpose %get3A_26, [1, 0] : vector<128x128xf32> -> vector<128x128xf32>
      %iota3A = tpu.iota {dimensions = array<i32: 0>} : vector<128x1xi32>
      %and3A = arith.constant 64 : i32
      %and3A_27 = vector.broadcast %and3A : i32 to vector<128x1xi32>
      %and3A_28 = arith.andi %iota3A, %and3A_27 : vector<128x1xi32>
      %ne3A = arith.constant 0 : i32
      %ne3A_29 = vector.broadcast %ne3A : i32 to vector<128x1xi32>
      %ne3A_30 = arith.cmpi ne, %and3A_28, %ne3A_29 : vector<128x1xi32>
      %and3A_31 = arith.constant 64 : i32
      %and3A_32 = vector.broadcast %and3A_31 : i32 to vector<128x1xi32>
      %and3A_33 = arith.andi %iota3A, %and3A_32 : vector<128x1xi32>
      %eq3A = arith.constant 0 : i32
      %eq3A_34 = vector.broadcast %eq3A : i32 to vector<128x1xi32>
      %eq3A_35 = arith.cmpi eq, %and3A_33, %eq3A_34 : vector<128x1xi32>
      %and3A_36 = arith.constant 32 : i32
      %and3A_37 = vector.broadcast %and3A_36 : i32 to vector<128x1xi32>
      %and3A_38 = arith.andi %iota3A, %and3A_37 : vector<128x1xi32>
      %ne3A_39 = arith.constant 0 : i32
      %ne3A_40 = vector.broadcast %ne3A_39 : i32 to vector<128x1xi32>
      %ne3A_41 = arith.cmpi ne, %and3A_38, %ne3A_40 : vector<128x1xi32>
      %xor3A = arith.xori %eq3A_35, %ne3A_41 : vector<128x1xi1>
      %roll3A = arith.constant 64 : i32
      %roll3A_42 = tpu.dynamic_rotate %transpose3A by %roll3A dim 0 : vector<128x128xf32>, i32 -> vector<128x128xf32>
      %roll3A_43 = arith.constant 64 : i32
      %roll3A_44 = tpu.dynamic_rotate %transpose3A by %roll3A_43 dim 0 : vector<128x128xf32>, i32 -> vector<128x128xf32>
      %broadcast_in_dim3A = vector.shape_cast %ne3A_30 : vector<128x1xi1> to vector<128x1xi1>
      %broadcast_in_dim3A_45 = vector.broadcast %broadcast_in_dim3A : vector<128x1xi1> to vector<128x128xi1>
      %select_n3A = arith.select %broadcast_in_dim3A_45, %roll3A_42, %roll3A_44 : vector<128x128xi1>, vector<128x128xf32>
      %min3A = arith.minimumf %transpose3A, %select_n3A : vector<128x128xf32>
      %max3A = arith.maximumf %transpose3A, %select_n3A : vector<128x128xf32>
      %broadcast_in_dim3A_46 = vector.shape_cast %xor3A : vector<128x1xi1> to vector<128x1xi1>
      %broadcast_in_dim3A_47 = vector.broadcast %broadcast_in_dim3A_46 : vector<128x1xi1> to vector<128x128xi1>
      %select_n3A_48 = arith.select %broadcast_in_dim3A_47, %min3A, %max3A : vector<128x128xi1>, vector<128x128xf32>
      %and3A_49 = arith.constant 32 : i32
      %and3A_50 = vector.broadcast %and3A_49 : i32 to vector<128x1xi32>
      %and3A_51 = arith.andi %iota3A, %and3A_50 : vector<128x1xi32>
      %ne3A_52 = arith.constant 0 : i32
      %ne3A_53 = vector.broadcast %ne3A_52 : i32 to vector<128x1xi32>
      %ne3A_54 = arith.cmpi ne, %and3A_51, %ne3A_53 : vector<128x1xi32>
      %and3A_55 = arith.constant 32 : i32
      %and3A_56 = vector.broadcast %and3A_55 : i32 to vector<128x1xi32>
      %and3A_57 = arith.andi %iota3A, %and3A_56 : vector<128x1xi32>
      %eq3A_58 = arith.constant 0 : i32
      %eq3A_59 = vector.broadcast %eq3A_58 : i32 to vector<128x1xi32>
      %eq3A_60 = arith.cmpi eq, %and3A_57, %eq3A_59 : vector<128x1xi32>
      %and3A_61 = arith.constant 16 : i32
      %and3A_62 = vector.broadcast %and3A_61 : i32 to vector<128x1xi32>
      %and3A_63 = arith.andi %iota3A, %and3A_62 : vector<128x1xi32>
      %ne3A_64 = arith.constant 0 : i32
      %ne3A_65 = vector.broadcast %ne3A_64 : i32 to vector<128x1xi32>
      %ne3A_66 = arith.cmpi ne, %and3A_63, %ne3A_65 : vector<128x1xi32>
      %xor3A_67 = arith.xori %eq3A_60, %ne3A_66 : vector<128x1xi1>
      %roll3A_68 = arith.constant 32 : i32
      %roll3A_69 = tpu.dynamic_rotate %select_n3A_48 by %roll3A_68 dim 0 : vector<128x128xf32>, i32 -> vector<128x128xf32>
      %roll3A_70 = arith.constant 96 : i32
      %roll3A_71 = tpu.dynamic_rotate %select_n3A_48 by %roll3A_70 dim 0 : vector<128x128xf32>, i32 -> vector<128x128xf32>
      %broadcast_in_dim3A_72 = vector.shape_cast %ne3A_54 : vector<128x1xi1> to vector<128x1xi1>
      %broadcast_in_dim3A_73 = vector.broadcast %broadcast_in_dim3A_72 : vector<128x1xi1> to vector<128x128xi1>
      %select_n3A_74 = arith.select %broadcast_in_dim3A_73, %roll3A_69, %roll3A_71 : vector<128x128xi1>, vector<128x128xf32>
      %min3A_75 = arith.minimumf %select_n3A_48, %select_n3A_74 : vector<128x128xf32>
      %max3A_76 = arith.maximumf %select_n3A_48, %select_n3A_74 : vector<128x128xf32>
      %broadcast_in_dim3A_77 = vector.shape_cast %xor3A_67 : vector<128x1xi1> to vector<128x1xi1>
      %broadcast_in_dim3A_78 = vector.broadcast %broadcast_in_dim3A_77 : vector<128x1xi1> to vector<128x128xi1>
      %select_n3A_79 = arith.select %broadcast_in_dim3A_78, %min3A_75, %max3A_76 : vector<128x128xi1>, vector<128x128xf32>
      %and3A_80 = arith.constant 64 : i32
      %and3A_81 = vector.broadcast %and3A_80 : i32 to vector<128x1xi32>
      %and3A_82 = arith.andi %iota3A, %and3A_81 : vector<128x1xi32>
      %ne3A_83 = arith.constant 0 : i32
      %ne3A_84 = vector.broadcast %ne3A_83 : i32 to vector<128x1xi32>
      %ne3A_85 = arith.cmpi ne, %and3A_82, %ne3A_84 : vector<128x1xi32>
      %and3A_86 = arith.constant 64 : i32
      %and3A_87 = vector.broadcast %and3A_86 : i32 to vector<128x1xi32>
      %and3A_88 = arith.andi %iota3A, %and3A_87 : vector<128x1xi32>
      %eq3A_89 = arith.constant 0 : i32
      %eq3A_90 = vector.broadcast %eq3A_89 : i32 to vector<128x1xi32>
      %eq3A_91 = arith.cmpi eq, %and3A_88, %eq3A_90 : vector<128x1xi32>
      %and3A_92 = arith.constant 16 : i32
      %and3A_93 = vector.broadcast %and3A_92 : i32 to vector<128x1xi32>
      %and3A_94 = arith.andi %iota3A, %and3A_93 : vector<128x1xi32>
      %ne3A_95 = arith.constant 0 : i32
      %ne3A_96 = vector.broadcast %ne3A_95 : i32 to vector<128x1xi32>
      %ne3A_97 = arith.cmpi ne, %and3A_94, %ne3A_96 : vector<128x1xi32>
      %xor3A_98 = arith.xori %eq3A_91, %ne3A_97 : vector<128x1xi1>
      %roll3A_99 = arith.constant 64 : i32
      %roll3A_100 = tpu.dynamic_rotate %select_n3A_79 by %roll3A_99 dim 0 : vector<128x128xf32>, i32 -> vector<128x128xf32>
      %roll3A_101 = arith.constant 64 : i32
      %roll3A_102 = tpu.dynamic_rotate %select_n3A_79 by %roll3A_101 dim 0 : vector<128x128xf32>, i32 -> vector<128x128xf32>
      %broadcast_in_dim3A_103 = vector.shape_cast %ne3A_85 : vector<128x1xi1> to vector<128x1xi1>
      %broadcast_in_dim3A_104 = vector.broadcast %broadcast_in_dim3A_103 : vector<128x1xi1> to vector<128x128xi1>
      %select_n3A_105 = arith.select %broadcast_in_dim3A_104, %roll3A_100, %roll3A_102 : vector<128x128xi1>, vector<128x128xf32>
      %min3A_106 = arith.minimumf %select_n3A_79, %select_n3A_105 : vector<128x128xf32>
      %max3A_107 = arith.maximumf %select_n3A_79, %select_n3A_105 : vector<128x128xf32>
      %broadcast_in_dim3A_108 = vector.shape_cast %xor3A_98 : vector<128x1xi1> to vector<128x1xi1>
      %broadcast_in_dim3A_109 = vector.broadcast %broadcast_in_dim3A_108 : vector<128x1xi1> to vector<128x128xi1>
      %select_n3A_110 = arith.select %broadcast_in_dim3A_109, %min3A_106, %max3A_107 : vector<128x128xi1>, vector<128x128xf32>
      %and3A_111 = arith.constant 16 : i32
      %and3A_112 = vector.broadcast %and3A_111 : i32 to vector<128x1xi32>
      %and3A_113 = arith.andi %iota3A, %and3A_112 : vector<128x1xi32>
      %ne3A_114 = arith.constant 0 : i32
      %ne3A_115 = vector.broadcast %ne3A_114 : i32 to vector<128x1xi32>
      %ne3A_116 = arith.cmpi ne, %and3A_113, %ne3A_115 : vector<128x1xi32>
      %and3A_117 = arith.constant 16 : i32
      %and3A_118 = vector.broadcast %and3A_117 : i32 to vector<128x1xi32>
      %and3A_119 = arith.andi %iota3A, %and3A_118 : vector<128x1xi32>
      %eq3A_120 = arith.constant 0 : i32
      %eq3A_121 = vector.broadcast %eq3A_120 : i32 to vector<128x1xi32>
      %eq3A_122 = arith.cmpi eq, %and3A_119, %eq3A_121 : vector<128x1xi32>
      %and3A_123 = arith.constant 8 : i32
      %and3A_124 = vector.broadcast %and3A_123 : i32 to vector<128x1xi32>
      %and3A_125 = arith.andi %iota3A, %and3A_124 : vector<128x1xi32>
      %ne3A_126 = arith.constant 0 : i32
      %ne3A_127 = vector.broadcast %ne3A_126 : i32 to vector<128x1xi32>
      %ne3A_128 = arith.cmpi ne, %and3A_125, %ne3A_127 : vector<128x1xi32>
      %xor3A_129 = arith.xori %eq3A_122, %ne3A_128 : vector<128x1xi1>
      %roll3A_130 = arith.constant 16 : i32
      %roll3A_131 = tpu.dynamic_rotate %select_n3A_110 by %roll3A_130 dim 0 : vector<128x128xf32>, i32 -> vector<128x128xf32>
      %roll3A_132 = arith.constant 112 : i32
      %roll3A_133 = tpu.dynamic_rotate %select_n3A_110 by %roll3A_132 dim 0 : vector<128x128xf32>, i32 -> vector<128x128xf32>
      %broadcast_in_dim3A_134 = vector.shape_cast %ne3A_116 : vector<128x1xi1> to vector<128x1xi1>
      %broadcast_in_dim3A_135 = vector.broadcast %broadcast_in_dim3A_134 : vector<128x1xi1> to vector<128x128xi1>
      %select_n3A_136 = arith.select %broadcast_in_dim3A_135, %roll3A_131, %roll3A_133 : vector<128x128xi1>, vector<128x128xf32>
      %min3A_137 = arith.minimumf %select_n3A_110, %select_n3A_136 : vector<128x128xf32>
      %max3A_138 = arith.maximumf %select_n3A_110, %select_n3A_136 : vector<128x128xf32>
      %broadcast_in_dim3A_139 = vector.shape_cast %xor3A_129 : vector<128x1xi1> to vector<128x1xi1>
      %broadcast_in_dim3A_140 = vector.broadcast %broadcast_in_dim3A_139 : vector<128x1xi1> to vector<128x128xi1>
      %select_n3A_141 = arith.select %broadcast_in_dim3A_140, %min3A_137, %max3A_138 : vector<128x128xi1>, vector<128x128xf32>
      %and3A_142 = arith.constant 32 : i32
      %and3A_143 = vector.broadcast %and3A_142 : i32 to vector<128x1xi32>
      %and3A_144 = arith.andi %iota3A, %and3A_143 : vector<128x1xi32>
      %ne3A_145 = arith.constant 0 : i32
      %ne3A_146 = vector.broadcast %ne3A_145 : i32 to vector<128x1xi32>
      %ne3A_147 = arith.cmpi ne, %and3A_144, %ne3A_146 : vector<128x1xi32>
      %and3A_148 = arith.constant 32 : i32
      %and3A_149 = vector.broadcast %and3A_148 : i32 to vector<128x1xi32>
      %and3A_150 = arith.andi %iota3A, %and3A_149 : vector<128x1xi32>
      %eq3A_151 = arith.constant 0 : i32
      %eq3A_152 = vector.broadcast %eq3A_151 : i32 to vector<128x1xi32>
      %eq3A_153 = arith.cmpi eq, %and3A_150, %eq3A_152 : vector<128x1xi32>
      %and3A_154 = arith.constant 8 : i32
      %and3A_155 = vector.broadcast %and3A_154 : i32 to vector<128x1xi32>
      %and3A_156 = arith.andi %iota3A, %and3A_155 : vector<128x1xi32>
      %ne3A_157 = arith.constant 0 : i32
      %ne3A_158 = vector.broadcast %ne3A_157 : i32 to vector<128x1xi32>
      %ne3A_159 = arith.cmpi ne, %and3A_156, %ne3A_158 : vector<128x1xi32>
      %xor3A_160 = arith.xori %eq3A_153, %ne3A_159 : vector<128x1xi1>
      %roll3A_161 = arith.constant 32 : i32
      %roll3A_162 = tpu.dynamic_rotate %select_n3A_141 by %roll3A_161 dim 0 : vector<128x128xf32>, i32 -> vector<128x128xf32>
      %roll3A_163 = arith.constant 96 : i32
      %roll3A_164 = tpu.dynamic_rotate %select_n3A_141 by %roll3A_163 dim 0 : vector<128x128xf32>, i32 -> vector<128x128xf32>
      %broadcast_in_dim3A_165 = vector.shape_cast %ne3A_147 : vector<128x1xi1> to vector<128x1xi1>
      %broadcast_in_dim3A_166 = vector.broadcast %broadcast_in_dim3A_165 : vector<128x1xi1> to vector<128x128xi1>
      %select_n3A_167 = arith.select %broadcast_in_dim3A_166, %roll3A_162, %roll3A_164 : vector<128x128xi1>, vector<128x128xf32>
      %min3A_168 = arith.minimumf %select_n3A_141, %select_n3A_167 : vector<128x128xf32>
      %max3A_169 = arith.maximumf %select_n3A_141, %select_n3A_167 : vector<128x128xf32>
      %broadcast_in_dim3A_170 = vector.shape_cast %xor3A_160 : vector<128x1xi1> to vector<128x1xi1>
      %broadcast_in_dim3A_171 = vector.broadcast %broadcast_in_dim3A_170 : vector<128x1xi1> to vector<128x128xi1>
      %select_n3A_172 = arith.select %broadcast_in_dim3A_171, %min3A_168, %max3A_169 : vector<128x128xi1>, vector<128x128xf32>
      %and3A_173 = arith.constant 64 : i32
      %and3A_174 = vector.broadcast %and3A_173 : i32 to vector<128x1xi32>
      %and3A_175 = arith.andi %iota3A, %and3A_174 : vector<128x1xi32>
      %ne3A_176 = arith.constant 0 : i32
      %ne3A_177 = vector.broadcast %ne3A_176 : i32 to vector<128x1xi32>
      %ne3A_178 = arith.cmpi ne, %and3A_175, %ne3A_177 : vector<128x1xi32>
      %and3A_179 = arith.constant 64 : i32
      %and3A_180 = vector.broadcast %and3A_179 : i32 to vector<128x1xi32>
      %and3A_181 = arith.andi %iota3A, %and3A_180 : vector<128x1xi32>
      %eq3A_182 = arith.constant 0 : i32
      %eq3A_183 = vector.broadcast %eq3A_182 : i32 to vector<128x1xi32>
      %eq3A_184 = arith.cmpi eq, %and3A_181, %eq3A_183 : vector<128x1xi32>
      %and3A_185 = arith.constant 8 : i32
      %and3A_186 = vector.broadcast %and3A_185 : i32 to vector<128x1xi32>
      %and3A_187 = arith.andi %iota3A, %and3A_186 : vector<128x1xi32>
      %ne3A_188 = arith.constant 0 : i32
      %ne3A_189 = vector.broadcast %ne3A_188 : i32 to vector<128x1xi32>
      %ne3A_190 = arith.cmpi ne, %and3A_187, %ne3A_189 : vector<128x1xi32>
      %xor3A_191 = arith.xori %eq3A_184, %ne3A_190 : vector<128x1xi1>
      %roll3A_192 = arith.constant 64 : i32
      %roll3A_193 = tpu.dynamic_rotate %select_n3A_172 by %roll3A_192 dim 0 : vector<128x128xf32>, i32 -> vector<128x128xf32>
      %roll3A_194 = arith.constant 64 : i32
      %roll3A_195 = tpu.dynamic_rotate %select_n3A_172 by %roll3A_194 dim 0 : vector<128x128xf32>, i32 -> vector<128x128xf32>
      %broadcast_in_dim3A_196 = vector.shape_cast %ne3A_178 : vector<128x1xi1> to vector<128x1xi1>
      %broadcast_in_dim3A_197 = vector.broadcast %broadcast_in_dim3A_196 : vector<128x1xi1> to vector<128x128xi1>
      %select_n3A_198 = arith.select %broadcast_in_dim3A_197, %roll3A_193, %roll3A_195 : vector<128x128xi1>, vector<128x128xf32>
      %min3A_199 = arith.minimumf %select_n3A_172, %select_n3A_198 : vector<128x128xf32>
      %max3A_200 = arith.maximumf %select_n3A_172, %select_n3A_198 : vector<128x128xf32>
      %broadcast_in_dim3A_201 = vector.shape_cast %xor3A_191 : vector<128x1xi1> to vector<128x1xi1>
      %broadcast_in_dim3A_202 = vector.broadcast %broadcast_in_dim3A_201 : vector<128x1xi1> to vector<128x128xi1>
      %select_n3A_203 = arith.select %broadcast_in_dim3A_202, %min3A_199, %max3A_200 : vector<128x128xi1>, vector<128x128xf32>
      %and3A_204 = arith.constant 8 : i32
      %and3A_205 = vector.broadcast %and3A_204 : i32 to vector<128x1xi32>
      %and3A_206 = arith.andi %iota3A, %and3A_205 : vector<128x1xi32>
      %ne3A_207 = arith.constant 0 : i32
      %ne3A_208 = vector.broadcast %ne3A_207 : i32 to vector<128x1xi32>
      %ne3A_209 = arith.cmpi ne, %and3A_206, %ne3A_208 : vector<128x1xi32>
      %and3A_210 = arith.constant 8 : i32
      %and3A_211 = vector.broadcast %and3A_210 : i32 to vector<128x1xi32>
      %and3A_212 = arith.andi %iota3A, %and3A_211 : vector<128x1xi32>
      %eq3A_213 = arith.constant 0 : i32
      %eq3A_214 = vector.broadcast %eq3A_213 : i32 to vector<128x1xi32>
      %eq3A_215 = arith.cmpi eq, %and3A_212, %eq3A_214 : vector<128x1xi32>
      %and3A_216 = arith.constant 4 : i32
      %and3A_217 = vector.broadcast %and3A_216 : i32 to vector<128x1xi32>
      %and3A_218 = arith.andi %iota3A, %and3A_217 : vector<128x1xi32>
      %ne3A_219 = arith.constant 0 : i32
      %ne3A_220 = vector.broadcast %ne3A_219 : i32 to vector<128x1xi32>
      %ne3A_221 = arith.cmpi ne, %and3A_218, %ne3A_220 : vector<128x1xi32>
      %xor3A_222 = arith.xori %eq3A_215, %ne3A_221 : vector<128x1xi1>
      %roll3A_223 = arith.constant 8 : i32
      %roll3A_224 = tpu.dynamic_rotate %select_n3A_203 by %roll3A_223 dim 0 : vector<128x128xf32>, i32 -> vector<128x128xf32>
      %roll3A_225 = arith.constant 120 : i32
      %roll3A_226 = tpu.dynamic_rotate %select_n3A_203 by %roll3A_225 dim 0 : vector<128x128xf32>, i32 -> vector<128x128xf32>
      %broadcast_in_dim3A_227 = vector.shape_cast %ne3A_209 : vector<128x1xi1> to vector<128x1xi1>
      %broadcast_in_dim3A_228 = vector.broadcast %broadcast_in_dim3A_227 : vector<128x1xi1> to vector<128x128xi1>
      %select_n3A_229 = arith.select %broadcast_in_dim3A_228, %roll3A_224, %roll3A_226 : vector<128x128xi1>, vector<128x128xf32>
      %min3A_230 = arith.minimumf %select_n3A_203, %select_n3A_229 : vector<128x128xf32>
      %max3A_231 = arith.maximumf %select_n3A_203, %select_n3A_229 : vector<128x128xf32>
      %broadcast_in_dim3A_232 = vector.shape_cast %xor3A_222 : vector<128x1xi1> to vector<128x1xi1>
      %broadcast_in_dim3A_233 = vector.broadcast %broadcast_in_dim3A_232 : vector<128x1xi1> to vector<128x128xi1>
      %select_n3A_234 = arith.select %broadcast_in_dim3A_233, %min3A_230, %max3A_231 : vector<128x128xi1>, vector<128x128xf32>
      %and3A_235 = arith.constant 16 : i32
      %and3A_236 = vector.broadcast %and3A_235 : i32 to vector<128x1xi32>
      %and3A_237 = arith.andi %iota3A, %and3A_236 : vector<128x1xi32>
      %ne3A_238 = arith.constant 0 : i32
      %ne3A_239 = vector.broadcast %ne3A_238 : i32 to vector<128x1xi32>
      %ne3A_240 = arith.cmpi ne, %and3A_237, %ne3A_239 : vector<128x1xi32>
      %and3A_241 = arith.constant 16 : i32
      %and3A_242 = vector.broadcast %and3A_241 : i32 to vector<128x1xi32>
      %and3A_243 = arith.andi %iota3A, %and3A_242 : vector<128x1xi32>
      %eq3A_244 = arith.constant 0 : i32
      %eq3A_245 = vector.broadcast %eq3A_244 : i32 to vector<128x1xi32>
      %eq3A_246 = arith.cmpi eq, %and3A_243, %eq3A_245 : vector<128x1xi32>
      %and3A_247 = arith.constant 4 : i32
      %and3A_248 = vector.broadcast %and3A_247 : i32 to vector<128x1xi32>
      %and3A_249 = arith.andi %iota3A, %and3A_248 : vector<128x1xi32>
      %ne3A_250 = arith.constant 0 : i32
      %ne3A_251 = vector.broadcast %ne3A_250 : i32 to vector<128x1xi32>
      %ne3A_252 = arith.cmpi ne, %and3A_249, %ne3A_251 : vector<128x1xi32>
      %xor3A_253 = arith.xori %eq3A_246, %ne3A_252 : vector<128x1xi1>
      %roll3A_254 = arith.constant 16 : i32
      %roll3A_255 = tpu.dynamic_rotate %select_n3A_234 by %roll3A_254 dim 0 : vector<128x128xf32>, i32 -> vector<128x128xf32>
      %roll3A_256 = arith.constant 112 : i32
      %roll3A_257 = tpu.dynamic_rotate %select_n3A_234 by %roll3A_256 dim 0 : vector<128x128xf32>, i32 -> vector<128x128xf32>
      %broadcast_in_dim3A_258 = vector.shape_cast %ne3A_240 : vector<128x1xi1> to vector<128x1xi1>
      %broadcast_in_dim3A_259 = vector.broadcast %broadcast_in_dim3A_258 : vector<128x1xi1> to vector<128x128xi1>
      %select_n3A_260 = arith.select %broadcast_in_dim3A_259, %roll3A_255, %roll3A_257 : vector<128x128xi1>, vector<128x128xf32>
      %min3A_261 = arith.minimumf %select_n3A_234, %select_n3A_260 : vector<128x128xf32>
      %max3A_262 = arith.maximumf %select_n3A_234, %select_n3A_260 : vector<128x128xf32>
      %broadcast_in_dim3A_263 = vector.shape_cast %xor3A_253 : vector<128x1xi1> to vector<128x1xi1>
      %broadcast_in_dim3A_264 = vector.broadcast %broadcast_in_dim3A_263 : vector<128x1xi1> to vector<128x128xi1>
      %select_n3A_265 = arith.select %broadcast_in_dim3A_264, %min3A_261, %max3A_262 : vector<128x128xi1>, vector<128x128xf32>
      %and3A_266 = arith.constant 32 : i32
      %and3A_267 = vector.broadcast %and3A_266 : i32 to vector<128x1xi32>
      %and3A_268 = arith.andi %iota3A, %and3A_267 : vector<128x1xi32>
      %ne3A_269 = arith.constant 0 : i32
      %ne3A_270 = vector.broadcast %ne3A_269 : i32 to vector<128x1xi32>
      %ne3A_271 = arith.cmpi ne, %and3A_268, %ne3A_270 : vector<128x1xi32>
      %and3A_272 = arith.constant 32 : i32
      %and3A_273 = vector.broadcast %and3A_272 : i32 to vector<128x1xi32>
      %and3A_274 = arith.andi %iota3A, %and3A_273 : vector<128x1xi32>
      %eq3A_275 = arith.constant 0 : i32
      %eq3A_276 = vector.broadcast %eq3A_275 : i32 to vector<128x1xi32>
      %eq3A_277 = arith.cmpi eq, %and3A_274, %eq3A_276 : vector<128x1xi32>
      %and3A_278 = arith.constant 4 : i32
      %and3A_279 = vector.broadcast %and3A_278 : i32 to vector<128x1xi32>
      %and3A_280 = arith.andi %iota3A, %and3A_279 : vector<128x1xi32>
      %ne3A_281 = arith.constant 0 : i32
      %ne3A_282 = vector.broadcast %ne3A_281 : i32 to vector<128x1xi32>
      %ne3A_283 = arith.cmpi ne, %and3A_280, %ne3A_282 : vector<128x1xi32>
      %xor3A_284 = arith.xori %eq3A_277, %ne3A_283 : vector<128x1xi1>
      %roll3A_285 = arith.constant 32 : i32
      %roll3A_286 = tpu.dynamic_rotate %select_n3A_265 by %roll3A_285 dim 0 : vector<128x128xf32>, i32 -> vector<128x128xf32>
      %roll3A_287 = arith.constant 96 : i32
      %roll3A_288 = tpu.dynamic_rotate %select_n3A_265 by %roll3A_287 dim 0 : vector<128x128xf32>, i32 -> vector<128x128xf32>
      %broadcast_in_dim3A_289 = vector.shape_cast %ne3A_271 : vector<128x1xi1> to vector<128x1xi1>
      %broadcast_in_dim3A_290 = vector.broadcast %broadcast_in_dim3A_289 : vector<128x1xi1> to vector<128x128xi1>
      %select_n3A_291 = arith.select %broadcast_in_dim3A_290, %roll3A_286, %roll3A_288 : vector<128x128xi1>, vector<128x128xf32>
      %min3A_292 = arith.minimumf %select_n3A_265, %select_n3A_291 : vector<128x128xf32>
      %max3A_293 = arith.maximumf %select_n3A_265, %select_n3A_291 : vector<128x128xf32>
      %broadcast_in_dim3A_294 = vector.shape_cast %xor3A_284 : vector<128x1xi1> to vector<128x1xi1>
      %broadcast_in_dim3A_295 = vector.broadcast %broadcast_in_dim3A_294 : vector<128x1xi1> to vector<128x128xi1>
      %select_n3A_296 = arith.select %broadcast_in_dim3A_295, %min3A_292, %max3A_293 : vector<128x128xi1>, vector<128x128xf32>
      %and3A_297 = arith.constant 64 : i32
      %and3A_298 = vector.broadcast %and3A_297 : i32 to vector<128x1xi32>
      %and3A_299 = arith.andi %iota3A, %and3A_298 : vector<128x1xi32>
      %ne3A_300 = arith.constant 0 : i32
      %ne3A_301 = vector.broadcast %ne3A_300 : i32 to vector<128x1xi32>
      %ne3A_302 = arith.cmpi ne, %and3A_299, %ne3A_301 : vector<128x1xi32>
      %and3A_303 = arith.constant 64 : i32
      %and3A_304 = vector.broadcast %and3A_303 : i32 to vector<128x1xi32>
      %and3A_305 = arith.andi %iota3A, %and3A_304 : vector<128x1xi32>
      %eq3A_306 = arith.constant 0 : i32
      %eq3A_307 = vector.broadcast %eq3A_306 : i32 to vector<128x1xi32>
      %eq3A_308 = arith.cmpi eq, %and3A_305, %eq3A_307 : vector<128x1xi32>
      %and3A_309 = arith.constant 4 : i32
      %and3A_310 = vector.broadcast %and3A_309 : i32 to vector<128x1xi32>
      %and3A_311 = arith.andi %iota3A, %and3A_310 : vector<128x1xi32>
      %ne3A_312 = arith.constant 0 : i32
      %ne3A_313 = vector.broadcast %ne3A_312 : i32 to vector<128x1xi32>
      %ne3A_314 = arith.cmpi ne, %and3A_311, %ne3A_313 : vector<128x1xi32>
      %xor3A_315 = arith.xori %eq3A_308, %ne3A_314 : vector<128x1xi1>
      %roll3A_316 = arith.constant 64 : i32
      %roll3A_317 = tpu.dynamic_rotate %select_n3A_296 by %roll3A_316 dim 0 : vector<128x128xf32>, i32 -> vector<128x128xf32>
      %roll3A_318 = arith.constant 64 : i32
      %roll3A_319 = tpu.dynamic_rotate %select_n3A_296 by %roll3A_318 dim 0 : vector<128x128xf32>, i32 -> vector<128x128xf32>
      %broadcast_in_dim3A_320 = vector.shape_cast %ne3A_302 : vector<128x1xi1> to vector<128x1xi1>
      %broadcast_in_dim3A_321 = vector.broadcast %broadcast_in_dim3A_320 : vector<128x1xi1> to vector<128x128xi1>
      %select_n3A_322 = arith.select %broadcast_in_dim3A_321, %roll3A_317, %roll3A_319 : vector<128x128xi1>, vector<128x128xf32>
      %min3A_323 = arith.minimumf %select_n3A_296, %select_n3A_322 : vector<128x128xf32>
      %max3A_324 = arith.maximumf %select_n3A_296, %select_n3A_322 : vector<128x128xf32>
      %broadcast_in_dim3A_325 = vector.shape_cast %xor3A_315 : vector<128x1xi1> to vector<128x1xi1>
      %broadcast_in_dim3A_326 = vector.broadcast %broadcast_in_dim3A_325 : vector<128x1xi1> to vector<128x128xi1>
      %select_n3A_327 = arith.select %broadcast_in_dim3A_326, %min3A_323, %max3A_324 : vector<128x128xi1>, vector<128x128xf32>
      %and3A_328 = arith.constant 4 : i32
      %and3A_329 = vector.broadcast %and3A_328 : i32 to vector<128x1xi32>
      %and3A_330 = arith.andi %iota3A, %and3A_329 : vector<128x1xi32>
      %ne3A_331 = arith.constant 0 : i32
      %ne3A_332 = vector.broadcast %ne3A_331 : i32 to vector<128x1xi32>
      %ne3A_333 = arith.cmpi ne, %and3A_330, %ne3A_332 : vector<128x1xi32>
      %and3A_334 = arith.constant 4 : i32
      %and3A_335 = vector.broadcast %and3A_334 : i32 to vector<128x1xi32>
      %and3A_336 = arith.andi %iota3A, %and3A_335 : vector<128x1xi32>
      %eq3A_337 = arith.constant 0 : i32
      %eq3A_338 = vector.broadcast %eq3A_337 : i32 to vector<128x1xi32>
      %eq3A_339 = arith.cmpi eq, %and3A_336, %eq3A_338 : vector<128x1xi32>
      %and3A_340 = arith.constant 2 : i32
      %and3A_341 = vector.broadcast %and3A_340 : i32 to vector<128x1xi32>
      %and3A_342 = arith.andi %iota3A, %and3A_341 : vector<128x1xi32>
      %ne3A_343 = arith.constant 0 : i32
      %ne3A_344 = vector.broadcast %ne3A_343 : i32 to vector<128x1xi32>
      %ne3A_345 = arith.cmpi ne, %and3A_342, %ne3A_344 : vector<128x1xi32>
      %xor3A_346 = arith.xori %eq3A_339, %ne3A_345 : vector<128x1xi1>
      %roll3A_347 = arith.constant 4 : i32
      %roll3A_348 = tpu.dynamic_rotate %select_n3A_327 by %roll3A_347 dim 0 : vector<128x128xf32>, i32 -> vector<128x128xf32>
      %roll3A_349 = arith.constant 124 : i32
      %roll3A_350 = tpu.dynamic_rotate %select_n3A_327 by %roll3A_349 dim 0 : vector<128x128xf32>, i32 -> vector<128x128xf32>
      %broadcast_in_dim3A_351 = vector.shape_cast %ne3A_333 : vector<128x1xi1> to vector<128x1xi1>
      %broadcast_in_dim3A_352 = vector.broadcast %broadcast_in_dim3A_351 : vector<128x1xi1> to vector<128x128xi1>
      %select_n3A_353 = arith.select %broadcast_in_dim3A_352, %roll3A_348, %roll3A_350 : vector<128x128xi1>, vector<128x128xf32>
      %min3A_354 = arith.minimumf %select_n3A_327, %select_n3A_353 : vector<128x128xf32>
      %max3A_355 = arith.maximumf %select_n3A_327, %select_n3A_353 : vector<128x128xf32>
      %broadcast_in_dim3A_356 = vector.shape_cast %xor3A_346 : vector<128x1xi1> to vector<128x1xi1>
      %broadcast_in_dim3A_357 = vector.broadcast %broadcast_in_dim3A_356 : vector<128x1xi1> to vector<128x128xi1>
      %select_n3A_358 = arith.select %broadcast_in_dim3A_357, %min3A_354, %max3A_355 : vector<128x128xi1>, vector<128x128xf32>
      %and3A_359 = arith.constant 8 : i32
      %and3A_360 = vector.broadcast %and3A_359 : i32 to vector<128x1xi32>
      %and3A_361 = arith.andi %iota3A, %and3A_360 : vector<128x1xi32>
      %ne3A_362 = arith.constant 0 : i32
      %ne3A_363 = vector.broadcast %ne3A_362 : i32 to vector<128x1xi32>
      %ne3A_364 = arith.cmpi ne, %and3A_361, %ne3A_363 : vector<128x1xi32>
      %and3A_365 = arith.constant 8 : i32
      %and3A_366 = vector.broadcast %and3A_365 : i32 to vector<128x1xi32>
      %and3A_367 = arith.andi %iota3A, %and3A_366 : vector<128x1xi32>
      %eq3A_368 = arith.constant 0 : i32
      %eq3A_369 = vector.broadcast %eq3A_368 : i32 to vector<128x1xi32>
      %eq3A_370 = arith.cmpi eq, %and3A_367, %eq3A_369 : vector<128x1xi32>
      %and3A_371 = arith.constant 2 : i32
      %and3A_372 = vector.broadcast %and3A_371 : i32 to vector<128x1xi32>
      %and3A_373 = arith.andi %iota3A, %and3A_372 : vector<128x1xi32>
      %ne3A_374 = arith.constant 0 : i32
      %ne3A_375 = vector.broadcast %ne3A_374 : i32 to vector<128x1xi32>
      %ne3A_376 = arith.cmpi ne, %and3A_373, %ne3A_375 : vector<128x1xi32>
      %xor3A_377 = arith.xori %eq3A_370, %ne3A_376 : vector<128x1xi1>
      %roll3A_378 = arith.constant 8 : i32
      %roll3A_379 = tpu.dynamic_rotate %select_n3A_358 by %roll3A_378 dim 0 : vector<128x128xf32>, i32 -> vector<128x128xf32>
      %roll3A_380 = arith.constant 120 : i32
      %roll3A_381 = tpu.dynamic_rotate %select_n3A_358 by %roll3A_380 dim 0 : vector<128x128xf32>, i32 -> vector<128x128xf32>
      %broadcast_in_dim3A_382 = vector.shape_cast %ne3A_364 : vector<128x1xi1> to vector<128x1xi1>
      %broadcast_in_dim3A_383 = vector.broadcast %broadcast_in_dim3A_382 : vector<128x1xi1> to vector<128x128xi1>
      %select_n3A_384 = arith.select %broadcast_in_dim3A_383, %roll3A_379, %roll3A_381 : vector<128x128xi1>, vector<128x128xf32>
      %min3A_385 = arith.minimumf %select_n3A_358, %select_n3A_384 : vector<128x128xf32>
      %max3A_386 = arith.maximumf %select_n3A_358, %select_n3A_384 : vector<128x128xf32>
      %broadcast_in_dim3A_387 = vector.shape_cast %xor3A_377 : vector<128x1xi1> to vector<128x1xi1>
      %broadcast_in_dim3A_388 = vector.broadcast %broadcast_in_dim3A_387 : vector<128x1xi1> to vector<128x128xi1>
      %select_n3A_389 = arith.select %broadcast_in_dim3A_388, %min3A_385, %max3A_386 : vector<128x128xi1>, vector<128x128xf32>
      %and3A_390 = arith.constant 16 : i32
      %and3A_391 = vector.broadcast %and3A_390 : i32 to vector<128x1xi32>
      %and3A_392 = arith.andi %iota3A, %and3A_391 : vector<128x1xi32>
      %ne3A_393 = arith.constant 0 : i32
      %ne3A_394 = vector.broadcast %ne3A_393 : i32 to vector<128x1xi32>
      %ne3A_395 = arith.cmpi ne, %and3A_392, %ne3A_394 : vector<128x1xi32>
      %and3A_396 = arith.constant 16 : i32
      %and3A_397 = vector.broadcast %and3A_396 : i32 to vector<128x1xi32>
      %and3A_398 = arith.andi %iota3A, %and3A_397 : vector<128x1xi32>
      %eq3A_399 = arith.constant 0 : i32
      %eq3A_400 = vector.broadcast %eq3A_399 : i32 to vector<128x1xi32>
      %eq3A_401 = arith.cmpi eq, %and3A_398, %eq3A_400 : vector<128x1xi32>
      %and3A_402 = arith.constant 2 : i32
      %and3A_403 = vector.broadcast %and3A_402 : i32 to vector<128x1xi32>
      %and3A_404 = arith.andi %iota3A, %and3A_403 : vector<128x1xi32>
      %ne3A_405 = arith.constant 0 : i32
      %ne3A_406 = vector.broadcast %ne3A_405 : i32 to vector<128x1xi32>
      %ne3A_407 = arith.cmpi ne, %and3A_404, %ne3A_406 : vector<128x1xi32>
      %xor3A_408 = arith.xori %eq3A_401, %ne3A_407 : vector<128x1xi1>
      %roll3A_409 = arith.constant 16 : i32
      %roll3A_410 = tpu.dynamic_rotate %select_n3A_389 by %roll3A_409 dim 0 : vector<128x128xf32>, i32 -> vector<128x128xf32>
      %roll3A_411 = arith.constant 112 : i32
      %roll3A_412 = tpu.dynamic_rotate %select_n3A_389 by %roll3A_411 dim 0 : vector<128x128xf32>, i32 -> vector<128x128xf32>
      %broadcast_in_dim3A_413 = vector.shape_cast %ne3A_395 : vector<128x1xi1> to vector<128x1xi1>
      %broadcast_in_dim3A_414 = vector.broadcast %broadcast_in_dim3A_413 : vector<128x1xi1> to vector<128x128xi1>
      %select_n3A_415 = arith.select %broadcast_in_dim3A_414, %roll3A_410, %roll3A_412 : vector<128x128xi1>, vector<128x128xf32>
      %min3A_416 = arith.minimumf %select_n3A_389, %select_n3A_415 : vector<128x128xf32>
      %max3A_417 = arith.maximumf %select_n3A_389, %select_n3A_415 : vector<128x128xf32>
      %broadcast_in_dim3A_418 = vector.shape_cast %xor3A_408 : vector<128x1xi1> to vector<128x1xi1>
      %broadcast_in_dim3A_419 = vector.broadcast %broadcast_in_dim3A_418 : vector<128x1xi1> to vector<128x128xi1>
      %select_n3A_420 = arith.select %broadcast_in_dim3A_419, %min3A_416, %max3A_417 : vector<128x128xi1>, vector<128x128xf32>
      %and3A_421 = arith.constant 32 : i32
      %and3A_422 = vector.broadcast %and3A_421 : i32 to vector<128x1xi32>
      %and3A_423 = arith.andi %iota3A, %and3A_422 : vector<128x1xi32>
      %ne3A_424 = arith.constant 0 : i32
      %ne3A_425 = vector.broadcast %ne3A_424 : i32 to vector<128x1xi32>
      %ne3A_426 = arith.cmpi ne, %and3A_423, %ne3A_425 : vector<128x1xi32>
      %and3A_427 = arith.constant 32 : i32
      %and3A_428 = vector.broadcast %and3A_427 : i32 to vector<128x1xi32>
      %and3A_429 = arith.andi %iota3A, %and3A_428 : vector<128x1xi32>
      %eq3A_430 = arith.constant 0 : i32
      %eq3A_431 = vector.broadcast %eq3A_430 : i32 to vector<128x1xi32>
      %eq3A_432 = arith.cmpi eq, %and3A_429, %eq3A_431 : vector<128x1xi32>
      %and3A_433 = arith.constant 2 : i32
      %and3A_434 = vector.broadcast %and3A_433 : i32 to vector<128x1xi32>
      %and3A_435 = arith.andi %iota3A, %and3A_434 : vector<128x1xi32>
      %ne3A_436 = arith.constant 0 : i32
      %ne3A_437 = vector.broadcast %ne3A_436 : i32 to vector<128x1xi32>
      %ne3A_438 = arith.cmpi ne, %and3A_435, %ne3A_437 : vector<128x1xi32>
      %xor3A_439 = arith.xori %eq3A_432, %ne3A_438 : vector<128x1xi1>
      %roll3A_440 = arith.constant 32 : i32
      %roll3A_441 = tpu.dynamic_rotate %select_n3A_420 by %roll3A_440 dim 0 : vector<128x128xf32>, i32 -> vector<128x128xf32>
      %roll3A_442 = arith.constant 96 : i32
      %roll3A_443 = tpu.dynamic_rotate %select_n3A_420 by %roll3A_442 dim 0 : vector<128x128xf32>, i32 -> vector<128x128xf32>
      %broadcast_in_dim3A_444 = vector.shape_cast %ne3A_426 : vector<128x1xi1> to vector<128x1xi1>
      %broadcast_in_dim3A_445 = vector.broadcast %broadcast_in_dim3A_444 : vector<128x1xi1> to vector<128x128xi1>
      %select_n3A_446 = arith.select %broadcast_in_dim3A_445, %roll3A_441, %roll3A_443 : vector<128x128xi1>, vector<128x128xf32>
      %min3A_447 = arith.minimumf %select_n3A_420, %select_n3A_446 : vector<128x128xf32>
      %max3A_448 = arith.maximumf %select_n3A_420, %select_n3A_446 : vector<128x128xf32>
      %broadcast_in_dim3A_449 = vector.shape_cast %xor3A_439 : vector<128x1xi1> to vector<128x1xi1>
      %broadcast_in_dim3A_450 = vector.broadcast %broadcast_in_dim3A_449 : vector<128x1xi1> to vector<128x128xi1>
      %select_n3A_451 = arith.select %broadcast_in_dim3A_450, %min3A_447, %max3A_448 : vector<128x128xi1>, vector<128x128xf32>
      %and3A_452 = arith.constant 64 : i32
      %and3A_453 = vector.broadcast %and3A_452 : i32 to vector<128x1xi32>
      %and3A_454 = arith.andi %iota3A, %and3A_453 : vector<128x1xi32>
      %ne3A_455 = arith.constant 0 : i32
      %ne3A_456 = vector.broadcast %ne3A_455 : i32 to vector<128x1xi32>
      %ne3A_457 = arith.cmpi ne, %and3A_454, %ne3A_456 : vector<128x1xi32>
      %and3A_458 = arith.constant 64 : i32
      %and3A_459 = vector.broadcast %and3A_458 : i32 to vector<128x1xi32>
      %and3A_460 = arith.andi %iota3A, %and3A_459 : vector<128x1xi32>
      %eq3A_461 = arith.constant 0 : i32
      %eq3A_462 = vector.broadcast %eq3A_461 : i32 to vector<128x1xi32>
      %eq3A_463 = arith.cmpi eq, %and3A_460, %eq3A_462 : vector<128x1xi32>
      %and3A_464 = arith.constant 2 : i32
      %and3A_465 = vector.broadcast %and3A_464 : i32 to vector<128x1xi32>
      %and3A_466 = arith.andi %iota3A, %and3A_465 : vector<128x1xi32>
      %ne3A_467 = arith.constant 0 : i32
      %ne3A_468 = vector.broadcast %ne3A_467 : i32 to vector<128x1xi32>
      %ne3A_469 = arith.cmpi ne, %and3A_466, %ne3A_468 : vector<128x1xi32>
      %xor3A_470 = arith.xori %eq3A_463, %ne3A_469 : vector<128x1xi1>
      %roll3A_471 = arith.constant 64 : i32
      %roll3A_472 = tpu.dynamic_rotate %select_n3A_451 by %roll3A_471 dim 0 : vector<128x128xf32>, i32 -> vector<128x128xf32>
      %roll3A_473 = arith.constant 64 : i32
      %roll3A_474 = tpu.dynamic_rotate %select_n3A_451 by %roll3A_473 dim 0 : vector<128x128xf32>, i32 -> vector<128x128xf32>
      %broadcast_in_dim3A_475 = vector.shape_cast %ne3A_457 : vector<128x1xi1> to vector<128x1xi1>
      %broadcast_in_dim3A_476 = vector.broadcast %broadcast_in_dim3A_475 : vector<128x1xi1> to vector<128x128xi1>
      %select_n3A_477 = arith.select %broadcast_in_dim3A_476, %roll3A_472, %roll3A_474 : vector<128x128xi1>, vector<128x128xf32>
      %min3A_478 = arith.minimumf %select_n3A_451, %select_n3A_477 : vector<128x128xf32>
      %max3A_479 = arith.maximumf %select_n3A_451, %select_n3A_477 : vector<128x128xf32>
      %broadcast_in_dim3A_480 = vector.shape_cast %xor3A_470 : vector<128x1xi1> to vector<128x1xi1>
      %broadcast_in_dim3A_481 = vector.broadcast %broadcast_in_dim3A_480 : vector<128x1xi1> to vector<128x128xi1>
      %select_n3A_482 = arith.select %broadcast_in_dim3A_481, %min3A_478, %max3A_479 : vector<128x128xi1>, vector<128x128xf32>
      %and3A_483 = arith.constant 2 : i32
      %and3A_484 = vector.broadcast %and3A_483 : i32 to vector<128x1xi32>
      %and3A_485 = arith.andi %iota3A, %and3A_484 : vector<128x1xi32>
      %ne3A_486 = arith.constant 0 : i32
      %ne3A_487 = vector.broadcast %ne3A_486 : i32 to vector<128x1xi32>
      %ne3A_488 = arith.cmpi ne, %and3A_485, %ne3A_487 : vector<128x1xi32>
      %and3A_489 = arith.constant 2 : i32
      %and3A_490 = vector.broadcast %and3A_489 : i32 to vector<128x1xi32>
      %and3A_491 = arith.andi %iota3A, %and3A_490 : vector<128x1xi32>
      %eq3A_492 = arith.constant 0 : i32
      %eq3A_493 = vector.broadcast %eq3A_492 : i32 to vector<128x1xi32>
      %eq3A_494 = arith.cmpi eq, %and3A_491, %eq3A_493 : vector<128x1xi32>
      %and3A_495 = arith.constant 1 : i32
      %and3A_496 = vector.broadcast %and3A_495 : i32 to vector<128x1xi32>
      %and3A_497 = arith.andi %iota3A, %and3A_496 : vector<128x1xi32>
      %ne3A_498 = arith.constant 0 : i32
      %ne3A_499 = vector.broadcast %ne3A_498 : i32 to vector<128x1xi32>
      %ne3A_500 = arith.cmpi ne, %and3A_497, %ne3A_499 : vector<128x1xi32>
      %xor3A_501 = arith.xori %eq3A_494, %ne3A_500 : vector<128x1xi1>
      %roll3A_502 = arith.constant 2 : i32
      %roll3A_503 = tpu.dynamic_rotate %select_n3A_482 by %roll3A_502 dim 0 : vector<128x128xf32>, i32 -> vector<128x128xf32>
      %roll3A_504 = arith.constant 126 : i32
      %roll3A_505 = tpu.dynamic_rotate %select_n3A_482 by %roll3A_504 dim 0 : vector<128x128xf32>, i32 -> vector<128x128xf32>
      %broadcast_in_dim3A_506 = vector.shape_cast %ne3A_488 : vector<128x1xi1> to vector<128x1xi1>
      %broadcast_in_dim3A_507 = vector.broadcast %broadcast_in_dim3A_506 : vector<128x1xi1> to vector<128x128xi1>
      %select_n3A_508 = arith.select %broadcast_in_dim3A_507, %roll3A_503, %roll3A_505 : vector<128x128xi1>, vector<128x128xf32>
      %min3A_509 = arith.minimumf %select_n3A_482, %select_n3A_508 : vector<128x128xf32>
      %max3A_510 = arith.maximumf %select_n3A_482, %select_n3A_508 : vector<128x128xf32>
      %broadcast_in_dim3A_511 = vector.shape_cast %xor3A_501 : vector<128x1xi1> to vector<128x1xi1>
      %broadcast_in_dim3A_512 = vector.broadcast %broadcast_in_dim3A_511 : vector<128x1xi1> to vector<128x128xi1>
      %select_n3A_513 = arith.select %broadcast_in_dim3A_512, %min3A_509, %max3A_510 : vector<128x128xi1>, vector<128x128xf32>
      %and3A_514 = arith.constant 4 : i32
      %and3A_515 = vector.broadcast %and3A_514 : i32 to vector<128x1xi32>
      %and3A_516 = arith.andi %iota3A, %and3A_515 : vector<128x1xi32>
      %ne3A_517 = arith.constant 0 : i32
      %ne3A_518 = vector.broadcast %ne3A_517 : i32 to vector<128x1xi32>
      %ne3A_519 = arith.cmpi ne, %and3A_516, %ne3A_518 : vector<128x1xi32>
      %and3A_520 = arith.constant 4 : i32
      %and3A_521 = vector.broadcast %and3A_520 : i32 to vector<128x1xi32>
      %and3A_522 = arith.andi %iota3A, %and3A_521 : vector<128x1xi32>
      %eq3A_523 = arith.constant 0 : i32
      %eq3A_524 = vector.broadcast %eq3A_523 : i32 to vector<128x1xi32>
      %eq3A_525 = arith.cmpi eq, %and3A_522, %eq3A_524 : vector<128x1xi32>
      %and3A_526 = arith.constant 1 : i32
      %and3A_527 = vector.broadcast %and3A_526 : i32 to vector<128x1xi32>
      %and3A_528 = arith.andi %iota3A, %and3A_527 : vector<128x1xi32>
      %ne3A_529 = arith.constant 0 : i32
      %ne3A_530 = vector.broadcast %ne3A_529 : i32 to vector<128x1xi32>
      %ne3A_531 = arith.cmpi ne, %and3A_528, %ne3A_530 : vector<128x1xi32>
      %xor3A_532 = arith.xori %eq3A_525, %ne3A_531 : vector<128x1xi1>
      %roll3A_533 = arith.constant 4 : i32
      %roll3A_534 = tpu.dynamic_rotate %select_n3A_513 by %roll3A_533 dim 0 : vector<128x128xf32>, i32 -> vector<128x128xf32>
      %roll3A_535 = arith.constant 124 : i32
      %roll3A_536 = tpu.dynamic_rotate %select_n3A_513 by %roll3A_535 dim 0 : vector<128x128xf32>, i32 -> vector<128x128xf32>
      %broadcast_in_dim3A_537 = vector.shape_cast %ne3A_519 : vector<128x1xi1> to vector<128x1xi1>
      %broadcast_in_dim3A_538 = vector.broadcast %broadcast_in_dim3A_537 : vector<128x1xi1> to vector<128x128xi1>
      %select_n3A_539 = arith.select %broadcast_in_dim3A_538, %roll3A_534, %roll3A_536 : vector<128x128xi1>, vector<128x128xf32>
      %min3A_540 = arith.minimumf %select_n3A_513, %select_n3A_539 : vector<128x128xf32>
      %max3A_541 = arith.maximumf %select_n3A_513, %select_n3A_539 : vector<128x128xf32>
      %broadcast_in_dim3A_542 = vector.shape_cast %xor3A_532 : vector<128x1xi1> to vector<128x1xi1>
      %broadcast_in_dim3A_543 = vector.broadcast %broadcast_in_dim3A_542 : vector<128x1xi1> to vector<128x128xi1>
      %select_n3A_544 = arith.select %broadcast_in_dim3A_543, %min3A_540, %max3A_541 : vector<128x128xi1>, vector<128x128xf32>
      %and3A_545 = arith.constant 8 : i32
      %and3A_546 = vector.broadcast %and3A_545 : i32 to vector<128x1xi32>
      %and3A_547 = arith.andi %iota3A, %and3A_546 : vector<128x1xi32>
      %ne3A_548 = arith.constant 0 : i32
      %ne3A_549 = vector.broadcast %ne3A_548 : i32 to vector<128x1xi32>
      %ne3A_550 = arith.cmpi ne, %and3A_547, %ne3A_549 : vector<128x1xi32>
      %and3A_551 = arith.constant 8 : i32
      %and3A_552 = vector.broadcast %and3A_551 : i32 to vector<128x1xi32>
      %and3A_553 = arith.andi %iota3A, %and3A_552 : vector<128x1xi32>
      %eq3A_554 = arith.constant 0 : i32
      %eq3A_555 = vector.broadcast %eq3A_554 : i32 to vector<128x1xi32>
      %eq3A_556 = arith.cmpi eq, %and3A_553, %eq3A_555 : vector<128x1xi32>
      %and3A_557 = arith.constant 1 : i32
      %and3A_558 = vector.broadcast %and3A_557 : i32 to vector<128x1xi32>
      %and3A_559 = arith.andi %iota3A, %and3A_558 : vector<128x1xi32>
      %ne3A_560 = arith.constant 0 : i32
      %ne3A_561 = vector.broadcast %ne3A_560 : i32 to vector<128x1xi32>
      %ne3A_562 = arith.cmpi ne, %and3A_559, %ne3A_561 : vector<128x1xi32>
      %xor3A_563 = arith.xori %eq3A_556, %ne3A_562 : vector<128x1xi1>
      %roll3A_564 = arith.constant 8 : i32
      %roll3A_565 = tpu.dynamic_rotate %select_n3A_544 by %roll3A_564 dim 0 : vector<128x128xf32>, i32 -> vector<128x128xf32>
      %roll3A_566 = arith.constant 120 : i32
      %roll3A_567 = tpu.dynamic_rotate %select_n3A_544 by %roll3A_566 dim 0 : vector<128x128xf32>, i32 -> vector<128x128xf32>
      %broadcast_in_dim3A_568 = vector.shape_cast %ne3A_550 : vector<128x1xi1> to vector<128x1xi1>
      %broadcast_in_dim3A_569 = vector.broadcast %broadcast_in_dim3A_568 : vector<128x1xi1> to vector<128x128xi1>
      %select_n3A_570 = arith.select %broadcast_in_dim3A_569, %roll3A_565, %roll3A_567 : vector<128x128xi1>, vector<128x128xf32>
      %min3A_571 = arith.minimumf %select_n3A_544, %select_n3A_570 : vector<128x128xf32>
      %max3A_572 = arith.maximumf %select_n3A_544, %select_n3A_570 : vector<128x128xf32>
      %broadcast_in_dim3A_573 = vector.shape_cast %xor3A_563 : vector<128x1xi1> to vector<128x1xi1>
      %broadcast_in_dim3A_574 = vector.broadcast %broadcast_in_dim3A_573 : vector<128x1xi1> to vector<128x128xi1>
      %select_n3A_575 = arith.select %broadcast_in_dim3A_574, %min3A_571, %max3A_572 : vector<128x128xi1>, vector<128x128xf32>
      %and3A_576 = arith.constant 16 : i32
      %and3A_577 = vector.broadcast %and3A_576 : i32 to vector<128x1xi32>
      %and3A_578 = arith.andi %iota3A, %and3A_577 : vector<128x1xi32>
      %ne3A_579 = arith.constant 0 : i32
      %ne3A_580 = vector.broadcast %ne3A_579 : i32 to vector<128x1xi32>
      %ne3A_581 = arith.cmpi ne, %and3A_578, %ne3A_580 : vector<128x1xi32>
      %and3A_582 = arith.constant 16 : i32
      %and3A_583 = vector.broadcast %and3A_582 : i32 to vector<128x1xi32>
      %and3A_584 = arith.andi %iota3A, %and3A_583 : vector<128x1xi32>
      %eq3A_585 = arith.constant 0 : i32
      %eq3A_586 = vector.broadcast %eq3A_585 : i32 to vector<128x1xi32>
      %eq3A_587 = arith.cmpi eq, %and3A_584, %eq3A_586 : vector<128x1xi32>
      %and3A_588 = arith.constant 1 : i32
      %and3A_589 = vector.broadcast %and3A_588 : i32 to vector<128x1xi32>
      %and3A_590 = arith.andi %iota3A, %and3A_589 : vector<128x1xi32>
      %ne3A_591 = arith.constant 0 : i32
      %ne3A_592 = vector.broadcast %ne3A_591 : i32 to vector<128x1xi32>
      %ne3A_593 = arith.cmpi ne, %and3A_590, %ne3A_592 : vector<128x1xi32>
      %xor3A_594 = arith.xori %eq3A_587, %ne3A_593 : vector<128x1xi1>
      %roll3A_595 = arith.constant 16 : i32
      %roll3A_596 = tpu.dynamic_rotate %select_n3A_575 by %roll3A_595 dim 0 : vector<128x128xf32>, i32 -> vector<128x128xf32>
      %roll3A_597 = arith.constant 112 : i32
      %roll3A_598 = tpu.dynamic_rotate %select_n3A_575 by %roll3A_597 dim 0 : vector<128x128xf32>, i32 -> vector<128x128xf32>
      %broadcast_in_dim3A_599 = vector.shape_cast %ne3A_581 : vector<128x1xi1> to vector<128x1xi1>
      %broadcast_in_dim3A_600 = vector.broadcast %broadcast_in_dim3A_599 : vector<128x1xi1> to vector<128x128xi1>
      %select_n3A_601 = arith.select %broadcast_in_dim3A_600, %roll3A_596, %roll3A_598 : vector<128x128xi1>, vector<128x128xf32>
      %min3A_602 = arith.minimumf %select_n3A_575, %select_n3A_601 : vector<128x128xf32>
      %max3A_603 = arith.maximumf %select_n3A_575, %select_n3A_601 : vector<128x128xf32>
      %broadcast_in_dim3A_604 = vector.shape_cast %xor3A_594 : vector<128x1xi1> to vector<128x1xi1>
      %broadcast_in_dim3A_605 = vector.broadcast %broadcast_in_dim3A_604 : vector<128x1xi1> to vector<128x128xi1>
      %select_n3A_606 = arith.select %broadcast_in_dim3A_605, %min3A_602, %max3A_603 : vector<128x128xi1>, vector<128x128xf32>
      %and3A_607 = arith.constant 32 : i32
      %and3A_608 = vector.broadcast %and3A_607 : i32 to vector<128x1xi32>
      %and3A_609 = arith.andi %iota3A, %and3A_608 : vector<128x1xi32>
      %ne3A_610 = arith.constant 0 : i32
      %ne3A_611 = vector.broadcast %ne3A_610 : i32 to vector<128x1xi32>
      %ne3A_612 = arith.cmpi ne, %and3A_609, %ne3A_611 : vector<128x1xi32>
      %and3A_613 = arith.constant 32 : i32
      %and3A_614 = vector.broadcast %and3A_613 : i32 to vector<128x1xi32>
      %and3A_615 = arith.andi %iota3A, %and3A_614 : vector<128x1xi32>
      %eq3A_616 = arith.constant 0 : i32
      %eq3A_617 = vector.broadcast %eq3A_616 : i32 to vector<128x1xi32>
      %eq3A_618 = arith.cmpi eq, %and3A_615, %eq3A_617 : vector<128x1xi32>
      %and3A_619 = arith.constant 1 : i32
      %and3A_620 = vector.broadcast %and3A_619 : i32 to vector<128x1xi32>
      %and3A_621 = arith.andi %iota3A, %and3A_620 : vector<128x1xi32>
      %ne3A_622 = arith.constant 0 : i32
      %ne3A_623 = vector.broadcast %ne3A_622 : i32 to vector<128x1xi32>
      %ne3A_624 = arith.cmpi ne, %and3A_621, %ne3A_623 : vector<128x1xi32>
      %xor3A_625 = arith.xori %eq3A_618, %ne3A_624 : vector<128x1xi1>
      %roll3A_626 = arith.constant 32 : i32
      %roll3A_627 = tpu.dynamic_rotate %select_n3A_606 by %roll3A_626 dim 0 : vector<128x128xf32>, i32 -> vector<128x128xf32>
      %roll3A_628 = arith.constant 96 : i32
      %roll3A_629 = tpu.dynamic_rotate %select_n3A_606 by %roll3A_628 dim 0 : vector<128x128xf32>, i32 -> vector<128x128xf32>
      %broadcast_in_dim3A_630 = vector.shape_cast %ne3A_612 : vector<128x1xi1> to vector<128x1xi1>
      %broadcast_in_dim3A_631 = vector.broadcast %broadcast_in_dim3A_630 : vector<128x1xi1> to vector<128x128xi1>
      %select_n3A_632 = arith.select %broadcast_in_dim3A_631, %roll3A_627, %roll3A_629 : vector<128x128xi1>, vector<128x128xf32>
      %min3A_633 = arith.minimumf %select_n3A_606, %select_n3A_632 : vector<128x128xf32>
      %max3A_634 = arith.maximumf %select_n3A_606, %select_n3A_632 : vector<128x128xf32>
      %broadcast_in_dim3A_635 = vector.shape_cast %xor3A_625 : vector<128x1xi1> to vector<128x1xi1>
      %broadcast_in_dim3A_636 = vector.broadcast %broadcast_in_dim3A_635 : vector<128x1xi1> to vector<128x128xi1>
      %select_n3A_637 = arith.select %broadcast_in_dim3A_636, %min3A_633, %max3A_634 : vector<128x128xi1>, vector<128x128xf32>
      %and3A_638 = arith.constant 64 : i32
      %and3A_639 = vector.broadcast %and3A_638 : i32 to vector<128x1xi32>
      %and3A_640 = arith.andi %iota3A, %and3A_639 : vector<128x1xi32>
      %ne3A_641 = arith.constant 0 : i32
      %ne3A_642 = vector.broadcast %ne3A_641 : i32 to vector<128x1xi32>
      %ne3A_643 = arith.cmpi ne, %and3A_640, %ne3A_642 : vector<128x1xi32>
      %and3A_644 = arith.constant 64 : i32
      %and3A_645 = vector.broadcast %and3A_644 : i32 to vector<128x1xi32>
      %and3A_646 = arith.andi %iota3A, %and3A_645 : vector<128x1xi32>
      %eq3A_647 = arith.constant 0 : i32
      %eq3A_648 = vector.broadcast %eq3A_647 : i32 to vector<128x1xi32>
      %eq3A_649 = arith.cmpi eq, %and3A_646, %eq3A_648 : vector<128x1xi32>
      %and3A_650 = arith.constant 1 : i32
      %and3A_651 = vector.broadcast %and3A_650 : i32 to vector<128x1xi32>
      %and3A_652 = arith.andi %iota3A, %and3A_651 : vector<128x1xi32>
      %ne3A_653 = arith.constant 0 : i32
      %ne3A_654 = vector.broadcast %ne3A_653 : i32 to vector<128x1xi32>
      %ne3A_655 = arith.cmpi ne, %and3A_652, %ne3A_654 : vector<128x1xi32>
      %xor3A_656 = arith.xori %eq3A_649, %ne3A_655 : vector<128x1xi1>
      %roll3A_657 = arith.constant 64 : i32
      %roll3A_658 = tpu.dynamic_rotate %select_n3A_637 by %roll3A_657 dim 0 : vector<128x128xf32>, i32 -> vector<128x128xf32>
      %roll3A_659 = arith.constant 64 : i32
      %roll3A_660 = tpu.dynamic_rotate %select_n3A_637 by %roll3A_659 dim 0 : vector<128x128xf32>, i32 -> vector<128x128xf32>
      %broadcast_in_dim3A_661 = vector.shape_cast %ne3A_643 : vector<128x1xi1> to vector<128x1xi1>
      %broadcast_in_dim3A_662 = vector.broadcast %broadcast_in_dim3A_661 : vector<128x1xi1> to vector<128x128xi1>
      %select_n3A_663 = arith.select %broadcast_in_dim3A_662, %roll3A_658, %roll3A_660 : vector<128x128xi1>, vector<128x128xf32>
      %min3A_664 = arith.minimumf %select_n3A_637, %select_n3A_663 : vector<128x128xf32>
      %max3A_665 = arith.maximumf %select_n3A_637, %select_n3A_663 : vector<128x128xf32>
      %broadcast_in_dim3A_666 = vector.shape_cast %xor3A_656 : vector<128x1xi1> to vector<128x1xi1>
      %broadcast_in_dim3A_667 = vector.broadcast %broadcast_in_dim3A_666 : vector<128x1xi1> to vector<128x128xi1>
      %select_n3A_668 = arith.select %broadcast_in_dim3A_667, %min3A_664, %max3A_665 : vector<128x128xi1>, vector<128x128xf32>
      %and3A_669 = arith.constant 1 : i32
      %and3A_670 = vector.broadcast %and3A_669 : i32 to vector<128x1xi32>
      %and3A_671 = arith.andi %iota3A, %and3A_670 : vector<128x1xi32>
      %ne3A_672 = arith.constant 0 : i32
      %ne3A_673 = vector.broadcast %ne3A_672 : i32 to vector<128x1xi32>
      %ne3A_674 = arith.cmpi ne, %and3A_671, %ne3A_673 : vector<128x1xi32>
      %and3A_675 = arith.constant 1 : i32
      %and3A_676 = vector.broadcast %and3A_675 : i32 to vector<128x1xi32>
      %and3A_677 = arith.andi %iota3A, %and3A_676 : vector<128x1xi32>
      %eq3A_678 = arith.constant 0 : i32
      %eq3A_679 = vector.broadcast %eq3A_678 : i32 to vector<128x1xi32>
      %eq3A_680 = arith.cmpi eq, %and3A_677, %eq3A_679 : vector<128x1xi32>
      %and3A_681 = arith.constant 0 : i32
      %and3A_682 = vector.broadcast %and3A_681 : i32 to vector<128x1xi32>
      %and3A_683 = arith.andi %iota3A, %and3A_682 : vector<128x1xi32>
      %ne3A_684 = arith.constant 0 : i32
      %ne3A_685 = vector.broadcast %ne3A_684 : i32 to vector<128x1xi32>
      %ne3A_686 = arith.cmpi ne, %and3A_683, %ne3A_685 : vector<128x1xi32>
      %xor3A_687 = arith.xori %eq3A_680, %ne3A_686 : vector<128x1xi1>
      %roll3A_688 = arith.constant 1 : i32
      %roll3A_689 = tpu.dynamic_rotate %select_n3A_668 by %roll3A_688 dim 0 : vector<128x128xf32>, i32 -> vector<128x128xf32>
      %roll3A_690 = arith.constant 127 : i32
      %roll3A_691 = tpu.dynamic_rotate %select_n3A_668 by %roll3A_690 dim 0 : vector<128x128xf32>, i32 -> vector<128x128xf32>
      %broadcast_in_dim3A_692 = vector.shape_cast %ne3A_674 : vector<128x1xi1> to vector<128x1xi1>
      %broadcast_in_dim3A_693 = vector.broadcast %broadcast_in_dim3A_692 : vector<128x1xi1> to vector<128x128xi1>
      %select_n3A_694 = arith.select %broadcast_in_dim3A_693, %roll3A_689, %roll3A_691 : vector<128x128xi1>, vector<128x128xf32>
      %min3A_695 = arith.minimumf %select_n3A_668, %select_n3A_694 : vector<128x128xf32>
      %max3A_696 = arith.maximumf %select_n3A_668, %select_n3A_694 : vector<128x128xf32>
      %broadcast_in_dim3A_697 = vector.shape_cast %xor3A_687 : vector<128x1xi1> to vector<128x1xi1>
      %broadcast_in_dim3A_698 = vector.broadcast %broadcast_in_dim3A_697 : vector<128x1xi1> to vector<128x128xi1>
      %select_n3A_699 = arith.select %broadcast_in_dim3A_698, %min3A_695, %max3A_696 : vector<128x128xi1>, vector<128x128xf32>
      %and3A_700 = arith.constant 2 : i32
      %and3A_701 = vector.broadcast %and3A_700 : i32 to vector<128x1xi32>
      %and3A_702 = arith.andi %iota3A, %and3A_701 : vector<128x1xi32>
      %ne3A_703 = arith.constant 0 : i32
      %ne3A_704 = vector.broadcast %ne3A_703 : i32 to vector<128x1xi32>
      %ne3A_705 = arith.cmpi ne, %and3A_702, %ne3A_704 : vector<128x1xi32>
      %and3A_706 = arith.constant 2 : i32
      %and3A_707 = vector.broadcast %and3A_706 : i32 to vector<128x1xi32>
      %and3A_708 = arith.andi %iota3A, %and3A_707 : vector<128x1xi32>
      %eq3A_709 = arith.constant 0 : i32
      %eq3A_710 = vector.broadcast %eq3A_709 : i32 to vector<128x1xi32>
      %eq3A_711 = arith.cmpi eq, %and3A_708, %eq3A_710 : vector<128x1xi32>
      %and3A_712 = arith.constant 0 : i32
      %and3A_713 = vector.broadcast %and3A_712 : i32 to vector<128x1xi32>
      %and3A_714 = arith.andi %iota3A, %and3A_713 : vector<128x1xi32>
      %ne3A_715 = arith.constant 0 : i32
      %ne3A_716 = vector.broadcast %ne3A_715 : i32 to vector<128x1xi32>
      %ne3A_717 = arith.cmpi ne, %and3A_714, %ne3A_716 : vector<128x1xi32>
      %xor3A_718 = arith.xori %eq3A_711, %ne3A_717 : vector<128x1xi1>
      %roll3A_719 = arith.constant 2 : i32
      %roll3A_720 = tpu.dynamic_rotate %select_n3A_699 by %roll3A_719 dim 0 : vector<128x128xf32>, i32 -> vector<128x128xf32>
      %roll3A_721 = arith.constant 126 : i32
      %roll3A_722 = tpu.dynamic_rotate %select_n3A_699 by %roll3A_721 dim 0 : vector<128x128xf32>, i32 -> vector<128x128xf32>
      %broadcast_in_dim3A_723 = vector.shape_cast %ne3A_705 : vector<128x1xi1> to vector<128x1xi1>
      %broadcast_in_dim3A_724 = vector.broadcast %broadcast_in_dim3A_723 : vector<128x1xi1> to vector<128x128xi1>
      %select_n3A_725 = arith.select %broadcast_in_dim3A_724, %roll3A_720, %roll3A_722 : vector<128x128xi1>, vector<128x128xf32>
      %min3A_726 = arith.minimumf %select_n3A_699, %select_n3A_725 : vector<128x128xf32>
      %max3A_727 = arith.maximumf %select_n3A_699, %select_n3A_725 : vector<128x128xf32>
      %broadcast_in_dim3A_728 = vector.shape_cast %xor3A_718 : vector<128x1xi1> to vector<128x1xi1>
      %broadcast_in_dim3A_729 = vector.broadcast %broadcast_in_dim3A_728 : vector<128x1xi1> to vector<128x128xi1>
      %select_n3A_730 = arith.select %broadcast_in_dim3A_729, %min3A_726, %max3A_727 : vector<128x128xi1>, vector<128x128xf32>
      %and3A_731 = arith.constant 4 : i32
      %and3A_732 = vector.broadcast %and3A_731 : i32 to vector<128x1xi32>
      %and3A_733 = arith.andi %iota3A, %and3A_732 : vector<128x1xi32>
      %ne3A_734 = arith.constant 0 : i32
      %ne3A_735 = vector.broadcast %ne3A_734 : i32 to vector<128x1xi32>
      %ne3A_736 = arith.cmpi ne, %and3A_733, %ne3A_735 : vector<128x1xi32>
      %and3A_737 = arith.constant 4 : i32
      %and3A_738 = vector.broadcast %and3A_737 : i32 to vector<128x1xi32>
      %and3A_739 = arith.andi %iota3A, %and3A_738 : vector<128x1xi32>
      %eq3A_740 = arith.constant 0 : i32
      %eq3A_741 = vector.broadcast %eq3A_740 : i32 to vector<128x1xi32>
      %eq3A_742 = arith.cmpi eq, %and3A_739, %eq3A_741 : vector<128x1xi32>
      %and3A_743 = arith.constant 0 : i32
      %and3A_744 = vector.broadcast %and3A_743 : i32 to vector<128x1xi32>
      %and3A_745 = arith.andi %iota3A, %and3A_744 : vector<128x1xi32>
      %ne3A_746 = arith.constant 0 : i32
      %ne3A_747 = vector.broadcast %ne3A_746 : i32 to vector<128x1xi32>
      %ne3A_748 = arith.cmpi ne, %and3A_745, %ne3A_747 : vector<128x1xi32>
      %xor3A_749 = arith.xori %eq3A_742, %ne3A_748 : vector<128x1xi1>
      %roll3A_750 = arith.constant 4 : i32
      %roll3A_751 = tpu.dynamic_rotate %select_n3A_730 by %roll3A_750 dim 0 : vector<128x128xf32>, i32 -> vector<128x128xf32>
      %roll3A_752 = arith.constant 124 : i32
      %roll3A_753 = tpu.dynamic_rotate %select_n3A_730 by %roll3A_752 dim 0 : vector<128x128xf32>, i32 -> vector<128x128xf32>
      %broadcast_in_dim3A_754 = vector.shape_cast %ne3A_736 : vector<128x1xi1> to vector<128x1xi1>
      %broadcast_in_dim3A_755 = vector.broadcast %broadcast_in_dim3A_754 : vector<128x1xi1> to vector<128x128xi1>
      %select_n3A_756 = arith.select %broadcast_in_dim3A_755, %roll3A_751, %roll3A_753 : vector<128x128xi1>, vector<128x128xf32>
      %min3A_757 = arith.minimumf %select_n3A_730, %select_n3A_756 : vector<128x128xf32>
      %max3A_758 = arith.maximumf %select_n3A_730, %select_n3A_756 : vector<128x128xf32>
      %broadcast_in_dim3A_759 = vector.shape_cast %xor3A_749 : vector<128x1xi1> to vector<128x1xi1>
      %broadcast_in_dim3A_760 = vector.broadcast %broadcast_in_dim3A_759 : vector<128x1xi1> to vector<128x128xi1>
      %select_n3A_761 = arith.select %broadcast_in_dim3A_760, %min3A_757, %max3A_758 : vector<128x128xi1>, vector<128x128xf32>
      %and3A_762 = arith.constant 8 : i32
      %and3A_763 = vector.broadcast %and3A_762 : i32 to vector<128x1xi32>
      %and3A_764 = arith.andi %iota3A, %and3A_763 : vector<128x1xi32>
      %ne3A_765 = arith.constant 0 : i32
      %ne3A_766 = vector.broadcast %ne3A_765 : i32 to vector<128x1xi32>
      %ne3A_767 = arith.cmpi ne, %and3A_764, %ne3A_766 : vector<128x1xi32>
      %and3A_768 = arith.constant 8 : i32
      %and3A_769 = vector.broadcast %and3A_768 : i32 to vector<128x1xi32>
      %and3A_770 = arith.andi %iota3A, %and3A_769 : vector<128x1xi32>
      %eq3A_771 = arith.constant 0 : i32
      %eq3A_772 = vector.broadcast %eq3A_771 : i32 to vector<128x1xi32>
      %eq3A_773 = arith.cmpi eq, %and3A_770, %eq3A_772 : vector<128x1xi32>
      %and3A_774 = arith.constant 0 : i32
      %and3A_775 = vector.broadcast %and3A_774 : i32 to vector<128x1xi32>
      %and3A_776 = arith.andi %iota3A, %and3A_775 : vector<128x1xi32>
      %ne3A_777 = arith.constant 0 : i32
      %ne3A_778 = vector.broadcast %ne3A_777 : i32 to vector<128x1xi32>
      %ne3A_779 = arith.cmpi ne, %and3A_776, %ne3A_778 : vector<128x1xi32>
      %xor3A_780 = arith.xori %eq3A_773, %ne3A_779 : vector<128x1xi1>
      %roll3A_781 = arith.constant 8 : i32
      %roll3A_782 = tpu.dynamic_rotate %select_n3A_761 by %roll3A_781 dim 0 : vector<128x128xf32>, i32 -> vector<128x128xf32>
      %roll3A_783 = arith.constant 120 : i32
      %roll3A_784 = tpu.dynamic_rotate %select_n3A_761 by %roll3A_783 dim 0 : vector<128x128xf32>, i32 -> vector<128x128xf32>
      %broadcast_in_dim3A_785 = vector.shape_cast %ne3A_767 : vector<128x1xi1> to vector<128x1xi1>
      %broadcast_in_dim3A_786 = vector.broadcast %broadcast_in_dim3A_785 : vector<128x1xi1> to vector<128x128xi1>
      %select_n3A_787 = arith.select %broadcast_in_dim3A_786, %roll3A_782, %roll3A_784 : vector<128x128xi1>, vector<128x128xf32>
      %min3A_788 = arith.minimumf %select_n3A_761, %select_n3A_787 : vector<128x128xf32>
      %max3A_789 = arith.maximumf %select_n3A_761, %select_n3A_787 : vector<128x128xf32>
      %broadcast_in_dim3A_790 = vector.shape_cast %xor3A_780 : vector<128x1xi1> to vector<128x1xi1>
      %broadcast_in_dim3A_791 = vector.broadcast %broadcast_in_dim3A_790 : vector<128x1xi1> to vector<128x128xi1>
      %select_n3A_792 = arith.select %broadcast_in_dim3A_791, %min3A_788, %max3A_789 : vector<128x128xi1>, vector<128x128xf32>
      %and3A_793 = arith.constant 16 : i32
      %and3A_794 = vector.broadcast %and3A_793 : i32 to vector<128x1xi32>
      %and3A_795 = arith.andi %iota3A, %and3A_794 : vector<128x1xi32>
      %ne3A_796 = arith.constant 0 : i32
      %ne3A_797 = vector.broadcast %ne3A_796 : i32 to vector<128x1xi32>
      %ne3A_798 = arith.cmpi ne, %and3A_795, %ne3A_797 : vector<128x1xi32>
      %and3A_799 = arith.constant 16 : i32
      %and3A_800 = vector.broadcast %and3A_799 : i32 to vector<128x1xi32>
      %and3A_801 = arith.andi %iota3A, %and3A_800 : vector<128x1xi32>
      %eq3A_802 = arith.constant 0 : i32
      %eq3A_803 = vector.broadcast %eq3A_802 : i32 to vector<128x1xi32>
      %eq3A_804 = arith.cmpi eq, %and3A_801, %eq3A_803 : vector<128x1xi32>
      %and3A_805 = arith.constant 0 : i32
      %and3A_806 = vector.broadcast %and3A_805 : i32 to vector<128x1xi32>
      %and3A_807 = arith.andi %iota3A, %and3A_806 : vector<128x1xi32>
      %ne3A_808 = arith.constant 0 : i32
      %ne3A_809 = vector.broadcast %ne3A_808 : i32 to vector<128x1xi32>
      %ne3A_810 = arith.cmpi ne, %and3A_807, %ne3A_809 : vector<128x1xi32>
      %xor3A_811 = arith.xori %eq3A_804, %ne3A_810 : vector<128x1xi1>
      %roll3A_812 = arith.constant 16 : i32
      %roll3A_813 = tpu.dynamic_rotate %select_n3A_792 by %roll3A_812 dim 0 : vector<128x128xf32>, i32 -> vector<128x128xf32>
      %roll3A_814 = arith.constant 112 : i32
      %roll3A_815 = tpu.dynamic_rotate %select_n3A_792 by %roll3A_814 dim 0 : vector<128x128xf32>, i32 -> vector<128x128xf32>
      %broadcast_in_dim3A_816 = vector.shape_cast %ne3A_798 : vector<128x1xi1> to vector<128x1xi1>
      %broadcast_in_dim3A_817 = vector.broadcast %broadcast_in_dim3A_816 : vector<128x1xi1> to vector<128x128xi1>
      %select_n3A_818 = arith.select %broadcast_in_dim3A_817, %roll3A_813, %roll3A_815 : vector<128x128xi1>, vector<128x128xf32>
      %min3A_819 = arith.minimumf %select_n3A_792, %select_n3A_818 : vector<128x128xf32>
      %max3A_820 = arith.maximumf %select_n3A_792, %select_n3A_818 : vector<128x128xf32>
      %broadcast_in_dim3A_821 = vector.shape_cast %xor3A_811 : vector<128x1xi1> to vector<128x1xi1>
      %broadcast_in_dim3A_822 = vector.broadcast %broadcast_in_dim3A_821 : vector<128x1xi1> to vector<128x128xi1>
      %select_n3A_823 = arith.select %broadcast_in_dim3A_822, %min3A_819, %max3A_820 : vector<128x128xi1>, vector<128x128xf32>
      %and3A_824 = arith.constant 32 : i32
      %and3A_825 = vector.broadcast %and3A_824 : i32 to vector<128x1xi32>
      %and3A_826 = arith.andi %iota3A, %and3A_825 : vector<128x1xi32>
      %ne3A_827 = arith.constant 0 : i32
      %ne3A_828 = vector.broadcast %ne3A_827 : i32 to vector<128x1xi32>
      %ne3A_829 = arith.cmpi ne, %and3A_826, %ne3A_828 : vector<128x1xi32>
      %and3A_830 = arith.constant 32 : i32
      %and3A_831 = vector.broadcast %and3A_830 : i32 to vector<128x1xi32>
      %and3A_832 = arith.andi %iota3A, %and3A_831 : vector<128x1xi32>
      %eq3A_833 = arith.constant 0 : i32
      %eq3A_834 = vector.broadcast %eq3A_833 : i32 to vector<128x1xi32>
      %eq3A_835 = arith.cmpi eq, %and3A_832, %eq3A_834 : vector<128x1xi32>
      %and3A_836 = arith.constant 0 : i32
      %and3A_837 = vector.broadcast %and3A_836 : i32 to vector<128x1xi32>
      %and3A_838 = arith.andi %iota3A, %and3A_837 : vector<128x1xi32>
      %ne3A_839 = arith.constant 0 : i32
      %ne3A_840 = vector.broadcast %ne3A_839 : i32 to vector<128x1xi32>
      %ne3A_841 = arith.cmpi ne, %and3A_838, %ne3A_840 : vector<128x1xi32>
      %xor3A_842 = arith.xori %eq3A_835, %ne3A_841 : vector<128x1xi1>
      %roll3A_843 = arith.constant 32 : i32
      %roll3A_844 = tpu.dynamic_rotate %select_n3A_823 by %roll3A_843 dim 0 : vector<128x128xf32>, i32 -> vector<128x128xf32>
      %roll3A_845 = arith.constant 96 : i32
      %roll3A_846 = tpu.dynamic_rotate %select_n3A_823 by %roll3A_845 dim 0 : vector<128x128xf32>, i32 -> vector<128x128xf32>
      %broadcast_in_dim3A_847 = vector.shape_cast %ne3A_829 : vector<128x1xi1> to vector<128x1xi1>
      %broadcast_in_dim3A_848 = vector.broadcast %broadcast_in_dim3A_847 : vector<128x1xi1> to vector<128x128xi1>
      %select_n3A_849 = arith.select %broadcast_in_dim3A_848, %roll3A_844, %roll3A_846 : vector<128x128xi1>, vector<128x128xf32>
      %min3A_850 = arith.minimumf %select_n3A_823, %select_n3A_849 : vector<128x128xf32>
      %max3A_851 = arith.maximumf %select_n3A_823, %select_n3A_849 : vector<128x128xf32>
      %broadcast_in_dim3A_852 = vector.shape_cast %xor3A_842 : vector<128x1xi1> to vector<128x1xi1>
      %broadcast_in_dim3A_853 = vector.broadcast %broadcast_in_dim3A_852 : vector<128x1xi1> to vector<128x128xi1>
      %select_n3A_854 = arith.select %broadcast_in_dim3A_853, %min3A_850, %max3A_851 : vector<128x128xi1>, vector<128x128xf32>
      %and3A_855 = arith.constant 64 : i32
      %and3A_856 = vector.broadcast %and3A_855 : i32 to vector<128x1xi32>
      %and3A_857 = arith.andi %iota3A, %and3A_856 : vector<128x1xi32>
      %ne3A_858 = arith.constant 0 : i32
      %ne3A_859 = vector.broadcast %ne3A_858 : i32 to vector<128x1xi32>
      %ne3A_860 = arith.cmpi ne, %and3A_857, %ne3A_859 : vector<128x1xi32>
      %and3A_861 = arith.constant 64 : i32
      %and3A_862 = vector.broadcast %and3A_861 : i32 to vector<128x1xi32>
      %and3A_863 = arith.andi %iota3A, %and3A_862 : vector<128x1xi32>
      %eq3A_864 = arith.constant 0 : i32
      %eq3A_865 = vector.broadcast %eq3A_864 : i32 to vector<128x1xi32>
      %eq3A_866 = arith.cmpi eq, %and3A_863, %eq3A_865 : vector<128x1xi32>
      %and3A_867 = arith.constant 0 : i32
      %and3A_868 = vector.broadcast %and3A_867 : i32 to vector<128x1xi32>
      %and3A_869 = arith.andi %iota3A, %and3A_868 : vector<128x1xi32>
      %ne3A_870 = arith.constant 0 : i32
      %ne3A_871 = vector.broadcast %ne3A_870 : i32 to vector<128x1xi32>
      %ne3A_872 = arith.cmpi ne, %and3A_869, %ne3A_871 : vector<128x1xi32>
      %xor3A_873 = arith.xori %eq3A_866, %ne3A_872 : vector<128x1xi1>
      %roll3A_874 = arith.constant 64 : i32
      %roll3A_875 = tpu.dynamic_rotate %select_n3A_854 by %roll3A_874 dim 0 : vector<128x128xf32>, i32 -> vector<128x128xf32>
      %roll3A_876 = arith.constant 64 : i32
      %roll3A_877 = tpu.dynamic_rotate %select_n3A_854 by %roll3A_876 dim 0 : vector<128x128xf32>, i32 -> vector<128x128xf32>
      %broadcast_in_dim3A_878 = vector.shape_cast %ne3A_860 : vector<128x1xi1> to vector<128x1xi1>
      %broadcast_in_dim3A_879 = vector.broadcast %broadcast_in_dim3A_878 : vector<128x1xi1> to vector<128x128xi1>
      %select_n3A_880 = arith.select %broadcast_in_dim3A_879, %roll3A_875, %roll3A_877 : vector<128x128xi1>, vector<128x128xf32>
      %min3A_881 = arith.minimumf %select_n3A_854, %select_n3A_880 : vector<128x128xf32>
      %max3A_882 = arith.maximumf %select_n3A_854, %select_n3A_880 : vector<128x128xf32>
      %broadcast_in_dim3A_883 = vector.shape_cast %xor3A_873 : vector<128x1xi1> to vector<128x1xi1>
      %broadcast_in_dim3A_884 = vector.broadcast %broadcast_in_dim3A_883 : vector<128x1xi1> to vector<128x128xi1>
      %select_n3A_885 = arith.select %broadcast_in_dim3A_884, %min3A_881, %max3A_882 : vector<128x128xi1>, vector<128x128xf32>
      %transpose3A_886 = tpu.transpose %select_n3A_885, [1, 0] : vector<128x128xf32> -> vector<128x128xf32>
      %reshape3A_887 = vector.shape_cast %transpose3A_886 : vector<128x128xf32> to vector<8x16x128xf32>
      %mul3A_888 = vector.broadcast %reshape3A : vector<1x1x128xf32> to vector<8x16x128xf32>
      %mul3A_889 = arith.mulf %reshape3A_887, %mul3A_888 : vector<8x16x128xf32>
      %reduce_sum3A = arith.constant dense<0.000000e+00> : vector<8x16xf32>
      %reduce_sum3A_890 = vector.multi_reduction <add>, %mul3A_889, %reduce_sum3A [2] : vector<8x16x128xf32> to vector<8x16xf32>
      %mul3A_891 = arith.constant 8 : i32
      %mul3A_892 = arith.muli %scan3A_22, %mul3A_891 : i32
      %get3A_893 = arith.index_cast %mul3A_892 : i32 to index
      %get3A_894 = arith.constant 0 : index
      %get3A_895 = vector.load %arg2[%get3A_893, %get3A_894] : memref<64x128xf32, #tpu.memory_space<vmem>>, vector<8x128xf32>
      %mul3A_896 = vector.broadcast %get3A_4 : vector<1x128xf32> to vector<8x128xf32>
      %mul3A_897 = arith.mulf %get3A_895, %mul3A_896 : vector<8x128xf32>
      %reduce_sum3A_898 = arith.constant dense<0.000000e+00> : vector<8xf32>
      %reduce_sum3A_899 = vector.multi_reduction <add>, %mul3A_897, %reduce_sum3A_898 [1] : vector<8x128xf32> to vector<8xf32>
      %broadcast_in_dim3A_900 = vector.shape_cast %reduce_sum3A_899 : vector<8xf32> to vector<8x1xf32>
      %add3A_901 = vector.broadcast %broadcast_in_dim3A_900 : vector<8x1xf32> to vector<8x16xf32>
      %add3A_902 = arith.addf %reduce_sum3A_890, %add3A_901 : vector<8x16xf32>
      %ge3A = arith.constant 0.000000e+00 : f32
      %ge3A_903 = vector.broadcast %ge3A : f32 to vector<8x16xf32>
      %ge3A_904 = arith.cmpf oge, %add3A_902, %ge3A_903 : vector<8x16xf32>
      %mul3A_905 = arith.constant 0.00999999977 : f32
      %mul3A_906 = vector.broadcast %mul3A_905 : f32 to vector<8x16xf32>
      %mul3A_907 = arith.mulf %mul3A_906, %add3A_902 : vector<8x16xf32>
      %select_n3A_908 = arith.select %ge3A_904, %add3A_902, %mul3A_907 : vector<8x16xi1>, vector<8x16xf32>
      %reduce_max3A = arith.constant dense<0xFF800000> : vector<8xf32>
      %reduce_max3A_909 = vector.multi_reduction <maximumf>, %select_n3A_908, %reduce_max3A [1] : vector<8x16xf32> to vector<8xf32>
      %broadcast_in_dim3A_910 = vector.shape_cast %reduce_max3A_909 : vector<8xf32> to vector<8x1xf32>
      %sub3A_911 = vector.broadcast %broadcast_in_dim3A_910 : vector<8x1xf32> to vector<8x16xf32>
      %sub3A_912 = arith.subf %select_n3A_908, %sub3A_911 : vector<8x16xf32>
      %exp3A = math.exp %sub3A_912 : vector<8x16xf32>
      %reduce_sum3A_913 = arith.constant dense<0.000000e+00> : vector<8xf32>
      %reduce_sum3A_914 = vector.multi_reduction <add>, %exp3A, %reduce_sum3A_913 [1] : vector<8x16xf32> to vector<8xf32>
      %broadcast_in_dim3A_915 = vector.shape_cast %reduce_sum3A_914 : vector<8xf32> to vector<8x1xf32>
      %div3A = vector.broadcast %broadcast_in_dim3A_915 : vector<8x1xf32> to vector<8x16xf32>
      %div3A_916 = arith.divf %exp3A, %div3A : vector<8x16xf32>
      %broadcast_in_dim3A_917 = vector.shape_cast %div3A_916 : vector<8x16xf32> to vector<8x16x1xf32>
      %mul3A_918 = vector.broadcast %broadcast_in_dim3A_917 : vector<8x16x1xf32> to vector<8x16x128xf32>
      %mul3A_919 = arith.mulf %reshape3A_887, %mul3A_918 : vector<8x16x128xf32>
      %reduce_sum3A_920 = arith.constant dense<0.000000e+00> : vector<8x128xf32>
      %reduce_sum3A_921 = vector.multi_reduction <add>, %mul3A_919, %reduce_sum3A_920 [1] : vector<8x16x128xf32> to vector<8x128xf32>
      %mul3A_922 = arith.constant 8 : i32
      %mul3A_923 = arith.muli %scan3A_22, %mul3A_922 : i32
      %swap3A_924 = arith.index_cast %mul3A_923 : i32 to index
      %swap3A_925 = arith.constant 0 : index
      %swap3A_926 = vector.load %arg7[%swap3A_924, %swap3A_925] : memref<64x128xf32, #tpu.memory_space<vmem>>, vector<8x128xf32>
      tpu.vector_store %arg7[%swap3A_924, %swap3A_925], %reduce_sum3A_921 {strides = array<i32>} : memref<64x128xf32, #tpu.memory_space<vmem>>, vector<8x128xf32>,
      %scan3A_927 = arith.constant 1 : i32
      %scan3A_928 = arith.addi %scan3A_22, %scan3A_927 : i32
      %mul3A_929 = arith.constant 128 : i32
      %mul3A_930 = arith.muli %scan3A_928, %mul3A_929 : i32
      %get3A_931 = arith.index_cast %mul3A_930 : i32 to index
      %get3A_932 = arith.constant 0 : index
      %get3A_933 = vector.load %arg1[%get3A_931, %get3A_932] : memref<1024x128xf32, #tpu.memory_space<vmem>>, vector<128x128xf32>
      %transpose3A_934 = tpu.transpose %get3A_933, [1, 0] : vector<128x128xf32> -> vector<128x128xf32>
      %iota3A_935 = tpu.iota {dimensions = array<i32: 0>} : vector<128x1xi32>
      %and3A_936 = arith.constant 64 : i32
      %and3A_937 = vector.broadcast %and3A_936 : i32 to vector<128x1xi32>
      %and3A_938 = arith.andi %iota3A_935, %and3A_937 : vector<128x1xi32>
      %ne3A_939 = arith.constant 0 : i32
      %ne3A_940 = vector.broadcast %ne3A_939 : i32 to vector<128x1xi32>
      %ne3A_941 = arith.cmpi ne, %and3A_938, %ne3A_940 : vector<128x1xi32>
      %and3A_942 = arith.constant 64 : i32
      %and3A_943 = vector.broadcast %and3A_942 : i32 to vector<128x1xi32>
      %and3A_944 = arith.andi %iota3A_935, %and3A_943 : vector<128x1xi32>
      %eq3A_945 = arith.constant 0 : i32
      %eq3A_946 = vector.broadcast %eq3A_945 : i32 to vector<128x1xi32>
      %eq3A_947 = arith.cmpi eq, %and3A_944, %eq3A_946 : vector<128x1xi32>
      %and3A_948 = arith.constant 32 : i32
      %and3A_949 = vector.broadcast %and3A_948 : i32 to vector<128x1xi32>
      %and3A_950 = arith.andi %iota3A_935, %and3A_949 : vector<128x1xi32>
      %ne3A_951 = arith.constant 0 : i32
      %ne3A_952 = vector.broadcast %ne3A_951 : i32 to vector<128x1xi32>
      %ne3A_953 = arith.cmpi ne, %and3A_950, %ne3A_952 : vector<128x1xi32>
      %xor3A_954 = arith.xori %eq3A_947, %ne3A_953 : vector<128x1xi1>
      %roll3A_955 = arith.constant 64 : i32
      %roll3A_956 = tpu.dynamic_rotate %transpose3A_934 by %roll3A_955 dim 0 : vector<128x128xf32>, i32 -> vector<128x128xf32>
      %roll3A_957 = arith.constant 64 : i32
      %roll3A_958 = tpu.dynamic_rotate %transpose3A_934 by %roll3A_957 dim 0 : vector<128x128xf32>, i32 -> vector<128x128xf32>
      %broadcast_in_dim3A_959 = vector.shape_cast %ne3A_941 : vector<128x1xi1> to vector<128x1xi1>
      %broadcast_in_dim3A_960 = vector.broadcast %broadcast_in_dim3A_959 : vector<128x1xi1> to vector<128x128xi1>
      %select_n3A_961 = arith.select %broadcast_in_dim3A_960, %roll3A_956, %roll3A_958 : vector<128x128xi1>, vector<128x128xf32>
      %min3A_962 = arith.minimumf %transpose3A_934, %select_n3A_961 : vector<128x128xf32>
      %max3A_963 = arith.maximumf %transpose3A_934, %select_n3A_961 : vector<128x128xf32>
      %broadcast_in_dim3A_964 = vector.shape_cast %xor3A_954 : vector<128x1xi1> to vector<128x1xi1>
      %broadcast_in_dim3A_965 = vector.broadcast %broadcast_in_dim3A_964 : vector<128x1xi1> to vector<128x128xi1>
      %select_n3A_966 = arith.select %broadcast_in_dim3A_965, %min3A_962, %max3A_963 : vector<128x128xi1>, vector<128x128xf32>
      %and3A_967 = arith.constant 32 : i32
      %and3A_968 = vector.broadcast %and3A_967 : i32 to vector<128x1xi32>
      %and3A_969 = arith.andi %iota3A_935, %and3A_968 : vector<128x1xi32>
      %ne3A_970 = arith.constant 0 : i32
      %ne3A_971 = vector.broadcast %ne3A_970 : i32 to vector<128x1xi32>
      %ne3A_972 = arith.cmpi ne, %and3A_969, %ne3A_971 : vector<128x1xi32>
      %and3A_973 = arith.constant 32 : i32
      %and3A_974 = vector.broadcast %and3A_973 : i32 to vector<128x1xi32>
      %and3A_975 = arith.andi %iota3A_935, %and3A_974 : vector<128x1xi32>
      %eq3A_976 = arith.constant 0 : i32
      %eq3A_977 = vector.broadcast %eq3A_976 : i32 to vector<128x1xi32>
      %eq3A_978 = arith.cmpi eq, %and3A_975, %eq3A_977 : vector<128x1xi32>
      %and3A_979 = arith.constant 16 : i32
      %and3A_980 = vector.broadcast %and3A_979 : i32 to vector<128x1xi32>
      %and3A_981 = arith.andi %iota3A_935, %and3A_980 : vector<128x1xi32>
      %ne3A_982 = arith.constant 0 : i32
      %ne3A_983 = vector.broadcast %ne3A_982 : i32 to vector<128x1xi32>
      %ne3A_984 = arith.cmpi ne, %and3A_981, %ne3A_983 : vector<128x1xi32>
      %xor3A_985 = arith.xori %eq3A_978, %ne3A_984 : vector<128x1xi1>
      %roll3A_986 = arith.constant 32 : i32
      %roll3A_987 = tpu.dynamic_rotate %select_n3A_966 by %roll3A_986 dim 0 : vector<128x128xf32>, i32 -> vector<128x128xf32>
      %roll3A_988 = arith.constant 96 : i32
      %roll3A_989 = tpu.dynamic_rotate %select_n3A_966 by %roll3A_988 dim 0 : vector<128x128xf32>, i32 -> vector<128x128xf32>
      %broadcast_in_dim3A_990 = vector.shape_cast %ne3A_972 : vector<128x1xi1> to vector<128x1xi1>
      %broadcast_in_dim3A_991 = vector.broadcast %broadcast_in_dim3A_990 : vector<128x1xi1> to vector<128x128xi1>
      %select_n3A_992 = arith.select %broadcast_in_dim3A_991, %roll3A_987, %roll3A_989 : vector<128x128xi1>, vector<128x128xf32>
      %min3A_993 = arith.minimumf %select_n3A_966, %select_n3A_992 : vector<128x128xf32>
      %max3A_994 = arith.maximumf %select_n3A_966, %select_n3A_992 : vector<128x128xf32>
      %broadcast_in_dim3A_995 = vector.shape_cast %xor3A_985 : vector<128x1xi1> to vector<128x1xi1>
      %broadcast_in_dim3A_996 = vector.broadcast %broadcast_in_dim3A_995 : vector<128x1xi1> to vector<128x128xi1>
      %select_n3A_997 = arith.select %broadcast_in_dim3A_996, %min3A_993, %max3A_994 : vector<128x128xi1>, vector<128x128xf32>
      %and3A_998 = arith.constant 64 : i32
      %and3A_999 = vector.broadcast %and3A_998 : i32 to vector<128x1xi32>
      %and3A_1000 = arith.andi %iota3A_935, %and3A_999 : vector<128x1xi32>
      %ne3A_1001 = arith.constant 0 : i32
      %ne3A_1002 = vector.broadcast %ne3A_1001 : i32 to vector<128x1xi32>
      %ne3A_1003 = arith.cmpi ne, %and3A_1000, %ne3A_1002 : vector<128x1xi32>
      %and3A_1004 = arith.constant 64 : i32
      %and3A_1005 = vector.broadcast %and3A_1004 : i32 to vector<128x1xi32>
      %and3A_1006 = arith.andi %iota3A_935, %and3A_1005 : vector<128x1xi32>
      %eq3A_1007 = arith.constant 0 : i32
      %eq3A_1008 = vector.broadcast %eq3A_1007 : i32 to vector<128x1xi32>
      %eq3A_1009 = arith.cmpi eq, %and3A_1006, %eq3A_1008 : vector<128x1xi32>
      %and3A_1010 = arith.constant 16 : i32
      %and3A_1011 = vector.broadcast %and3A_1010 : i32 to vector<128x1xi32>
      %and3A_1012 = arith.andi %iota3A_935, %and3A_1011 : vector<128x1xi32>
      %ne3A_1013 = arith.constant 0 : i32
      %ne3A_1014 = vector.broadcast %ne3A_1013 : i32 to vector<128x1xi32>
      %ne3A_1015 = arith.cmpi ne, %and3A_1012, %ne3A_1014 : vector<128x1xi32>
      %xor3A_1016 = arith.xori %eq3A_1009, %ne3A_1015 : vector<128x1xi1>
      %roll3A_1017 = arith.constant 64 : i32
      %roll3A_1018 = tpu.dynamic_rotate %select_n3A_997 by %roll3A_1017 dim 0 : vector<128x128xf32>, i32 -> vector<128x128xf32>
      %roll3A_1019 = arith.constant 64 : i32
      %roll3A_1020 = tpu.dynamic_rotate %select_n3A_997 by %roll3A_1019 dim 0 : vector<128x128xf32>, i32 -> vector<128x128xf32>
      %broadcast_in_dim3A_1021 = vector.shape_cast %ne3A_1003 : vector<128x1xi1> to vector<128x1xi1>
      %broadcast_in_dim3A_1022 = vector.broadcast %broadcast_in_dim3A_1021 : vector<128x1xi1> to vector<128x128xi1>
      %select_n3A_1023 = arith.select %broadcast_in_dim3A_1022, %roll3A_1018, %roll3A_1020 : vector<128x128xi1>, vector<128x128xf32>
      %min3A_1024 = arith.minimumf %select_n3A_997, %select_n3A_1023 : vector<128x128xf32>
      %max3A_1025 = arith.maximumf %select_n3A_997, %select_n3A_1023 : vector<128x128xf32>
      %broadcast_in_dim3A_1026 = vector.shape_cast %xor3A_1016 : vector<128x1xi1> to vector<128x1xi1>
      %broadcast_in_dim3A_1027 = vector.broadcast %broadcast_in_dim3A_1026 : vector<128x1xi1> to vector<128x128xi1>
      %select_n3A_1028 = arith.select %broadcast_in_dim3A_1027, %min3A_1024, %max3A_1025 : vector<128x128xi1>, vector<128x128xf32>
      %and3A_1029 = arith.constant 16 : i32
      %and3A_1030 = vector.broadcast %and3A_1029 : i32 to vector<128x1xi32>
      %and3A_1031 = arith.andi %iota3A_935, %and3A_1030 : vector<128x1xi32>
      %ne3A_1032 = arith.constant 0 : i32
      %ne3A_1033 = vector.broadcast %ne3A_1032 : i32 to vector<128x1xi32>
      %ne3A_1034 = arith.cmpi ne, %and3A_1031, %ne3A_1033 : vector<128x1xi32>
      %and3A_1035 = arith.constant 16 : i32
      %and3A_1036 = vector.broadcast %and3A_1035 : i32 to vector<128x1xi32>
      %and3A_1037 = arith.andi %iota3A_935, %and3A_1036 : vector<128x1xi32>
      %eq3A_1038 = arith.constant 0 : i32
      %eq3A_1039 = vector.broadcast %eq3A_1038 : i32 to vector<128x1xi32>
      %eq3A_1040 = arith.cmpi eq, %and3A_1037, %eq3A_1039 : vector<128x1xi32>
      %and3A_1041 = arith.constant 8 : i32
      %and3A_1042 = vector.broadcast %and3A_1041 : i32 to vector<128x1xi32>
      %and3A_1043 = arith.andi %iota3A_935, %and3A_1042 : vector<128x1xi32>
      %ne3A_1044 = arith.constant 0 : i32
      %ne3A_1045 = vector.broadcast %ne3A_1044 : i32 to vector<128x1xi32>
      %ne3A_1046 = arith.cmpi ne, %and3A_1043, %ne3A_1045 : vector<128x1xi32>
      %xor3A_1047 = arith.xori %eq3A_1040, %ne3A_1046 : vector<128x1xi1>
      %roll3A_1048 = arith.constant 16 : i32
      %roll3A_1049 = tpu.dynamic_rotate %select_n3A_1028 by %roll3A_1048 dim 0 : vector<128x128xf32>, i32 -> vector<128x128xf32>
      %roll3A_1050 = arith.constant 112 : i32
      %roll3A_1051 = tpu.dynamic_rotate %select_n3A_1028 by %roll3A_1050 dim 0 : vector<128x128xf32>, i32 -> vector<128x128xf32>
      %broadcast_in_dim3A_1052 = vector.shape_cast %ne3A_1034 : vector<128x1xi1> to vector<128x1xi1>
      %broadcast_in_dim3A_1053 = vector.broadcast %broadcast_in_dim3A_1052 : vector<128x1xi1> to vector<128x128xi1>
      %select_n3A_1054 = arith.select %broadcast_in_dim3A_1053, %roll3A_1049, %roll3A_1051 : vector<128x128xi1>, vector<128x128xf32>
      %min3A_1055 = arith.minimumf %select_n3A_1028, %select_n3A_1054 : vector<128x128xf32>
      %max3A_1056 = arith.maximumf %select_n3A_1028, %select_n3A_1054 : vector<128x128xf32>
      %broadcast_in_dim3A_1057 = vector.shape_cast %xor3A_1047 : vector<128x1xi1> to vector<128x1xi1>
      %broadcast_in_dim3A_1058 = vector.broadcast %broadcast_in_dim3A_1057 : vector<128x1xi1> to vector<128x128xi1>
      %select_n3A_1059 = arith.select %broadcast_in_dim3A_1058, %min3A_1055, %max3A_1056 : vector<128x128xi1>, vector<128x128xf32>
      %and3A_1060 = arith.constant 32 : i32
      %and3A_1061 = vector.broadcast %and3A_1060 : i32 to vector<128x1xi32>
      %and3A_1062 = arith.andi %iota3A_935, %and3A_1061 : vector<128x1xi32>
      %ne3A_1063 = arith.constant 0 : i32
      %ne3A_1064 = vector.broadcast %ne3A_1063 : i32 to vector<128x1xi32>
      %ne3A_1065 = arith.cmpi ne, %and3A_1062, %ne3A_1064 : vector<128x1xi32>
      %and3A_1066 = arith.constant 32 : i32
      %and3A_1067 = vector.broadcast %and3A_1066 : i32 to vector<128x1xi32>
      %and3A_1068 = arith.andi %iota3A_935, %and3A_1067 : vector<128x1xi32>
      %eq3A_1069 = arith.constant 0 : i32
      %eq3A_1070 = vector.broadcast %eq3A_1069 : i32 to vector<128x1xi32>
      %eq3A_1071 = arith.cmpi eq, %and3A_1068, %eq3A_1070 : vector<128x1xi32>
      %and3A_1072 = arith.constant 8 : i32
      %and3A_1073 = vector.broadcast %and3A_1072 : i32 to vector<128x1xi32>
      %and3A_1074 = arith.andi %iota3A_935, %and3A_1073 : vector<128x1xi32>
      %ne3A_1075 = arith.constant 0 : i32
      %ne3A_1076 = vector.broadcast %ne3A_1075 : i32 to vector<128x1xi32>
      %ne3A_1077 = arith.cmpi ne, %and3A_1074, %ne3A_1076 : vector<128x1xi32>
      %xor3A_1078 = arith.xori %eq3A_1071, %ne3A_1077 : vector<128x1xi1>
      %roll3A_1079 = arith.constant 32 : i32
      %roll3A_1080 = tpu.dynamic_rotate %select_n3A_1059 by %roll3A_1079 dim 0 : vector<128x128xf32>, i32 -> vector<128x128xf32>
      %roll3A_1081 = arith.constant 96 : i32
      %roll3A_1082 = tpu.dynamic_rotate %select_n3A_1059 by %roll3A_1081 dim 0 : vector<128x128xf32>, i32 -> vector<128x128xf32>
      %broadcast_in_dim3A_1083 = vector.shape_cast %ne3A_1065 : vector<128x1xi1> to vector<128x1xi1>
      %broadcast_in_dim3A_1084 = vector.broadcast %broadcast_in_dim3A_1083 : vector<128x1xi1> to vector<128x128xi1>
      %select_n3A_1085 = arith.select %broadcast_in_dim3A_1084, %roll3A_1080, %roll3A_1082 : vector<128x128xi1>, vector<128x128xf32>
      %min3A_1086 = arith.minimumf %select_n3A_1059, %select_n3A_1085 : vector<128x128xf32>
      %max3A_1087 = arith.maximumf %select_n3A_1059, %select_n3A_1085 : vector<128x128xf32>
      %broadcast_in_dim3A_1088 = vector.shape_cast %xor3A_1078 : vector<128x1xi1> to vector<128x1xi1>
      %broadcast_in_dim3A_1089 = vector.broadcast %broadcast_in_dim3A_1088 : vector<128x1xi1> to vector<128x128xi1>
      %select_n3A_1090 = arith.select %broadcast_in_dim3A_1089, %min3A_1086, %max3A_1087 : vector<128x128xi1>, vector<128x128xf32>
      %and3A_1091 = arith.constant 64 : i32
      %and3A_1092 = vector.broadcast %and3A_1091 : i32 to vector<128x1xi32>
      %and3A_1093 = arith.andi %iota3A_935, %and3A_1092 : vector<128x1xi32>
      %ne3A_1094 = arith.constant 0 : i32
      %ne3A_1095 = vector.broadcast %ne3A_1094 : i32 to vector<128x1xi32>
      %ne3A_1096 = arith.cmpi ne, %and3A_1093, %ne3A_1095 : vector<128x1xi32>
      %and3A_1097 = arith.constant 64 : i32
      %and3A_1098 = vector.broadcast %and3A_1097 : i32 to vector<128x1xi32>
      %and3A_1099 = arith.andi %iota3A_935, %and3A_1098 : vector<128x1xi32>
      %eq3A_1100 = arith.constant 0 : i32
      %eq3A_1101 = vector.broadcast %eq3A_1100 : i32 to vector<128x1xi32>
      %eq3A_1102 = arith.cmpi eq, %and3A_1099, %eq3A_1101 : vector<128x1xi32>
      %and3A_1103 = arith.constant 8 : i32
      %and3A_1104 = vector.broadcast %and3A_1103 : i32 to vector<128x1xi32>
      %and3A_1105 = arith.andi %iota3A_935, %and3A_1104 : vector<128x1xi32>
      %ne3A_1106 = arith.constant 0 : i32
      %ne3A_1107 = vector.broadcast %ne3A_1106 : i32 to vector<128x1xi32>
      %ne3A_1108 = arith.cmpi ne, %and3A_1105, %ne3A_1107 : vector<128x1xi32>
      %xor3A_1109 = arith.xori %eq3A_1102, %ne3A_1108 : vector<128x1xi1>
      %roll3A_1110 = arith.constant 64 : i32
      %roll3A_1111 = tpu.dynamic_rotate %select_n3A_1090 by %roll3A_1110 dim 0 : vector<128x128xf32>, i32 -> vector<128x128xf32>
      %roll3A_1112 = arith.constant 64 : i32
      %roll3A_1113 = tpu.dynamic_rotate %select_n3A_1090 by %roll3A_1112 dim 0 : vector<128x128xf32>, i32 -> vector<128x128xf32>
      %broadcast_in_dim3A_1114 = vector.shape_cast %ne3A_1096 : vector<128x1xi1> to vector<128x1xi1>
      %broadcast_in_dim3A_1115 = vector.broadcast %broadcast_in_dim3A_1114 : vector<128x1xi1> to vector<128x128xi1>
      %select_n3A_1116 = arith.select %broadcast_in_dim3A_1115, %roll3A_1111, %roll3A_1113 : vector<128x128xi1>, vector<128x128xf32>
      %min3A_1117 = arith.minimumf %select_n3A_1090, %select_n3A_1116 : vector<128x128xf32>
      %max3A_1118 = arith.maximumf %select_n3A_1090, %select_n3A_1116 : vector<128x128xf32>
      %broadcast_in_dim3A_1119 = vector.shape_cast %xor3A_1109 : vector<128x1xi1> to vector<128x1xi1>
      %broadcast_in_dim3A_1120 = vector.broadcast %broadcast_in_dim3A_1119 : vector<128x1xi1> to vector<128x128xi1>
      %select_n3A_1121 = arith.select %broadcast_in_dim3A_1120, %min3A_1117, %max3A_1118 : vector<128x128xi1>, vector<128x128xf32>
      %and3A_1122 = arith.constant 8 : i32
      %and3A_1123 = vector.broadcast %and3A_1122 : i32 to vector<128x1xi32>
      %and3A_1124 = arith.andi %iota3A_935, %and3A_1123 : vector<128x1xi32>
      %ne3A_1125 = arith.constant 0 : i32
      %ne3A_1126 = vector.broadcast %ne3A_1125 : i32 to vector<128x1xi32>
      %ne3A_1127 = arith.cmpi ne, %and3A_1124, %ne3A_1126 : vector<128x1xi32>
      %and3A_1128 = arith.constant 8 : i32
      %and3A_1129 = vector.broadcast %and3A_1128 : i32 to vector<128x1xi32>
      %and3A_1130 = arith.andi %iota3A_935, %and3A_1129 : vector<128x1xi32>
      %eq3A_1131 = arith.constant 0 : i32
      %eq3A_1132 = vector.broadcast %eq3A_1131 : i32 to vector<128x1xi32>
      %eq3A_1133 = arith.cmpi eq, %and3A_1130, %eq3A_1132 : vector<128x1xi32>
      %and3A_1134 = arith.constant 4 : i32
      %and3A_1135 = vector.broadcast %and3A_1134 : i32 to vector<128x1xi32>
      %and3A_1136 = arith.andi %iota3A_935, %and3A_1135 : vector<128x1xi32>
      %ne3A_1137 = arith.constant 0 : i32
      %ne3A_1138 = vector.broadcast %ne3A_1137 : i32 to vector<128x1xi32>
      %ne3A_1139 = arith.cmpi ne, %and3A_1136, %ne3A_1138 : vector<128x1xi32>
      %xor3A_1140 = arith.xori %eq3A_1133, %ne3A_1139 : vector<128x1xi1>
      %roll3A_1141 = arith.constant 8 : i32
      %roll3A_1142 = tpu.dynamic_rotate %select_n3A_1121 by %roll3A_1141 dim 0 : vector<128x128xf32>, i32 -> vector<128x128xf32>
      %roll3A_1143 = arith.constant 120 : i32
      %roll3A_1144 = tpu.dynamic_rotate %select_n3A_1121 by %roll3A_1143 dim 0 : vector<128x128xf32>, i32 -> vector<128x128xf32>
      %broadcast_in_dim3A_1145 = vector.shape_cast %ne3A_1127 : vector<128x1xi1> to vector<128x1xi1>
      %broadcast_in_dim3A_1146 = vector.broadcast %broadcast_in_dim3A_1145 : vector<128x1xi1> to vector<128x128xi1>
      %select_n3A_1147 = arith.select %broadcast_in_dim3A_1146, %roll3A_1142, %roll3A_1144 : vector<128x128xi1>, vector<128x128xf32>
      %min3A_1148 = arith.minimumf %select_n3A_1121, %select_n3A_1147 : vector<128x128xf32>
      %max3A_1149 = arith.maximumf %select_n3A_1121, %select_n3A_1147 : vector<128x128xf32>
      %broadcast_in_dim3A_1150 = vector.shape_cast %xor3A_1140 : vector<128x1xi1> to vector<128x1xi1>
      %broadcast_in_dim3A_1151 = vector.broadcast %broadcast_in_dim3A_1150 : vector<128x1xi1> to vector<128x128xi1>
      %select_n3A_1152 = arith.select %broadcast_in_dim3A_1151, %min3A_1148, %max3A_1149 : vector<128x128xi1>, vector<128x128xf32>
      %and3A_1153 = arith.constant 16 : i32
      %and3A_1154 = vector.broadcast %and3A_1153 : i32 to vector<128x1xi32>
      %and3A_1155 = arith.andi %iota3A_935, %and3A_1154 : vector<128x1xi32>
      %ne3A_1156 = arith.constant 0 : i32
      %ne3A_1157 = vector.broadcast %ne3A_1156 : i32 to vector<128x1xi32>
      %ne3A_1158 = arith.cmpi ne, %and3A_1155, %ne3A_1157 : vector<128x1xi32>
      %and3A_1159 = arith.constant 16 : i32
      %and3A_1160 = vector.broadcast %and3A_1159 : i32 to vector<128x1xi32>
      %and3A_1161 = arith.andi %iota3A_935, %and3A_1160 : vector<128x1xi32>
      %eq3A_1162 = arith.constant 0 : i32
      %eq3A_1163 = vector.broadcast %eq3A_1162 : i32 to vector<128x1xi32>
      %eq3A_1164 = arith.cmpi eq, %and3A_1161, %eq3A_1163 : vector<128x1xi32>
      %and3A_1165 = arith.constant 4 : i32
      %and3A_1166 = vector.broadcast %and3A_1165 : i32 to vector<128x1xi32>
      %and3A_1167 = arith.andi %iota3A_935, %and3A_1166 : vector<128x1xi32>
      %ne3A_1168 = arith.constant 0 : i32
      %ne3A_1169 = vector.broadcast %ne3A_1168 : i32 to vector<128x1xi32>
      %ne3A_1170 = arith.cmpi ne, %and3A_1167, %ne3A_1169 : vector<128x1xi32>
      %xor3A_1171 = arith.xori %eq3A_1164, %ne3A_1170 : vector<128x1xi1>
      %roll3A_1172 = arith.constant 16 : i32
      %roll3A_1173 = tpu.dynamic_rotate %select_n3A_1152 by %roll3A_1172 dim 0 : vector<128x128xf32>, i32 -> vector<128x128xf32>
      %roll3A_1174 = arith.constant 112 : i32
      %roll3A_1175 = tpu.dynamic_rotate %select_n3A_1152 by %roll3A_1174 dim 0 : vector<128x128xf32>, i32 -> vector<128x128xf32>
      %broadcast_in_dim3A_1176 = vector.shape_cast %ne3A_1158 : vector<128x1xi1> to vector<128x1xi1>
      %broadcast_in_dim3A_1177 = vector.broadcast %broadcast_in_dim3A_1176 : vector<128x1xi1> to vector<128x128xi1>
      %select_n3A_1178 = arith.select %broadcast_in_dim3A_1177, %roll3A_1173, %roll3A_1175 : vector<128x128xi1>, vector<128x128xf32>
      %min3A_1179 = arith.minimumf %select_n3A_1152, %select_n3A_1178 : vector<128x128xf32>
      %max3A_1180 = arith.maximumf %select_n3A_1152, %select_n3A_1178 : vector<128x128xf32>
      %broadcast_in_dim3A_1181 = vector.shape_cast %xor3A_1171 : vector<128x1xi1> to vector<128x1xi1>
      %broadcast_in_dim3A_1182 = vector.broadcast %broadcast_in_dim3A_1181 : vector<128x1xi1> to vector<128x128xi1>
      %select_n3A_1183 = arith.select %broadcast_in_dim3A_1182, %min3A_1179, %max3A_1180 : vector<128x128xi1>, vector<128x128xf32>
      %and3A_1184 = arith.constant 32 : i32
      %and3A_1185 = vector.broadcast %and3A_1184 : i32 to vector<128x1xi32>
      %and3A_1186 = arith.andi %iota3A_935, %and3A_1185 : vector<128x1xi32>
      %ne3A_1187 = arith.constant 0 : i32
      %ne3A_1188 = vector.broadcast %ne3A_1187 : i32 to vector<128x1xi32>
      %ne3A_1189 = arith.cmpi ne, %and3A_1186, %ne3A_1188 : vector<128x1xi32>
      %and3A_1190 = arith.constant 32 : i32
      %and3A_1191 = vector.broadcast %and3A_1190 : i32 to vector<128x1xi32>
      %and3A_1192 = arith.andi %iota3A_935, %and3A_1191 : vector<128x1xi32>
      %eq3A_1193 = arith.constant 0 : i32
      %eq3A_1194 = vector.broadcast %eq3A_1193 : i32 to vector<128x1xi32>
      %eq3A_1195 = arith.cmpi eq, %and3A_1192, %eq3A_1194 : vector<128x1xi32>
      %and3A_1196 = arith.constant 4 : i32
      %and3A_1197 = vector.broadcast %and3A_1196 : i32 to vector<128x1xi32>
      %and3A_1198 = arith.andi %iota3A_935, %and3A_1197 : vector<128x1xi32>
      %ne3A_1199 = arith.constant 0 : i32
      %ne3A_1200 = vector.broadcast %ne3A_1199 : i32 to vector<128x1xi32>
      %ne3A_1201 = arith.cmpi ne, %and3A_1198, %ne3A_1200 : vector<128x1xi32>
      %xor3A_1202 = arith.xori %eq3A_1195, %ne3A_1201 : vector<128x1xi1>
      %roll3A_1203 = arith.constant 32 : i32
      %roll3A_1204 = tpu.dynamic_rotate %select_n3A_1183 by %roll3A_1203 dim 0 : vector<128x128xf32>, i32 -> vector<128x128xf32>
      %roll3A_1205 = arith.constant 96 : i32
      %roll3A_1206 = tpu.dynamic_rotate %select_n3A_1183 by %roll3A_1205 dim 0 : vector<128x128xf32>, i32 -> vector<128x128xf32>
      %broadcast_in_dim3A_1207 = vector.shape_cast %ne3A_1189 : vector<128x1xi1> to vector<128x1xi1>
      %broadcast_in_dim3A_1208 = vector.broadcast %broadcast_in_dim3A_1207 : vector<128x1xi1> to vector<128x128xi1>
      %select_n3A_1209 = arith.select %broadcast_in_dim3A_1208, %roll3A_1204, %roll3A_1206 : vector<128x128xi1>, vector<128x128xf32>
      %min3A_1210 = arith.minimumf %select_n3A_1183, %select_n3A_1209 : vector<128x128xf32>
      %max3A_1211 = arith.maximumf %select_n3A_1183, %select_n3A_1209 : vector<128x128xf32>
      %broadcast_in_dim3A_1212 = vector.shape_cast %xor3A_1202 : vector<128x1xi1> to vector<128x1xi1>
      %broadcast_in_dim3A_1213 = vector.broadcast %broadcast_in_dim3A_1212 : vector<128x1xi1> to vector<128x128xi1>
      %select_n3A_1214 = arith.select %broadcast_in_dim3A_1213, %min3A_1210, %max3A_1211 : vector<128x128xi1>, vector<128x128xf32>
      %and3A_1215 = arith.constant 64 : i32
      %and3A_1216 = vector.broadcast %and3A_1215 : i32 to vector<128x1xi32>
      %and3A_1217 = arith.andi %iota3A_935, %and3A_1216 : vector<128x1xi32>
      %ne3A_1218 = arith.constant 0 : i32
      %ne3A_1219 = vector.broadcast %ne3A_1218 : i32 to vector<128x1xi32>
      %ne3A_1220 = arith.cmpi ne, %and3A_1217, %ne3A_1219 : vector<128x1xi32>
      %and3A_1221 = arith.constant 64 : i32
      %and3A_1222 = vector.broadcast %and3A_1221 : i32 to vector<128x1xi32>
      %and3A_1223 = arith.andi %iota3A_935, %and3A_1222 : vector<128x1xi32>
      %eq3A_1224 = arith.constant 0 : i32
      %eq3A_1225 = vector.broadcast %eq3A_1224 : i32 to vector<128x1xi32>
      %eq3A_1226 = arith.cmpi eq, %and3A_1223, %eq3A_1225 : vector<128x1xi32>
      %and3A_1227 = arith.constant 4 : i32
      %and3A_1228 = vector.broadcast %and3A_1227 : i32 to vector<128x1xi32>
      %and3A_1229 = arith.andi %iota3A_935, %and3A_1228 : vector<128x1xi32>
      %ne3A_1230 = arith.constant 0 : i32
      %ne3A_1231 = vector.broadcast %ne3A_1230 : i32 to vector<128x1xi32>
      %ne3A_1232 = arith.cmpi ne, %and3A_1229, %ne3A_1231 : vector<128x1xi32>
      %xor3A_1233 = arith.xori %eq3A_1226, %ne3A_1232 : vector<128x1xi1>
      %roll3A_1234 = arith.constant 64 : i32
      %roll3A_1235 = tpu.dynamic_rotate %select_n3A_1214 by %roll3A_1234 dim 0 : vector<128x128xf32>, i32 -> vector<128x128xf32>
      %roll3A_1236 = arith.constant 64 : i32
      %roll3A_1237 = tpu.dynamic_rotate %select_n3A_1214 by %roll3A_1236 dim 0 : vector<128x128xf32>, i32 -> vector<128x128xf32>
      %broadcast_in_dim3A_1238 = vector.shape_cast %ne3A_1220 : vector<128x1xi1> to vector<128x1xi1>
      %broadcast_in_dim3A_1239 = vector.broadcast %broadcast_in_dim3A_1238 : vector<128x1xi1> to vector<128x128xi1>
      %select_n3A_1240 = arith.select %broadcast_in_dim3A_1239, %roll3A_1235, %roll3A_1237 : vector<128x128xi1>, vector<128x128xf32>
      %min3A_1241 = arith.minimumf %select_n3A_1214, %select_n3A_1240 : vector<128x128xf32>
      %max3A_1242 = arith.maximumf %select_n3A_1214, %select_n3A_1240 : vector<128x128xf32>
      %broadcast_in_dim3A_1243 = vector.shape_cast %xor3A_1233 : vector<128x1xi1> to vector<128x1xi1>
      %broadcast_in_dim3A_1244 = vector.broadcast %broadcast_in_dim3A_1243 : vector<128x1xi1> to vector<128x128xi1>
      %select_n3A_1245 = arith.select %broadcast_in_dim3A_1244, %min3A_1241, %max3A_1242 : vector<128x128xi1>, vector<128x128xf32>
      %and3A_1246 = arith.constant 4 : i32
      %and3A_1247 = vector.broadcast %and3A_1246 : i32 to vector<128x1xi32>
      %and3A_1248 = arith.andi %iota3A_935, %and3A_1247 : vector<128x1xi32>
      %ne3A_1249 = arith.constant 0 : i32
      %ne3A_1250 = vector.broadcast %ne3A_1249 : i32 to vector<128x1xi32>
      %ne3A_1251 = arith.cmpi ne, %and3A_1248, %ne3A_1250 : vector<128x1xi32>
      %and3A_1252 = arith.constant 4 : i32
      %and3A_1253 = vector.broadcast %and3A_1252 : i32 to vector<128x1xi32>
      %and3A_1254 = arith.andi %iota3A_935, %and3A_1253 : vector<128x1xi32>
      %eq3A_1255 = arith.constant 0 : i32
      %eq3A_1256 = vector.broadcast %eq3A_1255 : i32 to vector<128x1xi32>
      %eq3A_1257 = arith.cmpi eq, %and3A_1254, %eq3A_1256 : vector<128x1xi32>
      %and3A_1258 = arith.constant 2 : i32
      %and3A_1259 = vector.broadcast %and3A_1258 : i32 to vector<128x1xi32>
      %and3A_1260 = arith.andi %iota3A_935, %and3A_1259 : vector<128x1xi32>
      %ne3A_1261 = arith.constant 0 : i32
      %ne3A_1262 = vector.broadcast %ne3A_1261 : i32 to vector<128x1xi32>
      %ne3A_1263 = arith.cmpi ne, %and3A_1260, %ne3A_1262 : vector<128x1xi32>
      %xor3A_1264 = arith.xori %eq3A_1257, %ne3A_1263 : vector<128x1xi1>
      %roll3A_1265 = arith.constant 4 : i32
      %roll3A_1266 = tpu.dynamic_rotate %select_n3A_1245 by %roll3A_1265 dim 0 : vector<128x128xf32>, i32 -> vector<128x128xf32>
      %roll3A_1267 = arith.constant 124 : i32
      %roll3A_1268 = tpu.dynamic_rotate %select_n3A_1245 by %roll3A_1267 dim 0 : vector<128x128xf32>, i32 -> vector<128x128xf32>
      %broadcast_in_dim3A_1269 = vector.shape_cast %ne3A_1251 : vector<128x1xi1> to vector<128x1xi1>
      %broadcast_in_dim3A_1270 = vector.broadcast %broadcast_in_dim3A_1269 : vector<128x1xi1> to vector<128x128xi1>
      %select_n3A_1271 = arith.select %broadcast_in_dim3A_1270, %roll3A_1266, %roll3A_1268 : vector<128x128xi1>, vector<128x128xf32>
      %min3A_1272 = arith.minimumf %select_n3A_1245, %select_n3A_1271 : vector<128x128xf32>
      %max3A_1273 = arith.maximumf %select_n3A_1245, %select_n3A_1271 : vector<128x128xf32>
      %broadcast_in_dim3A_1274 = vector.shape_cast %xor3A_1264 : vector<128x1xi1> to vector<128x1xi1>
      %broadcast_in_dim3A_1275 = vector.broadcast %broadcast_in_dim3A_1274 : vector<128x1xi1> to vector<128x128xi1>
      %select_n3A_1276 = arith.select %broadcast_in_dim3A_1275, %min3A_1272, %max3A_1273 : vector<128x128xi1>, vector<128x128xf32>
      %and3A_1277 = arith.constant 8 : i32
      %and3A_1278 = vector.broadcast %and3A_1277 : i32 to vector<128x1xi32>
      %and3A_1279 = arith.andi %iota3A_935, %and3A_1278 : vector<128x1xi32>
      %ne3A_1280 = arith.constant 0 : i32
      %ne3A_1281 = vector.broadcast %ne3A_1280 : i32 to vector<128x1xi32>
      %ne3A_1282 = arith.cmpi ne, %and3A_1279, %ne3A_1281 : vector<128x1xi32>
      %and3A_1283 = arith.constant 8 : i32
      %and3A_1284 = vector.broadcast %and3A_1283 : i32 to vector<128x1xi32>
      %and3A_1285 = arith.andi %iota3A_935, %and3A_1284 : vector<128x1xi32>
      %eq3A_1286 = arith.constant 0 : i32
      %eq3A_1287 = vector.broadcast %eq3A_1286 : i32 to vector<128x1xi32>
      %eq3A_1288 = arith.cmpi eq, %and3A_1285, %eq3A_1287 : vector<128x1xi32>
      %and3A_1289 = arith.constant 2 : i32
      %and3A_1290 = vector.broadcast %and3A_1289 : i32 to vector<128x1xi32>
      %and3A_1291 = arith.andi %iota3A_935, %and3A_1290 : vector<128x1xi32>
      %ne3A_1292 = arith.constant 0 : i32
      %ne3A_1293 = vector.broadcast %ne3A_1292 : i32 to vector<128x1xi32>
      %ne3A_1294 = arith.cmpi ne, %and3A_1291, %ne3A_1293 : vector<128x1xi32>
      %xor3A_1295 = arith.xori %eq3A_1288, %ne3A_1294 : vector<128x1xi1>
      %roll3A_1296 = arith.constant 8 : i32
      %roll3A_1297 = tpu.dynamic_rotate %select_n3A_1276 by %roll3A_1296 dim 0 : vector<128x128xf32>, i32 -> vector<128x128xf32>
      %roll3A_1298 = arith.constant 120 : i32
      %roll3A_1299 = tpu.dynamic_rotate %select_n3A_1276 by %roll3A_1298 dim 0 : vector<128x128xf32>, i32 -> vector<128x128xf32>
      %broadcast_in_dim3A_1300 = vector.shape_cast %ne3A_1282 : vector<128x1xi1> to vector<128x1xi1>
      %broadcast_in_dim3A_1301 = vector.broadcast %broadcast_in_dim3A_1300 : vector<128x1xi1> to vector<128x128xi1>
      %select_n3A_1302 = arith.select %broadcast_in_dim3A_1301, %roll3A_1297, %roll3A_1299 : vector<128x128xi1>, vector<128x128xf32>
      %min3A_1303 = arith.minimumf %select_n3A_1276, %select_n3A_1302 : vector<128x128xf32>
      %max3A_1304 = arith.maximumf %select_n3A_1276, %select_n3A_1302 : vector<128x128xf32>
      %broadcast_in_dim3A_1305 = vector.shape_cast %xor3A_1295 : vector<128x1xi1> to vector<128x1xi1>
      %broadcast_in_dim3A_1306 = vector.broadcast %broadcast_in_dim3A_1305 : vector<128x1xi1> to vector<128x128xi1>
      %select_n3A_1307 = arith.select %broadcast_in_dim3A_1306, %min3A_1303, %max3A_1304 : vector<128x128xi1>, vector<128x128xf32>
      %and3A_1308 = arith.constant 16 : i32
      %and3A_1309 = vector.broadcast %and3A_1308 : i32 to vector<128x1xi32>
      %and3A_1310 = arith.andi %iota3A_935, %and3A_1309 : vector<128x1xi32>
      %ne3A_1311 = arith.constant 0 : i32
      %ne3A_1312 = vector.broadcast %ne3A_1311 : i32 to vector<128x1xi32>
      %ne3A_1313 = arith.cmpi ne, %and3A_1310, %ne3A_1312 : vector<128x1xi32>
      %and3A_1314 = arith.constant 16 : i32
      %and3A_1315 = vector.broadcast %and3A_1314 : i32 to vector<128x1xi32>
      %and3A_1316 = arith.andi %iota3A_935, %and3A_1315 : vector<128x1xi32>
      %eq3A_1317 = arith.constant 0 : i32
      %eq3A_1318 = vector.broadcast %eq3A_1317 : i32 to vector<128x1xi32>
      %eq3A_1319 = arith.cmpi eq, %and3A_1316, %eq3A_1318 : vector<128x1xi32>
      %and3A_1320 = arith.constant 2 : i32
      %and3A_1321 = vector.broadcast %and3A_1320 : i32 to vector<128x1xi32>
      %and3A_1322 = arith.andi %iota3A_935, %and3A_1321 : vector<128x1xi32>
      %ne3A_1323 = arith.constant 0 : i32
      %ne3A_1324 = vector.broadcast %ne3A_1323 : i32 to vector<128x1xi32>
      %ne3A_1325 = arith.cmpi ne, %and3A_1322, %ne3A_1324 : vector<128x1xi32>
      %xor3A_1326 = arith.xori %eq3A_1319, %ne3A_1325 : vector<128x1xi1>
      %roll3A_1327 = arith.constant 16 : i32
      %roll3A_1328 = tpu.dynamic_rotate %select_n3A_1307 by %roll3A_1327 dim 0 : vector<128x128xf32>, i32 -> vector<128x128xf32>
      %roll3A_1329 = arith.constant 112 : i32
      %roll3A_1330 = tpu.dynamic_rotate %select_n3A_1307 by %roll3A_1329 dim 0 : vector<128x128xf32>, i32 -> vector<128x128xf32>
      %broadcast_in_dim3A_1331 = vector.shape_cast %ne3A_1313 : vector<128x1xi1> to vector<128x1xi1>
      %broadcast_in_dim3A_1332 = vector.broadcast %broadcast_in_dim3A_1331 : vector<128x1xi1> to vector<128x128xi1>
      %select_n3A_1333 = arith.select %broadcast_in_dim3A_1332, %roll3A_1328, %roll3A_1330 : vector<128x128xi1>, vector<128x128xf32>
      %min3A_1334 = arith.minimumf %select_n3A_1307, %select_n3A_1333 : vector<128x128xf32>
      %max3A_1335 = arith.maximumf %select_n3A_1307, %select_n3A_1333 : vector<128x128xf32>
      %broadcast_in_dim3A_1336 = vector.shape_cast %xor3A_1326 : vector<128x1xi1> to vector<128x1xi1>
      %broadcast_in_dim3A_1337 = vector.broadcast %broadcast_in_dim3A_1336 : vector<128x1xi1> to vector<128x128xi1>
      %select_n3A_1338 = arith.select %broadcast_in_dim3A_1337, %min3A_1334, %max3A_1335 : vector<128x128xi1>, vector<128x128xf32>
      %and3A_1339 = arith.constant 32 : i32
      %and3A_1340 = vector.broadcast %and3A_1339 : i32 to vector<128x1xi32>
      %and3A_1341 = arith.andi %iota3A_935, %and3A_1340 : vector<128x1xi32>
      %ne3A_1342 = arith.constant 0 : i32
      %ne3A_1343 = vector.broadcast %ne3A_1342 : i32 to vector<128x1xi32>
      %ne3A_1344 = arith.cmpi ne, %and3A_1341, %ne3A_1343 : vector<128x1xi32>
      %and3A_1345 = arith.constant 32 : i32
      %and3A_1346 = vector.broadcast %and3A_1345 : i32 to vector<128x1xi32>
      %and3A_1347 = arith.andi %iota3A_935, %and3A_1346 : vector<128x1xi32>
      %eq3A_1348 = arith.constant 0 : i32
      %eq3A_1349 = vector.broadcast %eq3A_1348 : i32 to vector<128x1xi32>
      %eq3A_1350 = arith.cmpi eq, %and3A_1347, %eq3A_1349 : vector<128x1xi32>
      %and3A_1351 = arith.constant 2 : i32
      %and3A_1352 = vector.broadcast %and3A_1351 : i32 to vector<128x1xi32>
      %and3A_1353 = arith.andi %iota3A_935, %and3A_1352 : vector<128x1xi32>
      %ne3A_1354 = arith.constant 0 : i32
      %ne3A_1355 = vector.broadcast %ne3A_1354 : i32 to vector<128x1xi32>
      %ne3A_1356 = arith.cmpi ne, %and3A_1353, %ne3A_1355 : vector<128x1xi32>
      %xor3A_1357 = arith.xori %eq3A_1350, %ne3A_1356 : vector<128x1xi1>
      %roll3A_1358 = arith.constant 32 : i32
      %roll3A_1359 = tpu.dynamic_rotate %select_n3A_1338 by %roll3A_1358 dim 0 : vector<128x128xf32>, i32 -> vector<128x128xf32>
      %roll3A_1360 = arith.constant 96 : i32
      %roll3A_1361 = tpu.dynamic_rotate %select_n3A_1338 by %roll3A_1360 dim 0 : vector<128x128xf32>, i32 -> vector<128x128xf32>
      %broadcast_in_dim3A_1362 = vector.shape_cast %ne3A_1344 : vector<128x1xi1> to vector<128x1xi1>
      %broadcast_in_dim3A_1363 = vector.broadcast %broadcast_in_dim3A_1362 : vector<128x1xi1> to vector<128x128xi1>
      %select_n3A_1364 = arith.select %broadcast_in_dim3A_1363, %roll3A_1359, %roll3A_1361 : vector<128x128xi1>, vector<128x128xf32>
      %min3A_1365 = arith.minimumf %select_n3A_1338, %select_n3A_1364 : vector<128x128xf32>
      %max3A_1366 = arith.maximumf %select_n3A_1338, %select_n3A_1364 : vector<128x128xf32>
      %broadcast_in_dim3A_1367 = vector.shape_cast %xor3A_1357 : vector<128x1xi1> to vector<128x1xi1>
      %broadcast_in_dim3A_1368 = vector.broadcast %broadcast_in_dim3A_1367 : vector<128x1xi1> to vector<128x128xi1>
      %select_n3A_1369 = arith.select %broadcast_in_dim3A_1368, %min3A_1365, %max3A_1366 : vector<128x128xi1>, vector<128x128xf32>
      %and3A_1370 = arith.constant 64 : i32
      %and3A_1371 = vector.broadcast %and3A_1370 : i32 to vector<128x1xi32>
      %and3A_1372 = arith.andi %iota3A_935, %and3A_1371 : vector<128x1xi32>
      %ne3A_1373 = arith.constant 0 : i32
      %ne3A_1374 = vector.broadcast %ne3A_1373 : i32 to vector<128x1xi32>
      %ne3A_1375 = arith.cmpi ne, %and3A_1372, %ne3A_1374 : vector<128x1xi32>
      %and3A_1376 = arith.constant 64 : i32
      %and3A_1377 = vector.broadcast %and3A_1376 : i32 to vector<128x1xi32>
      %and3A_1378 = arith.andi %iota3A_935, %and3A_1377 : vector<128x1xi32>
      %eq3A_1379 = arith.constant 0 : i32
      %eq3A_1380 = vector.broadcast %eq3A_1379 : i32 to vector<128x1xi32>
      %eq3A_1381 = arith.cmpi eq, %and3A_1378, %eq3A_1380 : vector<128x1xi32>
      %and3A_1382 = arith.constant 2 : i32
      %and3A_1383 = vector.broadcast %and3A_1382 : i32 to vector<128x1xi32>
      %and3A_1384 = arith.andi %iota3A_935, %and3A_1383 : vector<128x1xi32>
      %ne3A_1385 = arith.constant 0 : i32
      %ne3A_1386 = vector.broadcast %ne3A_1385 : i32 to vector<128x1xi32>
      %ne3A_1387 = arith.cmpi ne, %and3A_1384, %ne3A_1386 : vector<128x1xi32>
      %xor3A_1388 = arith.xori %eq3A_1381, %ne3A_1387 : vector<128x1xi1>
      %roll3A_1389 = arith.constant 64 : i32
      %roll3A_1390 = tpu.dynamic_rotate %select_n3A_1369 by %roll3A_1389 dim 0 : vector<128x128xf32>, i32 -> vector<128x128xf32>
      %roll3A_1391 = arith.constant 64 : i32
      %roll3A_1392 = tpu.dynamic_rotate %select_n3A_1369 by %roll3A_1391 dim 0 : vector<128x128xf32>, i32 -> vector<128x128xf32>
      %broadcast_in_dim3A_1393 = vector.shape_cast %ne3A_1375 : vector<128x1xi1> to vector<128x1xi1>
      %broadcast_in_dim3A_1394 = vector.broadcast %broadcast_in_dim3A_1393 : vector<128x1xi1> to vector<128x128xi1>
      %select_n3A_1395 = arith.select %broadcast_in_dim3A_1394, %roll3A_1390, %roll3A_1392 : vector<128x128xi1>, vector<128x128xf32>
      %min3A_1396 = arith.minimumf %select_n3A_1369, %select_n3A_1395 : vector<128x128xf32>
      %max3A_1397 = arith.maximumf %select_n3A_1369, %select_n3A_1395 : vector<128x128xf32>
      %broadcast_in_dim3A_1398 = vector.shape_cast %xor3A_1388 : vector<128x1xi1> to vector<128x1xi1>
      %broadcast_in_dim3A_1399 = vector.broadcast %broadcast_in_dim3A_1398 : vector<128x1xi1> to vector<128x128xi1>
      %select_n3A_1400 = arith.select %broadcast_in_dim3A_1399, %min3A_1396, %max3A_1397 : vector<128x128xi1>, vector<128x128xf32>
      %and3A_1401 = arith.constant 2 : i32
      %and3A_1402 = vector.broadcast %and3A_1401 : i32 to vector<128x1xi32>
      %and3A_1403 = arith.andi %iota3A_935, %and3A_1402 : vector<128x1xi32>
      %ne3A_1404 = arith.constant 0 : i32
      %ne3A_1405 = vector.broadcast %ne3A_1404 : i32 to vector<128x1xi32>
      %ne3A_1406 = arith.cmpi ne, %and3A_1403, %ne3A_1405 : vector<128x1xi32>
      %and3A_1407 = arith.constant 2 : i32
      %and3A_1408 = vector.broadcast %and3A_1407 : i32 to vector<128x1xi32>
      %and3A_1409 = arith.andi %iota3A_935, %and3A_1408 : vector<128x1xi32>
      %eq3A_1410 = arith.constant 0 : i32
      %eq3A_1411 = vector.broadcast %eq3A_1410 : i32 to vector<128x1xi32>
      %eq3A_1412 = arith.cmpi eq, %and3A_1409, %eq3A_1411 : vector<128x1xi32>
      %and3A_1413 = arith.constant 1 : i32
      %and3A_1414 = vector.broadcast %and3A_1413 : i32 to vector<128x1xi32>
      %and3A_1415 = arith.andi %iota3A_935, %and3A_1414 : vector<128x1xi32>
      %ne3A_1416 = arith.constant 0 : i32
      %ne3A_1417 = vector.broadcast %ne3A_1416 : i32 to vector<128x1xi32>
      %ne3A_1418 = arith.cmpi ne, %and3A_1415, %ne3A_1417 : vector<128x1xi32>
      %xor3A_1419 = arith.xori %eq3A_1412, %ne3A_1418 : vector<128x1xi1>
      %roll3A_1420 = arith.constant 2 : i32
      %roll3A_1421 = tpu.dynamic_rotate %select_n3A_1400 by %roll3A_1420 dim 0 : vector<128x128xf32>, i32 -> vector<128x128xf32>
      %roll3A_1422 = arith.constant 126 : i32
      %roll3A_1423 = tpu.dynamic_rotate %select_n3A_1400 by %roll3A_1422 dim 0 : vector<128x128xf32>, i32 -> vector<128x128xf32>
      %broadcast_in_dim3A_1424 = vector.shape_cast %ne3A_1406 : vector<128x1xi1> to vector<128x1xi1>
      %broadcast_in_dim3A_1425 = vector.broadcast %broadcast_in_dim3A_1424 : vector<128x1xi1> to vector<128x128xi1>
      %select_n3A_1426 = arith.select %broadcast_in_dim3A_1425, %roll3A_1421, %roll3A_1423 : vector<128x128xi1>, vector<128x128xf32>
      %min3A_1427 = arith.minimumf %select_n3A_1400, %select_n3A_1426 : vector<128x128xf32>
      %max3A_1428 = arith.maximumf %select_n3A_1400, %select_n3A_1426 : vector<128x128xf32>
      %broadcast_in_dim3A_1429 = vector.shape_cast %xor3A_1419 : vector<128x1xi1> to vector<128x1xi1>
      %broadcast_in_dim3A_1430 = vector.broadcast %broadcast_in_dim3A_1429 : vector<128x1xi1> to vector<128x128xi1>
      %select_n3A_1431 = arith.select %broadcast_in_dim3A_1430, %min3A_1427, %max3A_1428 : vector<128x128xi1>, vector<128x128xf32>
      %and3A_1432 = arith.constant 4 : i32
      %and3A_1433 = vector.broadcast %and3A_1432 : i32 to vector<128x1xi32>
      %and3A_1434 = arith.andi %iota3A_935, %and3A_1433 : vector<128x1xi32>
      %ne3A_1435 = arith.constant 0 : i32
      %ne3A_1436 = vector.broadcast %ne3A_1435 : i32 to vector<128x1xi32>
      %ne3A_1437 = arith.cmpi ne, %and3A_1434, %ne3A_1436 : vector<128x1xi32>
      %and3A_1438 = arith.constant 4 : i32
      %and3A_1439 = vector.broadcast %and3A_1438 : i32 to vector<128x1xi32>
      %and3A_1440 = arith.andi %iota3A_935, %and3A_1439 : vector<128x1xi32>
      %eq3A_1441 = arith.constant 0 : i32
      %eq3A_1442 = vector.broadcast %eq3A_1441 : i32 to vector<128x1xi32>
      %eq3A_1443 = arith.cmpi eq, %and3A_1440, %eq3A_1442 : vector<128x1xi32>
      %and3A_1444 = arith.constant 1 : i32
      %and3A_1445 = vector.broadcast %and3A_1444 : i32 to vector<128x1xi32>
      %and3A_1446 = arith.andi %iota3A_935, %and3A_1445 : vector<128x1xi32>
      %ne3A_1447 = arith.constant 0 : i32
      %ne3A_1448 = vector.broadcast %ne3A_1447 : i32 to vector<128x1xi32>
      %ne3A_1449 = arith.cmpi ne, %and3A_1446, %ne3A_1448 : vector<128x1xi32>
      %xor3A_1450 = arith.xori %eq3A_1443, %ne3A_1449 : vector<128x1xi1>
      %roll3A_1451 = arith.constant 4 : i32
      %roll3A_1452 = tpu.dynamic_rotate %select_n3A_1431 by %roll3A_1451 dim 0 : vector<128x128xf32>, i32 -> vector<128x128xf32>
      %roll3A_1453 = arith.constant 124 : i32
      %roll3A_1454 = tpu.dynamic_rotate %select_n3A_1431 by %roll3A_1453 dim 0 : vector<128x128xf32>, i32 -> vector<128x128xf32>
      %broadcast_in_dim3A_1455 = vector.shape_cast %ne3A_1437 : vector<128x1xi1> to vector<128x1xi1>
      %broadcast_in_dim3A_1456 = vector.broadcast %broadcast_in_dim3A_1455 : vector<128x1xi1> to vector<128x128xi1>
      %select_n3A_1457 = arith.select %broadcast_in_dim3A_1456, %roll3A_1452, %roll3A_1454 : vector<128x128xi1>, vector<128x128xf32>
      %min3A_1458 = arith.minimumf %select_n3A_1431, %select_n3A_1457 : vector<128x128xf32>
      %max3A_1459 = arith.maximumf %select_n3A_1431, %select_n3A_1457 : vector<128x128xf32>
      %broadcast_in_dim3A_1460 = vector.shape_cast %xor3A_1450 : vector<128x1xi1> to vector<128x1xi1>
      %broadcast_in_dim3A_1461 = vector.broadcast %broadcast_in_dim3A_1460 : vector<128x1xi1> to vector<128x128xi1>
      %select_n3A_1462 = arith.select %broadcast_in_dim3A_1461, %min3A_1458, %max3A_1459 : vector<128x128xi1>, vector<128x128xf32>
      %and3A_1463 = arith.constant 8 : i32
      %and3A_1464 = vector.broadcast %and3A_1463 : i32 to vector<128x1xi32>
      %and3A_1465 = arith.andi %iota3A_935, %and3A_1464 : vector<128x1xi32>
      %ne3A_1466 = arith.constant 0 : i32
      %ne3A_1467 = vector.broadcast %ne3A_1466 : i32 to vector<128x1xi32>
      %ne3A_1468 = arith.cmpi ne, %and3A_1465, %ne3A_1467 : vector<128x1xi32>
      %and3A_1469 = arith.constant 8 : i32
      %and3A_1470 = vector.broadcast %and3A_1469 : i32 to vector<128x1xi32>
      %and3A_1471 = arith.andi %iota3A_935, %and3A_1470 : vector<128x1xi32>
      %eq3A_1472 = arith.constant 0 : i32
      %eq3A_1473 = vector.broadcast %eq3A_1472 : i32 to vector<128x1xi32>
      %eq3A_1474 = arith.cmpi eq, %and3A_1471, %eq3A_1473 : vector<128x1xi32>
      %and3A_1475 = arith.constant 1 : i32
      %and3A_1476 = vector.broadcast %and3A_1475 : i32 to vector<128x1xi32>
      %and3A_1477 = arith.andi %iota3A_935, %and3A_1476 : vector<128x1xi32>
      %ne3A_1478 = arith.constant 0 : i32
      %ne3A_1479 = vector.broadcast %ne3A_1478 : i32 to vector<128x1xi32>
      %ne3A_1480 = arith.cmpi ne, %and3A_1477, %ne3A_1479 : vector<128x1xi32>
      %xor3A_1481 = arith.xori %eq3A_1474, %ne3A_1480 : vector<128x1xi1>
      %roll3A_1482 = arith.constant 8 : i32
      %roll3A_1483 = tpu.dynamic_rotate %select_n3A_1462 by %roll3A_1482 dim 0 : vector<128x128xf32>, i32 -> vector<128x128xf32>
      %roll3A_1484 = arith.constant 120 : i32
      %roll3A_1485 = tpu.dynamic_rotate %select_n3A_1462 by %roll3A_1484 dim 0 : vector<128x128xf32>, i32 -> vector<128x128xf32>
      %broadcast_in_dim3A_1486 = vector.shape_cast %ne3A_1468 : vector<128x1xi1> to vector<128x1xi1>
      %broadcast_in_dim3A_1487 = vector.broadcast %broadcast_in_dim3A_1486 : vector<128x1xi1> to vector<128x128xi1>
      %select_n3A_1488 = arith.select %broadcast_in_dim3A_1487, %roll3A_1483, %roll3A_1485 : vector<128x128xi1>, vector<128x128xf32>
      %min3A_1489 = arith.minimumf %select_n3A_1462, %select_n3A_1488 : vector<128x128xf32>
      %max3A_1490 = arith.maximumf %select_n3A_1462, %select_n3A_1488 : vector<128x128xf32>
      %broadcast_in_dim3A_1491 = vector.shape_cast %xor3A_1481 : vector<128x1xi1> to vector<128x1xi1>
      %broadcast_in_dim3A_1492 = vector.broadcast %broadcast_in_dim3A_1491 : vector<128x1xi1> to vector<128x128xi1>
      %select_n3A_1493 = arith.select %broadcast_in_dim3A_1492, %min3A_1489, %max3A_1490 : vector<128x128xi1>, vector<128x128xf32>
      %and3A_1494 = arith.constant 16 : i32
      %and3A_1495 = vector.broadcast %and3A_1494 : i32 to vector<128x1xi32>
      %and3A_1496 = arith.andi %iota3A_935, %and3A_1495 : vector<128x1xi32>
      %ne3A_1497 = arith.constant 0 : i32
      %ne3A_1498 = vector.broadcast %ne3A_1497 : i32 to vector<128x1xi32>
      %ne3A_1499 = arith.cmpi ne, %and3A_1496, %ne3A_1498 : vector<128x1xi32>
      %and3A_1500 = arith.constant 16 : i32
      %and3A_1501 = vector.broadcast %and3A_1500 : i32 to vector<128x1xi32>
      %and3A_1502 = arith.andi %iota3A_935, %and3A_1501 : vector<128x1xi32>
      %eq3A_1503 = arith.constant 0 : i32
      %eq3A_1504 = vector.broadcast %eq3A_1503 : i32 to vector<128x1xi32>
      %eq3A_1505 = arith.cmpi eq, %and3A_1502, %eq3A_1504 : vector<128x1xi32>
      %and3A_1506 = arith.constant 1 : i32
      %and3A_1507 = vector.broadcast %and3A_1506 : i32 to vector<128x1xi32>
      %and3A_1508 = arith.andi %iota3A_935, %and3A_1507 : vector<128x1xi32>
      %ne3A_1509 = arith.constant 0 : i32
      %ne3A_1510 = vector.broadcast %ne3A_1509 : i32 to vector<128x1xi32>
      %ne3A_1511 = arith.cmpi ne, %and3A_1508, %ne3A_1510 : vector<128x1xi32>
      %xor3A_1512 = arith.xori %eq3A_1505, %ne3A_1511 : vector<128x1xi1>
      %roll3A_1513 = arith.constant 16 : i32
      %roll3A_1514 = tpu.dynamic_rotate %select_n3A_1493 by %roll3A_1513 dim 0 : vector<128x128xf32>, i32 -> vector<128x128xf32>
      %roll3A_1515 = arith.constant 112 : i32
      %roll3A_1516 = tpu.dynamic_rotate %select_n3A_1493 by %roll3A_1515 dim 0 : vector<128x128xf32>, i32 -> vector<128x128xf32>
      %broadcast_in_dim3A_1517 = vector.shape_cast %ne3A_1499 : vector<128x1xi1> to vector<128x1xi1>
      %broadcast_in_dim3A_1518 = vector.broadcast %broadcast_in_dim3A_1517 : vector<128x1xi1> to vector<128x128xi1>
      %select_n3A_1519 = arith.select %broadcast_in_dim3A_1518, %roll3A_1514, %roll3A_1516 : vector<128x128xi1>, vector<128x128xf32>
      %min3A_1520 = arith.minimumf %select_n3A_1493, %select_n3A_1519 : vector<128x128xf32>
      %max3A_1521 = arith.maximumf %select_n3A_1493, %select_n3A_1519 : vector<128x128xf32>
      %broadcast_in_dim3A_1522 = vector.shape_cast %xor3A_1512 : vector<128x1xi1> to vector<128x1xi1>
      %broadcast_in_dim3A_1523 = vector.broadcast %broadcast_in_dim3A_1522 : vector<128x1xi1> to vector<128x128xi1>
      %select_n3A_1524 = arith.select %broadcast_in_dim3A_1523, %min3A_1520, %max3A_1521 : vector<128x128xi1>, vector<128x128xf32>
      %and3A_1525 = arith.constant 32 : i32
      %and3A_1526 = vector.broadcast %and3A_1525 : i32 to vector<128x1xi32>
      %and3A_1527 = arith.andi %iota3A_935, %and3A_1526 : vector<128x1xi32>
      %ne3A_1528 = arith.constant 0 : i32
      %ne3A_1529 = vector.broadcast %ne3A_1528 : i32 to vector<128x1xi32>
      %ne3A_1530 = arith.cmpi ne, %and3A_1527, %ne3A_1529 : vector<128x1xi32>
      %and3A_1531 = arith.constant 32 : i32
      %and3A_1532 = vector.broadcast %and3A_1531 : i32 to vector<128x1xi32>
      %and3A_1533 = arith.andi %iota3A_935, %and3A_1532 : vector<128x1xi32>
      %eq3A_1534 = arith.constant 0 : i32
      %eq3A_1535 = vector.broadcast %eq3A_1534 : i32 to vector<128x1xi32>
      %eq3A_1536 = arith.cmpi eq, %and3A_1533, %eq3A_1535 : vector<128x1xi32>
      %and3A_1537 = arith.constant 1 : i32
      %and3A_1538 = vector.broadcast %and3A_1537 : i32 to vector<128x1xi32>
      %and3A_1539 = arith.andi %iota3A_935, %and3A_1538 : vector<128x1xi32>
      %ne3A_1540 = arith.constant 0 : i32
      %ne3A_1541 = vector.broadcast %ne3A_1540 : i32 to vector<128x1xi32>
      %ne3A_1542 = arith.cmpi ne, %and3A_1539, %ne3A_1541 : vector<128x1xi32>
      %xor3A_1543 = arith.xori %eq3A_1536, %ne3A_1542 : vector<128x1xi1>
      %roll3A_1544 = arith.constant 32 : i32
      %roll3A_1545 = tpu.dynamic_rotate %select_n3A_1524 by %roll3A_1544 dim 0 : vector<128x128xf32>, i32 -> vector<128x128xf32>
      %roll3A_1546 = arith.constant 96 : i32
      %roll3A_1547 = tpu.dynamic_rotate %select_n3A_1524 by %roll3A_1546 dim 0 : vector<128x128xf32>, i32 -> vector<128x128xf32>
      %broadcast_in_dim3A_1548 = vector.shape_cast %ne3A_1530 : vector<128x1xi1> to vector<128x1xi1>
      %broadcast_in_dim3A_1549 = vector.broadcast %broadcast_in_dim3A_1548 : vector<128x1xi1> to vector<128x128xi1>
      %select_n3A_1550 = arith.select %broadcast_in_dim3A_1549, %roll3A_1545, %roll3A_1547 : vector<128x128xi1>, vector<128x128xf32>
      %min3A_1551 = arith.minimumf %select_n3A_1524, %select_n3A_1550 : vector<128x128xf32>
      %max3A_1552 = arith.maximumf %select_n3A_1524, %select_n3A_1550 : vector<128x128xf32>
      %broadcast_in_dim3A_1553 = vector.shape_cast %xor3A_1543 : vector<128x1xi1> to vector<128x1xi1>
      %broadcast_in_dim3A_1554 = vector.broadcast %broadcast_in_dim3A_1553 : vector<128x1xi1> to vector<128x128xi1>
      %select_n3A_1555 = arith.select %broadcast_in_dim3A_1554, %min3A_1551, %max3A_1552 : vector<128x128xi1>, vector<128x128xf32>
      %and3A_1556 = arith.constant 64 : i32
      %and3A_1557 = vector.broadcast %and3A_1556 : i32 to vector<128x1xi32>
      %and3A_1558 = arith.andi %iota3A_935, %and3A_1557 : vector<128x1xi32>
      %ne3A_1559 = arith.constant 0 : i32
      %ne3A_1560 = vector.broadcast %ne3A_1559 : i32 to vector<128x1xi32>
      %ne3A_1561 = arith.cmpi ne, %and3A_1558, %ne3A_1560 : vector<128x1xi32>
      %and3A_1562 = arith.constant 64 : i32
      %and3A_1563 = vector.broadcast %and3A_1562 : i32 to vector<128x1xi32>
      %and3A_1564 = arith.andi %iota3A_935, %and3A_1563 : vector<128x1xi32>
      %eq3A_1565 = arith.constant 0 : i32
      %eq3A_1566 = vector.broadcast %eq3A_1565 : i32 to vector<128x1xi32>
      %eq3A_1567 = arith.cmpi eq, %and3A_1564, %eq3A_1566 : vector<128x1xi32>
      %and3A_1568 = arith.constant 1 : i32
      %and3A_1569 = vector.broadcast %and3A_1568 : i32 to vector<128x1xi32>
      %and3A_1570 = arith.andi %iota3A_935, %and3A_1569 : vector<128x1xi32>
      %ne3A_1571 = arith.constant 0 : i32
      %ne3A_1572 = vector.broadcast %ne3A_1571 : i32 to vector<128x1xi32>
      %ne3A_1573 = arith.cmpi ne, %and3A_1570, %ne3A_1572 : vector<128x1xi32>
      %xor3A_1574 = arith.xori %eq3A_1567, %ne3A_1573 : vector<128x1xi1>
      %roll3A_1575 = arith.constant 64 : i32
      %roll3A_1576 = tpu.dynamic_rotate %select_n3A_1555 by %roll3A_1575 dim 0 : vector<128x128xf32>, i32 -> vector<128x128xf32>
      %roll3A_1577 = arith.constant 64 : i32
      %roll3A_1578 = tpu.dynamic_rotate %select_n3A_1555 by %roll3A_1577 dim 0 : vector<128x128xf32>, i32 -> vector<128x128xf32>
      %broadcast_in_dim3A_1579 = vector.shape_cast %ne3A_1561 : vector<128x1xi1> to vector<128x1xi1>
      %broadcast_in_dim3A_1580 = vector.broadcast %broadcast_in_dim3A_1579 : vector<128x1xi1> to vector<128x128xi1>
      %select_n3A_1581 = arith.select %broadcast_in_dim3A_1580, %roll3A_1576, %roll3A_1578 : vector<128x128xi1>, vector<128x128xf32>
      %min3A_1582 = arith.minimumf %select_n3A_1555, %select_n3A_1581 : vector<128x128xf32>
      %max3A_1583 = arith.maximumf %select_n3A_1555, %select_n3A_1581 : vector<128x128xf32>
      %broadcast_in_dim3A_1584 = vector.shape_cast %xor3A_1574 : vector<128x1xi1> to vector<128x1xi1>
      %broadcast_in_dim3A_1585 = vector.broadcast %broadcast_in_dim3A_1584 : vector<128x1xi1> to vector<128x128xi1>
      %select_n3A_1586 = arith.select %broadcast_in_dim3A_1585, %min3A_1582, %max3A_1583 : vector<128x128xi1>, vector<128x128xf32>
      %and3A_1587 = arith.constant 1 : i32
      %and3A_1588 = vector.broadcast %and3A_1587 : i32 to vector<128x1xi32>
      %and3A_1589 = arith.andi %iota3A_935, %and3A_1588 : vector<128x1xi32>
      %ne3A_1590 = arith.constant 0 : i32
      %ne3A_1591 = vector.broadcast %ne3A_1590 : i32 to vector<128x1xi32>
      %ne3A_1592 = arith.cmpi ne, %and3A_1589, %ne3A_1591 : vector<128x1xi32>
      %and3A_1593 = arith.constant 1 : i32
      %and3A_1594 = vector.broadcast %and3A_1593 : i32 to vector<128x1xi32>
      %and3A_1595 = arith.andi %iota3A_935, %and3A_1594 : vector<128x1xi32>
      %eq3A_1596 = arith.constant 0 : i32
      %eq3A_1597 = vector.broadcast %eq3A_1596 : i32 to vector<128x1xi32>
      %eq3A_1598 = arith.cmpi eq, %and3A_1595, %eq3A_1597 : vector<128x1xi32>
      %and3A_1599 = arith.constant 0 : i32
      %and3A_1600 = vector.broadcast %and3A_1599 : i32 to vector<128x1xi32>
      %and3A_1601 = arith.andi %iota3A_935, %and3A_1600 : vector<128x1xi32>
      %ne3A_1602 = arith.constant 0 : i32
      %ne3A_1603 = vector.broadcast %ne3A_1602 : i32 to vector<128x1xi32>
      %ne3A_1604 = arith.cmpi ne, %and3A_1601, %ne3A_1603 : vector<128x1xi32>
      %xor3A_1605 = arith.xori %eq3A_1598, %ne3A_1604 : vector<128x1xi1>
      %roll3A_1606 = arith.constant 1 : i32
      %roll3A_1607 = tpu.dynamic_rotate %select_n3A_1586 by %roll3A_1606 dim 0 : vector<128x128xf32>, i32 -> vector<128x128xf32>
      %roll3A_1608 = arith.constant 127 : i32
      %roll3A_1609 = tpu.dynamic_rotate %select_n3A_1586 by %roll3A_1608 dim 0 : vector<128x128xf32>, i32 -> vector<128x128xf32>
      %broadcast_in_dim3A_1610 = vector.shape_cast %ne3A_1592 : vector<128x1xi1> to vector<128x1xi1>
      %broadcast_in_dim3A_1611 = vector.broadcast %broadcast_in_dim3A_1610 : vector<128x1xi1> to vector<128x128xi1>
      %select_n3A_1612 = arith.select %broadcast_in_dim3A_1611, %roll3A_1607, %roll3A_1609 : vector<128x128xi1>, vector<128x128xf32>
      %min3A_1613 = arith.minimumf %select_n3A_1586, %select_n3A_1612 : vector<128x128xf32>
      %max3A_1614 = arith.maximumf %select_n3A_1586, %select_n3A_1612 : vector<128x128xf32>
      %broadcast_in_dim3A_1615 = vector.shape_cast %xor3A_1605 : vector<128x1xi1> to vector<128x1xi1>
      %broadcast_in_dim3A_1616 = vector.broadcast %broadcast_in_dim3A_1615 : vector<128x1xi1> to vector<128x128xi1>
      %select_n3A_1617 = arith.select %broadcast_in_dim3A_1616, %min3A_1613, %max3A_1614 : vector<128x128xi1>, vector<128x128xf32>
      %and3A_1618 = arith.constant 2 : i32
      %and3A_1619 = vector.broadcast %and3A_1618 : i32 to vector<128x1xi32>
      %and3A_1620 = arith.andi %iota3A_935, %and3A_1619 : vector<128x1xi32>
      %ne3A_1621 = arith.constant 0 : i32
      %ne3A_1622 = vector.broadcast %ne3A_1621 : i32 to vector<128x1xi32>
      %ne3A_1623 = arith.cmpi ne, %and3A_1620, %ne3A_1622 : vector<128x1xi32>
      %and3A_1624 = arith.constant 2 : i32
      %and3A_1625 = vector.broadcast %and3A_1624 : i32 to vector<128x1xi32>
      %and3A_1626 = arith.andi %iota3A_935, %and3A_1625 : vector<128x1xi32>
      %eq3A_1627 = arith.constant 0 : i32
      %eq3A_1628 = vector.broadcast %eq3A_1627 : i32 to vector<128x1xi32>
      %eq3A_1629 = arith.cmpi eq, %and3A_1626, %eq3A_1628 : vector<128x1xi32>
      %and3A_1630 = arith.constant 0 : i32
      %and3A_1631 = vector.broadcast %and3A_1630 : i32 to vector<128x1xi32>
      %and3A_1632 = arith.andi %iota3A_935, %and3A_1631 : vector<128x1xi32>
      %ne3A_1633 = arith.constant 0 : i32
      %ne3A_1634 = vector.broadcast %ne3A_1633 : i32 to vector<128x1xi32>
      %ne3A_1635 = arith.cmpi ne, %and3A_1632, %ne3A_1634 : vector<128x1xi32>
      %xor3A_1636 = arith.xori %eq3A_1629, %ne3A_1635 : vector<128x1xi1>
      %roll3A_1637 = arith.constant 2 : i32
      %roll3A_1638 = tpu.dynamic_rotate %select_n3A_1617 by %roll3A_1637 dim 0 : vector<128x128xf32>, i32 -> vector<128x128xf32>
      %roll3A_1639 = arith.constant 126 : i32
      %roll3A_1640 = tpu.dynamic_rotate %select_n3A_1617 by %roll3A_1639 dim 0 : vector<128x128xf32>, i32 -> vector<128x128xf32>
      %broadcast_in_dim3A_1641 = vector.shape_cast %ne3A_1623 : vector<128x1xi1> to vector<128x1xi1>
      %broadcast_in_dim3A_1642 = vector.broadcast %broadcast_in_dim3A_1641 : vector<128x1xi1> to vector<128x128xi1>
      %select_n3A_1643 = arith.select %broadcast_in_dim3A_1642, %roll3A_1638, %roll3A_1640 : vector<128x128xi1>, vector<128x128xf32>
      %min3A_1644 = arith.minimumf %select_n3A_1617, %select_n3A_1643 : vector<128x128xf32>
      %max3A_1645 = arith.maximumf %select_n3A_1617, %select_n3A_1643 : vector<128x128xf32>
      %broadcast_in_dim3A_1646 = vector.shape_cast %xor3A_1636 : vector<128x1xi1> to vector<128x1xi1>
      %broadcast_in_dim3A_1647 = vector.broadcast %broadcast_in_dim3A_1646 : vector<128x1xi1> to vector<128x128xi1>
      %select_n3A_1648 = arith.select %broadcast_in_dim3A_1647, %min3A_1644, %max3A_1645 : vector<128x128xi1>, vector<128x128xf32>
      %and3A_1649 = arith.constant 4 : i32
      %and3A_1650 = vector.broadcast %and3A_1649 : i32 to vector<128x1xi32>
      %and3A_1651 = arith.andi %iota3A_935, %and3A_1650 : vector<128x1xi32>
      %ne3A_1652 = arith.constant 0 : i32
      %ne3A_1653 = vector.broadcast %ne3A_1652 : i32 to vector<128x1xi32>
      %ne3A_1654 = arith.cmpi ne, %and3A_1651, %ne3A_1653 : vector<128x1xi32>
      %and3A_1655 = arith.constant 4 : i32
      %and3A_1656 = vector.broadcast %and3A_1655 : i32 to vector<128x1xi32>
      %and3A_1657 = arith.andi %iota3A_935, %and3A_1656 : vector<128x1xi32>
      %eq3A_1658 = arith.constant 0 : i32
      %eq3A_1659 = vector.broadcast %eq3A_1658 : i32 to vector<128x1xi32>
      %eq3A_1660 = arith.cmpi eq, %and3A_1657, %eq3A_1659 : vector<128x1xi32>
      %and3A_1661 = arith.constant 0 : i32
      %and3A_1662 = vector.broadcast %and3A_1661 : i32 to vector<128x1xi32>
      %and3A_1663 = arith.andi %iota3A_935, %and3A_1662 : vector<128x1xi32>
      %ne3A_1664 = arith.constant 0 : i32
      %ne3A_1665 = vector.broadcast %ne3A_1664 : i32 to vector<128x1xi32>
      %ne3A_1666 = arith.cmpi ne, %and3A_1663, %ne3A_1665 : vector<128x1xi32>
      %xor3A_1667 = arith.xori %eq3A_1660, %ne3A_1666 : vector<128x1xi1>
      %roll3A_1668 = arith.constant 4 : i32
      %roll3A_1669 = tpu.dynamic_rotate %select_n3A_1648 by %roll3A_1668 dim 0 : vector<128x128xf32>, i32 -> vector<128x128xf32>
      %roll3A_1670 = arith.constant 124 : i32
      %roll3A_1671 = tpu.dynamic_rotate %select_n3A_1648 by %roll3A_1670 dim 0 : vector<128x128xf32>, i32 -> vector<128x128xf32>
      %broadcast_in_dim3A_1672 = vector.shape_cast %ne3A_1654 : vector<128x1xi1> to vector<128x1xi1>
      %broadcast_in_dim3A_1673 = vector.broadcast %broadcast_in_dim3A_1672 : vector<128x1xi1> to vector<128x128xi1>
      %select_n3A_1674 = arith.select %broadcast_in_dim3A_1673, %roll3A_1669, %roll3A_1671 : vector<128x128xi1>, vector<128x128xf32>
      %min3A_1675 = arith.minimumf %select_n3A_1648, %select_n3A_1674 : vector<128x128xf32>
      %max3A_1676 = arith.maximumf %select_n3A_1648, %select_n3A_1674 : vector<128x128xf32>
      %broadcast_in_dim3A_1677 = vector.shape_cast %xor3A_1667 : vector<128x1xi1> to vector<128x1xi1>
      %broadcast_in_dim3A_1678 = vector.broadcast %broadcast_in_dim3A_1677 : vector<128x1xi1> to vector<128x128xi1>
      %select_n3A_1679 = arith.select %broadcast_in_dim3A_1678, %min3A_1675, %max3A_1676 : vector<128x128xi1>, vector<128x128xf32>
      %and3A_1680 = arith.constant 8 : i32
      %and3A_1681 = vector.broadcast %and3A_1680 : i32 to vector<128x1xi32>
      %and3A_1682 = arith.andi %iota3A_935, %and3A_1681 : vector<128x1xi32>
      %ne3A_1683 = arith.constant 0 : i32
      %ne3A_1684 = vector.broadcast %ne3A_1683 : i32 to vector<128x1xi32>
      %ne3A_1685 = arith.cmpi ne, %and3A_1682, %ne3A_1684 : vector<128x1xi32>
      %and3A_1686 = arith.constant 8 : i32
      %and3A_1687 = vector.broadcast %and3A_1686 : i32 to vector<128x1xi32>
      %and3A_1688 = arith.andi %iota3A_935, %and3A_1687 : vector<128x1xi32>
      %eq3A_1689 = arith.constant 0 : i32
      %eq3A_1690 = vector.broadcast %eq3A_1689 : i32 to vector<128x1xi32>
      %eq3A_1691 = arith.cmpi eq, %and3A_1688, %eq3A_1690 : vector<128x1xi32>
      %and3A_1692 = arith.constant 0 : i32
      %and3A_1693 = vector.broadcast %and3A_1692 : i32 to vector<128x1xi32>
      %and3A_1694 = arith.andi %iota3A_935, %and3A_1693 : vector<128x1xi32>
      %ne3A_1695 = arith.constant 0 : i32
      %ne3A_1696 = vector.broadcast %ne3A_1695 : i32 to vector<128x1xi32>
      %ne3A_1697 = arith.cmpi ne, %and3A_1694, %ne3A_1696 : vector<128x1xi32>
      %xor3A_1698 = arith.xori %eq3A_1691, %ne3A_1697 : vector<128x1xi1>
      %roll3A_1699 = arith.constant 8 : i32
      %roll3A_1700 = tpu.dynamic_rotate %select_n3A_1679 by %roll3A_1699 dim 0 : vector<128x128xf32>, i32 -> vector<128x128xf32>
      %roll3A_1701 = arith.constant 120 : i32
      %roll3A_1702 = tpu.dynamic_rotate %select_n3A_1679 by %roll3A_1701 dim 0 : vector<128x128xf32>, i32 -> vector<128x128xf32>
      %broadcast_in_dim3A_1703 = vector.shape_cast %ne3A_1685 : vector<128x1xi1> to vector<128x1xi1>
      %broadcast_in_dim3A_1704 = vector.broadcast %broadcast_in_dim3A_1703 : vector<128x1xi1> to vector<128x128xi1>
      %select_n3A_1705 = arith.select %broadcast_in_dim3A_1704, %roll3A_1700, %roll3A_1702 : vector<128x128xi1>, vector<128x128xf32>
      %min3A_1706 = arith.minimumf %select_n3A_1679, %select_n3A_1705 : vector<128x128xf32>
      %max3A_1707 = arith.maximumf %select_n3A_1679, %select_n3A_1705 : vector<128x128xf32>
      %broadcast_in_dim3A_1708 = vector.shape_cast %xor3A_1698 : vector<128x1xi1> to vector<128x1xi1>
      %broadcast_in_dim3A_1709 = vector.broadcast %broadcast_in_dim3A_1708 : vector<128x1xi1> to vector<128x128xi1>
      %select_n3A_1710 = arith.select %broadcast_in_dim3A_1709, %min3A_1706, %max3A_1707 : vector<128x128xi1>, vector<128x128xf32>
      %and3A_1711 = arith.constant 16 : i32
      %and3A_1712 = vector.broadcast %and3A_1711 : i32 to vector<128x1xi32>
      %and3A_1713 = arith.andi %iota3A_935, %and3A_1712 : vector<128x1xi32>
      %ne3A_1714 = arith.constant 0 : i32
      %ne3A_1715 = vector.broadcast %ne3A_1714 : i32 to vector<128x1xi32>
      %ne3A_1716 = arith.cmpi ne, %and3A_1713, %ne3A_1715 : vector<128x1xi32>
      %and3A_1717 = arith.constant 16 : i32
      %and3A_1718 = vector.broadcast %and3A_1717 : i32 to vector<128x1xi32>
      %and3A_1719 = arith.andi %iota3A_935, %and3A_1718 : vector<128x1xi32>
      %eq3A_1720 = arith.constant 0 : i32
      %eq3A_1721 = vector.broadcast %eq3A_1720 : i32 to vector<128x1xi32>
      %eq3A_1722 = arith.cmpi eq, %and3A_1719, %eq3A_1721 : vector<128x1xi32>
      %and3A_1723 = arith.constant 0 : i32
      %and3A_1724 = vector.broadcast %and3A_1723 : i32 to vector<128x1xi32>
      %and3A_1725 = arith.andi %iota3A_935, %and3A_1724 : vector<128x1xi32>
      %ne3A_1726 = arith.constant 0 : i32
      %ne3A_1727 = vector.broadcast %ne3A_1726 : i32 to vector<128x1xi32>
      %ne3A_1728 = arith.cmpi ne, %and3A_1725, %ne3A_1727 : vector<128x1xi32>
      %xor3A_1729 = arith.xori %eq3A_1722, %ne3A_1728 : vector<128x1xi1>
      %roll3A_1730 = arith.constant 16 : i32
      %roll3A_1731 = tpu.dynamic_rotate %select_n3A_1710 by %roll3A_1730 dim 0 : vector<128x128xf32>, i32 -> vector<128x128xf32>
      %roll3A_1732 = arith.constant 112 : i32
      %roll3A_1733 = tpu.dynamic_rotate %select_n3A_1710 by %roll3A_1732 dim 0 : vector<128x128xf32>, i32 -> vector<128x128xf32>
      %broadcast_in_dim3A_1734 = vector.shape_cast %ne3A_1716 : vector<128x1xi1> to vector<128x1xi1>
      %broadcast_in_dim3A_1735 = vector.broadcast %broadcast_in_dim3A_1734 : vector<128x1xi1> to vector<128x128xi1>
      %select_n3A_1736 = arith.select %broadcast_in_dim3A_1735, %roll3A_1731, %roll3A_1733 : vector<128x128xi1>, vector<128x128xf32>
      %min3A_1737 = arith.minimumf %select_n3A_1710, %select_n3A_1736 : vector<128x128xf32>
      %max3A_1738 = arith.maximumf %select_n3A_1710, %select_n3A_1736 : vector<128x128xf32>
      %broadcast_in_dim3A_1739 = vector.shape_cast %xor3A_1729 : vector<128x1xi1> to vector<128x1xi1>
      %broadcast_in_dim3A_1740 = vector.broadcast %broadcast_in_dim3A_1739 : vector<128x1xi1> to vector<128x128xi1>
      %select_n3A_1741 = arith.select %broadcast_in_dim3A_1740, %min3A_1737, %max3A_1738 : vector<128x128xi1>, vector<128x128xf32>
      %and3A_1742 = arith.constant 32 : i32
      %and3A_1743 = vector.broadcast %and3A_1742 : i32 to vector<128x1xi32>
      %and3A_1744 = arith.andi %iota3A_935, %and3A_1743 : vector<128x1xi32>
      %ne3A_1745 = arith.constant 0 : i32
      %ne3A_1746 = vector.broadcast %ne3A_1745 : i32 to vector<128x1xi32>
      %ne3A_1747 = arith.cmpi ne, %and3A_1744, %ne3A_1746 : vector<128x1xi32>
      %and3A_1748 = arith.constant 32 : i32
      %and3A_1749 = vector.broadcast %and3A_1748 : i32 to vector<128x1xi32>
      %and3A_1750 = arith.andi %iota3A_935, %and3A_1749 : vector<128x1xi32>
      %eq3A_1751 = arith.constant 0 : i32
      %eq3A_1752 = vector.broadcast %eq3A_1751 : i32 to vector<128x1xi32>
      %eq3A_1753 = arith.cmpi eq, %and3A_1750, %eq3A_1752 : vector<128x1xi32>
      %and3A_1754 = arith.constant 0 : i32
      %and3A_1755 = vector.broadcast %and3A_1754 : i32 to vector<128x1xi32>
      %and3A_1756 = arith.andi %iota3A_935, %and3A_1755 : vector<128x1xi32>
      %ne3A_1757 = arith.constant 0 : i32
      %ne3A_1758 = vector.broadcast %ne3A_1757 : i32 to vector<128x1xi32>
      %ne3A_1759 = arith.cmpi ne, %and3A_1756, %ne3A_1758 : vector<128x1xi32>
      %xor3A_1760 = arith.xori %eq3A_1753, %ne3A_1759 : vector<128x1xi1>
      %roll3A_1761 = arith.constant 32 : i32
      %roll3A_1762 = tpu.dynamic_rotate %select_n3A_1741 by %roll3A_1761 dim 0 : vector<128x128xf32>, i32 -> vector<128x128xf32>
      %roll3A_1763 = arith.constant 96 : i32
      %roll3A_1764 = tpu.dynamic_rotate %select_n3A_1741 by %roll3A_1763 dim 0 : vector<128x128xf32>, i32 -> vector<128x128xf32>
      %broadcast_in_dim3A_1765 = vector.shape_cast %ne3A_1747 : vector<128x1xi1> to vector<128x1xi1>
      %broadcast_in_dim3A_1766 = vector.broadcast %broadcast_in_dim3A_1765 : vector<128x1xi1> to vector<128x128xi1>
      %select_n3A_1767 = arith.select %broadcast_in_dim3A_1766, %roll3A_1762, %roll3A_1764 : vector<128x128xi1>, vector<128x128xf32>
      %min3A_1768 = arith.minimumf %select_n3A_1741, %select_n3A_1767 : vector<128x128xf32>
      %max3A_1769 = arith.maximumf %select_n3A_1741, %select_n3A_1767 : vector<128x128xf32>
      %broadcast_in_dim3A_1770 = vector.shape_cast %xor3A_1760 : vector<128x1xi1> to vector<128x1xi1>
      %broadcast_in_dim3A_1771 = vector.broadcast %broadcast_in_dim3A_1770 : vector<128x1xi1> to vector<128x128xi1>
      %select_n3A_1772 = arith.select %broadcast_in_dim3A_1771, %min3A_1768, %max3A_1769 : vector<128x128xi1>, vector<128x128xf32>
      %and3A_1773 = arith.constant 64 : i32
      %and3A_1774 = vector.broadcast %and3A_1773 : i32 to vector<128x1xi32>
      %and3A_1775 = arith.andi %iota3A_935, %and3A_1774 : vector<128x1xi32>
      %ne3A_1776 = arith.constant 0 : i32
      %ne3A_1777 = vector.broadcast %ne3A_1776 : i32 to vector<128x1xi32>
      %ne3A_1778 = arith.cmpi ne, %and3A_1775, %ne3A_1777 : vector<128x1xi32>
      %and3A_1779 = arith.constant 64 : i32
      %and3A_1780 = vector.broadcast %and3A_1779 : i32 to vector<128x1xi32>
      %and3A_1781 = arith.andi %iota3A_935, %and3A_1780 : vector<128x1xi32>
      %eq3A_1782 = arith.constant 0 : i32
      %eq3A_1783 = vector.broadcast %eq3A_1782 : i32 to vector<128x1xi32>
      %eq3A_1784 = arith.cmpi eq, %and3A_1781, %eq3A_1783 : vector<128x1xi32>
      %and3A_1785 = arith.constant 0 : i32
      %and3A_1786 = vector.broadcast %and3A_1785 : i32 to vector<128x1xi32>
      %and3A_1787 = arith.andi %iota3A_935, %and3A_1786 : vector<128x1xi32>
      %ne3A_1788 = arith.constant 0 : i32
      %ne3A_1789 = vector.broadcast %ne3A_1788 : i32 to vector<128x1xi32>
      %ne3A_1790 = arith.cmpi ne, %and3A_1787, %ne3A_1789 : vector<128x1xi32>
      %xor3A_1791 = arith.xori %eq3A_1784, %ne3A_1790 : vector<128x1xi1>
      %roll3A_1792 = arith.constant 64 : i32
      %roll3A_1793 = tpu.dynamic_rotate %select_n3A_1772 by %roll3A_1792 dim 0 : vector<128x128xf32>, i32 -> vector<128x128xf32>
      %roll3A_1794 = arith.constant 64 : i32
      %roll3A_1795 = tpu.dynamic_rotate %select_n3A_1772 by %roll3A_1794 dim 0 : vector<128x128xf32>, i32 -> vector<128x128xf32>
      %broadcast_in_dim3A_1796 = vector.shape_cast %ne3A_1778 : vector<128x1xi1> to vector<128x1xi1>
      %broadcast_in_dim3A_1797 = vector.broadcast %broadcast_in_dim3A_1796 : vector<128x1xi1> to vector<128x128xi1>
      %select_n3A_1798 = arith.select %broadcast_in_dim3A_1797, %roll3A_1793, %roll3A_1795 : vector<128x128xi1>, vector<128x128xf32>
      %min3A_1799 = arith.minimumf %select_n3A_1772, %select_n3A_1798 : vector<128x128xf32>
      %max3A_1800 = arith.maximumf %select_n3A_1772, %select_n3A_1798 : vector<128x128xf32>
      %broadcast_in_dim3A_1801 = vector.shape_cast %xor3A_1791 : vector<128x1xi1> to vector<128x1xi1>
      %broadcast_in_dim3A_1802 = vector.broadcast %broadcast_in_dim3A_1801 : vector<128x1xi1> to vector<128x128xi1>
      %select_n3A_1803 = arith.select %broadcast_in_dim3A_1802, %min3A_1799, %max3A_1800 : vector<128x128xi1>, vector<128x128xf32>
      %transpose3A_1804 = tpu.transpose %select_n3A_1803, [1, 0] : vector<128x128xf32> -> vector<128x128xf32>
      %reshape3A_1805 = vector.shape_cast %transpose3A_1804 : vector<128x128xf32> to vector<8x16x128xf32>
      %mul3A_1806 = vector.broadcast %reshape3A : vector<1x1x128xf32> to vector<8x16x128xf32>
      %mul3A_1807 = arith.mulf %reshape3A_1805, %mul3A_1806 : vector<8x16x128xf32>
      %reduce_sum3A_1808 = arith.constant dense<0.000000e+00> : vector<8x16xf32>
      %reduce_sum3A_1809 = vector.multi_reduction <add>, %mul3A_1807, %reduce_sum3A_1808 [2] : vector<8x16x128xf32> to vector<8x16xf32>
      %mul3A_1810 = arith.constant 8 : i32
      %mul3A_1811 = arith.muli %scan3A_928, %mul3A_1810 : i32
      %get3A_1812 = arith.index_cast %mul3A_1811 : i32 to index
      %get3A_1813 = arith.constant 0 : index
      %get3A_1814 = vector.load %arg2[%get3A_1812, %get3A_1813] : memref<64x128xf32, #tpu.memory_space<vmem>>, vector<8x128xf32>
      %mul3A_1815 = vector.broadcast %get3A_4 : vector<1x128xf32> to vector<8x128xf32>
      %mul3A_1816 = arith.mulf %get3A_1814, %mul3A_1815 : vector<8x128xf32>
      %reduce_sum3A_1817 = arith.constant dense<0.000000e+00> : vector<8xf32>
      %reduce_sum3A_1818 = vector.multi_reduction <add>, %mul3A_1816, %reduce_sum3A_1817 [1] : vector<8x128xf32> to vector<8xf32>
      %broadcast_in_dim3A_1819 = vector.shape_cast %reduce_sum3A_1818 : vector<8xf32> to vector<8x1xf32>
      %add3A_1820 = vector.broadcast %broadcast_in_dim3A_1819 : vector<8x1xf32> to vector<8x16xf32>
      %add3A_1821 = arith.addf %reduce_sum3A_1809, %add3A_1820 : vector<8x16xf32>
      %ge3A_1822 = arith.constant 0.000000e+00 : f32
      %ge3A_1823 = vector.broadcast %ge3A_1822 : f32 to vector<8x16xf32>
      %ge3A_1824 = arith.cmpf oge, %add3A_1821, %ge3A_1823 : vector<8x16xf32>
      %mul3A_1825 = arith.constant 0.00999999977 : f32
      %mul3A_1826 = vector.broadcast %mul3A_1825 : f32 to vector<8x16xf32>
      %mul3A_1827 = arith.mulf %mul3A_1826, %add3A_1821 : vector<8x16xf32>
      %select_n3A_1828 = arith.select %ge3A_1824, %add3A_1821, %mul3A_1827 : vector<8x16xi1>, vector<8x16xf32>
      %reduce_max3A_1829 = arith.constant dense<0xFF800000> : vector<8xf32>
      %reduce_max3A_1830 = vector.multi_reduction <maximumf>, %select_n3A_1828, %reduce_max3A_1829 [1] : vector<8x16xf32> to vector<8xf32>
      %broadcast_in_dim3A_1831 = vector.shape_cast %reduce_max3A_1830 : vector<8xf32> to vector<8x1xf32>
      %sub3A_1832 = vector.broadcast %broadcast_in_dim3A_1831 : vector<8x1xf32> to vector<8x16xf32>
      %sub3A_1833 = arith.subf %select_n3A_1828, %sub3A_1832 : vector<8x16xf32>
      %exp3A_1834 = math.exp %sub3A_1833 : vector<8x16xf32>
      %reduce_sum3A_1835 = arith.constant dense<0.000000e+00> : vector<8xf32>
      %reduce_sum3A_1836 = vector.multi_reduction <add>, %exp3A_1834, %reduce_sum3A_1835 [1] : vector<8x16xf32> to vector<8xf32>
      %broadcast_in_dim3A_1837 = vector.shape_cast %reduce_sum3A_1836 : vector<8xf32> to vector<8x1xf32>
      %div3A_1838 = vector.broadcast %broadcast_in_dim3A_1837 : vector<8x1xf32> to vector<8x16xf32>
      %div3A_1839 = arith.divf %exp3A_1834, %div3A_1838 : vector<8x16xf32>
      %broadcast_in_dim3A_1840 = vector.shape_cast %div3A_1839 : vector<8x16xf32> to vector<8x16x1xf32>
      %mul3A_1841 = vector.broadcast %broadcast_in_dim3A_1840 : vector<8x16x1xf32> to vector<8x16x128xf32>
      %mul3A_1842 = arith.mulf %reshape3A_1805, %mul3A_1841 : vector<8x16x128xf32>
      %reduce_sum3A_1843 = arith.constant dense<0.000000e+00> : vector<8x128xf32>
      %reduce_sum3A_1844 = vector.multi_reduction <add>, %mul3A_1842, %reduce_sum3A_1843 [1] : vector<8x16x128xf32> to vector<8x128xf32>
      %mul3A_1845 = arith.constant 8 : i32
      %mul3A_1846 = arith.muli %scan3A_928, %mul3A_1845 : i32
      %swap3A_1847 = arith.index_cast %mul3A_1846 : i32 to index
      %swap3A_1848 = arith.constant 0 : index
      %swap3A_1849 = vector.load %arg7[%swap3A_1847, %swap3A_1848] : memref<64x128xf32, #tpu.memory_space<vmem>>, vector<8x128xf32>
      tpu.vector_store %arg7[%swap3A_1847, %swap3A_1848], %reduce_sum3A_1844 {strides = array<i32>} : memref<64x128xf32, #tpu.memory_space<vmem>>, vector<8x128xf32>,
    }
    %scan3A_8 = arith.constant 8 : i32
    %get3A_9 = arith.constant 0 : index
    %get3A_10 = arith.constant 0 : index
    %get3A_11 = vector.load %arg7[%get3A_9, %get3A_10] : memref<64x128xf32, #tpu.memory_space<vmem>>, vector<64x128xf32>
    %convert_element_type3A = arith.truncf %get3A_11 : vector<64x128xf32> to vector<64x128xbf16>
    %convert_element_type3A_12 = arith.extf %convert_element_type3A : vector<64x128xbf16> to vector<64x128xf32>
    %sub3A = arith.subf %get3A_11, %convert_element_type3A_12 : vector<64x128xf32>
    %convert_element_type3A_13 = arith.truncf %sub3A : vector<64x128xf32> to vector<64x128xbf16>
    %get3A_14 = arith.constant 0 : index
    %get3A_15 = arith.constant 0 : index
    %get3A_16 = vector.load %arg5[%get3A_14, %get3A_15] : memref<128x128xbf16, #tpu.memory_space<vmem>>, vector<128x128xbf16>
    %dot_general3A = arith.constant dense<0.000000e+00> : vector<64x128xf32>
    %dot_general3A_17 = tpu.matmul %convert_element_type3A, %get3A_16, %dot_general3A {dimension_numbers = #tpu.dot_dimension_numbers<[1], [0], [0], [1], [0, 0, 1, 1], [], []>, transpose_lhs_hint = false} : vector<64x128xbf16>, vector<128x128xbf16>, vector<64x128xf32> -> vector<64x128xf32>
    %dot_general3A_18 = arith.constant dense<0.000000e+00> : vector<64x128xf32>
    %dot_general3A_19 = tpu.matmul %convert_element_type3A_13, %get3A_16, %dot_general3A_18 {dimension_numbers = #tpu.dot_dimension_numbers<[1], [0], [0], [1], [0, 0, 1, 1], [], []>, transpose_lhs_hint = false} : vector<64x128xbf16>, vector<128x128xbf16>, vector<64x128xf32> -> vector<64x128xf32>
    %add3A = arith.addf %dot_general3A_17, %dot_general3A_19 : vector<64x128xf32>
    %swap3A = arith.constant 0 : index
    %swap3A_20 = arith.constant 0 : index
    %swap3A_21 = vector.load %arg6[%swap3A, %swap3A_20] : memref<64x128xf32, #tpu.memory_space<vmem>>, vector<64x128xf32>
    tpu.vector_store %arg6[%swap3A, %swap3A_20], %add3A {strides = array<i32>} : memref<64x128xf32, #tpu.memory_space<vmem>>, vector<64x128xf32>,
    return
  }
  func.func @transform_0(%arg0: i32) -> (i32, i32) {
    %c0_i32 = arith.constant 0 : i32
    %c0_i32_0 = arith.constant 0 : i32
    return %arg0, %c0_i32 : i32, i32
  }
  func.func @transform_1(%arg0: i32) -> (i32, i32) {
    %c0_i32 = arith.constant 0 : i32
    %c0_i32_0 = arith.constant 0 : i32
    return %arg0, %c0_i32 : i32, i32
  }
  func.func @transform_2(%arg0: i32) -> (i32, i32) {
    %c0_i32 = arith.constant 0 : i32
    %c0_i32_0 = arith.constant 0 : i32
    %c0_i32_1 = arith.constant 0 : i32
    return %c0_i32, %c0_i32_0 : i32, i32
  }
  func.func @transform_3(%arg0: i32) -> (i32, i32) {
    %c0_i32 = arith.constant 0 : i32
    %c0_i32_0 = arith.constant 0 : i32
    %c0_i32_1 = arith.constant 0 : i32
    return %c0_i32, %c0_i32_0 : i32, i32
  }
  func.func @transform_4(%arg0: i32) -> (i32, i32) {
    %c0_i32 = arith.constant 0 : i32
    %c0_i32_0 = arith.constant 0 : i32
    %c0_i32_1 = arith.constant 0 : i32
    return %c0_i32, %c0_i32_0 : i32, i32
  }
  func.func @transform_5(%arg0: i32) -> (i32, i32) {
    %c0_i32 = arith.constant 0 : i32
    %c0_i32_0 = arith.constant 0 : i32
    return %arg0, %c0_i32 : i32, i32
  }
}

</mosaic_0001>

<sc_bundles>
// kernel: kernel.5.cloned.1.call-start
scs
__scs_entry_jumppad:
0x0: {  	(pc) =	sbr.rel $0x88, $3  }
0x1: {  	(tag) =	ssettag $0x0;
	lr =	simm.s32 $0x1  }
0x2: {  	[smem:$0x3F9E] =	sst lr;
	_ =	strace $0xD0000000  }
0x3: {  	_ = 	snop  }
0x4: {  	_ = 	snop  }
0x5: {  	_ = 	snop  }
0x6: {  	_ = 	snop  }
0x7: {  	_ = 	snop  }
__scs_overlays_trampoline_lowered:
0x8: {  	[smem:$0x3FAD] =	sst s0  }
0x9: {  	[smem:$0x3FAE] =	sst s1  }
0xa: {  	[smem:$0x3FAF] =	sst s2  }
0xb: {  	[smem:$0x3FB0] =	sst s3  }
0xc: {  	[smem:$0x3FB1] =	sst s4  }
0xd: {  	[smem:$0x3FB2] =	sst s5  }
0xe: {  	[smem:$0x3FB3] =	sst s6  }
0xf: {  	[smem:$0x3FB4] =	sst s7  }
0x10: {  	[smem:$0x3FB5] =	sst s8  }
0x11: {  	[smem:$0x3FB6] =	sst s9;
	s0 =	simm.s32 @!p0 $0x0  }
0x12: {  	s1 =	sld [smem:$0x3F9C];
	s0 =	simm.s32 @p0 $0x1  }
0x13: {  	[smem:$0x3FB7] =	sst s0;
	s0 =	simm.s32 @!p1 $0x0  }
0x14: {  	s2 =	sld [smem:$0x3F9B];
	s0 =	simm.s32 @p1 $0x1  }
0x15: {  	[smem:$0x3FB8] =	sst s0;
	s0 =	simm.s32 @!p2 $0x0  }
0x16: {  	s3 =	sld [smem:$0x3FDB];
	s0 =	simm.s32 @p2 $0x1  }
0x17: {  	s4 =	simm.s32 $0x1BF5;
	[smem:$0x3FBA] =	sst s0  }
0x18: {  	s0 =	sld [smem:$0x3F9D];
	_ =	swait.ge [sflag:s4], $0x0  }
0x19: {  	s7 =	sld [smem:$0x3F9E]  }
0x1a: {  	s8 =	sadd.s32 $0xFFFFE003, lr  }
0x1b: {  	s9 =	sadd.s32 $0xFFFFFEF7, lr;
	s5 =	simm.s32 $0xFFFFFFFF;
	p2 =	slt.u32 s8, $0xFFFFF086  }
0x1c: {  	p1 =	slt.u32 s9, $0xF7A;
	s5 =	simm.s32 @!p2 $0x0  }
0x1d: {  	s5 =	simm.s32 @p1 $0x1;
	p0 =	seq.s32 s7, s2  }
0x1e: {  	s7 =	smul.u32 @!p0 $0xF7A, s2;
	p2 =	seq.s32 @!p0 s5, $0x0  }
0x1f: {  	s9 =	smul.u32 $0xF7A, s1;
	s8 =	simm.s32 @!p0 $0x1BF5;
	p2 =	por !p2, p0  }
0x20: {  	[sflag:s8] =	ssyncset.s32 @!p0 $0xFFFFF086;
	s6 =	sadd.s32 @!p0 s3, s7;
	s7 =	simm.s32 @!p0 $0x108  }
0x21: {  	s3 =	sadd.s32 s3, s9;
	s6 =	sadd.s32 @!p0 $0x88, s6;
	s7 =	simm.s32 @p2 $0x1082  }
0x22: {  	[simem:s7], [sflag:s8] =	dma.local @!p0 [hbm:s6], $0xF7A  }
0x23: {  	s9 =	sor.u32 $0xD0000000, s2;
	s6 =	simm.s32 $0x108;
	_ =	swait.ge @!p0 [sflag:s8], $0x0  }
0x24: {  	s3 =	sadd.s32 $0x88, s3;
	s6 =	simm.s32 @!p1 $0x1082;
	[sflag:s4] =	ssyncset.s32 $0xFFFFF086  }
0x25: {  	[simem:s6], [sflag:s4] =	dma.local [hbm:s3], $0xF7A  }
0x26: {  	[smem:$0x3F9E] =	sst s1;
	(tag) =	ssettag s2;
	_ =	strace s9  }
0x27: {  	s1 =	sld [smem:$0x3FAE]  }
0x28: {  	s2 =	sld [smem:$0x3FAF]  }
0x29: {  	s4 =	sld [smem:$0x3FB1]  }
0x2a: {  	p0 =	seq.s32 s5, $0x0;
	s5 =	sld [smem:$0x3FB2]  }
0x2b: {  	s6 =	sld [smem:$0x3FB3]  }
0x2c: {  	s7 =	sld [smem:$0x3FB4]  }
0x2d: {  	s3 =	simm.s32 $0x108;
	s8 =	sld [smem:$0x3FB5]  }
0x2e: {  	s3 =	simm.s32 @!p0 $0x1082;
	s9 =	sld [smem:$0x3FB6]  }
0x2f: {  	lr =	sadd.s32 s0, s3;
	s0 =	sld [smem:$0x3FAD]  }
0x30: {  	s3 =	sld [smem:$0x3FB0]  }
0x31: {  	[smem:$0x3FB9] =	sst s10  }
0x32: {  	s10 =	sld [smem:$0x3FB7];
	_ =	sdelay $0x3  }
0x33: {  	p0 =	seq.s32 s10, $0x1;
	s10 =	sld [smem:$0x3FB9];
	_ =	sdelay $0x3  }
0x34: {  	[smem:$0x3FB9] =	sst s10  }
0x35: {  	s10 =	sld [smem:$0x3FB8];
	_ =	sdelay $0x3  }
0x36: {  	p1 =	seq.s32 s10, $0x1;
	s10 =	sld [smem:$0x3FB9];
	_ =	sdelay $0x3  }
0x37: {  	[smem:$0x3FB9] =	sst s10  }
0x38: {  	s10 =	sld [smem:$0x3FBA]  }
0x39: {  	_ = 	snop;
	(pc) =	sbr.ind lr, $3  }
0x3a: {  	_ = 	snop  }
0x3b: {  	_ = 	snop  }
0x3c: {  	p2 =	seq.s32 s10, $0x1;
	s10 =	sld [smem:$0x3FB9]  }
0x3d: {  	_ =	shalt  }
0x3e: {  	_ =	shalt  }
0x3f: {  	_ =	shalt  }
0x40: {  	_ =	shalt  }
0x41: {  	_ =	shalt  }
0x42: {  	_ =	shalt  }
0x43: {  	_ =	shalt  }
0x44: {  	_ =	shalt  }
0x45: {  	_ =	shalt  }
0x46: {  	_ =	shalt  }
0x47: {  	_ =	shalt  }
0x48: {  	_ =	shalt  }
0x49: {  	_ =	shalt  }
0x4a: {  	_ =	shalt  }
0x4b: {  	_ =	shalt  }
0x4c: {  	_ =	shalt  }
0x4d: {  	_ =	shalt  }
0x4e: {  	_ =	shalt  }
0x4f: {  	_ =	shalt  }
0x50: {  	_ =	shalt  }
0x51: {  	_ =	shalt  }
0x52: {  	_ =	shalt  }
0x53: {  	_ =	shalt  }
0x54: {  	_ =	shalt  }
0x55: {  	_ =	shalt  }
0x56: {  	_ =	shalt  }
0x57: {  	_ =	shalt  }
0x58: {  	_ =	shalt  }
0x59: {  	_ =	shalt  }
0x5a: {  	_ =	shalt  }
0x5b: {  	_ =	shalt  }
0x5c: {  	_ =	shalt  }
0x5d: {  	_ =	shalt  }
0x5e: {  	_ =	shalt  }
0x5f: {  	_ =	shalt  }
0x60: {  	_ =	shalt  }
0x61: {  	_ =	shalt  }
0x62: {  	_ =	shalt  }
0x63: {  	_ =	shalt  }
0x64: {  	_ =	shalt  }
0x65: {  	_ =	shalt  }
0x66: {  	_ =	shalt  }
0x67: {  	_ =	shalt  }
0x68: {  	_ =	shalt  }
0x69: {  	_ =	shalt  }
0x6a: {  	_ =	shalt  }
0x6b: {  	_ =	shalt  }
0x6c: {  	_ =	shalt  }
0x6d: {  	_ =	shalt  }
0x6e: {  	_ =	shalt  }
0x6f: {  	_ =	shalt  }
0x70: {  	_ =	shalt  }
0x71: {  	_ =	shalt  }
0x72: {  	_ =	shalt  }
0x73: {  	_ =	shalt  }
0x74: {  	_ =	shalt  }
0x75: {  	_ =	shalt  }
0x76: {  	_ =	shalt  }
0x77: {  	_ =	shalt  }
0x78: {  	_ =	shalt  }
0x79: {  	_ =	shalt  }
0x7a: {  	_ =	shalt  }
0x7b: {  	_ =	shalt  }
0x7c: {  	_ =	shalt  }
0x7d: {  	_ =	shalt  }
0x7e: {  	_ =	shalt  }
0x7f: {  	_ =	shalt  }
0x80: {  	_ =	shalt  }
0x81: {  	_ =	shalt  }
0x82: {  	_ =	shalt  }
0x83: {  	_ =	shalt  }
0x84: {  	_ =	shalt  }
0x85: {  	_ =	shalt  }
0x86: {  	_ =	shalt  }
0x87: {  	_ =	shalt  }
.Lfunc_end0:
.L_simem_size_0:
called_computation_lowered:
.L_overlay_start_0:
0x88: {  	s2 =	sld [smem:$0x3FD9]  }
0x89: {  	s3 =	sld [smem:$0x3FFE];
	_ =	sdelay $0x1  }
0x8a: {  	s1 =	srdreg.scid  }
0x8b: {  	s0 =	sand.u32 $0x1, s1  }
0x8c: {  	s17 =	sshll.u32 s0, $0xA;
	s2 =	sadd.s32 s3, s2  }
0x8d: {  	s2 =	sadd.s32 s2, s17  }
0x8e: {  	[smem:$0x3FC5] =	sst s2  }
0x8f: {  	_ = 	snop  }
0x90: {  	s2 =	sld [smem:$0x3FC9]  }
0x91: {  	s18 =	sld [smem:$0x3FD0];
	(tm) =	ssettm $0x1  }
0x92: {  	s4 =	sld [smem:$0x3FFB];
	_ =	sdelay $0x3  }
0x93: {  	_ =	strace s4  }
0x94: {  	s4 =	sld [smem:$0x3FFC];
	_ =	sdelay $0x3  }
0x95: {  	_ =	strace s4  }
0x96: {  	s4 =	sld [smem:$0x3FFD];
	_ =	sdelay $0x3  }
0x97: {  	_ =	strace s4  }
0x98: {  	_ =	strace $0x8FFFFFFF  }
0x99: {  	s19 =	sld [smem:$0x3FDB];
	_ =	sdelay $0x1  }
0x9a: {  	s5 =	simm.s32 $_scs_section_size  }
0x9b: {  	s6 =	simm.s32 $_size__tile_overlayer_lowered;
	s7 =	simm.s32 $_tile_overlayer_lowered  }
0x9c: {  	s22 =	simm.s32 $0x1BFF;
	s21 =	sshll.u32 s7, $0x1;
	s4 =	sadd.s32 s5, s19  }
0x9d: {  	s8 =	simm.s32 $0x0;
	s20 =	sshll.u32 s6, $0x1;
	s6 =	sadd.s32 s21, s4  }
0x9e: {  	[timem:s8], [sflag:s22] =	dma.local [hbm:s6], s20  }
0x9f: {  	_ =	swait.ge [sflag:s22], s20  }
0xa0: {  	s5 =	ssub.s32 $0x0, s20;
	[sflag:s22] =	ssyncset.done $0x0  }
0xa1: {  	[sflag:s22] =	ssyncadd.s32 s5;
	_ =	sdelay $0x1  }
0xa2: {  	s23 =	simm.s32 $0x1B8B  }
0xa3: {  	_ =	swait.ge [sflag:s23], $0x1  }
0xa4: {  	[sflag:s23] =	ssyncset.done $0x0  }
0xa5: {  	s25 =	simm.s32 $0x1B8E;
	s24 =	sld [smem:$0x3FFE];
	[sflag:s23] =	ssyncadd.s32 $0xFFFFFFFF  }
0xa6: {  	s26 =	simm.s32 $execute0_lowered;
	[smem:$0x3FD2] =	sst s25  }
0xa7: {  	s6 =	sshll.u32 s26, $0x1;
	_ =	strace $0x80000046;
	[dreg:$0x1] =	wrdreg $0xFFFFFFFF  }
0xa8: {  	s28 =	simm.s32 $_size_execute0_lowered;
	s4 =	sadd.s32 s4, s6;
	[dreg:$0x0] =	wrdreg $0x0  }
0xa9: {  	s6 =	sshll.u32 s28, $0x1;
	[dreg:$0x2] =	wrdreg s4  }
0xaa: {  	[dreg:$0x3] =	wrdreg s6  }
0xab: {  	[dreg:$0x4] =	wrdreg $0xC0  }
0xac: {  	_ =	task [dreg:s8], $0x5FFFF  }
0xad: {  	[dreg:$0x1] =	wrdreg $0xFFFFFFFF  }
0xae: {  	[dreg:$0x0] =	wrdreg $0x60  }
0xaf: {  	[dreg:$0x2] =	wrdreg s2  }
0xb0: {  	[dreg:$0x3] =	wrdreg s18  }
0xb1: {  	[dreg:$0x4] =	wrdreg s24  }
0xb2: {  	[dreg:$0x5] =	wrdreg $0x9  }
0xb3: {  	_ =	task.clear_ibuf [dreg:s8], $0x6FFFF;
	_ =	strace $0x90000046  }
0xb4: {  	s29 =	simm.s32 $0x9;
	_ =	strace $0x80000048  }
0xb5: {  	_ =	swait.ge [sflag:s29], $0x1  }
0xb6: {  	[sflag:s29] =	ssyncadd.s32 $0xFFFFFFFF  }
0xb7: {  	_ =	strace $0x90000048  }
0xb8: {  	_ =	sfence  }
0xb9: {  	s30 =	sld [smem:$0x0];
	_ =	sdelay $0x2  }
0xba: {  	s31 =	sshll.u32 s1, $0xD;
	s1 =	sshrl.u32 s1, $0x2  }
0xbb: {  	s3 =	sand.u32 $0x4000, s31;
	s1 =	sadd.s32 s1, s30  }
0xbc: {  	s0 =	sor.u32 s3, s0;
	s1 =	sshll.u32 s1, $0x11  }
0xbd: {  	s0 =	sor.u32 s1, s0  }
0xbe: {  	s0 =	sadd.s32 $0x8F2B, s0  }
0xbf: {  	[sflag:s0] =	ssyncadd.remote.s32 $0x1  }
0xc0: {  	_ =	sfence.sel $0xFFFF  }
0xc1: {  	[dreg:$0x0] =	wrdreg $0xFFFFFFFF;
	(pc) =	sbr.abs _section_cstart, $3  }
0xc2: {  	[dreg:$0x1] =	wrdreg $0xFFFFFFFF  }
0xc3: {  	_ =	task.clear_ibuf [dreg:s8], $0x2FFFF;
	_ =	strace $0x9FFFFFFF  }
0xc4: {  	(tm) =	ssettm $0x7FFFFFFF  }
0xc5: {  	_ =	shalt  }
tec
execute0_lowered:
.L_overlay_start_1:
0x0: {  	(tag) =	ssettag $0x1  }
0x1: {  	s2 =	rddreg [dreg:$0x0]  }
0x2: {  	s31 =	rddreg [dreg:$0x1];
	s1 =	srdreg.scid  }
0x3: {  	s4 =	rddreg [dreg:$0x2];
	s0 =	stileid.u32;
	s1 =	sand.u32 $0x1, s1  }
0x4: {  	s3 =	simm.s32 $0x0;
	s5 =	sshll.u32 s0, $0xC;
	s6 =	sshll.u32 s1, $0xB  }
0x5: {  	[smem:$0x7FF] =	sst s3;
	s30 =	sor.u32 s6, s5  }
0x6: {  	s0 =	sadd.s32 $0xE00, s4;
	_ =	strace $0x80000047;
	s5 =	sshrl.u32 s30, $0x3  }
0x7: {  	s7 =	sshll.u32 s30, $0x4;
	s9 =	sor.u32 $0x80, s30;
	s6 =	sadd.s32 s31, s5  }
0x8: {  	s8 =	sadd.s32 s0, s7;
	s10 =	sshrl.u32 s9, $0x3;
	[dreg:$0x4] =	wrdreg s6  }
0x9: {  	s5 =	sshll.u32 s9, $0x4;
	[dreg:$0x5] =	wrdreg s8;
	s4 =	sadd.s32 s31, s10  }
0xa: {  	s16 =	sor.u32 $0x180, s30;
	s11 =	sadd.s32 s0, s5;
	[dreg:$0x6] =	wrdreg s4  }
0xb: {  	s17 =	sshrl.u32 s16, $0x3;
	s6 =	sor.u32 $0x100, s30;
	[dreg:$0x7] =	wrdreg s11  }
0xc: {  	s5 =	sshll.u32 s16, $0x4;
	s4 =	sadd.s32 s31, s17;
	s18 =	rddreg [dreg:$0x4]  }
0xd: {  	s12 =	sshrl.u32 s6, $0x3;
	s19 =	sadd.s32 s0, s5;
	[dreg:$0xa] =	wrdreg s4  }
0xe: {  	s14 =	sshll.u32 s6, $0x4;
	s13 =	sadd.s32 s31, s12;
	[dreg:$0xb] =	wrdreg s19  }
0xf: {  	[tilespmem:s3], [sflag:$0x2] =	stream.linear.gather [hbm4b:s18+s3], $0x80, $0x38;
	[tilespmem:$0x4080] =	vst v63  }
0x10: {  	s15 =	sadd.s32 s0, s14;
	[dreg:$0x8] =	wrdreg s13  }
0x11: {  	s4 =	simm.s32 $0x2;
	[dreg:$0x9] =	wrdreg s15  }
0x12: {  	_ =	swait.ge [sflag:s4], $0x80  }
0x13: {  	[sflag:s4] =	ssyncset.done $0x0  }
0x14: {  	s5 =	simm.s32 $0x80;
	s6 =	simm.s32 $0x1;
	[sflag:s4] =	ssyncadd.s32 $0xFFFFFF80  }
0x15: {  	[tilespmem:s5], [sflag:$0x1] =	stream.indirect.gather [hbm4b:s2+s5], $0x80, s3, s5, $0xb8;
	[tilespmem:$0x4080] =	vst v63  }
0x16: {  	_ =	swait.ge [sflag:s6], $0x4000  }
0x17: {  	[sflag:s6] =	ssyncset.done $0x0  }
0x18: {  	s7 =	rddreg [dreg:$0x5];
	[sflag:s6] =	ssyncadd.s32 $0xFFFFC000  }
0x19: {  	[hbm4b:s7+s3] =	stream.linear.scatter [tilespmem:s5], [sflag:$0x2], $0x4000, $0x38;
	[tilespmem:$0x4080] =	vst v63  }
0x1a: {  	_ =	swait.ge [sflag:s4], $0x4000  }
0x1b: {  	[sflag:s4] =	ssyncset.done $0x0  }
0x1c: {  	s20 =	rddreg [dreg:$0x6];
	[sflag:s4] =	ssyncadd.s32 $0xFFFFC000  }
0x1d: {  	[tilespmem:s3], [sflag:$0x2] =	stream.linear.gather [hbm4b:s20+s3], $0x80, $0x38;
	[tilespmem:$0x4080] =	vst v63  }
0x1e: {  	_ =	swait.ge [sflag:s4], $0x80  }
0x1f: {  	[sflag:s4] =	ssyncset.done $0x0  }
0x20: {  	[sflag:s4] =	ssyncadd.s32 $0xFFFFFF80  }
0x21: {  	[tilespmem:s5], [sflag:$0x1] =	stream.indirect.gather [hbm4b:s2+s5], $0x80, s3, s5, $0xb8;
	[tilespmem:$0x4080] =	vst v63  }
0x22: {  	_ =	swait.ge [sflag:s6], $0x4000  }
0x23: {  	[sflag:s6] =	ssyncset.done $0x0  }
0x24: {  	s21 =	rddreg [dreg:$0x7];
	[sflag:s6] =	ssyncadd.s32 $0xFFFFC000  }
0x25: {  	[hbm4b:s21+s3] =	stream.linear.scatter [tilespmem:s5], [sflag:$0x2], $0x4000, $0x38;
	[tilespmem:$0x4080] =	vst v63  }
0x26: {  	_ =	swait.ge [sflag:s4], $0x4000  }
0x27: {  	[sflag:s4] =	ssyncset.done $0x0  }
0x28: {  	s22 =	rddreg [dreg:$0x8];
	[sflag:s4] =	ssyncadd.s32 $0xFFFFC000  }
0x29: {  	[tilespmem:s3], [sflag:$0x2] =	stream.linear.gather [hbm4b:s22+s3], $0x80, $0x38;
	[tilespmem:$0x4080] =	vst v63  }
0x2a: {  	_ =	swait.ge [sflag:s4], $0x80  }
0x2b: {  	[sflag:s4] =	ssyncset.done $0x0  }
0x2c: {  	[sflag:s4] =	ssyncadd.s32 $0xFFFFFF80  }
0x2d: {  	[tilespmem:s5], [sflag:$0x1] =	stream.indirect.gather [hbm4b:s2+s5], $0x80, s3, s5, $0xb8;
	[tilespmem:$0x4080] =	vst v63  }
0x2e: {  	_ =	swait.ge [sflag:s6], $0x4000  }
0x2f: {  	[sflag:s6] =	ssyncset.done $0x0  }
0x30: {  	s23 =	rddreg [dreg:$0x9];
	[sflag:s6] =	ssyncadd.s32 $0xFFFFC000  }
0x31: {  	[hbm4b:s23+s3] =	stream.linear.scatter [tilespmem:s5], [sflag:$0x2], $0x4000, $0x38;
	[tilespmem:$0x4080] =	vst v63  }
0x32: {  	_ =	swait.ge [sflag:s4], $0x4000  }
0x33: {  	[sflag:s4] =	ssyncset.done $0x0  }
0x34: {  	s24 =	rddreg [dreg:$0xa];
	[sflag:s4] =	ssyncadd.s32 $0xFFFFC000  }
0x35: {  	[tilespmem:s3], [sflag:$0x2] =	stream.linear.gather [hbm4b:s24+s3], $0x80, $0x38;
	[tilespmem:$0x4080] =	vst v63  }
0x36: {  	_ =	swait.ge [sflag:s4], $0x80  }
0x37: {  	[sflag:s4] =	ssyncset.done $0x0  }
0x38: {  	[sflag:s4] =	ssyncadd.s32 $0xFFFFFF80  }
0x39: {  	[tilespmem:s5], [sflag:$0x1] =	stream.indirect.gather [hbm4b:s2+s5], $0x80, s3, s5, $0xb8;
	[tilespmem:$0x4080] =	vst v63  }
0x3a: {  	_ =	swait.ge [sflag:s6], $0x4000  }
0x3b: {  	[sflag:s6] =	ssyncset.done $0x0  }
0x3c: {  	s25 =	rddreg [dreg:$0xb];
	[sflag:s6] =	ssyncadd.s32 $0xFFFFC000  }
0x3d: {  	[hbm4b:s25+s3] =	stream.linear.scatter [tilespmem:s5], [sflag:$0x2], $0x4000, $0x38;
	[tilespmem:$0x4080] =	vst v63  }
0x3e: {  	s8 =	sor.u32 $0x200, s30;
	_ =	swait.ge [sflag:s4], $0x4000  }
0x3f: {  	s26 =	sshrl.u32 s8, $0x3;
	[sflag:s4] =	ssyncset.done $0x0  }
0x40: {  	s7 =	sadd.s32 s31, s26;
	[sflag:s4] =	ssyncadd.s32 $0xFFFFC000  }
0x41: {  	[tilespmem:s3], [sflag:$0x2] =	stream.linear.gather [hbm4b:s7+s3], $0x80, $0x38;
	[tilespmem:$0x4080] =	vst v63  }
0x42: {  	_ =	swait.ge [sflag:s4], $0x80  }
0x43: {  	[sflag:s4] =	ssyncset.done $0x0  }
0x44: {  	[sflag:s4] =	ssyncadd.s32 $0xFFFFFF80  }
0x45: {  	[tilespmem:s5], [sflag:$0x1] =	stream.indirect.gather [hbm4b:s2+s5], $0x80, s3, s5, $0xb8;
	[tilespmem:$0x4080] =	vst v63  }
0x46: {  	_ =	swait.ge [sflag:s6], $0x4000  }
0x47: {  	s8 =	sshll.u32 s8, $0x4;
	[sflag:s6] =	ssyncset.done $0x0  }
0x48: {  	s8 =	sadd.s32 s0, s8;
	[sflag:s6] =	ssyncadd.s32 $0xFFFFC000  }
0x49: {  	[hbm4b:s8+s3] =	stream.linear.scatter [tilespmem:s5], [sflag:$0x2], $0x4000, $0x38;
	[tilespmem:$0x4080] =	vst v63  }
0x4a: {  	s10 =	sor.u32 $0x280, s30;
	_ =	swait.ge [sflag:s4], $0x4000  }
0x4b: {  	s9 =	sshrl.u32 s10, $0x3;
	[sflag:s4] =	ssyncset.done $0x0  }
0x4c: {  	s9 =	sadd.s32 s31, s9;
	[sflag:s4] =	ssyncadd.s32 $0xFFFFC000  }
0x4d: {  	[tilespmem:s3], [sflag:$0x2] =	stream.linear.gather [hbm4b:s9+s3], $0x80, $0x38;
	[tilespmem:$0x4080] =	vst v63  }
0x4e: {  	_ =	swait.ge [sflag:s4], $0x80  }
0x4f: {  	[sflag:s4] =	ssyncset.done $0x0  }
0x50: {  	[sflag:s4] =	ssyncadd.s32 $0xFFFFFF80  }
0x51: {  	[tilespmem:s5], [sflag:$0x1] =	stream.indirect.gather [hbm4b:s2+s5], $0x80, s3, s5, $0xb8;
	[tilespmem:$0x4080] =	vst v63  }
0x52: {  	_ =	swait.ge [sflag:s6], $0x4000  }
0x53: {  	s10 =	sshll.u32 s10, $0x4;
	[sflag:s6] =	ssyncset.done $0x0  }
0x54: {  	s10 =	sadd.s32 s0, s10;
	[sflag:s6] =	ssyncadd.s32 $0xFFFFC000  }
0x55: {  	[hbm4b:s10+s3] =	stream.linear.scatter [tilespmem:s5], [sflag:$0x2], $0x4000, $0x38;
	[tilespmem:$0x4080] =	vst v63  }
0x56: {  	s12 =	sor.u32 $0x300, s30;
	_ =	swait.ge [sflag:s4], $0x4000  }
0x57: {  	s11 =	sshrl.u32 s12, $0x3;
	[sflag:s4] =	ssyncset.done $0x0  }
0x58: {  	s11 =	sadd.s32 s31, s11;
	[sflag:s4] =	ssyncadd.s32 $0xFFFFC000  }
0x59: {  	[tilespmem:s3], [sflag:$0x2] =	stream.linear.gather [hbm4b:s11+s3], $0x80, $0x38;
	[tilespmem:$0x4080] =	vst v63  }
0x5a: {  	_ =	swait.ge [sflag:s4], $0x80  }
0x5b: {  	[sflag:s4] =	ssyncset.done $0x0  }
0x5c: {  	[sflag:s4] =	ssyncadd.s32 $0xFFFFFF80  }
0x5d: {  	[tilespmem:s5], [sflag:$0x1] =	stream.indirect.gather [hbm4b:s2+s5], $0x80, s3, s5, $0xb8;
	[tilespmem:$0x4080] =	vst v63  }
0x5e: {  	_ =	swait.ge [sflag:s6], $0x4000  }
0x5f: {  	s12 =	sshll.u32 s12, $0x4;
	[sflag:s6] =	ssyncset.done $0x0  }
0x60: {  	s12 =	sadd.s32 s0, s12;
	[sflag:s6] =	ssyncadd.s32 $0xFFFFC000  }
0x61: {  	[hbm4b:s12+s3] =	stream.linear.scatter [tilespmem:s5], [sflag:$0x2], $0x4000, $0x38;
	[tilespmem:$0x4080] =	vst v63  }
0x62: {  	s14 =	sor.u32 $0x380, s30;
	_ =	swait.ge [sflag:s4], $0x4000  }
0x63: {  	s13 =	sshrl.u32 s14, $0x3;
	[sflag:s4] =	ssyncset.done $0x0  }
0x64: {  	s13 =	sadd.s32 s31, s13;
	[sflag:s4] =	ssyncadd.s32 $0xFFFFC000  }
0x65: {  	[tilespmem:s3], [sflag:$0x2] =	stream.linear.gather [hbm4b:s13+s3], $0x80, $0x38;
	[tilespmem:$0x4080] =	vst v63  }
0x66: {  	_ =	swait.ge [sflag:s4], $0x80  }
0x67: {  	[sflag:s4] =	ssyncset.done $0x0  }
0x68: {  	[sflag:s4] =	ssyncadd.s32 $0xFFFFFF80  }
0x69: {  	[tilespmem:s5], [sflag:$0x1] =	stream.indirect.gather [hbm4b:s2+s5], $0x80, s3, s5, $0xb8;
	[tilespmem:$0x4080] =	vst v63  }
0x6a: {  	_ =	swait.ge [sflag:s6], $0x4000  }
0x6b: {  	s14 =	sshll.u32 s14, $0x4;
	[sflag:s6] =	ssyncset.done $0x0  }
0x6c: {  	s14 =	sadd.s32 s0, s14;
	[sflag:s6] =	ssyncadd.s32 $0xFFFFC000  }
0x6d: {  	[hbm4b:s14+s3] =	stream.linear.scatter [tilespmem:s5], [sflag:$0x2], $0x4000, $0x38;
	[tilespmem:$0x4080] =	vst v63  }
0x6e: {  	s16 =	sor.u32 $0x400, s30;
	_ =	swait.ge [sflag:s4], $0x4000  }
0x6f: {  	s15 =	sshrl.u32 s16, $0x3;
	[sflag:s4] =	ssyncset.done $0x0  }
0x70: {  	s15 =	sadd.s32 s31, s15;
	[sflag:s4] =	ssyncadd.s32 $0xFFFFC000  }
0x71: {  	[tilespmem:s3], [sflag:$0x2] =	stream.linear.gather [hbm4b:s15+s3], $0x80, $0x38;
	[tilespmem:$0x4080] =	vst v63  }
0x72: {  	_ =	swait.ge [sflag:s4], $0x80  }
0x73: {  	[sflag:s4] =	ssyncset.done $0x0  }
0x74: {  	[sflag:s4] =	ssyncadd.s32 $0xFFFFFF80  }
0x75: {  	[tilespmem:s5], [sflag:$0x1] =	stream.indirect.gather [hbm4b:s2+s5], $0x80, s3, s5, $0xb8;
	[tilespmem:$0x4080] =	vst v63  }
0x76: {  	_ =	swait.ge [sflag:s6], $0x4000  }
0x77: {  	s16 =	sshll.u32 s16, $0x4;
	[sflag:s6] =	ssyncset.done $0x0  }
0x78: {  	s16 =	sadd.s32 s0, s16;
	[sflag:s6] =	ssyncadd.s32 $0xFFFFC000  }
0x79: {  	[hbm4b:s16+s3] =	stream.linear.scatter [tilespmem:s5], [sflag:$0x2], $0x4000, $0x38;
	[tilespmem:$0x4080] =	vst v63  }
0x7a: {  	s18 =	sor.u32 $0x480, s30;
	_ =	swait.ge [sflag:s4], $0x4000  }
0x7b: {  	s17 =	sshrl.u32 s18, $0x3;
	[sflag:s4] =	ssyncset.done $0x0  }
0x7c: {  	s17 =	sadd.s32 s31, s17;
	[sflag:s4] =	ssyncadd.s32 $0xFFFFC000  }
0x7d: {  	[tilespmem:s3], [sflag:$0x2] =	stream.linear.gather [hbm4b:s17+s3], $0x80, $0x38;
	[tilespmem:$0x4080] =	vst v63  }
0x7e: {  	_ =	swait.ge [sflag:s4], $0x80  }
0x7f: {  	[sflag:s4] =	ssyncset.done $0x0  }
0x80: {  	[sflag:s4] =	ssyncadd.s32 $0xFFFFFF80  }
0x81: {  	[tilespmem:s5], [sflag:$0x1] =	stream.indirect.gather [hbm4b:s2+s5], $0x80, s3, s5, $0xb8;
	[tilespmem:$0x4080] =	vst v63  }
0x82: {  	_ =	swait.ge [sflag:s6], $0x4000  }
0x83: {  	s18 =	sshll.u32 s18, $0x4;
	[sflag:s6] =	ssyncset.done $0x0  }
0x84: {  	s18 =	sadd.s32 s0, s18;
	[sflag:s6] =	ssyncadd.s32 $0xFFFFC000  }
0x85: {  	[hbm4b:s18+s3] =	stream.linear.scatter [tilespmem:s5], [sflag:$0x2], $0x4000, $0x38;
	[tilespmem:$0x4080] =	vst v63  }
0x86: {  	s20 =	sor.u32 $0x500, s30;
	_ =	swait.ge [sflag:s4], $0x4000  }
0x87: {  	s19 =	sshrl.u32 s20, $0x3;
	[sflag:s4] =	ssyncset.done $0x0  }
0x88: {  	s19 =	sadd.s32 s31, s19;
	[sflag:s4] =	ssyncadd.s32 $0xFFFFC000  }
0x89: {  	[tilespmem:s3], [sflag:$0x2] =	stream.linear.gather [hbm4b:s19+s3], $0x80, $0x38;
	[tilespmem:$0x4080] =	vst v63  }
0x8a: {  	_ =	swait.ge [sflag:s4], $0x80  }
0x8b: {  	[sflag:s4] =	ssyncset.done $0x0  }
0x8c: {  	[sflag:s4] =	ssyncadd.s32 $0xFFFFFF80  }
0x8d: {  	[tilespmem:s5], [sflag:$0x1] =	stream.indirect.gather [hbm4b:s2+s5], $0x80, s3, s5, $0xb8;
	[tilespmem:$0x4080] =	vst v63  }
0x8e: {  	_ =	swait.ge [sflag:s6], $0x4000  }
0x8f: {  	s20 =	sshll.u32 s20, $0x4;
	[sflag:s6] =	ssyncset.done $0x0  }
0x90: {  	s20 =	sadd.s32 s0, s20;
	[sflag:s6] =	ssyncadd.s32 $0xFFFFC000  }
0x91: {  	[hbm4b:s20+s3] =	stream.linear.scatter [tilespmem:s5], [sflag:$0x2], $0x4000, $0x38;
	[tilespmem:$0x4080] =	vst v63  }
0x92: {  	s22 =	sor.u32 $0x580, s30;
	_ =	swait.ge [sflag:s4], $0x4000  }
0x93: {  	s21 =	sshrl.u32 s22, $0x3;
	[sflag:s4] =	ssyncset.done $0x0  }
0x94: {  	s21 =	sadd.s32 s31, s21;
	[sflag:s4] =	ssyncadd.s32 $0xFFFFC000  }
0x95: {  	[tilespmem:s3], [sflag:$0x2] =	stream.linear.gather [hbm4b:s21+s3], $0x80, $0x38;
	[tilespmem:$0x4080] =	vst v63  }
0x96: {  	_ =	swait.ge [sflag:s4], $0x80  }
0x97: {  	[sflag:s4] =	ssyncset.done $0x0  }
0x98: {  	[sflag:s4] =	ssyncadd.s32 $0xFFFFFF80  }
0x99: {  	[tilespmem:s5], [sflag:$0x1] =	stream.indirect.gather [hbm4b:s2+s5], $0x80, s3, s5, $0xb8;
	[tilespmem:$0x4080] =	vst v63  }
0x9a: {  	_ =	swait.ge [sflag:s6], $0x4000  }
0x9b: {  	s22 =	sshll.u32 s22, $0x4;
	[sflag:s6] =	ssyncset.done $0x0  }
0x9c: {  	s22 =	sadd.s32 s0, s22;
	[sflag:s6] =	ssyncadd.s32 $0xFFFFC000  }
0x9d: {  	[hbm4b:s22+s3] =	stream.linear.scatter [tilespmem:s5], [sflag:$0x2], $0x4000, $0x38;
	[tilespmem:$0x4080] =	vst v63  }
0x9e: {  	s24 =	sor.u32 $0x600, s30;
	_ =	swait.ge [sflag:s4], $0x4000  }
0x9f: {  	s23 =	sshrl.u32 s24, $0x3;
	[sflag:s4] =	ssyncset.done $0x0  }
0xa0: {  	s23 =	sadd.s32 s31, s23;
	[sflag:s4] =	ssyncadd.s32 $0xFFFFC000  }
0xa1: {  	[tilespmem:s3], [sflag:$0x2] =	stream.linear.gather [hbm4b:s23+s3], $0x80, $0x38;
	[tilespmem:$0x4080] =	vst v63  }
0xa2: {  	_ =	swait.ge [sflag:s4], $0x80  }
0xa3: {  	[sflag:s4] =	ssyncset.done $0x0  }
0xa4: {  	[sflag:s4] =	ssyncadd.s32 $0xFFFFFF80  }
0xa5: {  	[tilespmem:s5], [sflag:$0x1] =	stream.indirect.gather [hbm4b:s2+s5], $0x80, s3, s5, $0xb8;
	[tilespmem:$0x4080] =	vst v63  }
0xa6: {  	_ =	swait.ge [sflag:s6], $0x4000  }
0xa7: {  	s24 =	sshll.u32 s24, $0x4;
	[sflag:s6] =	ssyncset.done $0x0  }
0xa8: {  	s24 =	sadd.s32 s0, s24;
	[sflag:s6] =	ssyncadd.s32 $0xFFFFC000  }
0xa9: {  	[hbm4b:s24+s3] =	stream.linear.scatter [tilespmem:s5], [sflag:$0x2], $0x4000, $0x38;
	[tilespmem:$0x4080] =	vst v63  }
0xaa: {  	s26 =	sor.u32 $0x680, s30;
	_ =	swait.ge [sflag:s4], $0x4000  }
0xab: {  	s25 =	sshrl.u32 s26, $0x3;
	[sflag:s4] =	ssyncset.done $0x0  }
0xac: {  	s25 =	sadd.s32 s31, s25;
	[sflag:s4] =	ssyncadd.s32 $0xFFFFC000  }
0xad: {  	[tilespmem:s3], [sflag:$0x2] =	stream.linear.gather [hbm4b:s25+s3], $0x80, $0x38;
	[tilespmem:$0x4080] =	vst v63  }
0xae: {  	_ =	swait.ge [sflag:s4], $0x80  }
0xaf: {  	[sflag:s4] =	ssyncset.done $0x0  }
0xb0: {  	[sflag:s4] =	ssyncadd.s32 $0xFFFFFF80  }
0xb1: {  	[tilespmem:s5], [sflag:$0x1] =	stream.indirect.gather [hbm4b:s2+s5], $0x80, s3, s5, $0xb8;
	[tilespmem:$0x4080] =	vst v63  }
0xb2: {  	_ =	swait.ge [sflag:s6], $0x4000  }
0xb3: {  	s26 =	sshll.u32 s26, $0x4;
	[sflag:s6] =	ssyncset.done $0x0  }
0xb4: {  	s26 =	sadd.s32 s0, s26;
	[dreg:$0xc] =	wrdreg s0;
	[sflag:s6] =	ssyncadd.s32 $0xFFFFC000  }
0xb5: {  	[hbm4b:s26+s3] =	stream.linear.scatter [tilespmem:s5], [sflag:$0x2], $0x4000, $0x38;
	[tilespmem:$0x4080] =	vst v63  }
0xb6: {  	s29 =	sor.u32 $0x700, s30;
	_ =	swait.ge [sflag:s4], $0x4000  }
0xb7: {  	s28 =	sshrl.u32 s29, $0x3;
	[sflag:s4] =	ssyncset.done $0x0  }
0xb8: {  	s28 =	sadd.s32 s31, s28;
	[sflag:s4] =	ssyncadd.s32 $0xFFFFC000  }
0xb9: {  	[tilespmem:s3], [sflag:$0x2] =	stream.linear.gather [hbm4b:s28+s3], $0x80, $0x38;
	[tilespmem:$0x4080] =	vst v63  }
0xba: {  	_ =	swait.ge [sflag:s4], $0x80  }
0xbb: {  	[sflag:s4] =	ssyncset.done $0x0  }
0xbc: {  	[sflag:s4] =	ssyncadd.s32 $0xFFFFFF80  }
0xbd: {  	[tilespmem:s5], [sflag:$0x1] =	stream.indirect.gather [hbm4b:s2+s5], $0x80, s3, s5, $0xb8;
	[tilespmem:$0x4080] =	vst v63  }
0xbe: {  	_ =	swait.ge [sflag:s6], $0x4000  }
0xbf: {  	s29 =	sshll.u32 s29, $0x4;
	[sflag:s6] =	ssyncset.done $0x0  }
0xc0: {  	s29 =	sadd.s32 s0, s29;
	[sflag:s6] =	ssyncadd.s32 $0xFFFFC000  }
0xc1: {  	[hbm4b:s29+s3] =	stream.linear.scatter [tilespmem:s5], [sflag:$0x2], $0x4000, $0x38;
	[tilespmem:$0x4080] =	vst v63  }
0xc2: {  	s0 =	sor.u32 $0x780, s30;
	_ =	swait.ge [sflag:s4], $0x4000  }
0xc3: {  	s1 =	ssub.s32 $0x2, s1;
	s30 =	sshrl.u32 s0, $0x3;
	[sflag:s4] =	ssyncset.done $0x0  }
0xc4: {  	s30 =	sadd.s32 s31, s30;
	s31 =	sshrl.u32 s1, $0x1;
	[sflag:s4] =	ssyncadd.s32 $0xFFFFC000  }
0xc5: {  	[tilespmem:s3], [sflag:$0x2] =	stream.linear.gather [hbm4b:s30+s3], $0x80, $0x38;
	[tilespmem:$0x4080] =	vst v63  }
0xc6: {  	s1 =	ssub.s32 s1, s31;
	_ =	swait.ge [sflag:s4], $0x80  }
0xc7: {  	s1 =	smax.u32 s1, $0x1;
	[sflag:s4] =	ssyncset.done $0x0  }
0xc8: {  	p0 =	sne.s32 s1, $0x1;
	[sflag:s4] =	ssyncadd.s32 $0xFFFFFF80  }
0xc9: {  	[tilespmem:s5], [sflag:$0x1] =	stream.indirect.gather [hbm4b:s2+s5], $0x80, s3, s5, $0xb8;
	[tilespmem:$0x4080] =	vst v63  }
.Ltmp0:
0xca: {  	_ =	swait.ge [sflag:s6], $0x4000;
	(pc) =	sbr.rel @!p0 .LBB2_2-.Ltmp0, $4  }
0xcb: {  	s0 =	sshll.u32 s0, $0x4;
	[sflag:s6] =	ssyncset.done $0x0;
	s31 =	rddreg [dreg:$0xc]  }
0xcc: {  	s31 =	sadd.s32 s31, s0;
	[sflag:s6] =	ssyncadd.s32 $0xFFFFC000  }
0xcd: {  	[hbm4b:s31+s3] =	stream.linear.scatter [tilespmem:s5], [sflag:$0x2], $0x4000, $0x38;
	[tilespmem:$0x4080] =	vst v63  }
0xce: {  	s0 =	sadd.s32 $0xFFFFFFFF, s1;
	_ =	swait.ge [sflag:s4], $0x4000  }
.LBB2_1:
0xcf: {  	[sflag:s4] =	ssyncset.done $0x0  }
0xd0: {  	s1 =	rddreg [dreg:$0x4];
	[sflag:s4] =	ssyncadd.s32 $0xFFFFC000  }
0xd1: {  	[tilespmem:s3], [sflag:$0x2] =	stream.linear.gather [hbm4b:s1+s3], $0x80, $0x38;
	[tilespmem:$0x4080] =	vst v63  }
0xd2: {  	_ =	swait.ge [sflag:s4], $0x80  }
0xd3: {  	[sflag:s4] =	ssyncset.done $0x0  }
0xd4: {  	[sflag:s4] =	ssyncadd.s32 $0xFFFFFF80  }
0xd5: {  	[tilespmem:s5], [sflag:$0x1] =	stream.indirect.gather [hbm4b:s2+s5], $0x80, s3, s5, $0xb8;
	[tilespmem:$0x4080] =	vst v63  }
0xd6: {  	_ =	swait.ge [sflag:s6], $0x4000  }
0xd7: {  	[sflag:s6] =	ssyncset.done $0x0  }
0xd8: {  	s1 =	rddreg [dreg:$0x5];
	[sflag:s6] =	ssyncadd.s32 $0xFFFFC000  }
0xd9: {  	[hbm4b:s1+s3] =	stream.linear.scatter [tilespmem:s5], [sflag:$0x2], $0x4000, $0x38;
	[tilespmem:$0x4080] =	vst v63  }
0xda: {  	_ =	swait.ge [sflag:s4], $0x4000  }
0xdb: {  	[sflag:s4] =	ssyncset.done $0x0  }
0xdc: {  	s1 =	rddreg [dreg:$0x6];
	[sflag:s4] =	ssyncadd.s32 $0xFFFFC000  }
0xdd: {  	[tilespmem:s3], [sflag:$0x2] =	stream.linear.gather [hbm4b:s1+s3], $0x80, $0x38;
	[tilespmem:$0x4080] =	vst v63  }
0xde: {  	_ =	swait.ge [sflag:s4], $0x80  }
0xdf: {  	[sflag:s4] =	ssyncset.done $0x0  }
0xe0: {  	[sflag:s4] =	ssyncadd.s32 $0xFFFFFF80  }
0xe1: {  	[tilespmem:s5], [sflag:$0x1] =	stream.indirect.gather [hbm4b:s2+s5], $0x80, s3, s5, $0xb8;
	[tilespmem:$0x4080] =	vst v63  }
0xe2: {  	_ =	swait.ge [sflag:s6], $0x4000  }
0xe3: {  	[sflag:s6] =	ssyncset.done $0x0  }
0xe4: {  	s1 =	rddreg [dreg:$0x7];
	[sflag:s6] =	ssyncadd.s32 $0xFFFFC000  }
0xe5: {  	[hbm4b:s1+s3] =	stream.linear.scatter [tilespmem:s5], [sflag:$0x2], $0x4000, $0x38;
	[tilespmem:$0x4080] =	vst v63  }
0xe6: {  	_ =	swait.ge [sflag:s4], $0x4000  }
0xe7: {  	[sflag:s4] =	ssyncset.done $0x0  }
0xe8: {  	s1 =	rddreg [dreg:$0x8];
	[sflag:s4] =	ssyncadd.s32 $0xFFFFC000  }
0xe9: {  	[tilespmem:s3], [sflag:$0x2] =	stream.linear.gather [hbm4b:s1+s3], $0x80, $0x38;
	[tilespmem:$0x4080] =	vst v63  }
0xea: {  	_ =	swait.ge [sflag:s4], $0x80  }
0xeb: {  	[sflag:s4] =	ssyncset.done $0x0  }
0xec: {  	[sflag:s4] =	ssyncadd.s32 $0xFFFFFF80  }
0xed: {  	[tilespmem:s5], [sflag:$0x1] =	stream.indirect.gather [hbm4b:s2+s5], $0x80, s3, s5, $0xb8;
	[tilespmem:$0x4080] =	vst v63  }
0xee: {  	_ =	swait.ge [sflag:s6], $0x4000  }
0xef: {  	[sflag:s6] =	ssyncset.done $0x0  }
0xf0: {  	s1 =	rddreg [dreg:$0x9];
	[sflag:s6] =	ssyncadd.s32 $0xFFFFC000  }
0xf1: {  	[hbm4b:s1+s3] =	stream.linear.scatter [tilespmem:s5], [sflag:$0x2], $0x4000, $0x38;
	[tilespmem:$0x4080] =	vst v63  }
0xf2: {  	_ =	swait.ge [sflag:s4], $0x4000  }
0xf3: {  	[sflag:s4] =	ssyncset.done $0x0  }
0xf4: {  	s1 =	rddreg [dreg:$0xa];
	[sflag:s4] =	ssyncadd.s32 $0xFFFFC000  }
0xf5: {  	[tilespmem:s3], [sflag:$0x2] =	stream.linear.gather [hbm4b:s1+s3], $0x80, $0x38;
	[tilespmem:$0x4080] =	vst v63  }
0xf6: {  	_ =	swait.ge [sflag:s4], $0x80  }
0xf7: {  	[sflag:s4] =	ssyncset.done $0x0  }
0xf8: {  	[sflag:s4] =	ssyncadd.s32 $0xFFFFFF80  }
0xf9: {  	[tilespmem:s5], [sflag:$0x1] =	stream.indirect.gather [hbm4b:s2+s5], $0x80, s3, s5, $0xb8;
	[tilespmem:$0x4080] =	vst v63  }
0xfa: {  	_ =	swait.ge [sflag:s6], $0x4000  }
0xfb: {  	[sflag:s6] =	ssyncset.done $0x0  }
0xfc: {  	s1 =	rddreg [dreg:$0xb];
	[sflag:s6] =	ssyncadd.s32 $0xFFFFC000  }
0xfd: {  	[hbm4b:s1+s3] =	stream.linear.scatter [tilespmem:s5], [sflag:$0x2], $0x4000, $0x38;
	[tilespmem:$0x4080] =	vst v63  }
0xfe: {  	_ =	swait.ge [sflag:s4], $0x4000  }
0xff: {  	[sflag:s4] =	ssyncset.done $0x0  }
0x100: {  	[sflag:s4] =	ssyncadd.s32 $0xFFFFC000  }
0x101: {  	[tilespmem:s3], [sflag:$0x2] =	stream.linear.gather [hbm4b:s7+s3], $0x80, $0x38;
	[tilespmem:$0x4080] =	vst v63  }
0x102: {  	_ =	swait.ge [sflag:s4], $0x80  }
0x103: {  	[sflag:s4] =	ssyncset.done $0x0  }
0x104: {  	[sflag:s4] =	ssyncadd.s32 $0xFFFFFF80  }
0x105: {  	[tilespmem:s5], [sflag:$0x1] =	stream.indirect.gather [hbm4b:s2+s5], $0x80, s3, s5, $0xb8;
	[tilespmem:$0x4080] =	vst v63  }
0x106: {  	_ =	swait.ge [sflag:s6], $0x4000  }
0x107: {  	[sflag:s6] =	ssyncset.done $0x0  }
0x108: {  	[sflag:s6] =	ssyncadd.s32 $0xFFFFC000  }
0x109: {  	[hbm4b:s8+s3] =	stream.linear.scatter [tilespmem:s5], [sflag:$0x2], $0x4000, $0x38;
	[tilespmem:$0x4080] =	vst v63  }
0x10a: {  	_ =	swait.ge [sflag:s4], $0x4000  }
0x10b: {  	[sflag:s4] =	ssyncset.done $0x0  }
0x10c: {  	[sflag:s4] =	ssyncadd.s32 $0xFFFFC000  }
0x10d: {  	[tilespmem:s3], [sflag:$0x2] =	stream.linear.gather [hbm4b:s9+s3], $0x80, $0x38;
	[tilespmem:$0x4080] =	vst v63  }
0x10e: {  	_ =	swait.ge [sflag:s4], $0x80  }
0x10f: {  	[sflag:s4] =	ssyncset.done $0x0  }
0x110: {  	[sflag:s4] =	ssyncadd.s32 $0xFFFFFF80  }
0x111: {  	[tilespmem:s5], [sflag:$0x1] =	stream.indirect.gather [hbm4b:s2+s5], $0x80, s3, s5, $0xb8;
	[tilespmem:$0x4080] =	vst v63  }
0x112: {  	_ =	swait.ge [sflag:s6], $0x4000  }
0x113: {  	[sflag:s6] =	ssyncset.done $0x0  }
0x114: {  	[sflag:s6] =	ssyncadd.s32 $0xFFFFC000  }
0x115: {  	[hbm4b:s10+s3] =	stream.linear.scatter [tilespmem:s5], [sflag:$0x2], $0x4000, $0x38;
	[tilespmem:$0x4080] =	vst v63  }
0x116: {  	_ =	swait.ge [sflag:s4], $0x4000  }
0x117: {  	[sflag:s4] =	ssyncset.done $0x0  }
0x118: {  	[sflag:s4] =	ssyncadd.s32 $0xFFFFC000  }
0x119: {  	[tilespmem:s3], [sflag:$0x2] =	stream.linear.gather [hbm4b:s11+s3], $0x80, $0x38;
	[tilespmem:$0x4080] =	vst v63  }
0x11a: {  	_ =	swait.ge [sflag:s4], $0x80  }
0x11b: {  	[sflag:s4] =	ssyncset.done $0x0  }
0x11c: {  	[sflag:s4] =	ssyncadd.s32 $0xFFFFFF80  }
0x11d: {  	[tilespmem:s5], [sflag:$0x1] =	stream.indirect.gather [hbm4b:s2+s5], $0x80, s3, s5, $0xb8;
	[tilespmem:$0x4080] =	vst v63  }
0x11e: {  	_ =	swait.ge [sflag:s6], $0x4000  }
0x11f: {  	[sflag:s6] =	ssyncset.done $0x0  }
0x120: {  	[sflag:s6] =	ssyncadd.s32 $0xFFFFC000  }
0x121: {  	[hbm4b:s12+s3] =	stream.linear.scatter [tilespmem:s5], [sflag:$0x2], $0x4000, $0x38;
	[tilespmem:$0x4080] =	vst v63  }
0x122: {  	_ =	swait.ge [sflag:s4], $0x4000  }
0x123: {  	[sflag:s4] =	ssyncset.done $0x0  }
0x124: {  	[sflag:s4] =	ssyncadd.s32 $0xFFFFC000  }
0x125: {  	[tilespmem:s3], [sflag:$0x2] =	stream.linear.gather [hbm4b:s13+s3], $0x80, $0x38;
	[tilespmem:$0x4080] =	vst v63  }
0x126: {  	_ =	swait.ge [sflag:s4], $0x80  }
0x127: {  	[sflag:s4] =	ssyncset.done $0x0  }
0x128: {  	[sflag:s4] =	ssyncadd.s32 $0xFFFFFF80  }
0x129: {  	[tilespmem:s5], [sflag:$0x1] =	stream.indirect.gather [hbm4b:s2+s5], $0x80, s3, s5, $0xb8;
	[tilespmem:$0x4080] =	vst v63  }
0x12a: {  	_ =	swait.ge [sflag:s6], $0x4000  }
0x12b: {  	[sflag:s6] =	ssyncset.done $0x0  }
0x12c: {  	[sflag:s6] =	ssyncadd.s32 $0xFFFFC000  }
0x12d: {  	[hbm4b:s14+s3] =	stream.linear.scatter [tilespmem:s5], [sflag:$0x2], $0x4000, $0x38;
	[tilespmem:$0x4080] =	vst v63  }
0x12e: {  	_ =	swait.ge [sflag:s4], $0x4000  }
0x12f: {  	[sflag:s4] =	ssyncset.done $0x0  }
0x130: {  	[sflag:s4] =	ssyncadd.s32 $0xFFFFC000  }
0x131: {  	[tilespmem:s3], [sflag:$0x2] =	stream.linear.gather [hbm4b:s15+s3], $0x80, $0x38;
	[tilespmem:$0x4080] =	vst v63  }
0x132: {  	_ =	swait.ge [sflag:s4], $0x80  }
0x133: {  	[sflag:s4] =	ssyncset.done $0x0  }
0x134: {  	[sflag:s4] =	ssyncadd.s32 $0xFFFFFF80  }
0x135: {  	[tilespmem:s5], [sflag:$0x1] =	stream.indirect.gather [hbm4b:s2+s5], $0x80, s3, s5, $0xb8;
	[tilespmem:$0x4080] =	vst v63  }
0x136: {  	_ =	swait.ge [sflag:s6], $0x4000  }
0x137: {  	[sflag:s6] =	ssyncset.done $0x0  }
0x138: {  	[sflag:s6] =	ssyncadd.s32 $0xFFFFC000  }
0x139: {  	[hbm4b:s16+s3] =	stream.linear.scatter [tilespmem:s5], [sflag:$0x2], $0x4000, $0x38;
	[tilespmem:$0x4080] =	vst v63  }
0x13a: {  	_ =	swait.ge [sflag:s4], $0x4000  }
0x13b: {  	[sflag:s4] =	ssyncset.done $0x0  }
0x13c: {  	[sflag:s4] =	ssyncadd.s32 $0xFFFFC000  }
0x13d: {  	[tilespmem:s3], [sflag:$0x2] =	stream.linear.gather [hbm4b:s17+s3], $0x80, $0x38;
	[tilespmem:$0x4080] =	vst v63  }
0x13e: {  	_ =	swait.ge [sflag:s4], $0x80  }
0x13f: {  	[sflag:s4] =	ssyncset.done $0x0  }
0x140: {  	[sflag:s4] =	ssyncadd.s32 $0xFFFFFF80  }
0x141: {  	[tilespmem:s5], [sflag:$0x1] =	stream.indirect.gather [hbm4b:s2+s5], $0x80, s3, s5, $0xb8;
	[tilespmem:$0x4080] =	vst v63  }
0x142: {  	_ =	swait.ge [sflag:s6], $0x4000  }
0x143: {  	[sflag:s6] =	ssyncset.done $0x0  }
0x144: {  	[sflag:s6] =	ssyncadd.s32 $0xFFFFC000  }
0x145: {  	[hbm4b:s18+s3] =	stream.linear.scatter [tilespmem:s5], [sflag:$0x2], $0x4000, $0x38;
	[tilespmem:$0x4080] =	vst v63  }
0x146: {  	_ =	swait.ge [sflag:s4], $0x4000  }
0x147: {  	[sflag:s4] =	ssyncset.done $0x0  }
0x148: {  	[sflag:s4] =	ssyncadd.s32 $0xFFFFC000  }
0x149: {  	[tilespmem:s3], [sflag:$0x2] =	stream.linear.gather [hbm4b:s19+s3], $0x80, $0x38;
	[tilespmem:$0x4080] =	vst v63  }
0x14a: {  	_ =	swait.ge [sflag:s4], $0x80  }
0x14b: {  	[sflag:s4] =	ssyncset.done $0x0  }
0x14c: {  	[sflag:s4] =	ssyncadd.s32 $0xFFFFFF80  }
0x14d: {  	[tilespmem:s5], [sflag:$0x1] =	stream.indirect.gather [hbm4b:s2+s5], $0x80, s3, s5, $0xb8;
	[tilespmem:$0x4080] =	vst v63  }
0x14e: {  	_ =	swait.ge [sflag:s6], $0x4000  }
0x14f: {  	[sflag:s6] =	ssyncset.done $0x0  }
0x150: {  	[sflag:s6] =	ssyncadd.s32 $0xFFFFC000  }
0x151: {  	[hbm4b:s20+s3] =	stream.linear.scatter [tilespmem:s5], [sflag:$0x2], $0x4000, $0x38;
	[tilespmem:$0x4080] =	vst v63  }
0x152: {  	_ =	swait.ge [sflag:s4], $0x4000  }
0x153: {  	[sflag:s4] =	ssyncset.done $0x0  }
0x154: {  	[sflag:s4] =	ssyncadd.s32 $0xFFFFC000  }
0x155: {  	[tilespmem:s3], [sflag:$0x2] =	stream.linear.gather [hbm4b:s21+s3], $0x80, $0x38;
	[tilespmem:$0x4080] =	vst v63  }
0x156: {  	_ =	swait.ge [sflag:s4], $0x80  }
0x157: {  	[sflag:s4] =	ssyncset.done $0x0  }
0x158: {  	[sflag:s4] =	ssyncadd.s32 $0xFFFFFF80  }
0x159: {  	[tilespmem:s5], [sflag:$0x1] =	stream.indirect.gather [hbm4b:s2+s5], $0x80, s3, s5, $0xb8;
	[tilespmem:$0x4080] =	vst v63  }
0x15a: {  	_ =	swait.ge [sflag:s6], $0x4000  }
0x15b: {  	[sflag:s6] =	ssyncset.done $0x0  }
0x15c: {  	[sflag:s6] =	ssyncadd.s32 $0xFFFFC000  }
0x15d: {  	[hbm4b:s22+s3] =	stream.linear.scatter [tilespmem:s5], [sflag:$0x2], $0x4000, $0x38;
	[tilespmem:$0x4080] =	vst v63  }
0x15e: {  	_ =	swait.ge [sflag:s4], $0x4000  }
0x15f: {  	[sflag:s4] =	ssyncset.done $0x0  }
0x160: {  	[sflag:s4] =	ssyncadd.s32 $0xFFFFC000  }
0x161: {  	[tilespmem:s3], [sflag:$0x2] =	stream.linear.gather [hbm4b:s23+s3], $0x80, $0x38;
	[tilespmem:$0x4080] =	vst v63  }
0x162: {  	_ =	swait.ge [sflag:s4], $0x80  }
0x163: {  	[sflag:s4] =	ssyncset.done $0x0  }
0x164: {  	[sflag:s4] =	ssyncadd.s32 $0xFFFFFF80  }
0x165: {  	[tilespmem:s5], [sflag:$0x1] =	stream.indirect.gather [hbm4b:s2+s5], $0x80, s3, s5, $0xb8;
	[tilespmem:$0x4080] =	vst v63  }
0x166: {  	_ =	swait.ge [sflag:s6], $0x4000  }
0x167: {  	[sflag:s6] =	ssyncset.done $0x0  }
0x168: {  	[sflag:s6] =	ssyncadd.s32 $0xFFFFC000  }
0x169: {  	[hbm4b:s24+s3] =	stream.linear.scatter [tilespmem:s5], [sflag:$0x2], $0x4000, $0x38;
	[tilespmem:$0x4080] =	vst v63  }
0x16a: {  	_ =	swait.ge [sflag:s4], $0x4000  }
0x16b: {  	[sflag:s4] =	ssyncset.done $0x0  }
0x16c: {  	[sflag:s4] =	ssyncadd.s32 $0xFFFFC000  }
0x16d: {  	[tilespmem:s3], [sflag:$0x2] =	stream.linear.gather [hbm4b:s25+s3], $0x80, $0x38;
	[tilespmem:$0x4080] =	vst v63  }
0x16e: {  	_ =	swait.ge [sflag:s4], $0x80  }
0x16f: {  	[sflag:s4] =	ssyncset.done $0x0  }
0x170: {  	[sflag:s4] =	ssyncadd.s32 $0xFFFFFF80  }
0x171: {  	[tilespmem:s5], [sflag:$0x1] =	stream.indirect.gather [hbm4b:s2+s5], $0x80, s3, s5, $0xb8;
	[tilespmem:$0x4080] =	vst v63  }
0x172: {  	_ =	swait.ge [sflag:s6], $0x4000  }
0x173: {  	[sflag:s6] =	ssyncset.done $0x0  }
0x174: {  	[sflag:s6] =	ssyncadd.s32 $0xFFFFC000  }
0x175: {  	[hbm4b:s26+s3] =	stream.linear.scatter [tilespmem:s5], [sflag:$0x2], $0x4000, $0x38;
	[tilespmem:$0x4080] =	vst v63  }
0x176: {  	_ =	swait.ge [sflag:s4], $0x4000  }
0x177: {  	[sflag:s4] =	ssyncset.done $0x0  }
0x178: {  	[sflag:s4] =	ssyncadd.s32 $0xFFFFC000  }
0x179: {  	[tilespmem:s3], [sflag:$0x2] =	stream.linear.gather [hbm4b:s28+s3], $0x80, $0x38;
	[tilespmem:$0x4080] =	vst v63  }
0x17a: {  	_ =	swait.ge [sflag:s4], $0x80  }
0x17b: {  	[sflag:s4] =	ssyncset.done $0x0  }
0x17c: {  	[sflag:s4] =	ssyncadd.s32 $0xFFFFFF80  }
0x17d: {  	[tilespmem:s5], [sflag:$0x1] =	stream.indirect.gather [hbm4b:s2+s5], $0x80, s3, s5, $0xb8;
	[tilespmem:$0x4080] =	vst v63  }
0x17e: {  	_ =	swait.ge [sflag:s6], $0x4000  }
0x17f: {  	[sflag:s6] =	ssyncset.done $0x0  }
0x180: {  	[sflag:s6] =	ssyncadd.s32 $0xFFFFC000  }
0x181: {  	[hbm4b:s29+s3] =	stream.linear.scatter [tilespmem:s5], [sflag:$0x2], $0x4000, $0x38;
	[tilespmem:$0x4080] =	vst v63  }
0x182: {  	_ =	swait.ge [sflag:s4], $0x4000  }
0x183: {  	[sflag:s4] =	ssyncset.done $0x0  }
0x184: {  	[sflag:s4] =	ssyncadd.s32 $0xFFFFC000  }
0x185: {  	[tilespmem:s3], [sflag:$0x2] =	stream.linear.gather [hbm4b:s30+s3], $0x80, $0x38;
	[tilespmem:$0x4080] =	vst v63  }
0x186: {  	_ =	swait.ge [sflag:s4], $0x80  }
0x187: {  	[sflag:s4] =	ssyncset.done $0x0  }
0x188: {  	p0 =	sne.s32 s0, $0x1;
	[sflag:s4] =	ssyncadd.s32 $0xFFFFFF80  }
0x189: {  	[tilespmem:s5], [sflag:$0x1] =	stream.indirect.gather [hbm4b:s2+s5], $0x80, s3, s5, $0xb8;
	[tilespmem:$0x4080] =	vst v63  }
.Ltmp1:
0x18a: {  	_ =	swait.ge [sflag:s6], $0x4000;
	(pc) =	sbr.rel @p0 .LBB2_1-.Ltmp1, $4  }
0x18b: {  	[sflag:s6] =	ssyncset.done $0x0  }
0x18c: {  	[sflag:s6] =	ssyncadd.s32 $0xFFFFC000  }
0x18d: {  	[hbm4b:s31+s3] =	stream.linear.scatter [tilespmem:s5], [sflag:$0x2], $0x4000, $0x38;
	[tilespmem:$0x4080] =	vst v63  }
0x18e: {  	s0 =	sadd.s32 $0xFFFFFFFF, s0;
	_ =	swait.ge [sflag:s4], $0x4000  }
.LBB2_2:
0x18f: {  	[sflag:s4] =	ssyncset.done $0x0  }
0x190: {  	[sflag:s4] =	ssyncadd.s32 $0xFFFFC000  }
0x191: {  	_ =	sfence.sel $0x180000  }
0x192: {  	[bflag:$0x0] =	sbarrier.arrive $0xFFFF  }
0x193: {  	_ =	strace $0x90000047  }
0x194: {  	s0 =	stileid.u32;
	[bflag:$0x2] =	sbarrier.arrive $0xFFFF  }
0x195: {  	p0 =	sne.s32 s0, $0x0;
	s0 =	rddreg [dreg:$0x3]  }
0x196: {  	s0 =	sadd.s32 @!p0 $0x100000, s0  }
0x197: {  	[sflag:s0] =	ssyncadd.tile.s32 @!p0 $0x1;
	_ =	shalt  }
.Lfunc_end2:
_tile_overlayer_lowered:
.L_overlay_start_2:
0x198: {  	(tag) =	ssettag $0x2  }
0x199: {  	s0 =	rddreg [dreg:$0x0];
	s2 =	stileid.u32  }
0x19a: {  	s1 =	rddreg [dreg:$0x1];
	p0 =	sne.s32 s2, $0x0  }
0x19b: {  	s3 =	rddreg [dreg:$0x2];
	[bflag:$0x3] =	sbarrier.arrive $0xFFFF;
	s2 =	simm.s32 @!p0 $0x1C02  }
0x19c: {  	[timem:s3], [sflag:s2] =	dma.local @!p0 [hbm:s0], s1  }
0x19d: {  	s0 =	simm.s32 @!p0 $0x2  }
0x19e: {  	_ =	swait.ge @!p0 [sflag:s0], s1  }
0x19f: {  	s1 =	ssub.s32 @!p0 $0x0, s1;
	[sflag:s0] =	ssyncset.done @!p0 $0x0  }
0x1a0: {  	[sflag:s0] =	ssyncadd.s32 @!p0 s1  }
0x1a1: {  	[bflag:$0x3] =	sbarrier.arrive $0xFFFF  }
0x1a2: {  	_ =	shalt  }

</sc_bundles>
